<compile_context>
chip_gen: v7x
topology: tpu7x:2x2x1
jax: 0.10.2.dev20260603
libtpu: 0.0.44.dev20260713+nightly
codegen_flags: <defaults>
</compile_context>

<pallas_src>
import functools

import jax
import jax.numpy as jnp
from jax import lax
from jax.experimental import pallas as pl
from jax.experimental.pallas import tpu as pltpu
from jax.experimental.pallas import tpu_sc as plsc

_N = 10000
_E = 320000
_D = 128
_H2 = 64
_C = 2
_L = 4
_ALPHA = 0.1
_THETA = 0.5
_REST = 1.0 - _ALPHA - _THETA
_EPS = 1e-5

_NC = 2
_NS = 16
_NW = _NC * _NS
_CHUNK = 128
_EPW = _E // _NW
_CPW = 80
_TPW = _CPW * _CHUNK
_PADE = _TPW - _EPW
_PADROWS = 240
_NA = _N + _PADROWS
_DPT = _NA // _NS

_RNG = 320
_CAPC = 90
_CAP = _CAPC * _CHUNK
_ACCR = _RNG + 8
_NCHK = _E // _CHUNK
_NP = 10112
_CAPB = _CAP + _CHUNK

_BN = 1000
_NB = _N // _BN


def _rsqrt_exact(v):
    return lax.rsqrt(v)

@functools.cache
def _sc_mesh():
    return plsc.VectorSubcoreMesh(core_axis_name="c", subcore_axis_name="s",
                                  num_cores=_NC, num_subcores=_NS)



def _deg_body(dstp_hbm, out_hbm, acc, idx, ones, zbuf):
    c = lax.axis_index("c")
    t = lax.axis_index("s")

    def fill_z(j, carry):
        zbuf[pl.ds(j * 16, 16)] = jnp.zeros((16,), jnp.float32)
        return carry

    lax.fori_loop(0, _DPT // 16, fill_z, 0)
    for k in range(_CHUNK // 16):
        ones[pl.ds(k * 16, 16)] = jnp.ones((16,), jnp.float32)
    pltpu.sync_copy(zbuf, acc.at[pl.ds(t * _DPT, _DPT)])
    plsc.subcore_barrier()

    w = c * _NS + t

    def step(j, carry):
        base = w * _TPW + j * _CHUNK
        pltpu.sync_copy(dstp_hbm.at[pl.ds(base, _CHUNK)], idx)
        pltpu.sync_copy(ones, acc.at[idx], add=True)
        return carry

    lax.fori_loop(0, _CPW, step, 0)
    plsc.subcore_barrier()
    pltpu.sync_copy(acc.at[pl.ds(t * _DPT, _DPT)],
                    out_hbm.at[c, pl.ds(t * _DPT, _DPT)])


@functools.cache
def _deg_kernel():
    return pl.kernel(
        _deg_body,
        out_type=jax.ShapeDtypeStruct((_NC, _NA), jnp.float32),
        mesh=_sc_mesh(),
        scratch_types=[
            pltpu.VMEM_SHARED((_NA,), jnp.float32),
            pltpu.VMEM((_CHUNK,), jnp.int32),
            pltpu.VMEM((_CHUNK,), jnp.float32),
            pltpu.VMEM((_DPT,), jnp.float32),
        ],
    )


def _deg_call(dstp):
    return _deg_kernel()(dstp)


def _prep_body(src_hbm, dst_hbm, dinv_hbm, srcl_hbm, ldl_hbm, nrml_hbm,
               dinv_v, srcb, dstb, sl_v, ll_v, nl_v):
    c = lax.axis_index("c")
    t = lax.axis_index("s")
    w = c * _NS + t
    lo = w * _RNG
    hi = lo + _RNG
    pltpu.sync_copy(dinv_hbm, dinv_v)
    iota = lax.iota(jnp.int32, 16)

    def fill(i, carry):
        sl_v[pl.ds(i * 16, 16)] = (i * 16 + iota) & 8191
        ll_v[pl.ds(i * 16, 16)] = _RNG + (iota & 7)
        nl_v[pl.ds(i * 16, 16)] = jnp.zeros((16,), jnp.float32)
        return carry

    lax.fori_loop(0, _CAPB // 16, fill, 0)

    def chunk(j, cnt):
        pltpu.sync_copy(src_hbm.at[pl.ds(j * _CHUNK, _CHUNK)], srcb)
        pltpu.sync_copy(dst_hbm.at[pl.ds(j * _CHUNK, _CHUNK)], dstb)

        def sub(k, cnt):
            sv = srcb[pl.ds(k * 16, 16)]
            dv = dstb[pl.ds(k * 16, 16)]
            msk = (dv >= lo) & (dv < hi)
            nrm = plsc.load_gather(dinv_v, [sv]) * plsc.load_gather(dinv_v, [dv])
            plsc.store_compressed(sl_v.at[pl.ds(cnt, 16)], sv, mask=msk)
            plsc.store_compressed(ll_v.at[pl.ds(cnt, 16)], dv - lo, mask=msk)
            plsc.store_compressed(nl_v.at[pl.ds(cnt, 16)], nrm, mask=msk)
            return cnt + jnp.sum(msk.astype(jnp.int32))

        return lax.fori_loop(0, _CHUNK // 16, sub, cnt)

    lax.fori_loop(0, _NCHK, chunk, jnp.int32(0))
    pltpu.sync_copy(sl_v.at[pl.ds(0, _CAP)], srcl_hbm.at[pl.ds(w * _CAP, _CAP)])
    pltpu.sync_copy(ll_v.at[pl.ds(0, _CAP)], ldl_hbm.at[pl.ds(w * _CAP, _CAP)])
    pltpu.sync_copy(nl_v.at[pl.ds(0, _CAP)], nrml_hbm.at[pl.ds(w * _CAP, _CAP)])


@functools.cache
def _prep_kernel():
    return pl.kernel(
        _prep_body,
        out_type=[
            jax.ShapeDtypeStruct((_NW * _CAP,), jnp.int32),
            jax.ShapeDtypeStruct((_NW * _CAP,), jnp.int32),
            jax.ShapeDtypeStruct((_NW * _CAP,), jnp.float32),
        ],
        mesh=_sc_mesh(),
        compiler_params=pltpu.CompilerParams(needs_layout_passes=False),
        scratch_types=[
            pltpu.VMEM((_NP,), jnp.float32),
            pltpu.VMEM((_CHUNK,), jnp.int32),
            pltpu.VMEM((_CHUNK,), jnp.int32),
            pltpu.VMEM((_CAPB,), jnp.int32),
            pltpu.VMEM((_CAPB,), jnp.int32),
            pltpu.VMEM((_CAPB,), jnp.float32),
        ],
    )


def _prep_call(src, dst, dinv):
    return _prep_kernel()(src, dst, dinv)


def _spmm_body(mp_hbm, srcl_hbm, ldl_hbm, nrml_hbm, out_hbm,
               accf, idxs, ldb, nrmb, rows, sem):
    c = lax.axis_index("c")
    t = lax.axis_index("s")
    w = c * _NS + t
    iota = lax.iota(jnp.int32, 16)

    def z(i, carry):
        accf[pl.ds(i * 16, 16)] = jnp.zeros((16,), jnp.float32)
        return carry

    lax.fori_loop(0, _ACCR * _D // 16, z, 0)

    def chunk(j, carry):
        base = w * _CAP + j * _CHUNK
        pltpu.sync_copy(srcl_hbm.at[pl.ds(base, _CHUNK)], idxs)
        pltpu.sync_copy(ldl_hbm.at[pl.ds(base, _CHUNK)], ldb)
        pltpu.sync_copy(nrml_hbm.at[pl.ds(base, _CHUNK)], nrmb)
        pltpu.async_copy(mp_hbm.at[idxs], rows, sem).wait()

        def edge(e, carry2):
            es = jnp.full((16,), e, jnp.int32)
            ldv = plsc.load_gather(ldb, [es])
            nv = plsc.load_gather(nrmb, [es])
            bidx = ldv * _D + iota
            for g in range(_D // 16):
                v = rows[e, pl.ds(g * 16, 16)] * nv
                plsc.addupdate_scatter(accf, [bidx + g * 16], v)
            return carry2

        lax.fori_loop(0, _CHUNK, edge, 0)
        return carry

    lax.fori_loop(0, _CAPC, chunk, 0)

    @pl.when(w < _NW - 1)
    def _():
        pltpu.sync_copy(accf.at[pl.ds(0, _RNG * _D)],
                        out_hbm.at[pl.ds(w * _RNG * _D, _RNG * _D)])

    @pl.when(w == _NW - 1)
    def _():
        tail = (_N - (_NW - 1) * _RNG) * _D
        pltpu.sync_copy(accf.at[pl.ds(0, tail)],
                        out_hbm.at[pl.ds((_NW - 1) * _RNG * _D, tail)])


@functools.cache
def _spmm_kernel():
    return pl.kernel(
        _spmm_body,
        out_type=jax.ShapeDtypeStruct((_N * _D,), jnp.float32),
        mesh=_sc_mesh(),
        compiler_params=pltpu.CompilerParams(needs_layout_passes=False),
        scratch_types=[
            pltpu.VMEM((_ACCR * _D,), jnp.float32),
            pltpu.VMEM((_CHUNK,), jnp.int32),
            pltpu.VMEM((_CHUNK,), jnp.int32),
            pltpu.VMEM((_CHUNK,), jnp.float32),
            pltpu.VMEM((_CHUNK, _D), jnp.float32),
            pltpu.SemaphoreType.DMA,
        ],
    )


def _spmm_call(mp, srcl, ldl, nrml):
    return _spmm_kernel()(mp, srcl, ldl, nrml)



def _tc_pre_body(x_ref, win_ref, bin_ref, wc_ref, d0_ref, d1_ref,
                 h0_ref, dinv_ref, mp_ref):
    h = jnp.dot(x_ref[...], win_ref[...], preferred_element_type=jnp.float32)
    h = jnp.maximum(h + bin_ref[...], 0.0)
    h0_ref[...] = h
    dinv = _rsqrt_exact(d0_ref[...] + d1_ref[...] + 1.0)
    dinv_ref[...] = dinv
    mp_ref[...] = jnp.dot(h, wc_ref[...], preferred_element_type=jnp.float32)


def _tc_pre(x, w_in, b_in, wc0, d0, d1):
    return pl.pallas_call(
        _tc_pre_body,
        grid=(_NB,),
        in_specs=[
            pl.BlockSpec((_BN, _D), lambda i: (i, 0)),
            pl.BlockSpec((_D, _D), lambda i: (0, 0)),
            pl.BlockSpec((1, _D), lambda i: (0, 0)),
            pl.BlockSpec((_D, _D), lambda i: (0, 0)),
            pl.BlockSpec((_BN, 1), lambda i: (i, 0)),
            pl.BlockSpec((_BN, 1), lambda i: (i, 0)),
        ],
        out_specs=[
            pl.BlockSpec((_BN, _D), lambda i: (i, 0)),
            pl.BlockSpec((_BN, 1), lambda i: (i, 0)),
            pl.BlockSpec((_BN, _D), lambda i: (i, 0)),
        ],
        out_shape=[
            jax.ShapeDtypeStruct((_N, _D), jnp.float32),
            jax.ShapeDtypeStruct((_N, 1), jnp.float32),
            jax.ShapeDtypeStruct((_N, _D), jnp.float32),
        ],
    )(x, w_in, b_in, wc0, d0, d1)


def _tc_mid_body(s_ref, mp_ref, dinv_ref, bc_ref, wl_ref, bl_ref,
                 p_ref, stats_ref, stats_acc):
    i = pl.program_id(0)

    @pl.when(i == 0)
    def _():
        stats_acc[...] = jnp.zeros_like(stats_acc)

    n2 = dinv_ref[...] * dinv_ref[...]
    agg = (s_ref[...] + mp_ref[...] * n2) + bc_ref[...]
    p = jnp.dot(agg, wl_ref[...], preferred_element_type=jnp.float32)
    p = p + bl_ref[...]
    p_ref[...] = p
    stats_acc[0:1] = stats_acc[0:1] + jnp.sum(p, axis=0, keepdims=True)
    stats_acc[1:2] = stats_acc[1:2] + jnp.sum(p * p, axis=0, keepdims=True)

    @pl.when(i == _NB - 1)
    def _():
        stats_ref[...] = stats_acc[...]


def _tc_mid(s, mp, dinv, bc, wl, bl):
    return pl.pallas_call(
        _tc_mid_body,
        grid=(_NB,),
        in_specs=[
            pl.BlockSpec((_BN, _D), lambda i: (i, 0)),
            pl.BlockSpec((_BN, _D), lambda i: (i, 0)),
            pl.BlockSpec((_BN, 1), lambda i: (i, 0)),
            pl.BlockSpec((1, _D), lambda i: (0, 0)),
            pl.BlockSpec((_D, _D), lambda i: (0, 0)),
            pl.BlockSpec((1, _D), lambda i: (0, 0)),
        ],
        out_specs=[
            pl.BlockSpec((_BN, _D), lambda i: (i, 0)),
            pl.BlockSpec((2, _D), lambda i: (0, 0)),
        ],
        out_shape=[
            jax.ShapeDtypeStruct((_N, _D), jnp.float32),
            jax.ShapeDtypeStruct((2, _D), jnp.float32),
        ],
        scratch_shapes=[pltpu.VMEM((2, _D), jnp.float32)],
    )(s, mp, dinv, bc, wl, bl)


def _bn_mix(p_ref, stats_ref, g_ref, b_ref, h0_ref, hp_ref):
    mean = stats_ref[0:1] / _N
    var = stats_ref[1:2] / _N - mean * mean
    k = g_ref[...] * _rsqrt_exact(var + _EPS)
    shift = b_ref[...] - mean * k
    hn = p_ref[...] * k + shift
    return jnp.maximum(_REST * hn + _ALPHA * h0_ref[...] + _THETA * hp_ref[...],
                       0.0)


def _tc_post_body(p_ref, stats_ref, g_ref, b_ref, h0_ref, hp_ref, wc_ref,
                  dinv_ref, h_ref, mp_ref):
    h = _bn_mix(p_ref, stats_ref, g_ref, b_ref, h0_ref, hp_ref)
    h_ref[...] = h
    m = jnp.dot(h, wc_ref[...], preferred_element_type=jnp.float32)
    mp_ref[...] = m


def _tc_post(p, stats, g, b, h0, hp, wc_next, dinv):
    return pl.pallas_call(
        _tc_post_body,
        grid=(_NB,),
        in_specs=[
            pl.BlockSpec((_BN, _D), lambda i: (i, 0)),
            pl.BlockSpec((2, _D), lambda i: (0, 0)),
            pl.BlockSpec((1, _D), lambda i: (0, 0)),
            pl.BlockSpec((1, _D), lambda i: (0, 0)),
            pl.BlockSpec((_BN, _D), lambda i: (i, 0)),
            pl.BlockSpec((_BN, _D), lambda i: (i, 0)),
            pl.BlockSpec((_D, _D), lambda i: (0, 0)),
            pl.BlockSpec((_BN, 1), lambda i: (i, 0)),
        ],
        out_specs=[
            pl.BlockSpec((_BN, _D), lambda i: (i, 0)),
            pl.BlockSpec((_BN, _D), lambda i: (i, 0)),
        ],
        out_shape=[
            jax.ShapeDtypeStruct((_N, _D), jnp.float32),
            jax.ShapeDtypeStruct((_N, _D), jnp.float32),
        ],
    )(p, stats, g, b, h0, hp, wc_next, dinv)


def _tc_last_body(p_ref, stats_ref, g_ref, b_ref, h0_ref, hp_ref,
                  w1_ref, b1_ref, w2_ref, b2_ref, out_ref):
    h = _bn_mix(p_ref, stats_ref, g_ref, b_ref, h0_ref, hp_ref)
    z = jnp.dot(h, w1_ref[...], preferred_element_type=jnp.float32)
    z = jnp.maximum(z + b1_ref[...], 0.0)
    o = jnp.dot(z, w2_ref[...], preferred_element_type=jnp.float32)
    out_ref[...] = o + b2_ref[...]


def _tc_last(p, stats, g, b, h0, hp, w1, b1, w2, b2):
    return pl.pallas_call(
        _tc_last_body,
        grid=(_NB,),
        in_specs=[
            pl.BlockSpec((_BN, _D), lambda i: (i, 0)),
            pl.BlockSpec((2, _D), lambda i: (0, 0)),
            pl.BlockSpec((1, _D), lambda i: (0, 0)),
            pl.BlockSpec((1, _D), lambda i: (0, 0)),
            pl.BlockSpec((_BN, _D), lambda i: (i, 0)),
            pl.BlockSpec((_BN, _D), lambda i: (i, 0)),
            pl.BlockSpec((_D, _H2), lambda i: (0, 0)),
            pl.BlockSpec((1, _H2), lambda i: (0, 0)),
            pl.BlockSpec((_H2, _C), lambda i: (0, 0)),
            pl.BlockSpec((1, _C), lambda i: (0, 0)),
        ],
        out_specs=[pl.BlockSpec((_BN, _C), lambda i: (i, 0))],
        out_shape=[jax.ShapeDtypeStruct((_N, _C), jnp.float32)],
    )(p, stats, g, b, h0, hp, w1, b1, w2, b2)[0]



def kernel(x, edge_index, W_in, b_in, Wc, bc, Wl, bl, gamma, beta, W1, b1,
           W2, b2):
    src = edge_index[0]
    dst = edge_index[1]
    padk = jnp.arange(_NW * _PADE, dtype=jnp.int32).reshape(_NW, _PADE)
    srcp = jnp.concatenate(
        [src.reshape(_NW, _EPW), padk % _N], axis=1).reshape(-1)
    dstp = jnp.concatenate(
        [dst.reshape(_NW, _EPW), _N + padk % _PADROWS], axis=1).reshape(-1)

    degp = _deg_call(dstp)
    d0 = degp[0, :_N].reshape(_N, 1)
    d1 = degp[1, :_N].reshape(_N, 1)

    b_in2 = b_in.reshape(1, _D)
    h0, dinv, mp = _tc_pre(x, W_in, b_in2, Wc[0], d0, d1)

    dinv_p = jnp.pad(dinv.reshape(_N), (0, _NP - _N))
    srcl, ldl, nrml = _prep_call(src, dst, dinv_p)

    hp = h0
    for i in range(_L):
        s = _spmm_call(mp, srcl, ldl, nrml).reshape(_N, _D)
        p, stats = _tc_mid(s, mp, dinv, bc[i].reshape(1, _D), Wl[i],
                           bl[i].reshape(1, _D))
        g2 = gamma[i].reshape(1, _D)
        be2 = beta[i].reshape(1, _D)
        if i < _L - 1:
            hp, mp = _tc_post(p, stats, g2, be2, h0, hp, Wc[i + 1], dinv)
        else:
            out = _tc_last(p, stats, g2, be2, h0, hp, W1,
                           b1.reshape(1, _H2), W2, b2.reshape(1, _C))
    return out

# --- scband reference (transcript-rebuilt; emitter-appended) ---
"""Pipeline reference for scband-deep-gcn-82454782148693 (READ-ONLY COPY).

The authoritative reference and input builder live on the scoring server;
editing this copy changes nothing except your own understanding.
"""

import jax, jax.numpy as jnp
import numpy as np

N = 10000
E = 320000
D = 128
H2 = 64
C = 2
L = 4
ALPHA = 0.1
THETA = 0.5
EPS = 1e-5


def setup_inputs(seed: int = 0) -> dict:
    key = jax.random.key(seed)
    ks = jax.random.split(key, 20)
    s = 1.0 / np.sqrt(D)
    x = jax.random.normal(ks[0], (N, D), dtype=jnp.float32)
    edge_index = jax.random.randint(ks[1], (2, E), 0, N, dtype=jnp.int32)
    W_in = jax.random.normal(ks[2], (D, D), dtype=jnp.float32) * s
    b_in = jnp.zeros((D,), dtype=jnp.float32)
    Wc = jax.random.normal(ks[3], (L, D, D), dtype=jnp.float32) * s
    bc = jnp.zeros((L, D), dtype=jnp.float32)
    Wl = jax.random.normal(ks[4], (L, D, D), dtype=jnp.float32) * s
    bl = jnp.zeros((L, D), dtype=jnp.float32)
    gamma = jnp.ones((L, D), dtype=jnp.float32)
    beta = jnp.zeros((L, D), dtype=jnp.float32)
    W1 = jax.random.normal(ks[5], (D, H2), dtype=jnp.float32) * s
    b1 = jnp.zeros((H2,), dtype=jnp.float32)
    W2 = jax.random.normal(ks[6], (H2, C), dtype=jnp.float32) * (1.0 / np.sqrt(H2))
    b2 = jnp.zeros((C,), dtype=jnp.float32)
    return {"x": x, "edge_index": edge_index, "W_in": W_in, "b_in": b_in,
            "Wc": Wc, "bc": bc, "Wl": Wl, "bl": bl,
            "gamma": gamma, "beta": beta,
            "W1": W1, "b1": b1, "W2": W2, "b2": b2}


def reference(x, edge_index, W_in, b_in, Wc, bc, Wl, bl, gamma, beta, W1, b1, W2, b2):
    # GCN normalization with self-loops (PyG GCNConv semantics)
    loop = jnp.arange(N, dtype=edge_index.dtype)
    src = jnp.concatenate([edge_index[0], loop])
    dst = jnp.concatenate([edge_index[1], loop])
    deg = jnp.zeros((N,), dtype=jnp.float32).at[dst].add(1.0)
    dinv = jax.lax.rsqrt(deg)
    norm = dinv[src] * dinv[dst]

    def gcn_conv(h, W, b):
        m = h @ W
        msgs = m[src] * norm[:, None]
        agg = jax.ops.segment_sum(msgs, dst, num_segments=N)
        return agg + b

    h = jax.nn.relu(x @ W_in + b_in)
    h0 = h
    for i in range(L):
        hp = h
        h = gcn_conv(h, Wc[i], bc[i])
        h = h @ Wl[i] + bl[i]
        # BatchNorm1d (training-mode batch statistics, biased variance)
        mean = jnp.mean(h, axis=0)
        var = jnp.mean((h - mean) ** 2, axis=0)
        h = (h - mean) / jnp.sqrt(var + EPS) * gamma[i] + beta[i]
        h = (1.0 - ALPHA - THETA) * h + ALPHA * h0 + THETA * hp
        h = jax.nn.relu(h)
        # dropout is identity in eval / deterministic reference
    out = jax.nn.relu(h @ W1 + b1) @ W2 + b2
    return out

if __name__ == "__main__":
    import jax
    _d = setup_inputs()
    print(jax.jit(kernel)(*tuple(_d.values())))

</pallas_src>

<mosaic_0001>
#map = affine_map<(d0, d1) -> (0)>
#map1 = affine_map<(d0, d1) -> (0, 0)>
module attributes {stable_mosaic.version = 14 : i64} {
  func.func @_deg_body(%arg0: i32, %arg1: i32, %arg2: memref<327680xi32, #tpu.memory_space<hbm>>, %arg3: memref<2x10240xf32, #tpu.memory_space<hbm>>, %arg4: memref<10240xf32, #tpu.memory_space<vmem_shared>>, %arg5: memref<128xi32, #tpu.memory_space<vmem>>, %arg6: memref<128xf32, #tpu.memory_space<vmem>>, %arg7: memref<640xf32, #tpu.memory_space<vmem>>) attributes {dimension_semantics = [#tpu.dimension_semantics<core_parallel>, #tpu.dimension_semantics<subcore_parallel>], iteration_bounds = array<i64: 2, 16>, scalar_prefetch = 0 : i64, scratch_operands = 4 : i64, tpu.core_type = #tpu.core_type<sc_vector_subcore>, window_params = [{transform_indices = #map}, {transform_indices = #map1}]} {
    %scan3A = arith.constant 0 : i32
    %scan3A_0 = arith.constant 0 : i32
    %scan3A_1 = arith.constant 40 : i32
    %scan3A_2 = arith.addi %scan3A_0, %scan3A_1 : i32
    %scan3A_3 = arith.constant 1 : i32
    scf.for %scan3A_65 = %scan3A_0 to %scan3A_2 step %scan3A_3  : i32 {
      %broadcast_in_dim3A_66 = arith.constant 0.000000e+00 : f32
      %broadcast_in_dim3A_67 = vector.broadcast %broadcast_in_dim3A_66 : f32 to vector<16xf32>
      %mul3A_68 = arith.constant 16 : i32
      %mul3A_69 = arith.muli %scan3A_65, %mul3A_68 : i32
      %swap3A_70 = arith.index_cast %mul3A_69 : i32 to index
      %swap3A_71 = tpu.vector_load %arg7[%swap3A_70] {strides = array<i32>} : memref<640xf32, #tpu.memory_space<vmem>>, vector<16xf32>,
      %swap3A_72 = vector.shape_cast %swap3A_71 : vector<16xf32> to vector<16xf32>
      %swap3A_73 = vector.shape_cast %broadcast_in_dim3A_67 : vector<16xf32> to vector<16xf32>
      tpu.vector_store %arg7[%swap3A_70], %swap3A_73 {strides = array<i32>} : memref<640xf32, #tpu.memory_space<vmem>>, vector<16xf32>,
    }
    %scan3A_4 = arith.constant 40 : i32
    %broadcast_in_dim3A = arith.constant 1.000000e+00 : f32
    %broadcast_in_dim3A_5 = vector.broadcast %broadcast_in_dim3A : f32 to vector<16xf32>
    %swap3A = arith.constant 0 : index
    %swap3A_6 = tpu.vector_load %arg6[%swap3A] {strides = array<i32>} : memref<128xf32, #tpu.memory_space<vmem>>, vector<16xf32>,
    %swap3A_7 = vector.shape_cast %swap3A_6 : vector<16xf32> to vector<16xf32>
    %swap3A_8 = vector.shape_cast %broadcast_in_dim3A_5 : vector<16xf32> to vector<16xf32>
    tpu.vector_store %arg6[%swap3A], %swap3A_8 {strides = array<i32>} : memref<128xf32, #tpu.memory_space<vmem>>, vector<16xf32>,
    %broadcast_in_dim3A_9 = arith.constant 1.000000e+00 : f32
    %broadcast_in_dim3A_10 = vector.broadcast %broadcast_in_dim3A_9 : f32 to vector<16xf32>
    %swap3A_11 = arith.constant 16 : index
    %swap3A_12 = tpu.vector_load %arg6[%swap3A_11] {strides = array<i32>} : memref<128xf32, #tpu.memory_space<vmem>>, vector<16xf32>,
    %swap3A_13 = vector.shape_cast %swap3A_12 : vector<16xf32> to vector<16xf32>
    %swap3A_14 = vector.shape_cast %broadcast_in_dim3A_10 : vector<16xf32> to vector<16xf32>
    tpu.vector_store %arg6[%swap3A_11], %swap3A_14 {strides = array<i32>} : memref<128xf32, #tpu.memory_space<vmem>>, vector<16xf32>,
    %broadcast_in_dim3A_15 = arith.constant 1.000000e+00 : f32
    %broadcast_in_dim3A_16 = vector.broadcast %broadcast_in_dim3A_15 : f32 to vector<16xf32>
    %swap3A_17 = arith.constant 32 : index
    %swap3A_18 = tpu.vector_load %arg6[%swap3A_17] {strides = array<i32>} : memref<128xf32, #tpu.memory_space<vmem>>, vector<16xf32>,
    %swap3A_19 = vector.shape_cast %swap3A_18 : vector<16xf32> to vector<16xf32>
    %swap3A_20 = vector.shape_cast %broadcast_in_dim3A_16 : vector<16xf32> to vector<16xf32>
    tpu.vector_store %arg6[%swap3A_17], %swap3A_20 {strides = array<i32>} : memref<128xf32, #tpu.memory_space<vmem>>, vector<16xf32>,
    %broadcast_in_dim3A_21 = arith.constant 1.000000e+00 : f32
    %broadcast_in_dim3A_22 = vector.broadcast %broadcast_in_dim3A_21 : f32 to vector<16xf32>
    %swap3A_23 = arith.constant 48 : index
    %swap3A_24 = tpu.vector_load %arg6[%swap3A_23] {strides = array<i32>} : memref<128xf32, #tpu.memory_space<vmem>>, vector<16xf32>,
    %swap3A_25 = vector.shape_cast %swap3A_24 : vector<16xf32> to vector<16xf32>
    %swap3A_26 = vector.shape_cast %broadcast_in_dim3A_22 : vector<16xf32> to vector<16xf32>
    tpu.vector_store %arg6[%swap3A_23], %swap3A_26 {strides = array<i32>} : memref<128xf32, #tpu.memory_space<vmem>>, vector<16xf32>,
    %broadcast_in_dim3A_27 = arith.constant 1.000000e+00 : f32
    %broadcast_in_dim3A_28 = vector.broadcast %broadcast_in_dim3A_27 : f32 to vector<16xf32>
    %swap3A_29 = arith.constant 64 : index
    %swap3A_30 = tpu.vector_load %arg6[%swap3A_29] {strides = array<i32>} : memref<128xf32, #tpu.memory_space<vmem>>, vector<16xf32>,
    %swap3A_31 = vector.shape_cast %swap3A_30 : vector<16xf32> to vector<16xf32>
    %swap3A_32 = vector.shape_cast %broadcast_in_dim3A_28 : vector<16xf32> to vector<16xf32>
    tpu.vector_store %arg6[%swap3A_29], %swap3A_32 {strides = array<i32>} : memref<128xf32, #tpu.memory_space<vmem>>, vector<16xf32>,
    %broadcast_in_dim3A_33 = arith.constant 1.000000e+00 : f32
    %broadcast_in_dim3A_34 = vector.broadcast %broadcast_in_dim3A_33 : f32 to vector<16xf32>
    %swap3A_35 = arith.constant 80 : index
    %swap3A_36 = tpu.vector_load %arg6[%swap3A_35] {strides = array<i32>} : memref<128xf32, #tpu.memory_space<vmem>>, vector<16xf32>,
    %swap3A_37 = vector.shape_cast %swap3A_36 : vector<16xf32> to vector<16xf32>
    %swap3A_38 = vector.shape_cast %broadcast_in_dim3A_34 : vector<16xf32> to vector<16xf32>
    tpu.vector_store %arg6[%swap3A_35], %swap3A_38 {strides = array<i32>} : memref<128xf32, #tpu.memory_space<vmem>>, vector<16xf32>,
    %broadcast_in_dim3A_39 = arith.constant 1.000000e+00 : f32
    %broadcast_in_dim3A_40 = vector.broadcast %broadcast_in_dim3A_39 : f32 to vector<16xf32>
    %swap3A_41 = arith.constant 96 : index
    %swap3A_42 = tpu.vector_load %arg6[%swap3A_41] {strides = array<i32>} : memref<128xf32, #tpu.memory_space<vmem>>, vector<16xf32>,
    %swap3A_43 = vector.shape_cast %swap3A_42 : vector<16xf32> to vector<16xf32>
    %swap3A_44 = vector.shape_cast %broadcast_in_dim3A_40 : vector<16xf32> to vector<16xf32>
    tpu.vector_store %arg6[%swap3A_41], %swap3A_44 {strides = array<i32>} : memref<128xf32, #tpu.memory_space<vmem>>, vector<16xf32>,
    %broadcast_in_dim3A_45 = arith.constant 1.000000e+00 : f32
    %broadcast_in_dim3A_46 = vector.broadcast %broadcast_in_dim3A_45 : f32 to vector<16xf32>
    %swap3A_47 = arith.constant 112 : index
    %swap3A_48 = tpu.vector_load %arg6[%swap3A_47] {strides = array<i32>} : memref<128xf32, #tpu.memory_space<vmem>>, vector<16xf32>,
    %swap3A_49 = vector.shape_cast %swap3A_48 : vector<16xf32> to vector<16xf32>
    %swap3A_50 = vector.shape_cast %broadcast_in_dim3A_46 : vector<16xf32> to vector<16xf32>
    tpu.vector_store %arg6[%swap3A_47], %swap3A_50 {strides = array<i32>} : memref<128xf32, #tpu.memory_space<vmem>>, vector<16xf32>,
    %mul3A = arith.constant 640 : i32
    %mul3A_51 = arith.muli %arg1, %mul3A : i32
    "tpu.region"() ({
      %run_scoped3A = tpu.sem_alloc : memref<!tpu.dma_semaphore, #tpu.memory_space<semaphore_mem>>
      %dma_start3A = tpu.memref_slice %arg4[%mul3A_51] : memref<10240xf32, #tpu.memory_space<vmem_shared>> -> memref<640xf32, #tpu.memory_space<vmem_shared>>
      %dma_start3A_65 = tpu.memref_slice %arg4[%mul3A_51] : memref<10240xf32, #tpu.memory_space<vmem_shared>> -> memref<640xf32, #tpu.memory_space<vmem_shared>>
      tpu.enqueue_dma source(%arg7 : memref<640xf32, #tpu.memory_space<vmem>>) target(%dma_start3A_65 : memref<640xf32, #tpu.memory_space<vmem_shared>>) target_semaphore(%run_scoped3A : memref<!tpu.dma_semaphore, #tpu.memory_space<semaphore_mem>>)
      %dma_wait3A = tpu.memref_slice %arg4[%mul3A_51] : memref<10240xf32, #tpu.memory_space<vmem_shared>> -> memref<640xf32, #tpu.memory_space<vmem_shared>>
      %dma_wait3A_66 = tpu.memref_slice %arg4[%mul3A_51] : memref<10240xf32, #tpu.memory_space<vmem_shared>> -> memref<640xf32, #tpu.memory_space<vmem_shared>>
      tpu.wait_dma2 semaphore(%run_scoped3A : memref<!tpu.dma_semaphore, #tpu.memory_space<semaphore_mem>>) src(%arg7 : memref<640xf32, #tpu.memory_space<vmem>>) dst(%dma_wait3A_66 : memref<640xf32, #tpu.memory_space<vmem_shared>>)
      tpu.yield
    }) : () -> ()
    %barrier3A = arith.constant 0 : index
    tpu.barrier barrier_id(%barrier3A)
    %mul3A_52 = arith.constant 16 : i32
    %mul3A_53 = arith.muli %arg0, %mul3A_52 : i32
    %add3A = arith.addi %mul3A_53, %arg1 : i32
    %scan3A_54 = arith.constant 0 : i32
    %scan3A_55 = arith.constant 0 : i32
    %scan3A_56 = arith.constant 80 : i32
    %scan3A_57 = arith.addi %scan3A_55, %scan3A_56 : i32
    %scan3A_58 = arith.constant 1 : i32
    scf.for %scan3A_65 = %scan3A_55 to %scan3A_57 step %scan3A_58  : i32 {
      %mul3A_66 = arith.constant 10240 : i32
      %mul3A_67 = arith.muli %add3A, %mul3A_66 : i32
      %mul3A_68 = arith.constant 128 : i32
      %mul3A_69 = arith.muli %scan3A_65, %mul3A_68 : i32
      %add3A_70 = arith.addi %mul3A_67, %mul3A_69 : i32
      "tpu.region"() ({
        %run_scoped3A = tpu.sem_alloc : memref<!tpu.dma_semaphore, #tpu.memory_space<semaphore_mem>>
        %dma_start3A = tpu.memref_slice %arg2[%add3A_70] : memref<327680xi32, #tpu.memory_space<hbm>> -> memref<128xi32, #tpu.memory_space<hbm>>
        %dma_start3A_71 = tpu.memref_slice %arg2[%add3A_70] : memref<327680xi32, #tpu.memory_space<hbm>> -> memref<128xi32, #tpu.memory_space<hbm>>
        tpu.enqueue_dma source(%dma_start3A_71 : memref<128xi32, #tpu.memory_space<hbm>>) target(%arg5 : memref<128xi32, #tpu.memory_space<vmem>>) target_semaphore(%run_scoped3A : memref<!tpu.dma_semaphore, #tpu.memory_space<semaphore_mem>>)
        %dma_wait3A = tpu.memref_slice %arg2[%add3A_70] : memref<327680xi32, #tpu.memory_space<hbm>> -> memref<128xi32, #tpu.memory_space<hbm>>
        %dma_wait3A_72 = tpu.memref_slice %arg2[%add3A_70] : memref<327680xi32, #tpu.memory_space<hbm>> -> memref<128xi32, #tpu.memory_space<hbm>>
        tpu.wait_dma2 semaphore(%run_scoped3A : memref<!tpu.dma_semaphore, #tpu.memory_space<semaphore_mem>>) src(%dma_wait3A_72 : memref<128xi32, #tpu.memory_space<hbm>>) dst(%arg5 : memref<128xi32, #tpu.memory_space<vmem>>)
        tpu.yield
      }) : () -> ()
      "tpu.region"() ({
        %run_scoped3A = tpu.sem_alloc : memref<!tpu.dma_semaphore, #tpu.memory_space<semaphore_mem>>
        %dma_start3A = arith.constant 0 : i32
        %dma_start3A_71 = tpu.memref_slice %arg4[%dma_start3A] : memref<10240xf32, #tpu.memory_space<vmem_shared>> -> memref<10240xf32, #tpu.memory_space<vmem_shared>>
        tpu.enqueue_indirect_dma source(%arg6 : memref<128xf32, #tpu.memory_space<vmem>>) target(%dma_start3A_71 : memref<10240xf32, #tpu.memory_space<vmem_shared>>) offsets(%arg5 : memref<128xi32, #tpu.memory_space<vmem>>) semaphore(%run_scoped3A : memref<!tpu.dma_semaphore, #tpu.memory_space<semaphore_mem>>) {add = true}
        %dma_wait3A = arith.constant 0 : i32
        %dma_wait3A_72 = tpu.memref_slice %arg4[%dma_wait3A] : memref<10240xf32, #tpu.memory_space<vmem_shared>> -> memref<10240xf32, #tpu.memory_space<vmem_shared>>
        tpu.wait_indirect_dma semaphore(%run_scoped3A : memref<!tpu.dma_semaphore, #tpu.memory_space<semaphore_mem>>) src(%arg6 : memref<128xf32, #tpu.memory_space<vmem>>) dst(%dma_wait3A_72 : memref<10240xf32, #tpu.memory_space<vmem_shared>>)
        tpu.yield
      }) : () -> ()
    }
    %scan3A_59 = arith.constant 80 : i32
    %barrier3A_60 = arith.constant 0 : index
    tpu.barrier barrier_id(%barrier3A_60)
    %mul3A_61 = arith.constant 640 : i32
    %mul3A_62 = arith.muli %arg1, %mul3A_61 : i32
    %mul3A_63 = arith.constant 640 : i32
    %mul3A_64 = arith.muli %arg1, %mul3A_63 : i32
    "tpu.region"() ({
      %run_scoped3A = tpu.sem_alloc : memref<!tpu.dma_semaphore, #tpu.memory_space<semaphore_mem>>
      %dma_start3A = tpu.memref_slice %arg3[%arg0, %mul3A_64] : memref<2x10240xf32, #tpu.memory_space<hbm>> -> memref<1x640xf32, #tpu.memory_space<hbm>>
      %dma_start3A_65 = tpu.memref_squeeze %dma_start3A : memref<1x640xf32, #tpu.memory_space<hbm>> -> memref<640xf32, #tpu.memory_space<hbm>>
      %dma_start3A_66 = tpu.memref_slice %arg4[%mul3A_62] : memref<10240xf32, #tpu.memory_space<vmem_shared>> -> memref<640xf32, #tpu.memory_space<vmem_shared>>
      tpu.enqueue_dma source(%dma_start3A_66 : memref<640xf32, #tpu.memory_space<vmem_shared>>) target(%dma_start3A_65 : memref<640xf32, #tpu.memory_space<hbm>>) target_semaphore(%run_scoped3A : memref<!tpu.dma_semaphore, #tpu.memory_space<semaphore_mem>>)
      %dma_wait3A = tpu.memref_slice %arg3[%arg0, %mul3A_64] : memref<2x10240xf32, #tpu.memory_space<hbm>> -> memref<1x640xf32, #tpu.memory_space<hbm>>
      %dma_wait3A_67 = tpu.memref_squeeze %dma_wait3A : memref<1x640xf32, #tpu.memory_space<hbm>> -> memref<640xf32, #tpu.memory_space<hbm>>
      %dma_wait3A_68 = tpu.memref_slice %arg4[%mul3A_62] : memref<10240xf32, #tpu.memory_space<vmem_shared>> -> memref<640xf32, #tpu.memory_space<vmem_shared>>
      tpu.wait_dma2 semaphore(%run_scoped3A : memref<!tpu.dma_semaphore, #tpu.memory_space<semaphore_mem>>) src(%dma_wait3A_68 : memref<640xf32, #tpu.memory_space<vmem_shared>>) dst(%dma_wait3A_67 : memref<640xf32, #tpu.memory_space<hbm>>)
      tpu.yield
    }) : () -> ()
    return
  }
}

#map = affine_map<(d0, d1) -> (0)>
module attributes {stable_mosaic.version = 14 : i64} {
  func.func @_prep_body(%arg0: i32, %arg1: i32, %arg2: memref<320000xi32, #tpu.memory_space<hbm>>, %arg3: memref<320000xi32, #tpu.memory_space<hbm>>, %arg4: memref<10112xf32, #tpu.memory_space<hbm>>, %arg5: memref<368640xi32, #tpu.memory_space<hbm>>, %arg6: memref<368640xi32, #tpu.memory_space<hbm>>, %arg7: memref<368640xf32, #tpu.memory_space<hbm>>, %arg8: memref<10112xf32, #tpu.memory_space<vmem>>, %arg9: memref<128xi32, #tpu.memory_space<vmem>>, %arg10: memref<128xi32, #tpu.memory_space<vmem>>, %arg11: memref<11648xi32, #tpu.memory_space<vmem>>, %arg12: memref<11648xi32, #tpu.memory_space<vmem>>, %arg13: memref<11648xf32, #tpu.memory_space<vmem>>) attributes {dimension_semantics = [#tpu.dimension_semantics<core_parallel>, #tpu.dimension_semantics<subcore_parallel>], iteration_bounds = array<i64: 2, 16>, scalar_prefetch = 0 : i64, scratch_operands = 6 : i64, tpu.core_type = #tpu.core_type<sc_vector_subcore>, window_params = [{transform_indices = #map}, {transform_indices = #map}, {transform_indices = #map}, {transform_indices = #map}, {transform_indices = #map}, {transform_indices = #map}]} {
    %mul3A = arith.constant 16 : i32
    %mul3A_0 = arith.muli %arg0, %mul3A : i32
    %add3A = arith.addi %mul3A_0, %arg1 : i32
    %mul3A_1 = arith.constant 320 : i32
    %mul3A_2 = arith.muli %add3A, %mul3A_1 : i32
    %add3A_3 = arith.constant 320 : i32
    %add3A_4 = arith.addi %mul3A_2, %add3A_3 : i32
    "tpu.region"() ({
      %run_scoped3A = tpu.sem_alloc : memref<!tpu.dma_semaphore, #tpu.memory_space<semaphore_mem>>
      tpu.enqueue_dma source(%arg4 : memref<10112xf32, #tpu.memory_space<hbm>>) target(%arg8 : memref<10112xf32, #tpu.memory_space<vmem>>) target_semaphore(%run_scoped3A : memref<!tpu.dma_semaphore, #tpu.memory_space<semaphore_mem>>)
      tpu.wait_dma2 semaphore(%run_scoped3A : memref<!tpu.dma_semaphore, #tpu.memory_space<semaphore_mem>>) src(%arg4 : memref<10112xf32, #tpu.memory_space<hbm>>) dst(%arg8 : memref<10112xf32, #tpu.memory_space<vmem>>)
      tpu.yield
    }) : () -> ()
    %iota3A = tpu.iota {dimensions = array<i32: 0>} : vector<16xi32>
    %scan3A = arith.constant 0 : i32
    %scan3A_5 = arith.constant 0 : i32
    %scan3A_6 = arith.constant 728 : i32
    %scan3A_7 = arith.addi %scan3A_5, %scan3A_6 : i32
    %scan3A_8 = arith.constant 1 : i32
    scf.for %scan3A_23 = %scan3A_5 to %scan3A_7 step %scan3A_8  : i32 {
      %mul3A_24 = arith.constant 16 : i32
      %mul3A_25 = arith.muli %scan3A_23, %mul3A_24 : i32
      %add3A_26 = vector.broadcast %mul3A_25 : i32 to vector<16xi32>
      %add3A_27 = arith.addi %add3A_26, %iota3A : vector<16xi32>
      %and3A = arith.constant 8191 : i32
      %and3A_28 = vector.broadcast %and3A : i32 to vector<16xi32>
      %and3A_29 = arith.andi %add3A_27, %and3A_28 : vector<16xi32>
      %mul3A_30 = arith.constant 16 : i32
      %mul3A_31 = arith.muli %scan3A_23, %mul3A_30 : i32
      %swap3A = arith.index_cast %mul3A_31 : i32 to index
      %swap3A_32 = tpu.vector_load %arg11[%swap3A] {strides = array<i32>} : memref<11648xi32, #tpu.memory_space<vmem>>, vector<16xi32>,
      tpu.vector_store %arg11[%swap3A], %and3A_29 {strides = array<i32>} : memref<11648xi32, #tpu.memory_space<vmem>>, vector<16xi32>,
      %and3A_33 = arith.constant 7 : i32
      %and3A_34 = vector.broadcast %and3A_33 : i32 to vector<16xi32>
      %and3A_35 = arith.andi %iota3A, %and3A_34 : vector<16xi32>
      %add3A_36 = arith.constant 320 : i32
      %add3A_37 = vector.broadcast %add3A_36 : i32 to vector<16xi32>
      %add3A_38 = arith.addi %add3A_37, %and3A_35 : vector<16xi32>
      %mul3A_39 = arith.constant 16 : i32
      %mul3A_40 = arith.muli %scan3A_23, %mul3A_39 : i32
      %swap3A_41 = arith.index_cast %mul3A_40 : i32 to index
      %swap3A_42 = tpu.vector_load %arg12[%swap3A_41] {strides = array<i32>} : memref<11648xi32, #tpu.memory_space<vmem>>, vector<16xi32>,
      tpu.vector_store %arg12[%swap3A_41], %add3A_38 {strides = array<i32>} : memref<11648xi32, #tpu.memory_space<vmem>>, vector<16xi32>,
      %broadcast_in_dim3A = arith.constant 0.000000e+00 : f32
      %broadcast_in_dim3A_43 = vector.broadcast %broadcast_in_dim3A : f32 to vector<16xf32>
      %mul3A_44 = arith.constant 16 : i32
      %mul3A_45 = arith.muli %scan3A_23, %mul3A_44 : i32
      %swap3A_46 = arith.index_cast %mul3A_45 : i32 to index
      %swap3A_47 = tpu.vector_load %arg13[%swap3A_46] {strides = array<i32>} : memref<11648xf32, #tpu.memory_space<vmem>>, vector<16xf32>,
      tpu.vector_store %arg13[%swap3A_46], %broadcast_in_dim3A_43 {strides = array<i32>} : memref<11648xf32, #tpu.memory_space<vmem>>, vector<16xf32>,
    }
    %scan3A_9 = arith.constant 728 : i32
    %scan3A_10 = arith.constant 0 : i32
    %scan3A_11 = arith.constant 0 : i32
    %scan3A_12 = arith.constant 2500 : i32
    %scan3A_13 = arith.addi %scan3A_11, %scan3A_12 : i32
    %scan3A_14 = arith.constant 1 : i32
    %scan3A_15 = scf.for %scan3A_23 = %scan3A_11 to %scan3A_13 step %scan3A_14 iter_args(%scan3A_24 = %scan3A_10) -> (i32)  : i32 {
      %mul3A_25 = arith.constant 128 : i32
      %mul3A_26 = arith.muli %scan3A_23, %mul3A_25 : i32
      "tpu.region"() ({
        %run_scoped3A = tpu.sem_alloc : memref<!tpu.dma_semaphore, #tpu.memory_space<semaphore_mem>>
        %dma_start3A = tpu.memref_slice %arg2[%mul3A_26] : memref<320000xi32, #tpu.memory_space<hbm>> -> memref<128xi32, #tpu.memory_space<hbm>>
        %dma_start3A_35 = tpu.memref_slice %arg2[%mul3A_26] : memref<320000xi32, #tpu.memory_space<hbm>> -> memref<128xi32, #tpu.memory_space<hbm>>
        tpu.enqueue_dma source(%dma_start3A_35 : memref<128xi32, #tpu.memory_space<hbm>>) target(%arg9 : memref<128xi32, #tpu.memory_space<vmem>>) target_semaphore(%run_scoped3A : memref<!tpu.dma_semaphore, #tpu.memory_space<semaphore_mem>>)
        %dma_wait3A = tpu.memref_slice %arg2[%mul3A_26] : memref<320000xi32, #tpu.memory_space<hbm>> -> memref<128xi32, #tpu.memory_space<hbm>>
        %dma_wait3A_36 = tpu.memref_slice %arg2[%mul3A_26] : memref<320000xi32, #tpu.memory_space<hbm>> -> memref<128xi32, #tpu.memory_space<hbm>>
        tpu.wait_dma2 semaphore(%run_scoped3A : memref<!tpu.dma_semaphore, #tpu.memory_space<semaphore_mem>>) src(%dma_wait3A_36 : memref<128xi32, #tpu.memory_space<hbm>>) dst(%arg9 : memref<128xi32, #tpu.memory_space<vmem>>)
        tpu.yield
      }) : () -> ()
      %mul3A_27 = arith.constant 128 : i32
      %mul3A_28 = arith.muli %scan3A_23, %mul3A_27 : i32
      "tpu.region"() ({
        %run_scoped3A = tpu.sem_alloc : memref<!tpu.dma_semaphore, #tpu.memory_space<semaphore_mem>>
        %dma_start3A = tpu.memref_slice %arg3[%mul3A_28] : memref<320000xi32, #tpu.memory_space<hbm>> -> memref<128xi32, #tpu.memory_space<hbm>>
        %dma_start3A_35 = tpu.memref_slice %arg3[%mul3A_28] : memref<320000xi32, #tpu.memory_space<hbm>> -> memref<128xi32, #tpu.memory_space<hbm>>
        tpu.enqueue_dma source(%dma_start3A_35 : memref<128xi32, #tpu.memory_space<hbm>>) target(%arg10 : memref<128xi32, #tpu.memory_space<vmem>>) target_semaphore(%run_scoped3A : memref<!tpu.dma_semaphore, #tpu.memory_space<semaphore_mem>>)
        %dma_wait3A = tpu.memref_slice %arg3[%mul3A_28] : memref<320000xi32, #tpu.memory_space<hbm>> -> memref<128xi32, #tpu.memory_space<hbm>>
        %dma_wait3A_36 = tpu.memref_slice %arg3[%mul3A_28] : memref<320000xi32, #tpu.memory_space<hbm>> -> memref<128xi32, #tpu.memory_space<hbm>>
        tpu.wait_dma2 semaphore(%run_scoped3A : memref<!tpu.dma_semaphore, #tpu.memory_space<semaphore_mem>>) src(%dma_wait3A_36 : memref<128xi32, #tpu.memory_space<hbm>>) dst(%arg10 : memref<128xi32, #tpu.memory_space<vmem>>)
        tpu.yield
      }) : () -> ()
      %scan3A_29 = arith.constant 0 : i32
      %scan3A_30 = arith.constant 8 : i32
      %scan3A_31 = arith.addi %scan3A_29, %scan3A_30 : i32
      %scan3A_32 = arith.constant 1 : i32
      %scan3A_33 = scf.for %scan3A_35 = %scan3A_29 to %scan3A_31 step %scan3A_32 iter_args(%scan3A_36 = %scan3A_24) -> (i32)  : i32 {
        %mul3A_37 = arith.constant 16 : i32
        %mul3A_38 = arith.muli %scan3A_35, %mul3A_37 : i32
        %get3A = arith.index_cast %mul3A_38 : i32 to index
        %get3A_39 = tpu.vector_load %arg9[%get3A] {strides = array<i32>} : memref<128xi32, #tpu.memory_space<vmem>>, vector<16xi32>,
        %mul3A_40 = arith.constant 16 : i32
        %mul3A_41 = arith.muli %scan3A_35, %mul3A_40 : i32
        %get3A_42 = arith.index_cast %mul3A_41 : i32 to index
        %get3A_43 = tpu.vector_load %arg10[%get3A_42] {strides = array<i32>} : memref<128xi32, #tpu.memory_space<vmem>>, vector<16xi32>,
        %ge3A = vector.broadcast %mul3A_2 : i32 to vector<16xi32>
        %ge3A_44 = arith.cmpi sge, %get3A_43, %ge3A : vector<16xi32>
        %lt3A = vector.broadcast %add3A_4 : i32 to vector<16xi32>
        %lt3A_45 = arith.cmpi slt, %get3A_43, %lt3A : vector<16xi32>
        %and3A = arith.andi %ge3A_44, %lt3A_45 : vector<16xi1>
        %gather3A = tpu.vector_load_idx %arg8[%get3A_39] : memref<10112xf32, #tpu.memory_space<vmem>>[vector<16xi32>], vector<16xf32>,
        %gather3A_46 = tpu.vector_load_idx %arg8[%get3A_43] : memref<10112xf32, #tpu.memory_space<vmem>>[vector<16xi32>], vector<16xf32>,
        %mul3A_47 = arith.mulf %gather3A, %gather3A_46 : vector<16xf32>
        %swap3A = arith.index_cast %scan3A_36 : i32 to index
        %swap3A_48 = tpu.vector_load %arg11[%swap3A] masked %and3A {strides = array<i32>} : memref<11648xi32, #tpu.memory_space<vmem>>, vector<16xi32>, vector<16xi1>
        tpu.vector_store %arg11[%swap3A], %get3A_39 masked %and3A {strides = array<i32>} : memref<11648xi32, #tpu.memory_space<vmem>>, vector<16xi32>, vector<16xi1>
        %sub3A = vector.broadcast %mul3A_2 : i32 to vector<16xi32>
        %sub3A_49 = arith.subi %get3A_43, %sub3A : vector<16xi32>
        %swap3A_50 = arith.index_cast %scan3A_36 : i32 to index
        %swap3A_51 = tpu.vector_load %arg12[%swap3A_50] masked %and3A {strides = array<i32>} : memref<11648xi32, #tpu.memory_space<vmem>>, vector<16xi32>, vector<16xi1>
        tpu.vector_store %arg12[%swap3A_50], %sub3A_49 masked %and3A {strides = array<i32>} : memref<11648xi32, #tpu.memory_space<vmem>>, vector<16xi32>, vector<16xi1>
        %swap3A_52 = arith.index_cast %scan3A_36 : i32 to index
        %swap3A_53 = tpu.vector_load %arg13[%swap3A_52] masked %and3A {strides = array<i32>} : memref<11648xf32, #tpu.memory_space<vmem>>, vector<16xf32>, vector<16xi1>
        tpu.vector_store %arg13[%swap3A_52], %mul3A_47 masked %and3A {strides = array<i32>} : memref<11648xf32, #tpu.memory_space<vmem>>, vector<16xf32>, vector<16xi1>
        %convert_element_type3A = arith.extui %and3A : vector<16xi1> to vector<16xi32>
        %reduce_sum3A = arith.constant true
        %reduce_sum3A_54 = vector.broadcast %reduce_sum3A : i1 to vector<16xi1>
        %reduce_sum3A_55 = tpu.scan <sum>, %convert_element_type3A masked %reduce_sum3A_54 : vector<16xi32>, vector<16xi1> -> vector<16xi32>
        %reduce_sum3A_56 = vector.extract %reduce_sum3A_55[15] : i32 from vector<16xi32>
        %add3A_57 = arith.addi %scan3A_36, %reduce_sum3A_56 : i32
        scf.yield %add3A_57 : i32
      }
      %scan3A_34 = arith.constant 8 : i32
      scf.yield %scan3A_33 : i32
    }
    %scan3A_16 = arith.constant 2500 : i32
    %mul3A_17 = arith.constant 11520 : i32
    %mul3A_18 = arith.muli %add3A, %mul3A_17 : i32
    "tpu.region"() ({
      %run_scoped3A = tpu.sem_alloc : memref<!tpu.dma_semaphore, #tpu.memory_space<semaphore_mem>>
      %dma_start3A = arith.constant 0 : i32
      %dma_start3A_23 = tpu.memref_slice %arg11[%dma_start3A] : memref<11648xi32, #tpu.memory_space<vmem>> -> memref<11520xi32, #tpu.memory_space<vmem>>
      %dma_start3A_24 = tpu.memref_slice %arg5[%mul3A_18] : memref<368640xi32, #tpu.memory_space<hbm>> -> memref<11520xi32, #tpu.memory_space<hbm>>
      %dma_start3A_25 = tpu.memref_slice %arg5[%mul3A_18] : memref<368640xi32, #tpu.memory_space<hbm>> -> memref<11520xi32, #tpu.memory_space<hbm>>
      %dma_start3A_26 = arith.constant 0 : i32
      %dma_start3A_27 = tpu.memref_slice %arg11[%dma_start3A_26] : memref<11648xi32, #tpu.memory_space<vmem>> -> memref<11520xi32, #tpu.memory_space<vmem>>
      tpu.enqueue_dma source(%dma_start3A_27 : memref<11520xi32, #tpu.memory_space<vmem>>) target(%dma_start3A_25 : memref<11520xi32, #tpu.memory_space<hbm>>) target_semaphore(%run_scoped3A : memref<!tpu.dma_semaphore, #tpu.memory_space<semaphore_mem>>)
      %dma_wait3A = arith.constant 0 : i32
      %dma_wait3A_28 = tpu.memref_slice %arg11[%dma_wait3A] : memref<11648xi32, #tpu.memory_space<vmem>> -> memref<11520xi32, #tpu.memory_space<vmem>>
      %dma_wait3A_29 = tpu.memref_slice %arg5[%mul3A_18] : memref<368640xi32, #tpu.memory_space<hbm>> -> memref<11520xi32, #tpu.memory_space<hbm>>
      %dma_wait3A_30 = tpu.memref_slice %arg5[%mul3A_18] : memref<368640xi32, #tpu.memory_space<hbm>> -> memref<11520xi32, #tpu.memory_space<hbm>>
      %dma_wait3A_31 = arith.constant 0 : i32
      %dma_wait3A_32 = tpu.memref_slice %arg11[%dma_wait3A_31] : memref<11648xi32, #tpu.memory_space<vmem>> -> memref<11520xi32, #tpu.memory_space<vmem>>
      tpu.wait_dma2 semaphore(%run_scoped3A : memref<!tpu.dma_semaphore, #tpu.memory_space<semaphore_mem>>) src(%dma_wait3A_32 : memref<11520xi32, #tpu.memory_space<vmem>>) dst(%dma_wait3A_30 : memref<11520xi32, #tpu.memory_space<hbm>>)
      tpu.yield
    }) : () -> ()
    %mul3A_19 = arith.constant 11520 : i32
    %mul3A_20 = arith.muli %add3A, %mul3A_19 : i32
    "tpu.region"() ({
      %run_scoped3A = tpu.sem_alloc : memref<!tpu.dma_semaphore, #tpu.memory_space<semaphore_mem>>
      %dma_start3A = arith.constant 0 : i32
      %dma_start3A_23 = tpu.memref_slice %arg12[%dma_start3A] : memref<11648xi32, #tpu.memory_space<vmem>> -> memref<11520xi32, #tpu.memory_space<vmem>>
      %dma_start3A_24 = tpu.memref_slice %arg6[%mul3A_20] : memref<368640xi32, #tpu.memory_space<hbm>> -> memref<11520xi32, #tpu.memory_space<hbm>>
      %dma_start3A_25 = tpu.memref_slice %arg6[%mul3A_20] : memref<368640xi32, #tpu.memory_space<hbm>> -> memref<11520xi32, #tpu.memory_space<hbm>>
      %dma_start3A_26 = arith.constant 0 : i32
      %dma_start3A_27 = tpu.memref_slice %arg12[%dma_start3A_26] : memref<11648xi32, #tpu.memory_space<vmem>> -> memref<11520xi32, #tpu.memory_space<vmem>>
      tpu.enqueue_dma source(%dma_start3A_27 : memref<11520xi32, #tpu.memory_space<vmem>>) target(%dma_start3A_25 : memref<11520xi32, #tpu.memory_space<hbm>>) target_semaphore(%run_scoped3A : memref<!tpu.dma_semaphore, #tpu.memory_space<semaphore_mem>>)
      %dma_wait3A = arith.constant 0 : i32
      %dma_wait3A_28 = tpu.memref_slice %arg12[%dma_wait3A] : memref<11648xi32, #tpu.memory_space<vmem>> -> memref<11520xi32, #tpu.memory_space<vmem>>
      %dma_wait3A_29 = tpu.memref_slice %arg6[%mul3A_20] : memref<368640xi32, #tpu.memory_space<hbm>> -> memref<11520xi32, #tpu.memory_space<hbm>>
      %dma_wait3A_30 = tpu.memref_slice %arg6[%mul3A_20] : memref<368640xi32, #tpu.memory_space<hbm>> -> memref<11520xi32, #tpu.memory_space<hbm>>
      %dma_wait3A_31 = arith.constant 0 : i32
      %dma_wait3A_32 = tpu.memref_slice %arg12[%dma_wait3A_31] : memref<11648xi32, #tpu.memory_space<vmem>> -> memref<11520xi32, #tpu.memory_space<vmem>>
      tpu.wait_dma2 semaphore(%run_scoped3A : memref<!tpu.dma_semaphore, #tpu.memory_space<semaphore_mem>>) src(%dma_wait3A_32 : memref<11520xi32, #tpu.memory_space<vmem>>) dst(%dma_wait3A_30 : memref<11520xi32, #tpu.memory_space<hbm>>)
      tpu.yield
    }) : () -> ()
    %mul3A_21 = arith.constant 11520 : i32
    %mul3A_22 = arith.muli %add3A, %mul3A_21 : i32
    "tpu.region"() ({
      %run_scoped3A = tpu.sem_alloc : memref<!tpu.dma_semaphore, #tpu.memory_space<semaphore_mem>>
      %dma_start3A = arith.constant 0 : i32
      %dma_start3A_23 = tpu.memref_slice %arg13[%dma_start3A] : memref<11648xf32, #tpu.memory_space<vmem>> -> memref<11520xf32, #tpu.memory_space<vmem>>
      %dma_start3A_24 = tpu.memref_slice %arg7[%mul3A_22] : memref<368640xf32, #tpu.memory_space<hbm>> -> memref<11520xf32, #tpu.memory_space<hbm>>
      %dma_start3A_25 = tpu.memref_slice %arg7[%mul3A_22] : memref<368640xf32, #tpu.memory_space<hbm>> -> memref<11520xf32, #tpu.memory_space<hbm>>
      %dma_start3A_26 = arith.constant 0 : i32
      %dma_start3A_27 = tpu.memref_slice %arg13[%dma_start3A_26] : memref<11648xf32, #tpu.memory_space<vmem>> -> memref<11520xf32, #tpu.memory_space<vmem>>
      tpu.enqueue_dma source(%dma_start3A_27 : memref<11520xf32, #tpu.memory_space<vmem>>) target(%dma_start3A_25 : memref<11520xf32, #tpu.memory_space<hbm>>) target_semaphore(%run_scoped3A : memref<!tpu.dma_semaphore, #tpu.memory_space<semaphore_mem>>)
      %dma_wait3A = arith.constant 0 : i32
      %dma_wait3A_28 = tpu.memref_slice %arg13[%dma_wait3A] : memref<11648xf32, #tpu.memory_space<vmem>> -> memref<11520xf32, #tpu.memory_space<vmem>>
      %dma_wait3A_29 = tpu.memref_slice %arg7[%mul3A_22] : memref<368640xf32, #tpu.memory_space<hbm>> -> memref<11520xf32, #tpu.memory_space<hbm>>
      %dma_wait3A_30 = tpu.memref_slice %arg7[%mul3A_22] : memref<368640xf32, #tpu.memory_space<hbm>> -> memref<11520xf32, #tpu.memory_space<hbm>>
      %dma_wait3A_31 = arith.constant 0 : i32
      %dma_wait3A_32 = tpu.memref_slice %arg13[%dma_wait3A_31] : memref<11648xf32, #tpu.memory_space<vmem>> -> memref<11520xf32, #tpu.memory_space<vmem>>
      tpu.wait_dma2 semaphore(%run_scoped3A : memref<!tpu.dma_semaphore, #tpu.memory_space<semaphore_mem>>) src(%dma_wait3A_32 : memref<11520xf32, #tpu.memory_space<vmem>>) dst(%dma_wait3A_30 : memref<11520xf32, #tpu.memory_space<hbm>>)
      tpu.yield
    }) : () -> ()
    return
  }
}

#map = affine_map<(d0, d1) -> (0, 0)>
#map1 = affine_map<(d0, d1) -> (0)>
module attributes {stable_mosaic.version = 14 : i64} {
  func.func @_spmm_body(%arg0: i32, %arg1: i32, %arg2: memref<10000x128xf32, #tpu.memory_space<hbm>>, %arg3: memref<368640xi32, #tpu.memory_space<hbm>>, %arg4: memref<368640xi32, #tpu.memory_space<hbm>>, %arg5: memref<368640xf32, #tpu.memory_space<hbm>>, %arg6: memref<1280000xf32, #tpu.memory_space<hbm>>, %arg7: memref<41984xf32, #tpu.memory_space<vmem>>, %arg8: memref<128xi32, #tpu.memory_space<vmem>>, %arg9: memref<128xi32, #tpu.memory_space<vmem>>, %arg10: memref<128xf32, #tpu.memory_space<vmem>>, %arg11: memref<128x128xf32, #tpu.memory_space<vmem>>, %arg12: memref<!tpu.dma_semaphore, #tpu.memory_space<semaphore_mem>>) attributes {dimension_semantics = [#tpu.dimension_semantics<core_parallel>, #tpu.dimension_semantics<subcore_parallel>], iteration_bounds = array<i64: 2, 16>, scalar_prefetch = 0 : i64, scratch_operands = 6 : i64, tpu.core_type = #tpu.core_type<sc_vector_subcore>, window_params = [{transform_indices = #map}, {transform_indices = #map1}, {transform_indices = #map1}, {transform_indices = #map1}, {transform_indices = #map1}]} {
    %mul3A = arith.constant 16 : i32
    %mul3A_0 = arith.muli %arg0, %mul3A : i32
    %add3A = arith.addi %mul3A_0, %arg1 : i32
    %iota3A = tpu.iota {dimensions = array<i32: 0>} : vector<16xi32>
    %scan3A = arith.constant 0 : i32
    %scan3A_1 = arith.constant 0 : i32
    %scan3A_2 = arith.constant 2624 : i32
    %scan3A_3 = arith.addi %scan3A_1, %scan3A_2 : i32
    %scan3A_4 = arith.constant 1 : i32
    scf.for %scan3A_18 = %scan3A_1 to %scan3A_3 step %scan3A_4  : i32 {
      %broadcast_in_dim3A = arith.constant 0.000000e+00 : f32
      %broadcast_in_dim3A_19 = vector.broadcast %broadcast_in_dim3A : f32 to vector<16xf32>
      %mul3A_20 = arith.constant 16 : i32
      %mul3A_21 = arith.muli %scan3A_18, %mul3A_20 : i32
      %swap3A = arith.index_cast %mul3A_21 : i32 to index
      %swap3A_22 = tpu.vector_load %arg7[%swap3A] {strides = array<i32>} : memref<41984xf32, #tpu.memory_space<vmem>>, vector<16xf32>,
      tpu.vector_store %arg7[%swap3A], %broadcast_in_dim3A_19 {strides = array<i32>} : memref<41984xf32, #tpu.memory_space<vmem>>, vector<16xf32>,
    }
    %scan3A_5 = arith.constant 2624 : i32
    %scan3A_6 = arith.constant 0 : i32
    %scan3A_7 = arith.constant 0 : i32
    %scan3A_8 = arith.constant 90 : i32
    %scan3A_9 = arith.addi %scan3A_7, %scan3A_8 : i32
    %scan3A_10 = arith.constant 1 : i32
    scf.for %scan3A_18 = %scan3A_7 to %scan3A_9 step %scan3A_10  : i32 {
      %mul3A_19 = arith.constant 11520 : i32
      %mul3A_20 = arith.muli %add3A, %mul3A_19 : i32
      %mul3A_21 = arith.constant 128 : i32
      %mul3A_22 = arith.muli %scan3A_18, %mul3A_21 : i32
      %add3A_23 = arith.addi %mul3A_20, %mul3A_22 : i32
      "tpu.region"() ({
        %run_scoped3A = tpu.sem_alloc : memref<!tpu.dma_semaphore, #tpu.memory_space<semaphore_mem>>
        %dma_start3A_34 = tpu.memref_slice %arg3[%add3A_23] : memref<368640xi32, #tpu.memory_space<hbm>> -> memref<128xi32, #tpu.memory_space<hbm>>
        %dma_start3A_35 = tpu.memref_slice %arg3[%add3A_23] : memref<368640xi32, #tpu.memory_space<hbm>> -> memref<128xi32, #tpu.memory_space<hbm>>
        tpu.enqueue_dma source(%dma_start3A_35 : memref<128xi32, #tpu.memory_space<hbm>>) target(%arg8 : memref<128xi32, #tpu.memory_space<vmem>>) target_semaphore(%run_scoped3A : memref<!tpu.dma_semaphore, #tpu.memory_space<semaphore_mem>>)
        %dma_wait3A_36 = tpu.memref_slice %arg3[%add3A_23] : memref<368640xi32, #tpu.memory_space<hbm>> -> memref<128xi32, #tpu.memory_space<hbm>>
        %dma_wait3A_37 = tpu.memref_slice %arg3[%add3A_23] : memref<368640xi32, #tpu.memory_space<hbm>> -> memref<128xi32, #tpu.memory_space<hbm>>
        tpu.wait_dma2 semaphore(%run_scoped3A : memref<!tpu.dma_semaphore, #tpu.memory_space<semaphore_mem>>) src(%dma_wait3A_37 : memref<128xi32, #tpu.memory_space<hbm>>) dst(%arg8 : memref<128xi32, #tpu.memory_space<vmem>>)
        tpu.yield
      }) : () -> ()
      "tpu.region"() ({
        %run_scoped3A = tpu.sem_alloc : memref<!tpu.dma_semaphore, #tpu.memory_space<semaphore_mem>>
        %dma_start3A_34 = tpu.memref_slice %arg4[%add3A_23] : memref<368640xi32, #tpu.memory_space<hbm>> -> memref<128xi32, #tpu.memory_space<hbm>>
        %dma_start3A_35 = tpu.memref_slice %arg4[%add3A_23] : memref<368640xi32, #tpu.memory_space<hbm>> -> memref<128xi32, #tpu.memory_space<hbm>>
        tpu.enqueue_dma source(%dma_start3A_35 : memref<128xi32, #tpu.memory_space<hbm>>) target(%arg9 : memref<128xi32, #tpu.memory_space<vmem>>) target_semaphore(%run_scoped3A : memref<!tpu.dma_semaphore, #tpu.memory_space<semaphore_mem>>)
        %dma_wait3A_36 = tpu.memref_slice %arg4[%add3A_23] : memref<368640xi32, #tpu.memory_space<hbm>> -> memref<128xi32, #tpu.memory_space<hbm>>
        %dma_wait3A_37 = tpu.memref_slice %arg4[%add3A_23] : memref<368640xi32, #tpu.memory_space<hbm>> -> memref<128xi32, #tpu.memory_space<hbm>>
        tpu.wait_dma2 semaphore(%run_scoped3A : memref<!tpu.dma_semaphore, #tpu.memory_space<semaphore_mem>>) src(%dma_wait3A_37 : memref<128xi32, #tpu.memory_space<hbm>>) dst(%arg9 : memref<128xi32, #tpu.memory_space<vmem>>)
        tpu.yield
      }) : () -> ()
      "tpu.region"() ({
        %run_scoped3A = tpu.sem_alloc : memref<!tpu.dma_semaphore, #tpu.memory_space<semaphore_mem>>
        %dma_start3A_34 = tpu.memref_slice %arg5[%add3A_23] : memref<368640xf32, #tpu.memory_space<hbm>> -> memref<128xf32, #tpu.memory_space<hbm>>
        %dma_start3A_35 = tpu.memref_slice %arg5[%add3A_23] : memref<368640xf32, #tpu.memory_space<hbm>> -> memref<128xf32, #tpu.memory_space<hbm>>
        tpu.enqueue_dma source(%dma_start3A_35 : memref<128xf32, #tpu.memory_space<hbm>>) target(%arg10 : memref<128xf32, #tpu.memory_space<vmem>>) target_semaphore(%run_scoped3A : memref<!tpu.dma_semaphore, #tpu.memory_space<semaphore_mem>>)
        %dma_wait3A_36 = tpu.memref_slice %arg5[%add3A_23] : memref<368640xf32, #tpu.memory_space<hbm>> -> memref<128xf32, #tpu.memory_space<hbm>>
        %dma_wait3A_37 = tpu.memref_slice %arg5[%add3A_23] : memref<368640xf32, #tpu.memory_space<hbm>> -> memref<128xf32, #tpu.memory_space<hbm>>
        tpu.wait_dma2 semaphore(%run_scoped3A : memref<!tpu.dma_semaphore, #tpu.memory_space<semaphore_mem>>) src(%dma_wait3A_37 : memref<128xf32, #tpu.memory_space<hbm>>) dst(%arg10 : memref<128xf32, #tpu.memory_space<vmem>>)
        tpu.yield
      }) : () -> ()
      %dma_start3A = arith.constant 0 : i32
      %dma_start3A_24 = arith.constant 0 : i32
      %dma_start3A_25 = tpu.memref_slice %arg2[%dma_start3A, %dma_start3A_24] : memref<10000x128xf32, #tpu.memory_space<hbm>> -> memref<10000x128xf32, #tpu.memory_space<hbm>>
      tpu.enqueue_indirect_dma source(%dma_start3A_25 : memref<10000x128xf32, #tpu.memory_space<hbm>>) target(%arg11 : memref<128x128xf32, #tpu.memory_space<vmem>>) offsets(%arg8 : memref<128xi32, #tpu.memory_space<vmem>>) semaphore(%arg12 : memref<!tpu.dma_semaphore, #tpu.memory_space<semaphore_mem>>)
      %dma_wait3A = arith.constant 0 : i32
      %dma_wait3A_26 = arith.constant 0 : i32
      %dma_wait3A_27 = tpu.memref_slice %arg2[%dma_wait3A, %dma_wait3A_26] : memref<10000x128xf32, #tpu.memory_space<hbm>> -> memref<10000x128xf32, #tpu.memory_space<hbm>>
      tpu.wait_indirect_dma semaphore(%arg12 : memref<!tpu.dma_semaphore, #tpu.memory_space<semaphore_mem>>) src(%dma_wait3A_27 : memref<10000x128xf32, #tpu.memory_space<hbm>>) dst(%arg11 : memref<128x128xf32, #tpu.memory_space<vmem>>)
      %scan3A_28 = arith.constant 0 : i32
      %scan3A_29 = arith.constant 0 : i32
      %scan3A_30 = arith.constant 128 : i32
      %scan3A_31 = arith.addi %scan3A_29, %scan3A_30 : i32
      %scan3A_32 = arith.constant 1 : i32
      scf.for %scan3A_34 = %scan3A_29 to %scan3A_31 step %scan3A_32  : i32 {
        %broadcast_in_dim3A = vector.broadcast %scan3A_34 : i32 to vector<16xi32>
        %gather3A = tpu.vector_load_idx %arg9[%broadcast_in_dim3A] : memref<128xi32, #tpu.memory_space<vmem>>[vector<16xi32>], vector<16xi32>,
        %gather3A_35 = tpu.vector_load_idx %arg10[%broadcast_in_dim3A] : memref<128xf32, #tpu.memory_space<vmem>>[vector<16xi32>], vector<16xf32>,
        %mul3A_36 = arith.constant 128 : i32
        %mul3A_37 = vector.broadcast %mul3A_36 : i32 to vector<16xi32>
        %mul3A_38 = arith.muli %gather3A, %mul3A_37 : vector<16xi32>
        %add3A_39 = arith.addi %mul3A_38, %iota3A : vector<16xi32>
        %get3A = arith.index_cast %scan3A_34 : i32 to index
        %get3A_40 = arith.constant 0 : index
        %get3A_41 = tpu.vector_load %arg11[%get3A, %get3A_40] {strides = array<i32>} : memref<128x128xf32, #tpu.memory_space<vmem>>, vector<16xf32>,
        %mul3A_42 = arith.mulf %get3A_41, %gather3A_35 : vector<16xf32>
        %add3A_43 = arith.constant 0 : i32
        %add3A_44 = vector.broadcast %add3A_43 : i32 to vector<16xi32>
        %add3A_45 = arith.addi %add3A_39, %add3A_44 : vector<16xi32>
        tpu.vector_store_idx %arg7[%add3A_45], %mul3A_42 {add = true} : memref<41984xf32, #tpu.memory_space<vmem>>[vector<16xi32>], vector<16xf32>,
        %get3A_46 = arith.index_cast %scan3A_34 : i32 to index
        %get3A_47 = arith.constant 16 : index
        %get3A_48 = tpu.vector_load %arg11[%get3A_46, %get3A_47] {strides = array<i32>} : memref<128x128xf32, #tpu.memory_space<vmem>>, vector<16xf32>,
        %mul3A_49 = arith.mulf %get3A_48, %gather3A_35 : vector<16xf32>
        %add3A_50 = arith.constant 16 : i32
        %add3A_51 = vector.broadcast %add3A_50 : i32 to vector<16xi32>
        %add3A_52 = arith.addi %add3A_39, %add3A_51 : vector<16xi32>
        tpu.vector_store_idx %arg7[%add3A_52], %mul3A_49 {add = true} : memref<41984xf32, #tpu.memory_space<vmem>>[vector<16xi32>], vector<16xf32>,
        %get3A_53 = arith.index_cast %scan3A_34 : i32 to index
        %get3A_54 = arith.constant 32 : index
        %get3A_55 = tpu.vector_load %arg11[%get3A_53, %get3A_54] {strides = array<i32>} : memref<128x128xf32, #tpu.memory_space<vmem>>, vector<16xf32>,
        %mul3A_56 = arith.mulf %get3A_55, %gather3A_35 : vector<16xf32>
        %add3A_57 = arith.constant 32 : i32
        %add3A_58 = vector.broadcast %add3A_57 : i32 to vector<16xi32>
        %add3A_59 = arith.addi %add3A_39, %add3A_58 : vector<16xi32>
        tpu.vector_store_idx %arg7[%add3A_59], %mul3A_56 {add = true} : memref<41984xf32, #tpu.memory_space<vmem>>[vector<16xi32>], vector<16xf32>,
        %get3A_60 = arith.index_cast %scan3A_34 : i32 to index
        %get3A_61 = arith.constant 48 : index
        %get3A_62 = tpu.vector_load %arg11[%get3A_60, %get3A_61] {strides = array<i32>} : memref<128x128xf32, #tpu.memory_space<vmem>>, vector<16xf32>,
        %mul3A_63 = arith.mulf %get3A_62, %gather3A_35 : vector<16xf32>
        %add3A_64 = arith.constant 48 : i32
        %add3A_65 = vector.broadcast %add3A_64 : i32 to vector<16xi32>
        %add3A_66 = arith.addi %add3A_39, %add3A_65 : vector<16xi32>
        tpu.vector_store_idx %arg7[%add3A_66], %mul3A_63 {add = true} : memref<41984xf32, #tpu.memory_space<vmem>>[vector<16xi32>], vector<16xf32>,
        %get3A_67 = arith.index_cast %scan3A_34 : i32 to index
        %get3A_68 = arith.constant 64 : index
        %get3A_69 = tpu.vector_load %arg11[%get3A_67, %get3A_68] {strides = array<i32>} : memref<128x128xf32, #tpu.memory_space<vmem>>, vector<16xf32>,
        %mul3A_70 = arith.mulf %get3A_69, %gather3A_35 : vector<16xf32>
        %add3A_71 = arith.constant 64 : i32
        %add3A_72 = vector.broadcast %add3A_71 : i32 to vector<16xi32>
        %add3A_73 = arith.addi %add3A_39, %add3A_72 : vector<16xi32>
        tpu.vector_store_idx %arg7[%add3A_73], %mul3A_70 {add = true} : memref<41984xf32, #tpu.memory_space<vmem>>[vector<16xi32>], vector<16xf32>,
        %get3A_74 = arith.index_cast %scan3A_34 : i32 to index
        %get3A_75 = arith.constant 80 : index
        %get3A_76 = tpu.vector_load %arg11[%get3A_74, %get3A_75] {strides = array<i32>} : memref<128x128xf32, #tpu.memory_space<vmem>>, vector<16xf32>,
        %mul3A_77 = arith.mulf %get3A_76, %gather3A_35 : vector<16xf32>
        %add3A_78 = arith.constant 80 : i32
        %add3A_79 = vector.broadcast %add3A_78 : i32 to vector<16xi32>
        %add3A_80 = arith.addi %add3A_39, %add3A_79 : vector<16xi32>
        tpu.vector_store_idx %arg7[%add3A_80], %mul3A_77 {add = true} : memref<41984xf32, #tpu.memory_space<vmem>>[vector<16xi32>], vector<16xf32>,
        %get3A_81 = arith.index_cast %scan3A_34 : i32 to index
        %get3A_82 = arith.constant 96 : index
        %get3A_83 = tpu.vector_load %arg11[%get3A_81, %get3A_82] {strides = array<i32>} : memref<128x128xf32, #tpu.memory_space<vmem>>, vector<16xf32>,
        %mul3A_84 = arith.mulf %get3A_83, %gather3A_35 : vector<16xf32>
        %add3A_85 = arith.constant 96 : i32
        %add3A_86 = vector.broadcast %add3A_85 : i32 to vector<16xi32>
        %add3A_87 = arith.addi %add3A_39, %add3A_86 : vector<16xi32>
        tpu.vector_store_idx %arg7[%add3A_87], %mul3A_84 {add = true} : memref<41984xf32, #tpu.memory_space<vmem>>[vector<16xi32>], vector<16xf32>,
        %get3A_88 = arith.index_cast %scan3A_34 : i32 to index
        %get3A_89 = arith.constant 112 : index
        %get3A_90 = tpu.vector_load %arg11[%get3A_88, %get3A_89] {strides = array<i32>} : memref<128x128xf32, #tpu.memory_space<vmem>>, vector<16xf32>,
        %mul3A_91 = arith.mulf %get3A_90, %gather3A_35 : vector<16xf32>
        %add3A_92 = arith.constant 112 : i32
        %add3A_93 = vector.broadcast %add3A_92 : i32 to vector<16xi32>
        %add3A_94 = arith.addi %add3A_39, %add3A_93 : vector<16xi32>
        tpu.vector_store_idx %arg7[%add3A_94], %mul3A_91 {add = true} : memref<41984xf32, #tpu.memory_space<vmem>>[vector<16xi32>], vector<16xf32>,
      }
      %scan3A_33 = arith.constant 128 : i32
    }
    %scan3A_11 = arith.constant 90 : i32
    %lt3A = arith.constant 31 : i32
    %lt3A_12 = arith.cmpi slt, %add3A, %lt3A : i32
    %convert_element_type3A = arith.extui %lt3A_12 : i1 to i32
    %cond3A = arith.constant 0 : i32
    %cond3A_13 = arith.cmpi ne, %convert_element_type3A, %cond3A : i32
    scf.if %cond3A_13 {
      %mul3A_18 = arith.constant 320 : i32
      %mul3A_19 = arith.muli %add3A, %mul3A_18 : i32
      %mul3A_20 = arith.constant 128 : i32
      %mul3A_21 = arith.muli %mul3A_19, %mul3A_20 : i32
      "tpu.region"() ({
        %run_scoped3A = tpu.sem_alloc : memref<!tpu.dma_semaphore, #tpu.memory_space<semaphore_mem>>
        %dma_start3A = arith.constant 0 : i32
        %dma_start3A_22 = tpu.memref_slice %arg7[%dma_start3A] : memref<41984xf32, #tpu.memory_space<vmem>> -> memref<40960xf32, #tpu.memory_space<vmem>>
        %dma_start3A_23 = tpu.memref_slice %arg6[%mul3A_21] : memref<1280000xf32, #tpu.memory_space<hbm>> -> memref<40960xf32, #tpu.memory_space<hbm>>
        %dma_start3A_24 = tpu.memref_slice %arg6[%mul3A_21] : memref<1280000xf32, #tpu.memory_space<hbm>> -> memref<40960xf32, #tpu.memory_space<hbm>>
        %dma_start3A_25 = arith.constant 0 : i32
        %dma_start3A_26 = tpu.memref_slice %arg7[%dma_start3A_25] : memref<41984xf32, #tpu.memory_space<vmem>> -> memref<40960xf32, #tpu.memory_space<vmem>>
        tpu.enqueue_dma source(%dma_start3A_26 : memref<40960xf32, #tpu.memory_space<vmem>>) target(%dma_start3A_24 : memref<40960xf32, #tpu.memory_space<hbm>>) target_semaphore(%run_scoped3A : memref<!tpu.dma_semaphore, #tpu.memory_space<semaphore_mem>>)
        %dma_wait3A = arith.constant 0 : i32
        %dma_wait3A_27 = tpu.memref_slice %arg7[%dma_wait3A] : memref<41984xf32, #tpu.memory_space<vmem>> -> memref<40960xf32, #tpu.memory_space<vmem>>
        %dma_wait3A_28 = tpu.memref_slice %arg6[%mul3A_21] : memref<1280000xf32, #tpu.memory_space<hbm>> -> memref<40960xf32, #tpu.memory_space<hbm>>
        %dma_wait3A_29 = tpu.memref_slice %arg6[%mul3A_21] : memref<1280000xf32, #tpu.memory_space<hbm>> -> memref<40960xf32, #tpu.memory_space<hbm>>
        %dma_wait3A_30 = arith.constant 0 : i32
        %dma_wait3A_31 = tpu.memref_slice %arg7[%dma_wait3A_30] : memref<41984xf32, #tpu.memory_space<vmem>> -> memref<40960xf32, #tpu.memory_space<vmem>>
        tpu.wait_dma2 semaphore(%run_scoped3A : memref<!tpu.dma_semaphore, #tpu.memory_space<semaphore_mem>>) src(%dma_wait3A_31 : memref<40960xf32, #tpu.memory_space<vmem>>) dst(%dma_wait3A_29 : memref<40960xf32, #tpu.memory_space<hbm>>)
        tpu.yield
      }) : () -> ()
    } else {
    }
    %eq3A = arith.constant 31 : i32
    %eq3A_14 = arith.cmpi eq, %add3A, %eq3A : i32
    %convert_element_type3A_15 = arith.extui %eq3A_14 : i1 to i32
    %cond3A_16 = arith.constant 0 : i32
    %cond3A_17 = arith.cmpi ne, %convert_element_type3A_15, %cond3A_16 : i32
    scf.if %cond3A_17 {
      "tpu.region"() ({
        %run_scoped3A = tpu.sem_alloc : memref<!tpu.dma_semaphore, #tpu.memory_space<semaphore_mem>>
        %dma_start3A = arith.constant 0 : i32
        %dma_start3A_18 = tpu.memref_slice %arg7[%dma_start3A] : memref<41984xf32, #tpu.memory_space<vmem>> -> memref<10240xf32, #tpu.memory_space<vmem>>
        %dma_start3A_19 = arith.constant 1269760 : i32
        %dma_start3A_20 = tpu.memref_slice %arg6[%dma_start3A_19] : memref<1280000xf32, #tpu.memory_space<hbm>> -> memref<10240xf32, #tpu.memory_space<hbm>>
        %dma_start3A_21 = arith.constant 1269760 : i32
        %dma_start3A_22 = tpu.memref_slice %arg6[%dma_start3A_21] : memref<1280000xf32, #tpu.memory_space<hbm>> -> memref<10240xf32, #tpu.memory_space<hbm>>
        %dma_start3A_23 = arith.constant 0 : i32
        %dma_start3A_24 = tpu.memref_slice %arg7[%dma_start3A_23] : memref<41984xf32, #tpu.memory_space<vmem>> -> memref<10240xf32, #tpu.memory_space<vmem>>
        tpu.enqueue_dma source(%dma_start3A_24 : memref<10240xf32, #tpu.memory_space<vmem>>) target(%dma_start3A_22 : memref<10240xf32, #tpu.memory_space<hbm>>) target_semaphore(%run_scoped3A : memref<!tpu.dma_semaphore, #tpu.memory_space<semaphore_mem>>)
        %dma_wait3A = arith.constant 0 : i32
        %dma_wait3A_25 = tpu.memref_slice %arg7[%dma_wait3A] : memref<41984xf32, #tpu.memory_space<vmem>> -> memref<10240xf32, #tpu.memory_space<vmem>>
        %dma_wait3A_26 = arith.constant 1269760 : i32
        %dma_wait3A_27 = tpu.memref_slice %arg6[%dma_wait3A_26] : memref<1280000xf32, #tpu.memory_space<hbm>> -> memref<10240xf32, #tpu.memory_space<hbm>>
        %dma_wait3A_28 = arith.constant 1269760 : i32
        %dma_wait3A_29 = tpu.memref_slice %arg6[%dma_wait3A_28] : memref<1280000xf32, #tpu.memory_space<hbm>> -> memref<10240xf32, #tpu.memory_space<hbm>>
        %dma_wait3A_30 = arith.constant 0 : i32
        %dma_wait3A_31 = tpu.memref_slice %arg7[%dma_wait3A_30] : memref<41984xf32, #tpu.memory_space<vmem>> -> memref<10240xf32, #tpu.memory_space<vmem>>
        tpu.wait_dma2 semaphore(%run_scoped3A : memref<!tpu.dma_semaphore, #tpu.memory_space<semaphore_mem>>) src(%dma_wait3A_31 : memref<10240xf32, #tpu.memory_space<vmem>>) dst(%dma_wait3A_29 : memref<10240xf32, #tpu.memory_space<hbm>>)
        tpu.yield
      }) : () -> ()
    } else {
    }
    return
  }
}

#map = affine_map<(d0, d1) -> (0, 0)>
#map1 = affine_map<(d0, d1) -> (0)>
module attributes {stable_mosaic.version = 14 : i64} {
  func.func @_spmm_body(%arg0: i32, %arg1: i32, %arg2: memref<10000x128xf32, #tpu.memory_space<hbm>>, %arg3: memref<368640xi32, #tpu.memory_space<hbm>>, %arg4: memref<368640xi32, #tpu.memory_space<hbm>>, %arg5: memref<368640xf32, #tpu.memory_space<hbm>>, %arg6: memref<1280000xf32, #tpu.memory_space<hbm>>, %arg7: memref<41984xf32, #tpu.memory_space<vmem>>, %arg8: memref<128xi32, #tpu.memory_space<vmem>>, %arg9: memref<128xi32, #tpu.memory_space<vmem>>, %arg10: memref<128xf32, #tpu.memory_space<vmem>>, %arg11: memref<128x128xf32, #tpu.memory_space<vmem>>, %arg12: memref<!tpu.dma_semaphore, #tpu.memory_space<semaphore_mem>>) attributes {dimension_semantics = [#tpu.dimension_semantics<core_parallel>, #tpu.dimension_semantics<subcore_parallel>], iteration_bounds = array<i64: 2, 16>, scalar_prefetch = 0 : i64, scratch_operands = 6 : i64, tpu.core_type = #tpu.core_type<sc_vector_subcore>, window_params = [{transform_indices = #map}, {transform_indices = #map1}, {transform_indices = #map1}, {transform_indices = #map1}, {transform_indices = #map1}]} {
    %mul3A = arith.constant 16 : i32
    %mul3A_0 = arith.muli %arg0, %mul3A : i32
    %add3A = arith.addi %mul3A_0, %arg1 : i32
    %iota3A = tpu.iota {dimensions = array<i32: 0>} : vector<16xi32>
    %scan3A = arith.constant 0 : i32
    %scan3A_1 = arith.constant 0 : i32
    %scan3A_2 = arith.constant 2624 : i32
    %scan3A_3 = arith.addi %scan3A_1, %scan3A_2 : i32
    %scan3A_4 = arith.constant 1 : i32
    scf.for %scan3A_18 = %scan3A_1 to %scan3A_3 step %scan3A_4  : i32 {
      %broadcast_in_dim3A = arith.constant 0.000000e+00 : f32
      %broadcast_in_dim3A_19 = vector.broadcast %broadcast_in_dim3A : f32 to vector<16xf32>
      %mul3A_20 = arith.constant 16 : i32
      %mul3A_21 = arith.muli %scan3A_18, %mul3A_20 : i32
      %swap3A = arith.index_cast %mul3A_21 : i32 to index
      %swap3A_22 = tpu.vector_load %arg7[%swap3A] {strides = array<i32>} : memref<41984xf32, #tpu.memory_space<vmem>>, vector<16xf32>,
      tpu.vector_store %arg7[%swap3A], %broadcast_in_dim3A_19 {strides = array<i32>} : memref<41984xf32, #tpu.memory_space<vmem>>, vector<16xf32>,
    }
    %scan3A_5 = arith.constant 2624 : i32
    %scan3A_6 = arith.constant 0 : i32
    %scan3A_7 = arith.constant 0 : i32
    %scan3A_8 = arith.constant 90 : i32
    %scan3A_9 = arith.addi %scan3A_7, %scan3A_8 : i32
    %scan3A_10 = arith.constant 1 : i32
    scf.for %scan3A_18 = %scan3A_7 to %scan3A_9 step %scan3A_10  : i32 {
      %mul3A_19 = arith.constant 11520 : i32
      %mul3A_20 = arith.muli %add3A, %mul3A_19 : i32
      %mul3A_21 = arith.constant 128 : i32
      %mul3A_22 = arith.muli %scan3A_18, %mul3A_21 : i32
      %add3A_23 = arith.addi %mul3A_20, %mul3A_22 : i32
      "tpu.region"() ({
        %run_scoped3A = tpu.sem_alloc : memref<!tpu.dma_semaphore, #tpu.memory_space<semaphore_mem>>
        %dma_start3A_34 = tpu.memref_slice %arg3[%add3A_23] : memref<368640xi32, #tpu.memory_space<hbm>> -> memref<128xi32, #tpu.memory_space<hbm>>
        %dma_start3A_35 = tpu.memref_slice %arg3[%add3A_23] : memref<368640xi32, #tpu.memory_space<hbm>> -> memref<128xi32, #tpu.memory_space<hbm>>
        tpu.enqueue_dma source(%dma_start3A_35 : memref<128xi32, #tpu.memory_space<hbm>>) target(%arg8 : memref<128xi32, #tpu.memory_space<vmem>>) target_semaphore(%run_scoped3A : memref<!tpu.dma_semaphore, #tpu.memory_space<semaphore_mem>>)
        %dma_wait3A_36 = tpu.memref_slice %arg3[%add3A_23] : memref<368640xi32, #tpu.memory_space<hbm>> -> memref<128xi32, #tpu.memory_space<hbm>>
        %dma_wait3A_37 = tpu.memref_slice %arg3[%add3A_23] : memref<368640xi32, #tpu.memory_space<hbm>> -> memref<128xi32, #tpu.memory_space<hbm>>
        tpu.wait_dma2 semaphore(%run_scoped3A : memref<!tpu.dma_semaphore, #tpu.memory_space<semaphore_mem>>) src(%dma_wait3A_37 : memref<128xi32, #tpu.memory_space<hbm>>) dst(%arg8 : memref<128xi32, #tpu.memory_space<vmem>>)
        tpu.yield
      }) : () -> ()
      "tpu.region"() ({
        %run_scoped3A = tpu.sem_alloc : memref<!tpu.dma_semaphore, #tpu.memory_space<semaphore_mem>>
        %dma_start3A_34 = tpu.memref_slice %arg4[%add3A_23] : memref<368640xi32, #tpu.memory_space<hbm>> -> memref<128xi32, #tpu.memory_space<hbm>>
        %dma_start3A_35 = tpu.memref_slice %arg4[%add3A_23] : memref<368640xi32, #tpu.memory_space<hbm>> -> memref<128xi32, #tpu.memory_space<hbm>>
        tpu.enqueue_dma source(%dma_start3A_35 : memref<128xi32, #tpu.memory_space<hbm>>) target(%arg9 : memref<128xi32, #tpu.memory_space<vmem>>) target_semaphore(%run_scoped3A : memref<!tpu.dma_semaphore, #tpu.memory_space<semaphore_mem>>)
        %dma_wait3A_36 = tpu.memref_slice %arg4[%add3A_23] : memref<368640xi32, #tpu.memory_space<hbm>> -> memref<128xi32, #tpu.memory_space<hbm>>
        %dma_wait3A_37 = tpu.memref_slice %arg4[%add3A_23] : memref<368640xi32, #tpu.memory_space<hbm>> -> memref<128xi32, #tpu.memory_space<hbm>>
        tpu.wait_dma2 semaphore(%run_scoped3A : memref<!tpu.dma_semaphore, #tpu.memory_space<semaphore_mem>>) src(%dma_wait3A_37 : memref<128xi32, #tpu.memory_space<hbm>>) dst(%arg9 : memref<128xi32, #tpu.memory_space<vmem>>)
        tpu.yield
      }) : () -> ()
      "tpu.region"() ({
        %run_scoped3A = tpu.sem_alloc : memref<!tpu.dma_semaphore, #tpu.memory_space<semaphore_mem>>
        %dma_start3A_34 = tpu.memref_slice %arg5[%add3A_23] : memref<368640xf32, #tpu.memory_space<hbm>> -> memref<128xf32, #tpu.memory_space<hbm>>
        %dma_start3A_35 = tpu.memref_slice %arg5[%add3A_23] : memref<368640xf32, #tpu.memory_space<hbm>> -> memref<128xf32, #tpu.memory_space<hbm>>
        tpu.enqueue_dma source(%dma_start3A_35 : memref<128xf32, #tpu.memory_space<hbm>>) target(%arg10 : memref<128xf32, #tpu.memory_space<vmem>>) target_semaphore(%run_scoped3A : memref<!tpu.dma_semaphore, #tpu.memory_space<semaphore_mem>>)
        %dma_wait3A_36 = tpu.memref_slice %arg5[%add3A_23] : memref<368640xf32, #tpu.memory_space<hbm>> -> memref<128xf32, #tpu.memory_space<hbm>>
        %dma_wait3A_37 = tpu.memref_slice %arg5[%add3A_23] : memref<368640xf32, #tpu.memory_space<hbm>> -> memref<128xf32, #tpu.memory_space<hbm>>
        tpu.wait_dma2 semaphore(%run_scoped3A : memref<!tpu.dma_semaphore, #tpu.memory_space<semaphore_mem>>) src(%dma_wait3A_37 : memref<128xf32, #tpu.memory_space<hbm>>) dst(%arg10 : memref<128xf32, #tpu.memory_space<vmem>>)
        tpu.yield
      }) : () -> ()
      %dma_start3A = arith.constant 0 : i32
      %dma_start3A_24 = arith.constant 0 : i32
      %dma_start3A_25 = tpu.memref_slice %arg2[%dma_start3A, %dma_start3A_24] : memref<10000x128xf32, #tpu.memory_space<hbm>> -> memref<10000x128xf32, #tpu.memory_space<hbm>>
      tpu.enqueue_indirect_dma source(%dma_start3A_25 : memref<10000x128xf32, #tpu.memory_space<hbm>>) target(%arg11 : memref<128x128xf32, #tpu.memory_space<vmem>>) offsets(%arg8 : memref<128xi32, #tpu.memory_space<vmem>>) semaphore(%arg12 : memref<!tpu.dma_semaphore, #tpu.memory_space<semaphore_mem>>)
      %dma_wait3A = arith.constant 0 : i32
      %dma_wait3A_26 = arith.constant 0 : i32
      %dma_wait3A_27 = tpu.memref_slice %arg2[%dma_wait3A, %dma_wait3A_26] : memref<10000x128xf32, #tpu.memory_space<hbm>> -> memref<10000x128xf32, #tpu.memory_space<hbm>>
      tpu.wait_indirect_dma semaphore(%arg12 : memref<!tpu.dma_semaphore, #tpu.memory_space<semaphore_mem>>) src(%dma_wait3A_27 : memref<10000x128xf32, #tpu.memory_space<hbm>>) dst(%arg11 : memref<128x128xf32, #tpu.memory_space<vmem>>)
      %scan3A_28 = arith.constant 0 : i32
      %scan3A_29 = arith.constant 0 : i32
      %scan3A_30 = arith.constant 128 : i32
      %scan3A_31 = arith.addi %scan3A_29, %scan3A_30 : i32
      %scan3A_32 = arith.constant 1 : i32
      scf.for %scan3A_34 = %scan3A_29 to %scan3A_31 step %scan3A_32  : i32 {
        %broadcast_in_dim3A = vector.broadcast %scan3A_34 : i32 to vector<16xi32>
        %gather3A = tpu.vector_load_idx %arg9[%broadcast_in_dim3A] : memref<128xi32, #tpu.memory_space<vmem>>[vector<16xi32>], vector<16xi32>,
        %gather3A_35 = tpu.vector_load_idx %arg10[%broadcast_in_dim3A] : memref<128xf32, #tpu.memory_space<vmem>>[vector<16xi32>], vector<16xf32>,
        %mul3A_36 = arith.constant 128 : i32
        %mul3A_37 = vector.broadcast %mul3A_36 : i32 to vector<16xi32>
        %mul3A_38 = arith.muli %gather3A, %mul3A_37 : vector<16xi32>
        %add3A_39 = arith.addi %mul3A_38, %iota3A : vector<16xi32>
        %get3A = arith.index_cast %scan3A_34 : i32 to index
        %get3A_40 = arith.constant 0 : index
        %get3A_41 = tpu.vector_load %arg11[%get3A, %get3A_40] {strides = array<i32>} : memref<128x128xf32, #tpu.memory_space<vmem>>, vector<16xf32>,
        %mul3A_42 = arith.mulf %get3A_41, %gather3A_35 : vector<16xf32>
        %add3A_43 = arith.constant 0 : i32
        %add3A_44 = vector.broadcast %add3A_43 : i32 to vector<16xi32>
        %add3A_45 = arith.addi %add3A_39, %add3A_44 : vector<16xi32>
        tpu.vector_store_idx %arg7[%add3A_45], %mul3A_42 {add = true} : memref<41984xf32, #tpu.memory_space<vmem>>[vector<16xi32>], vector<16xf32>,
        %get3A_46 = arith.index_cast %scan3A_34 : i32 to index
        %get3A_47 = arith.constant 16 : index
        %get3A_48 = tpu.vector_load %arg11[%get3A_46, %get3A_47] {strides = array<i32>} : memref<128x128xf32, #tpu.memory_space<vmem>>, vector<16xf32>,
        %mul3A_49 = arith.mulf %get3A_48, %gather3A_35 : vector<16xf32>
        %add3A_50 = arith.constant 16 : i32
        %add3A_51 = vector.broadcast %add3A_50 : i32 to vector<16xi32>
        %add3A_52 = arith.addi %add3A_39, %add3A_51 : vector<16xi32>
        tpu.vector_store_idx %arg7[%add3A_52], %mul3A_49 {add = true} : memref<41984xf32, #tpu.memory_space<vmem>>[vector<16xi32>], vector<16xf32>,
        %get3A_53 = arith.index_cast %scan3A_34 : i32 to index
        %get3A_54 = arith.constant 32 : index
        %get3A_55 = tpu.vector_load %arg11[%get3A_53, %get3A_54] {strides = array<i32>} : memref<128x128xf32, #tpu.memory_space<vmem>>, vector<16xf32>,
        %mul3A_56 = arith.mulf %get3A_55, %gather3A_35 : vector<16xf32>
        %add3A_57 = arith.constant 32 : i32
        %add3A_58 = vector.broadcast %add3A_57 : i32 to vector<16xi32>
        %add3A_59 = arith.addi %add3A_39, %add3A_58 : vector<16xi32>
        tpu.vector_store_idx %arg7[%add3A_59], %mul3A_56 {add = true} : memref<41984xf32, #tpu.memory_space<vmem>>[vector<16xi32>], vector<16xf32>,
        %get3A_60 = arith.index_cast %scan3A_34 : i32 to index
        %get3A_61 = arith.constant 48 : index
        %get3A_62 = tpu.vector_load %arg11[%get3A_60, %get3A_61] {strides = array<i32>} : memref<128x128xf32, #tpu.memory_space<vmem>>, vector<16xf32>,
        %mul3A_63 = arith.mulf %get3A_62, %gather3A_35 : vector<16xf32>
        %add3A_64 = arith.constant 48 : i32
        %add3A_65 = vector.broadcast %add3A_64 : i32 to vector<16xi32>
        %add3A_66 = arith.addi %add3A_39, %add3A_65 : vector<16xi32>
        tpu.vector_store_idx %arg7[%add3A_66], %mul3A_63 {add = true} : memref<41984xf32, #tpu.memory_space<vmem>>[vector<16xi32>], vector<16xf32>,
        %get3A_67 = arith.index_cast %scan3A_34 : i32 to index
        %get3A_68 = arith.constant 64 : index
        %get3A_69 = tpu.vector_load %arg11[%get3A_67, %get3A_68] {strides = array<i32>} : memref<128x128xf32, #tpu.memory_space<vmem>>, vector<16xf32>,
        %mul3A_70 = arith.mulf %get3A_69, %gather3A_35 : vector<16xf32>
        %add3A_71 = arith.constant 64 : i32
        %add3A_72 = vector.broadcast %add3A_71 : i32 to vector<16xi32>
        %add3A_73 = arith.addi %add3A_39, %add3A_72 : vector<16xi32>
        tpu.vector_store_idx %arg7[%add3A_73], %mul3A_70 {add = true} : memref<41984xf32, #tpu.memory_space<vmem>>[vector<16xi32>], vector<16xf32>,
        %get3A_74 = arith.index_cast %scan3A_34 : i32 to index
        %get3A_75 = arith.constant 80 : index
        %get3A_76 = tpu.vector_load %arg11[%get3A_74, %get3A_75] {strides = array<i32>} : memref<128x128xf32, #tpu.memory_space<vmem>>, vector<16xf32>,
        %mul3A_77 = arith.mulf %get3A_76, %gather3A_35 : vector<16xf32>
        %add3A_78 = arith.constant 80 : i32
        %add3A_79 = vector.broadcast %add3A_78 : i32 to vector<16xi32>
        %add3A_80 = arith.addi %add3A_39, %add3A_79 : vector<16xi32>
        tpu.vector_store_idx %arg7[%add3A_80], %mul3A_77 {add = true} : memref<41984xf32, #tpu.memory_space<vmem>>[vector<16xi32>], vector<16xf32>,
        %get3A_81 = arith.index_cast %scan3A_34 : i32 to index
        %get3A_82 = arith.constant 96 : index
        %get3A_83 = tpu.vector_load %arg11[%get3A_81, %get3A_82] {strides = array<i32>} : memref<128x128xf32, #tpu.memory_space<vmem>>, vector<16xf32>,
        %mul3A_84 = arith.mulf %get3A_83, %gather3A_35 : vector<16xf32>
        %add3A_85 = arith.constant 96 : i32
        %add3A_86 = vector.broadcast %add3A_85 : i32 to vector<16xi32>
        %add3A_87 = arith.addi %add3A_39, %add3A_86 : vector<16xi32>
        tpu.vector_store_idx %arg7[%add3A_87], %mul3A_84 {add = true} : memref<41984xf32, #tpu.memory_space<vmem>>[vector<16xi32>], vector<16xf32>,
        %get3A_88 = arith.index_cast %scan3A_34 : i32 to index
        %get3A_89 = arith.constant 112 : index
        %get3A_90 = tpu.vector_load %arg11[%get3A_88, %get3A_89] {strides = array<i32>} : memref<128x128xf32, #tpu.memory_space<vmem>>, vector<16xf32>,
        %mul3A_91 = arith.mulf %get3A_90, %gather3A_35 : vector<16xf32>
        %add3A_92 = arith.constant 112 : i32
        %add3A_93 = vector.broadcast %add3A_92 : i32 to vector<16xi32>
        %add3A_94 = arith.addi %add3A_39, %add3A_93 : vector<16xi32>
        tpu.vector_store_idx %arg7[%add3A_94], %mul3A_91 {add = true} : memref<41984xf32, #tpu.memory_space<vmem>>[vector<16xi32>], vector<16xf32>,
      }
      %scan3A_33 = arith.constant 128 : i32
    }
    %scan3A_11 = arith.constant 90 : i32
    %lt3A = arith.constant 31 : i32
    %lt3A_12 = arith.cmpi slt, %add3A, %lt3A : i32
    %convert_element_type3A = arith.extui %lt3A_12 : i1 to i32
    %cond3A = arith.constant 0 : i32
    %cond3A_13 = arith.cmpi ne, %convert_element_type3A, %cond3A : i32
    scf.if %cond3A_13 {
      %mul3A_18 = arith.constant 320 : i32
      %mul3A_19 = arith.muli %add3A, %mul3A_18 : i32
      %mul3A_20 = arith.constant 128 : i32
      %mul3A_21 = arith.muli %mul3A_19, %mul3A_20 : i32
      "tpu.region"() ({
        %run_scoped3A = tpu.sem_alloc : memref<!tpu.dma_semaphore, #tpu.memory_space<semaphore_mem>>
        %dma_start3A = arith.constant 0 : i32
        %dma_start3A_22 = tpu.memref_slice %arg7[%dma_start3A] : memref<41984xf32, #tpu.memory_space<vmem>> -> memref<40960xf32, #tpu.memory_space<vmem>>
        %dma_start3A_23 = tpu.memref_slice %arg6[%mul3A_21] : memref<1280000xf32, #tpu.memory_space<hbm>> -> memref<40960xf32, #tpu.memory_space<hbm>>
        %dma_start3A_24 = tpu.memref_slice %arg6[%mul3A_21] : memref<1280000xf32, #tpu.memory_space<hbm>> -> memref<40960xf32, #tpu.memory_space<hbm>>
        %dma_start3A_25 = arith.constant 0 : i32
        %dma_start3A_26 = tpu.memref_slice %arg7[%dma_start3A_25] : memref<41984xf32, #tpu.memory_space<vmem>> -> memref<40960xf32, #tpu.memory_space<vmem>>
        tpu.enqueue_dma source(%dma_start3A_26 : memref<40960xf32, #tpu.memory_space<vmem>>) target(%dma_start3A_24 : memref<40960xf32, #tpu.memory_space<hbm>>) target_semaphore(%run_scoped3A : memref<!tpu.dma_semaphore, #tpu.memory_space<semaphore_mem>>)
        %dma_wait3A = arith.constant 0 : i32
        %dma_wait3A_27 = tpu.memref_slice %arg7[%dma_wait3A] : memref<41984xf32, #tpu.memory_space<vmem>> -> memref<40960xf32, #tpu.memory_space<vmem>>
        %dma_wait3A_28 = tpu.memref_slice %arg6[%mul3A_21] : memref<1280000xf32, #tpu.memory_space<hbm>> -> memref<40960xf32, #tpu.memory_space<hbm>>
        %dma_wait3A_29 = tpu.memref_slice %arg6[%mul3A_21] : memref<1280000xf32, #tpu.memory_space<hbm>> -> memref<40960xf32, #tpu.memory_space<hbm>>
        %dma_wait3A_30 = arith.constant 0 : i32
        %dma_wait3A_31 = tpu.memref_slice %arg7[%dma_wait3A_30] : memref<41984xf32, #tpu.memory_space<vmem>> -> memref<40960xf32, #tpu.memory_space<vmem>>
        tpu.wait_dma2 semaphore(%run_scoped3A : memref<!tpu.dma_semaphore, #tpu.memory_space<semaphore_mem>>) src(%dma_wait3A_31 : memref<40960xf32, #tpu.memory_space<vmem>>) dst(%dma_wait3A_29 : memref<40960xf32, #tpu.memory_space<hbm>>)
        tpu.yield
      }) : () -> ()
    } else {
    }
    %eq3A = arith.constant 31 : i32
    %eq3A_14 = arith.cmpi eq, %add3A, %eq3A : i32
    %convert_element_type3A_15 = arith.extui %eq3A_14 : i1 to i32
    %cond3A_16 = arith.constant 0 : i32
    %cond3A_17 = arith.cmpi ne, %convert_element_type3A_15, %cond3A_16 : i32
    scf.if %cond3A_17 {
      "tpu.region"() ({
        %run_scoped3A = tpu.sem_alloc : memref<!tpu.dma_semaphore, #tpu.memory_space<semaphore_mem>>
        %dma_start3A = arith.constant 0 : i32
        %dma_start3A_18 = tpu.memref_slice %arg7[%dma_start3A] : memref<41984xf32, #tpu.memory_space<vmem>> -> memref<10240xf32, #tpu.memory_space<vmem>>
        %dma_start3A_19 = arith.constant 1269760 : i32
        %dma_start3A_20 = tpu.memref_slice %arg6[%dma_start3A_19] : memref<1280000xf32, #tpu.memory_space<hbm>> -> memref<10240xf32, #tpu.memory_space<hbm>>
        %dma_start3A_21 = arith.constant 1269760 : i32
        %dma_start3A_22 = tpu.memref_slice %arg6[%dma_start3A_21] : memref<1280000xf32, #tpu.memory_space<hbm>> -> memref<10240xf32, #tpu.memory_space<hbm>>
        %dma_start3A_23 = arith.constant 0 : i32
        %dma_start3A_24 = tpu.memref_slice %arg7[%dma_start3A_23] : memref<41984xf32, #tpu.memory_space<vmem>> -> memref<10240xf32, #tpu.memory_space<vmem>>
        tpu.enqueue_dma source(%dma_start3A_24 : memref<10240xf32, #tpu.memory_space<vmem>>) target(%dma_start3A_22 : memref<10240xf32, #tpu.memory_space<hbm>>) target_semaphore(%run_scoped3A : memref<!tpu.dma_semaphore, #tpu.memory_space<semaphore_mem>>)
        %dma_wait3A = arith.constant 0 : i32
        %dma_wait3A_25 = tpu.memref_slice %arg7[%dma_wait3A] : memref<41984xf32, #tpu.memory_space<vmem>> -> memref<10240xf32, #tpu.memory_space<vmem>>
        %dma_wait3A_26 = arith.constant 1269760 : i32
        %dma_wait3A_27 = tpu.memref_slice %arg6[%dma_wait3A_26] : memref<1280000xf32, #tpu.memory_space<hbm>> -> memref<10240xf32, #tpu.memory_space<hbm>>
        %dma_wait3A_28 = arith.constant 1269760 : i32
        %dma_wait3A_29 = tpu.memref_slice %arg6[%dma_wait3A_28] : memref<1280000xf32, #tpu.memory_space<hbm>> -> memref<10240xf32, #tpu.memory_space<hbm>>
        %dma_wait3A_30 = arith.constant 0 : i32
        %dma_wait3A_31 = tpu.memref_slice %arg7[%dma_wait3A_30] : memref<41984xf32, #tpu.memory_space<vmem>> -> memref<10240xf32, #tpu.memory_space<vmem>>
        tpu.wait_dma2 semaphore(%run_scoped3A : memref<!tpu.dma_semaphore, #tpu.memory_space<semaphore_mem>>) src(%dma_wait3A_31 : memref<10240xf32, #tpu.memory_space<vmem>>) dst(%dma_wait3A_29 : memref<10240xf32, #tpu.memory_space<hbm>>)
        tpu.yield
      }) : () -> ()
    } else {
    }
    return
  }
}

#map = affine_map<(d0, d1) -> (0, 0)>
#map1 = affine_map<(d0, d1) -> (0)>
module attributes {stable_mosaic.version = 14 : i64} {
  func.func @_spmm_body(%arg0: i32, %arg1: i32, %arg2: memref<10000x128xf32, #tpu.memory_space<hbm>>, %arg3: memref<368640xi32, #tpu.memory_space<hbm>>, %arg4: memref<368640xi32, #tpu.memory_space<hbm>>, %arg5: memref<368640xf32, #tpu.memory_space<hbm>>, %arg6: memref<1280000xf32, #tpu.memory_space<hbm>>, %arg7: memref<41984xf32, #tpu.memory_space<vmem>>, %arg8: memref<128xi32, #tpu.memory_space<vmem>>, %arg9: memref<128xi32, #tpu.memory_space<vmem>>, %arg10: memref<128xf32, #tpu.memory_space<vmem>>, %arg11: memref<128x128xf32, #tpu.memory_space<vmem>>, %arg12: memref<!tpu.dma_semaphore, #tpu.memory_space<semaphore_mem>>) attributes {dimension_semantics = [#tpu.dimension_semantics<core_parallel>, #tpu.dimension_semantics<subcore_parallel>], iteration_bounds = array<i64: 2, 16>, scalar_prefetch = 0 : i64, scratch_operands = 6 : i64, tpu.core_type = #tpu.core_type<sc_vector_subcore>, window_params = [{transform_indices = #map}, {transform_indices = #map1}, {transform_indices = #map1}, {transform_indices = #map1}, {transform_indices = #map1}]} {
    %mul3A = arith.constant 16 : i32
    %mul3A_0 = arith.muli %arg0, %mul3A : i32
    %add3A = arith.addi %mul3A_0, %arg1 : i32
    %iota3A = tpu.iota {dimensions = array<i32: 0>} : vector<16xi32>
    %scan3A = arith.constant 0 : i32
    %scan3A_1 = arith.constant 0 : i32
    %scan3A_2 = arith.constant 2624 : i32
    %scan3A_3 = arith.addi %scan3A_1, %scan3A_2 : i32
    %scan3A_4 = arith.constant 1 : i32
    scf.for %scan3A_18 = %scan3A_1 to %scan3A_3 step %scan3A_4  : i32 {
      %broadcast_in_dim3A = arith.constant 0.000000e+00 : f32
      %broadcast_in_dim3A_19 = vector.broadcast %broadcast_in_dim3A : f32 to vector<16xf32>
      %mul3A_20 = arith.constant 16 : i32
      %mul3A_21 = arith.muli %scan3A_18, %mul3A_20 : i32
      %swap3A = arith.index_cast %mul3A_21 : i32 to index
      %swap3A_22 = tpu.vector_load %arg7[%swap3A] {strides = array<i32>} : memref<41984xf32, #tpu.memory_space<vmem>>, vector<16xf32>,
      tpu.vector_store %arg7[%swap3A], %broadcast_in_dim3A_19 {strides = array<i32>} : memref<41984xf32, #tpu.memory_space<vmem>>, vector<16xf32>,
    }
    %scan3A_5 = arith.constant 2624 : i32
    %scan3A_6 = arith.constant 0 : i32
    %scan3A_7 = arith.constant 0 : i32
    %scan3A_8 = arith.constant 90 : i32
    %scan3A_9 = arith.addi %scan3A_7, %scan3A_8 : i32
    %scan3A_10 = arith.constant 1 : i32
    scf.for %scan3A_18 = %scan3A_7 to %scan3A_9 step %scan3A_10  : i32 {
      %mul3A_19 = arith.constant 11520 : i32
      %mul3A_20 = arith.muli %add3A, %mul3A_19 : i32
      %mul3A_21 = arith.constant 128 : i32
      %mul3A_22 = arith.muli %scan3A_18, %mul3A_21 : i32
      %add3A_23 = arith.addi %mul3A_20, %mul3A_22 : i32
      "tpu.region"() ({
        %run_scoped3A = tpu.sem_alloc : memref<!tpu.dma_semaphore, #tpu.memory_space<semaphore_mem>>
        %dma_start3A_34 = tpu.memref_slice %arg3[%add3A_23] : memref<368640xi32, #tpu.memory_space<hbm>> -> memref<128xi32, #tpu.memory_space<hbm>>
        %dma_start3A_35 = tpu.memref_slice %arg3[%add3A_23] : memref<368640xi32, #tpu.memory_space<hbm>> -> memref<128xi32, #tpu.memory_space<hbm>>
        tpu.enqueue_dma source(%dma_start3A_35 : memref<128xi32, #tpu.memory_space<hbm>>) target(%arg8 : memref<128xi32, #tpu.memory_space<vmem>>) target_semaphore(%run_scoped3A : memref<!tpu.dma_semaphore, #tpu.memory_space<semaphore_mem>>)
        %dma_wait3A_36 = tpu.memref_slice %arg3[%add3A_23] : memref<368640xi32, #tpu.memory_space<hbm>> -> memref<128xi32, #tpu.memory_space<hbm>>
        %dma_wait3A_37 = tpu.memref_slice %arg3[%add3A_23] : memref<368640xi32, #tpu.memory_space<hbm>> -> memref<128xi32, #tpu.memory_space<hbm>>
        tpu.wait_dma2 semaphore(%run_scoped3A : memref<!tpu.dma_semaphore, #tpu.memory_space<semaphore_mem>>) src(%dma_wait3A_37 : memref<128xi32, #tpu.memory_space<hbm>>) dst(%arg8 : memref<128xi32, #tpu.memory_space<vmem>>)
        tpu.yield
      }) : () -> ()
      "tpu.region"() ({
        %run_scoped3A = tpu.sem_alloc : memref<!tpu.dma_semaphore, #tpu.memory_space<semaphore_mem>>
        %dma_start3A_34 = tpu.memref_slice %arg4[%add3A_23] : memref<368640xi32, #tpu.memory_space<hbm>> -> memref<128xi32, #tpu.memory_space<hbm>>
        %dma_start3A_35 = tpu.memref_slice %arg4[%add3A_23] : memref<368640xi32, #tpu.memory_space<hbm>> -> memref<128xi32, #tpu.memory_space<hbm>>
        tpu.enqueue_dma source(%dma_start3A_35 : memref<128xi32, #tpu.memory_space<hbm>>) target(%arg9 : memref<128xi32, #tpu.memory_space<vmem>>) target_semaphore(%run_scoped3A : memref<!tpu.dma_semaphore, #tpu.memory_space<semaphore_mem>>)
        %dma_wait3A_36 = tpu.memref_slice %arg4[%add3A_23] : memref<368640xi32, #tpu.memory_space<hbm>> -> memref<128xi32, #tpu.memory_space<hbm>>
        %dma_wait3A_37 = tpu.memref_slice %arg4[%add3A_23] : memref<368640xi32, #tpu.memory_space<hbm>> -> memref<128xi32, #tpu.memory_space<hbm>>
        tpu.wait_dma2 semaphore(%run_scoped3A : memref<!tpu.dma_semaphore, #tpu.memory_space<semaphore_mem>>) src(%dma_wait3A_37 : memref<128xi32, #tpu.memory_space<hbm>>) dst(%arg9 : memref<128xi32, #tpu.memory_space<vmem>>)
        tpu.yield
      }) : () -> ()
      "tpu.region"() ({
        %run_scoped3A = tpu.sem_alloc : memref<!tpu.dma_semaphore, #tpu.memory_space<semaphore_mem>>
        %dma_start3A_34 = tpu.memref_slice %arg5[%add3A_23] : memref<368640xf32, #tpu.memory_space<hbm>> -> memref<128xf32, #tpu.memory_space<hbm>>
        %dma_start3A_35 = tpu.memref_slice %arg5[%add3A_23] : memref<368640xf32, #tpu.memory_space<hbm>> -> memref<128xf32, #tpu.memory_space<hbm>>
        tpu.enqueue_dma source(%dma_start3A_35 : memref<128xf32, #tpu.memory_space<hbm>>) target(%arg10 : memref<128xf32, #tpu.memory_space<vmem>>) target_semaphore(%run_scoped3A : memref<!tpu.dma_semaphore, #tpu.memory_space<semaphore_mem>>)
        %dma_wait3A_36 = tpu.memref_slice %arg5[%add3A_23] : memref<368640xf32, #tpu.memory_space<hbm>> -> memref<128xf32, #tpu.memory_space<hbm>>
        %dma_wait3A_37 = tpu.memref_slice %arg5[%add3A_23] : memref<368640xf32, #tpu.memory_space<hbm>> -> memref<128xf32, #tpu.memory_space<hbm>>
        tpu.wait_dma2 semaphore(%run_scoped3A : memref<!tpu.dma_semaphore, #tpu.memory_space<semaphore_mem>>) src(%dma_wait3A_37 : memref<128xf32, #tpu.memory_space<hbm>>) dst(%arg10 : memref<128xf32, #tpu.memory_space<vmem>>)
        tpu.yield
      }) : () -> ()
      %dma_start3A = arith.constant 0 : i32
      %dma_start3A_24 = arith.constant 0 : i32
      %dma_start3A_25 = tpu.memref_slice %arg2[%dma_start3A, %dma_start3A_24] : memref<10000x128xf32, #tpu.memory_space<hbm>> -> memref<10000x128xf32, #tpu.memory_space<hbm>>
      tpu.enqueue_indirect_dma source(%dma_start3A_25 : memref<10000x128xf32, #tpu.memory_space<hbm>>) target(%arg11 : memref<128x128xf32, #tpu.memory_space<vmem>>) offsets(%arg8 : memref<128xi32, #tpu.memory_space<vmem>>) semaphore(%arg12 : memref<!tpu.dma_semaphore, #tpu.memory_space<semaphore_mem>>)
      %dma_wait3A = arith.constant 0 : i32
      %dma_wait3A_26 = arith.constant 0 : i32
      %dma_wait3A_27 = tpu.memref_slice %arg2[%dma_wait3A, %dma_wait3A_26] : memref<10000x128xf32, #tpu.memory_space<hbm>> -> memref<10000x128xf32, #tpu.memory_space<hbm>>
      tpu.wait_indirect_dma semaphore(%arg12 : memref<!tpu.dma_semaphore, #tpu.memory_space<semaphore_mem>>) src(%dma_wait3A_27 : memref<10000x128xf32, #tpu.memory_space<hbm>>) dst(%arg11 : memref<128x128xf32, #tpu.memory_space<vmem>>)
      %scan3A_28 = arith.constant 0 : i32
      %scan3A_29 = arith.constant 0 : i32
      %scan3A_30 = arith.constant 128 : i32
      %scan3A_31 = arith.addi %scan3A_29, %scan3A_30 : i32
      %scan3A_32 = arith.constant 1 : i32
      scf.for %scan3A_34 = %scan3A_29 to %scan3A_31 step %scan3A_32  : i32 {
        %broadcast_in_dim3A = vector.broadcast %scan3A_34 : i32 to vector<16xi32>
        %gather3A = tpu.vector_load_idx %arg9[%broadcast_in_dim3A] : memref<128xi32, #tpu.memory_space<vmem>>[vector<16xi32>], vector<16xi32>,
        %gather3A_35 = tpu.vector_load_idx %arg10[%broadcast_in_dim3A] : memref<128xf32, #tpu.memory_space<vmem>>[vector<16xi32>], vector<16xf32>,
        %mul3A_36 = arith.constant 128 : i32
        %mul3A_37 = vector.broadcast %mul3A_36 : i32 to vector<16xi32>
        %mul3A_38 = arith.muli %gather3A, %mul3A_37 : vector<16xi32>
        %add3A_39 = arith.addi %mul3A_38, %iota3A : vector<16xi32>
        %get3A = arith.index_cast %scan3A_34 : i32 to index
        %get3A_40 = arith.constant 0 : index
        %get3A_41 = tpu.vector_load %arg11[%get3A, %get3A_40] {strides = array<i32>} : memref<128x128xf32, #tpu.memory_space<vmem>>, vector<16xf32>,
        %mul3A_42 = arith.mulf %get3A_41, %gather3A_35 : vector<16xf32>
        %add3A_43 = arith.constant 0 : i32
        %add3A_44 = vector.broadcast %add3A_43 : i32 to vector<16xi32>
        %add3A_45 = arith.addi %add3A_39, %add3A_44 : vector<16xi32>
        tpu.vector_store_idx %arg7[%add3A_45], %mul3A_42 {add = true} : memref<41984xf32, #tpu.memory_space<vmem>>[vector<16xi32>], vector<16xf32>,
        %get3A_46 = arith.index_cast %scan3A_34 : i32 to index
        %get3A_47 = arith.constant 16 : index
        %get3A_48 = tpu.vector_load %arg11[%get3A_46, %get3A_47] {strides = array<i32>} : memref<128x128xf32, #tpu.memory_space<vmem>>, vector<16xf32>,
        %mul3A_49 = arith.mulf %get3A_48, %gather3A_35 : vector<16xf32>
        %add3A_50 = arith.constant 16 : i32
        %add3A_51 = vector.broadcast %add3A_50 : i32 to vector<16xi32>
        %add3A_52 = arith.addi %add3A_39, %add3A_51 : vector<16xi32>
        tpu.vector_store_idx %arg7[%add3A_52], %mul3A_49 {add = true} : memref<41984xf32, #tpu.memory_space<vmem>>[vector<16xi32>], vector<16xf32>,
        %get3A_53 = arith.index_cast %scan3A_34 : i32 to index
        %get3A_54 = arith.constant 32 : index
        %get3A_55 = tpu.vector_load %arg11[%get3A_53, %get3A_54] {strides = array<i32>} : memref<128x128xf32, #tpu.memory_space<vmem>>, vector<16xf32>,
        %mul3A_56 = arith.mulf %get3A_55, %gather3A_35 : vector<16xf32>
        %add3A_57 = arith.constant 32 : i32
        %add3A_58 = vector.broadcast %add3A_57 : i32 to vector<16xi32>
        %add3A_59 = arith.addi %add3A_39, %add3A_58 : vector<16xi32>
        tpu.vector_store_idx %arg7[%add3A_59], %mul3A_56 {add = true} : memref<41984xf32, #tpu.memory_space<vmem>>[vector<16xi32>], vector<16xf32>,
        %get3A_60 = arith.index_cast %scan3A_34 : i32 to index
        %get3A_61 = arith.constant 48 : index
        %get3A_62 = tpu.vector_load %arg11[%get3A_60, %get3A_61] {strides = array<i32>} : memref<128x128xf32, #tpu.memory_space<vmem>>, vector<16xf32>,
        %mul3A_63 = arith.mulf %get3A_62, %gather3A_35 : vector<16xf32>
        %add3A_64 = arith.constant 48 : i32
        %add3A_65 = vector.broadcast %add3A_64 : i32 to vector<16xi32>
        %add3A_66 = arith.addi %add3A_39, %add3A_65 : vector<16xi32>
        tpu.vector_store_idx %arg7[%add3A_66], %mul3A_63 {add = true} : memref<41984xf32, #tpu.memory_space<vmem>>[vector<16xi32>], vector<16xf32>,
        %get3A_67 = arith.index_cast %scan3A_34 : i32 to index
        %get3A_68 = arith.constant 64 : index
        %get3A_69 = tpu.vector_load %arg11[%get3A_67, %get3A_68] {strides = array<i32>} : memref<128x128xf32, #tpu.memory_space<vmem>>, vector<16xf32>,
        %mul3A_70 = arith.mulf %get3A_69, %gather3A_35 : vector<16xf32>
        %add3A_71 = arith.constant 64 : i32
        %add3A_72 = vector.broadcast %add3A_71 : i32 to vector<16xi32>
        %add3A_73 = arith.addi %add3A_39, %add3A_72 : vector<16xi32>
        tpu.vector_store_idx %arg7[%add3A_73], %mul3A_70 {add = true} : memref<41984xf32, #tpu.memory_space<vmem>>[vector<16xi32>], vector<16xf32>,
        %get3A_74 = arith.index_cast %scan3A_34 : i32 to index
        %get3A_75 = arith.constant 80 : index
        %get3A_76 = tpu.vector_load %arg11[%get3A_74, %get3A_75] {strides = array<i32>} : memref<128x128xf32, #tpu.memory_space<vmem>>, vector<16xf32>,
        %mul3A_77 = arith.mulf %get3A_76, %gather3A_35 : vector<16xf32>
        %add3A_78 = arith.constant 80 : i32
        %add3A_79 = vector.broadcast %add3A_78 : i32 to vector<16xi32>
        %add3A_80 = arith.addi %add3A_39, %add3A_79 : vector<16xi32>
        tpu.vector_store_idx %arg7[%add3A_80], %mul3A_77 {add = true} : memref<41984xf32, #tpu.memory_space<vmem>>[vector<16xi32>], vector<16xf32>,
        %get3A_81 = arith.index_cast %scan3A_34 : i32 to index
        %get3A_82 = arith.constant 96 : index
        %get3A_83 = tpu.vector_load %arg11[%get3A_81, %get3A_82] {strides = array<i32>} : memref<128x128xf32, #tpu.memory_space<vmem>>, vector<16xf32>,
        %mul3A_84 = arith.mulf %get3A_83, %gather3A_35 : vector<16xf32>
        %add3A_85 = arith.constant 96 : i32
        %add3A_86 = vector.broadcast %add3A_85 : i32 to vector<16xi32>
        %add3A_87 = arith.addi %add3A_39, %add3A_86 : vector<16xi32>
        tpu.vector_store_idx %arg7[%add3A_87], %mul3A_84 {add = true} : memref<41984xf32, #tpu.memory_space<vmem>>[vector<16xi32>], vector<16xf32>,
        %get3A_88 = arith.index_cast %scan3A_34 : i32 to index
        %get3A_89 = arith.constant 112 : index
        %get3A_90 = tpu.vector_load %arg11[%get3A_88, %get3A_89] {strides = array<i32>} : memref<128x128xf32, #tpu.memory_space<vmem>>, vector<16xf32>,
        %mul3A_91 = arith.mulf %get3A_90, %gather3A_35 : vector<16xf32>
        %add3A_92 = arith.constant 112 : i32
        %add3A_93 = vector.broadcast %add3A_92 : i32 to vector<16xi32>
        %add3A_94 = arith.addi %add3A_39, %add3A_93 : vector<16xi32>
        tpu.vector_store_idx %arg7[%add3A_94], %mul3A_91 {add = true} : memref<41984xf32, #tpu.memory_space<vmem>>[vector<16xi32>], vector<16xf32>,
      }
      %scan3A_33 = arith.constant 128 : i32
    }
    %scan3A_11 = arith.constant 90 : i32
    %lt3A = arith.constant 31 : i32
    %lt3A_12 = arith.cmpi slt, %add3A, %lt3A : i32
    %convert_element_type3A = arith.extui %lt3A_12 : i1 to i32
    %cond3A = arith.constant 0 : i32
    %cond3A_13 = arith.cmpi ne, %convert_element_type3A, %cond3A : i32
    scf.if %cond3A_13 {
      %mul3A_18 = arith.constant 320 : i32
      %mul3A_19 = arith.muli %add3A, %mul3A_18 : i32
      %mul3A_20 = arith.constant 128 : i32
      %mul3A_21 = arith.muli %mul3A_19, %mul3A_20 : i32
      "tpu.region"() ({
        %run_scoped3A = tpu.sem_alloc : memref<!tpu.dma_semaphore, #tpu.memory_space<semaphore_mem>>
        %dma_start3A = arith.constant 0 : i32
        %dma_start3A_22 = tpu.memref_slice %arg7[%dma_start3A] : memref<41984xf32, #tpu.memory_space<vmem>> -> memref<40960xf32, #tpu.memory_space<vmem>>
        %dma_start3A_23 = tpu.memref_slice %arg6[%mul3A_21] : memref<1280000xf32, #tpu.memory_space<hbm>> -> memref<40960xf32, #tpu.memory_space<hbm>>
        %dma_start3A_24 = tpu.memref_slice %arg6[%mul3A_21] : memref<1280000xf32, #tpu.memory_space<hbm>> -> memref<40960xf32, #tpu.memory_space<hbm>>
        %dma_start3A_25 = arith.constant 0 : i32
        %dma_start3A_26 = tpu.memref_slice %arg7[%dma_start3A_25] : memref<41984xf32, #tpu.memory_space<vmem>> -> memref<40960xf32, #tpu.memory_space<vmem>>
        tpu.enqueue_dma source(%dma_start3A_26 : memref<40960xf32, #tpu.memory_space<vmem>>) target(%dma_start3A_24 : memref<40960xf32, #tpu.memory_space<hbm>>) target_semaphore(%run_scoped3A : memref<!tpu.dma_semaphore, #tpu.memory_space<semaphore_mem>>)
        %dma_wait3A = arith.constant 0 : i32
        %dma_wait3A_27 = tpu.memref_slice %arg7[%dma_wait3A] : memref<41984xf32, #tpu.memory_space<vmem>> -> memref<40960xf32, #tpu.memory_space<vmem>>
        %dma_wait3A_28 = tpu.memref_slice %arg6[%mul3A_21] : memref<1280000xf32, #tpu.memory_space<hbm>> -> memref<40960xf32, #tpu.memory_space<hbm>>
        %dma_wait3A_29 = tpu.memref_slice %arg6[%mul3A_21] : memref<1280000xf32, #tpu.memory_space<hbm>> -> memref<40960xf32, #tpu.memory_space<hbm>>
        %dma_wait3A_30 = arith.constant 0 : i32
        %dma_wait3A_31 = tpu.memref_slice %arg7[%dma_wait3A_30] : memref<41984xf32, #tpu.memory_space<vmem>> -> memref<40960xf32, #tpu.memory_space<vmem>>
        tpu.wait_dma2 semaphore(%run_scoped3A : memref<!tpu.dma_semaphore, #tpu.memory_space<semaphore_mem>>) src(%dma_wait3A_31 : memref<40960xf32, #tpu.memory_space<vmem>>) dst(%dma_wait3A_29 : memref<40960xf32, #tpu.memory_space<hbm>>)
        tpu.yield
      }) : () -> ()
    } else {
    }
    %eq3A = arith.constant 31 : i32
    %eq3A_14 = arith.cmpi eq, %add3A, %eq3A : i32
    %convert_element_type3A_15 = arith.extui %eq3A_14 : i1 to i32
    %cond3A_16 = arith.constant 0 : i32
    %cond3A_17 = arith.cmpi ne, %convert_element_type3A_15, %cond3A_16 : i32
    scf.if %cond3A_17 {
      "tpu.region"() ({
        %run_scoped3A = tpu.sem_alloc : memref<!tpu.dma_semaphore, #tpu.memory_space<semaphore_mem>>
        %dma_start3A = arith.constant 0 : i32
        %dma_start3A_18 = tpu.memref_slice %arg7[%dma_start3A] : memref<41984xf32, #tpu.memory_space<vmem>> -> memref<10240xf32, #tpu.memory_space<vmem>>
        %dma_start3A_19 = arith.constant 1269760 : i32
        %dma_start3A_20 = tpu.memref_slice %arg6[%dma_start3A_19] : memref<1280000xf32, #tpu.memory_space<hbm>> -> memref<10240xf32, #tpu.memory_space<hbm>>
        %dma_start3A_21 = arith.constant 1269760 : i32
        %dma_start3A_22 = tpu.memref_slice %arg6[%dma_start3A_21] : memref<1280000xf32, #tpu.memory_space<hbm>> -> memref<10240xf32, #tpu.memory_space<hbm>>
        %dma_start3A_23 = arith.constant 0 : i32
        %dma_start3A_24 = tpu.memref_slice %arg7[%dma_start3A_23] : memref<41984xf32, #tpu.memory_space<vmem>> -> memref<10240xf32, #tpu.memory_space<vmem>>
        tpu.enqueue_dma source(%dma_start3A_24 : memref<10240xf32, #tpu.memory_space<vmem>>) target(%dma_start3A_22 : memref<10240xf32, #tpu.memory_space<hbm>>) target_semaphore(%run_scoped3A : memref<!tpu.dma_semaphore, #tpu.memory_space<semaphore_mem>>)
        %dma_wait3A = arith.constant 0 : i32
        %dma_wait3A_25 = tpu.memref_slice %arg7[%dma_wait3A] : memref<41984xf32, #tpu.memory_space<vmem>> -> memref<10240xf32, #tpu.memory_space<vmem>>
        %dma_wait3A_26 = arith.constant 1269760 : i32
        %dma_wait3A_27 = tpu.memref_slice %arg6[%dma_wait3A_26] : memref<1280000xf32, #tpu.memory_space<hbm>> -> memref<10240xf32, #tpu.memory_space<hbm>>
        %dma_wait3A_28 = arith.constant 1269760 : i32
        %dma_wait3A_29 = tpu.memref_slice %arg6[%dma_wait3A_28] : memref<1280000xf32, #tpu.memory_space<hbm>> -> memref<10240xf32, #tpu.memory_space<hbm>>
        %dma_wait3A_30 = arith.constant 0 : i32
        %dma_wait3A_31 = tpu.memref_slice %arg7[%dma_wait3A_30] : memref<41984xf32, #tpu.memory_space<vmem>> -> memref<10240xf32, #tpu.memory_space<vmem>>
        tpu.wait_dma2 semaphore(%run_scoped3A : memref<!tpu.dma_semaphore, #tpu.memory_space<semaphore_mem>>) src(%dma_wait3A_31 : memref<10240xf32, #tpu.memory_space<vmem>>) dst(%dma_wait3A_29 : memref<10240xf32, #tpu.memory_space<hbm>>)
        tpu.yield
      }) : () -> ()
    } else {
    }
    return
  }
}

#map = affine_map<(d0, d1) -> (0, 0)>
#map1 = affine_map<(d0, d1) -> (0)>
module attributes {stable_mosaic.version = 14 : i64} {
  func.func @_spmm_body(%arg0: i32, %arg1: i32, %arg2: memref<10000x128xf32, #tpu.memory_space<hbm>>, %arg3: memref<368640xi32, #tpu.memory_space<hbm>>, %arg4: memref<368640xi32, #tpu.memory_space<hbm>>, %arg5: memref<368640xf32, #tpu.memory_space<hbm>>, %arg6: memref<1280000xf32, #tpu.memory_space<hbm>>, %arg7: memref<41984xf32, #tpu.memory_space<vmem>>, %arg8: memref<128xi32, #tpu.memory_space<vmem>>, %arg9: memref<128xi32, #tpu.memory_space<vmem>>, %arg10: memref<128xf32, #tpu.memory_space<vmem>>, %arg11: memref<128x128xf32, #tpu.memory_space<vmem>>, %arg12: memref<!tpu.dma_semaphore, #tpu.memory_space<semaphore_mem>>) attributes {dimension_semantics = [#tpu.dimension_semantics<core_parallel>, #tpu.dimension_semantics<subcore_parallel>], iteration_bounds = array<i64: 2, 16>, scalar_prefetch = 0 : i64, scratch_operands = 6 : i64, tpu.core_type = #tpu.core_type<sc_vector_subcore>, window_params = [{transform_indices = #map}, {transform_indices = #map1}, {transform_indices = #map1}, {transform_indices = #map1}, {transform_indices = #map1}]} {
    %mul3A = arith.constant 16 : i32
    %mul3A_0 = arith.muli %arg0, %mul3A : i32
    %add3A = arith.addi %mul3A_0, %arg1 : i32
    %iota3A = tpu.iota {dimensions = array<i32: 0>} : vector<16xi32>
    %scan3A = arith.constant 0 : i32
    %scan3A_1 = arith.constant 0 : i32
    %scan3A_2 = arith.constant 2624 : i32
    %scan3A_3 = arith.addi %scan3A_1, %scan3A_2 : i32
    %scan3A_4 = arith.constant 1 : i32
    scf.for %scan3A_18 = %scan3A_1 to %scan3A_3 step %scan3A_4  : i32 {
      %broadcast_in_dim3A = arith.constant 0.000000e+00 : f32
      %broadcast_in_dim3A_19 = vector.broadcast %broadcast_in_dim3A : f32 to vector<16xf32>
      %mul3A_20 = arith.constant 16 : i32
      %mul3A_21 = arith.muli %scan3A_18, %mul3A_20 : i32
      %swap3A = arith.index_cast %mul3A_21 : i32 to index
      %swap3A_22 = tpu.vector_load %arg7[%swap3A] {strides = array<i32>} : memref<41984xf32, #tpu.memory_space<vmem>>, vector<16xf32>,
      tpu.vector_store %arg7[%swap3A], %broadcast_in_dim3A_19 {strides = array<i32>} : memref<41984xf32, #tpu.memory_space<vmem>>, vector<16xf32>,
    }
    %scan3A_5 = arith.constant 2624 : i32
    %scan3A_6 = arith.constant 0 : i32
    %scan3A_7 = arith.constant 0 : i32
    %scan3A_8 = arith.constant 90 : i32
    %scan3A_9 = arith.addi %scan3A_7, %scan3A_8 : i32
    %scan3A_10 = arith.constant 1 : i32
    scf.for %scan3A_18 = %scan3A_7 to %scan3A_9 step %scan3A_10  : i32 {
      %mul3A_19 = arith.constant 11520 : i32
      %mul3A_20 = arith.muli %add3A, %mul3A_19 : i32
      %mul3A_21 = arith.constant 128 : i32
      %mul3A_22 = arith.muli %scan3A_18, %mul3A_21 : i32
      %add3A_23 = arith.addi %mul3A_20, %mul3A_22 : i32
      "tpu.region"() ({
        %run_scoped3A = tpu.sem_alloc : memref<!tpu.dma_semaphore, #tpu.memory_space<semaphore_mem>>
        %dma_start3A_34 = tpu.memref_slice %arg3[%add3A_23] : memref<368640xi32, #tpu.memory_space<hbm>> -> memref<128xi32, #tpu.memory_space<hbm>>
        %dma_start3A_35 = tpu.memref_slice %arg3[%add3A_23] : memref<368640xi32, #tpu.memory_space<hbm>> -> memref<128xi32, #tpu.memory_space<hbm>>
        tpu.enqueue_dma source(%dma_start3A_35 : memref<128xi32, #tpu.memory_space<hbm>>) target(%arg8 : memref<128xi32, #tpu.memory_space<vmem>>) target_semaphore(%run_scoped3A : memref<!tpu.dma_semaphore, #tpu.memory_space<semaphore_mem>>)
        %dma_wait3A_36 = tpu.memref_slice %arg3[%add3A_23] : memref<368640xi32, #tpu.memory_space<hbm>> -> memref<128xi32, #tpu.memory_space<hbm>>
        %dma_wait3A_37 = tpu.memref_slice %arg3[%add3A_23] : memref<368640xi32, #tpu.memory_space<hbm>> -> memref<128xi32, #tpu.memory_space<hbm>>
        tpu.wait_dma2 semaphore(%run_scoped3A : memref<!tpu.dma_semaphore, #tpu.memory_space<semaphore_mem>>) src(%dma_wait3A_37 : memref<128xi32, #tpu.memory_space<hbm>>) dst(%arg8 : memref<128xi32, #tpu.memory_space<vmem>>)
        tpu.yield
      }) : () -> ()
      "tpu.region"() ({
        %run_scoped3A = tpu.sem_alloc : memref<!tpu.dma_semaphore, #tpu.memory_space<semaphore_mem>>
        %dma_start3A_34 = tpu.memref_slice %arg4[%add3A_23] : memref<368640xi32, #tpu.memory_space<hbm>> -> memref<128xi32, #tpu.memory_space<hbm>>
        %dma_start3A_35 = tpu.memref_slice %arg4[%add3A_23] : memref<368640xi32, #tpu.memory_space<hbm>> -> memref<128xi32, #tpu.memory_space<hbm>>
        tpu.enqueue_dma source(%dma_start3A_35 : memref<128xi32, #tpu.memory_space<hbm>>) target(%arg9 : memref<128xi32, #tpu.memory_space<vmem>>) target_semaphore(%run_scoped3A : memref<!tpu.dma_semaphore, #tpu.memory_space<semaphore_mem>>)
        %dma_wait3A_36 = tpu.memref_slice %arg4[%add3A_23] : memref<368640xi32, #tpu.memory_space<hbm>> -> memref<128xi32, #tpu.memory_space<hbm>>
        %dma_wait3A_37 = tpu.memref_slice %arg4[%add3A_23] : memref<368640xi32, #tpu.memory_space<hbm>> -> memref<128xi32, #tpu.memory_space<hbm>>
        tpu.wait_dma2 semaphore(%run_scoped3A : memref<!tpu.dma_semaphore, #tpu.memory_space<semaphore_mem>>) src(%dma_wait3A_37 : memref<128xi32, #tpu.memory_space<hbm>>) dst(%arg9 : memref<128xi32, #tpu.memory_space<vmem>>)
        tpu.yield
      }) : () -> ()
      "tpu.region"() ({
        %run_scoped3A = tpu.sem_alloc : memref<!tpu.dma_semaphore, #tpu.memory_space<semaphore_mem>>
        %dma_start3A_34 = tpu.memref_slice %arg5[%add3A_23] : memref<368640xf32, #tpu.memory_space<hbm>> -> memref<128xf32, #tpu.memory_space<hbm>>
        %dma_start3A_35 = tpu.memref_slice %arg5[%add3A_23] : memref<368640xf32, #tpu.memory_space<hbm>> -> memref<128xf32, #tpu.memory_space<hbm>>
        tpu.enqueue_dma source(%dma_start3A_35 : memref<128xf32, #tpu.memory_space<hbm>>) target(%arg10 : memref<128xf32, #tpu.memory_space<vmem>>) target_semaphore(%run_scoped3A : memref<!tpu.dma_semaphore, #tpu.memory_space<semaphore_mem>>)
        %dma_wait3A_36 = tpu.memref_slice %arg5[%add3A_23] : memref<368640xf32, #tpu.memory_space<hbm>> -> memref<128xf32, #tpu.memory_space<hbm>>
        %dma_wait3A_37 = tpu.memref_slice %arg5[%add3A_23] : memref<368640xf32, #tpu.memory_space<hbm>> -> memref<128xf32, #tpu.memory_space<hbm>>
        tpu.wait_dma2 semaphore(%run_scoped3A : memref<!tpu.dma_semaphore, #tpu.memory_space<semaphore_mem>>) src(%dma_wait3A_37 : memref<128xf32, #tpu.memory_space<hbm>>) dst(%arg10 : memref<128xf32, #tpu.memory_space<vmem>>)
        tpu.yield
      }) : () -> ()
      %dma_start3A = arith.constant 0 : i32
      %dma_start3A_24 = arith.constant 0 : i32
      %dma_start3A_25 = tpu.memref_slice %arg2[%dma_start3A, %dma_start3A_24] : memref<10000x128xf32, #tpu.memory_space<hbm>> -> memref<10000x128xf32, #tpu.memory_space<hbm>>
      tpu.enqueue_indirect_dma source(%dma_start3A_25 : memref<10000x128xf32, #tpu.memory_space<hbm>>) target(%arg11 : memref<128x128xf32, #tpu.memory_space<vmem>>) offsets(%arg8 : memref<128xi32, #tpu.memory_space<vmem>>) semaphore(%arg12 : memref<!tpu.dma_semaphore, #tpu.memory_space<semaphore_mem>>)
      %dma_wait3A = arith.constant 0 : i32
      %dma_wait3A_26 = arith.constant 0 : i32
      %dma_wait3A_27 = tpu.memref_slice %arg2[%dma_wait3A, %dma_wait3A_26] : memref<10000x128xf32, #tpu.memory_space<hbm>> -> memref<10000x128xf32, #tpu.memory_space<hbm>>
      tpu.wait_indirect_dma semaphore(%arg12 : memref<!tpu.dma_semaphore, #tpu.memory_space<semaphore_mem>>) src(%dma_wait3A_27 : memref<10000x128xf32, #tpu.memory_space<hbm>>) dst(%arg11 : memref<128x128xf32, #tpu.memory_space<vmem>>)
      %scan3A_28 = arith.constant 0 : i32
      %scan3A_29 = arith.constant 0 : i32
      %scan3A_30 = arith.constant 128 : i32
      %scan3A_31 = arith.addi %scan3A_29, %scan3A_30 : i32
      %scan3A_32 = arith.constant 1 : i32
      scf.for %scan3A_34 = %scan3A_29 to %scan3A_31 step %scan3A_32  : i32 {
        %broadcast_in_dim3A = vector.broadcast %scan3A_34 : i32 to vector<16xi32>
        %gather3A = tpu.vector_load_idx %arg9[%broadcast_in_dim3A] : memref<128xi32, #tpu.memory_space<vmem>>[vector<16xi32>], vector<16xi32>,
        %gather3A_35 = tpu.vector_load_idx %arg10[%broadcast_in_dim3A] : memref<128xf32, #tpu.memory_space<vmem>>[vector<16xi32>], vector<16xf32>,
        %mul3A_36 = arith.constant 128 : i32
        %mul3A_37 = vector.broadcast %mul3A_36 : i32 to vector<16xi32>
        %mul3A_38 = arith.muli %gather3A, %mul3A_37 : vector<16xi32>
        %add3A_39 = arith.addi %mul3A_38, %iota3A : vector<16xi32>
        %get3A = arith.index_cast %scan3A_34 : i32 to index
        %get3A_40 = arith.constant 0 : index
        %get3A_41 = tpu.vector_load %arg11[%get3A, %get3A_40] {strides = array<i32>} : memref<128x128xf32, #tpu.memory_space<vmem>>, vector<16xf32>,
        %mul3A_42 = arith.mulf %get3A_41, %gather3A_35 : vector<16xf32>
        %add3A_43 = arith.constant 0 : i32
        %add3A_44 = vector.broadcast %add3A_43 : i32 to vector<16xi32>
        %add3A_45 = arith.addi %add3A_39, %add3A_44 : vector<16xi32>
        tpu.vector_store_idx %arg7[%add3A_45], %mul3A_42 {add = true} : memref<41984xf32, #tpu.memory_space<vmem>>[vector<16xi32>], vector<16xf32>,
        %get3A_46 = arith.index_cast %scan3A_34 : i32 to index
        %get3A_47 = arith.constant 16 : index
        %get3A_48 = tpu.vector_load %arg11[%get3A_46, %get3A_47] {strides = array<i32>} : memref<128x128xf32, #tpu.memory_space<vmem>>, vector<16xf32>,
        %mul3A_49 = arith.mulf %get3A_48, %gather3A_35 : vector<16xf32>
        %add3A_50 = arith.constant 16 : i32
        %add3A_51 = vector.broadcast %add3A_50 : i32 to vector<16xi32>
        %add3A_52 = arith.addi %add3A_39, %add3A_51 : vector<16xi32>
        tpu.vector_store_idx %arg7[%add3A_52], %mul3A_49 {add = true} : memref<41984xf32, #tpu.memory_space<vmem>>[vector<16xi32>], vector<16xf32>,
        %get3A_53 = arith.index_cast %scan3A_34 : i32 to index
        %get3A_54 = arith.constant 32 : index
        %get3A_55 = tpu.vector_load %arg11[%get3A_53, %get3A_54] {strides = array<i32>} : memref<128x128xf32, #tpu.memory_space<vmem>>, vector<16xf32>,
        %mul3A_56 = arith.mulf %get3A_55, %gather3A_35 : vector<16xf32>
        %add3A_57 = arith.constant 32 : i32
        %add3A_58 = vector.broadcast %add3A_57 : i32 to vector<16xi32>
        %add3A_59 = arith.addi %add3A_39, %add3A_58 : vector<16xi32>
        tpu.vector_store_idx %arg7[%add3A_59], %mul3A_56 {add = true} : memref<41984xf32, #tpu.memory_space<vmem>>[vector<16xi32>], vector<16xf32>,
        %get3A_60 = arith.index_cast %scan3A_34 : i32 to index
        %get3A_61 = arith.constant 48 : index
        %get3A_62 = tpu.vector_load %arg11[%get3A_60, %get3A_61] {strides = array<i32>} : memref<128x128xf32, #tpu.memory_space<vmem>>, vector<16xf32>,
        %mul3A_63 = arith.mulf %get3A_62, %gather3A_35 : vector<16xf32>
        %add3A_64 = arith.constant 48 : i32
        %add3A_65 = vector.broadcast %add3A_64 : i32 to vector<16xi32>
        %add3A_66 = arith.addi %add3A_39, %add3A_65 : vector<16xi32>
        tpu.vector_store_idx %arg7[%add3A_66], %mul3A_63 {add = true} : memref<41984xf32, #tpu.memory_space<vmem>>[vector<16xi32>], vector<16xf32>,
        %get3A_67 = arith.index_cast %scan3A_34 : i32 to index
        %get3A_68 = arith.constant 64 : index
        %get3A_69 = tpu.vector_load %arg11[%get3A_67, %get3A_68] {strides = array<i32>} : memref<128x128xf32, #tpu.memory_space<vmem>>, vector<16xf32>,
        %mul3A_70 = arith.mulf %get3A_69, %gather3A_35 : vector<16xf32>
        %add3A_71 = arith.constant 64 : i32
        %add3A_72 = vector.broadcast %add3A_71 : i32 to vector<16xi32>
        %add3A_73 = arith.addi %add3A_39, %add3A_72 : vector<16xi32>
        tpu.vector_store_idx %arg7[%add3A_73], %mul3A_70 {add = true} : memref<41984xf32, #tpu.memory_space<vmem>>[vector<16xi32>], vector<16xf32>,
        %get3A_74 = arith.index_cast %scan3A_34 : i32 to index
        %get3A_75 = arith.constant 80 : index
        %get3A_76 = tpu.vector_load %arg11[%get3A_74, %get3A_75] {strides = array<i32>} : memref<128x128xf32, #tpu.memory_space<vmem>>, vector<16xf32>,
        %mul3A_77 = arith.mulf %get3A_76, %gather3A_35 : vector<16xf32>
        %add3A_78 = arith.constant 80 : i32
        %add3A_79 = vector.broadcast %add3A_78 : i32 to vector<16xi32>
        %add3A_80 = arith.addi %add3A_39, %add3A_79 : vector<16xi32>
        tpu.vector_store_idx %arg7[%add3A_80], %mul3A_77 {add = true} : memref<41984xf32, #tpu.memory_space<vmem>>[vector<16xi32>], vector<16xf32>,
        %get3A_81 = arith.index_cast %scan3A_34 : i32 to index
        %get3A_82 = arith.constant 96 : index
        %get3A_83 = tpu.vector_load %arg11[%get3A_81, %get3A_82] {strides = array<i32>} : memref<128x128xf32, #tpu.memory_space<vmem>>, vector<16xf32>,
        %mul3A_84 = arith.mulf %get3A_83, %gather3A_35 : vector<16xf32>
        %add3A_85 = arith.constant 96 : i32
        %add3A_86 = vector.broadcast %add3A_85 : i32 to vector<16xi32>
        %add3A_87 = arith.addi %add3A_39, %add3A_86 : vector<16xi32>
        tpu.vector_store_idx %arg7[%add3A_87], %mul3A_84 {add = true} : memref<41984xf32, #tpu.memory_space<vmem>>[vector<16xi32>], vector<16xf32>,
        %get3A_88 = arith.index_cast %scan3A_34 : i32 to index
        %get3A_89 = arith.constant 112 : index
        %get3A_90 = tpu.vector_load %arg11[%get3A_88, %get3A_89] {strides = array<i32>} : memref<128x128xf32, #tpu.memory_space<vmem>>, vector<16xf32>,
        %mul3A_91 = arith.mulf %get3A_90, %gather3A_35 : vector<16xf32>
        %add3A_92 = arith.constant 112 : i32
        %add3A_93 = vector.broadcast %add3A_92 : i32 to vector<16xi32>
        %add3A_94 = arith.addi %add3A_39, %add3A_93 : vector<16xi32>
        tpu.vector_store_idx %arg7[%add3A_94], %mul3A_91 {add = true} : memref<41984xf32, #tpu.memory_space<vmem>>[vector<16xi32>], vector<16xf32>,
      }
      %scan3A_33 = arith.constant 128 : i32
    }
    %scan3A_11 = arith.constant 90 : i32
    %lt3A = arith.constant 31 : i32
    %lt3A_12 = arith.cmpi slt, %add3A, %lt3A : i32
    %convert_element_type3A = arith.extui %lt3A_12 : i1 to i32
    %cond3A = arith.constant 0 : i32
    %cond3A_13 = arith.cmpi ne, %convert_element_type3A, %cond3A : i32
    scf.if %cond3A_13 {
      %mul3A_18 = arith.constant 320 : i32
      %mul3A_19 = arith.muli %add3A, %mul3A_18 : i32
      %mul3A_20 = arith.constant 128 : i32
      %mul3A_21 = arith.muli %mul3A_19, %mul3A_20 : i32
      "tpu.region"() ({
        %run_scoped3A = tpu.sem_alloc : memref<!tpu.dma_semaphore, #tpu.memory_space<semaphore_mem>>
        %dma_start3A = arith.constant 0 : i32
        %dma_start3A_22 = tpu.memref_slice %arg7[%dma_start3A] : memref<41984xf32, #tpu.memory_space<vmem>> -> memref<40960xf32, #tpu.memory_space<vmem>>
        %dma_start3A_23 = tpu.memref_slice %arg6[%mul3A_21] : memref<1280000xf32, #tpu.memory_space<hbm>> -> memref<40960xf32, #tpu.memory_space<hbm>>
        %dma_start3A_24 = tpu.memref_slice %arg6[%mul3A_21] : memref<1280000xf32, #tpu.memory_space<hbm>> -> memref<40960xf32, #tpu.memory_space<hbm>>
        %dma_start3A_25 = arith.constant 0 : i32
        %dma_start3A_26 = tpu.memref_slice %arg7[%dma_start3A_25] : memref<41984xf32, #tpu.memory_space<vmem>> -> memref<40960xf32, #tpu.memory_space<vmem>>
        tpu.enqueue_dma source(%dma_start3A_26 : memref<40960xf32, #tpu.memory_space<vmem>>) target(%dma_start3A_24 : memref<40960xf32, #tpu.memory_space<hbm>>) target_semaphore(%run_scoped3A : memref<!tpu.dma_semaphore, #tpu.memory_space<semaphore_mem>>)
        %dma_wait3A = arith.constant 0 : i32
        %dma_wait3A_27 = tpu.memref_slice %arg7[%dma_wait3A] : memref<41984xf32, #tpu.memory_space<vmem>> -> memref<40960xf32, #tpu.memory_space<vmem>>
        %dma_wait3A_28 = tpu.memref_slice %arg6[%mul3A_21] : memref<1280000xf32, #tpu.memory_space<hbm>> -> memref<40960xf32, #tpu.memory_space<hbm>>
        %dma_wait3A_29 = tpu.memref_slice %arg6[%mul3A_21] : memref<1280000xf32, #tpu.memory_space<hbm>> -> memref<40960xf32, #tpu.memory_space<hbm>>
        %dma_wait3A_30 = arith.constant 0 : i32
        %dma_wait3A_31 = tpu.memref_slice %arg7[%dma_wait3A_30] : memref<41984xf32, #tpu.memory_space<vmem>> -> memref<40960xf32, #tpu.memory_space<vmem>>
        tpu.wait_dma2 semaphore(%run_scoped3A : memref<!tpu.dma_semaphore, #tpu.memory_space<semaphore_mem>>) src(%dma_wait3A_31 : memref<40960xf32, #tpu.memory_space<vmem>>) dst(%dma_wait3A_29 : memref<40960xf32, #tpu.memory_space<hbm>>)
        tpu.yield
      }) : () -> ()
    } else {
    }
    %eq3A = arith.constant 31 : i32
    %eq3A_14 = arith.cmpi eq, %add3A, %eq3A : i32
    %convert_element_type3A_15 = arith.extui %eq3A_14 : i1 to i32
    %cond3A_16 = arith.constant 0 : i32
    %cond3A_17 = arith.cmpi ne, %convert_element_type3A_15, %cond3A_16 : i32
    scf.if %cond3A_17 {
      "tpu.region"() ({
        %run_scoped3A = tpu.sem_alloc : memref<!tpu.dma_semaphore, #tpu.memory_space<semaphore_mem>>
        %dma_start3A = arith.constant 0 : i32
        %dma_start3A_18 = tpu.memref_slice %arg7[%dma_start3A] : memref<41984xf32, #tpu.memory_space<vmem>> -> memref<10240xf32, #tpu.memory_space<vmem>>
        %dma_start3A_19 = arith.constant 1269760 : i32
        %dma_start3A_20 = tpu.memref_slice %arg6[%dma_start3A_19] : memref<1280000xf32, #tpu.memory_space<hbm>> -> memref<10240xf32, #tpu.memory_space<hbm>>
        %dma_start3A_21 = arith.constant 1269760 : i32
        %dma_start3A_22 = tpu.memref_slice %arg6[%dma_start3A_21] : memref<1280000xf32, #tpu.memory_space<hbm>> -> memref<10240xf32, #tpu.memory_space<hbm>>
        %dma_start3A_23 = arith.constant 0 : i32
        %dma_start3A_24 = tpu.memref_slice %arg7[%dma_start3A_23] : memref<41984xf32, #tpu.memory_space<vmem>> -> memref<10240xf32, #tpu.memory_space<vmem>>
        tpu.enqueue_dma source(%dma_start3A_24 : memref<10240xf32, #tpu.memory_space<vmem>>) target(%dma_start3A_22 : memref<10240xf32, #tpu.memory_space<hbm>>) target_semaphore(%run_scoped3A : memref<!tpu.dma_semaphore, #tpu.memory_space<semaphore_mem>>)
        %dma_wait3A = arith.constant 0 : i32
        %dma_wait3A_25 = tpu.memref_slice %arg7[%dma_wait3A] : memref<41984xf32, #tpu.memory_space<vmem>> -> memref<10240xf32, #tpu.memory_space<vmem>>
        %dma_wait3A_26 = arith.constant 1269760 : i32
        %dma_wait3A_27 = tpu.memref_slice %arg6[%dma_wait3A_26] : memref<1280000xf32, #tpu.memory_space<hbm>> -> memref<10240xf32, #tpu.memory_space<hbm>>
        %dma_wait3A_28 = arith.constant 1269760 : i32
        %dma_wait3A_29 = tpu.memref_slice %arg6[%dma_wait3A_28] : memref<1280000xf32, #tpu.memory_space<hbm>> -> memref<10240xf32, #tpu.memory_space<hbm>>
        %dma_wait3A_30 = arith.constant 0 : i32
        %dma_wait3A_31 = tpu.memref_slice %arg7[%dma_wait3A_30] : memref<41984xf32, #tpu.memory_space<vmem>> -> memref<10240xf32, #tpu.memory_space<vmem>>
        tpu.wait_dma2 semaphore(%run_scoped3A : memref<!tpu.dma_semaphore, #tpu.memory_space<semaphore_mem>>) src(%dma_wait3A_31 : memref<10240xf32, #tpu.memory_space<vmem>>) dst(%dma_wait3A_29 : memref<10240xf32, #tpu.memory_space<hbm>>)
        tpu.yield
      }) : () -> ()
    } else {
    }
    return
  }
}

module attributes {stable_mosaic.version = 14 : i64} {
  func.func @_tc_pre_body(%arg0: i32, %arg1: memref<1000x128xf32, #tpu.memory_space<vmem>>, %arg2: memref<128x128xf32, #tpu.memory_space<vmem>>, %arg3: memref<1x128xf32, #tpu.memory_space<vmem>>, %arg4: memref<128x128xf32, #tpu.memory_space<vmem>>, %arg5: memref<1000x1xf32, #tpu.memory_space<vmem>>, %arg6: memref<1000x1xf32, #tpu.memory_space<vmem>>, %arg7: memref<1000x128xf32, #tpu.memory_space<vmem>>, %arg8: memref<1000x1xf32, #tpu.memory_space<vmem>>, %arg9: memref<1000x128xf32, #tpu.memory_space<vmem>>) attributes {dimension_semantics = [#tpu.dimension_semantics<arbitrary>], iteration_bounds = array<i64: 10>, scalar_prefetch = 0 : i64, scratch_operands = 0 : i64, tpu.core_type = #tpu.core_type<tc>, window_params = [{transform_indices = @transform_0, window_bounds = array<i64: 1000, 128>}, {pipeline_mode = #tpu.pipeline_mode<synchronous>, transform_indices = @transform_1, window_bounds = array<i64: 128, 128>}, {pipeline_mode = #tpu.pipeline_mode<synchronous>, transform_indices = @transform_2, window_bounds = array<i64: 1, 128>}, {pipeline_mode = #tpu.pipeline_mode<synchronous>, transform_indices = @transform_3, window_bounds = array<i64: 128, 128>}, {transform_indices = @transform_4, window_bounds = array<i64: 1000, 1>}, {transform_indices = @transform_5, window_bounds = array<i64: 1000, 1>}, {transform_indices = @transform_6, window_bounds = array<i64: 1000, 128>}, {transform_indices = @transform_7, window_bounds = array<i64: 1000, 1>}, {transform_indices = @transform_8, window_bounds = array<i64: 1000, 128>}]} {
    %get3A = arith.constant 0 : index
    %get3A_0 = arith.constant 0 : index
    %get3A_1 = vector.load %arg1[%get3A, %get3A_0] : memref<1000x128xf32, #tpu.memory_space<vmem>>, vector<1000x128xf32>
    %get3A_2 = arith.constant 0 : index
    %get3A_3 = arith.constant 0 : index
    %get3A_4 = vector.load %arg2[%get3A_2, %get3A_3] : memref<128x128xf32, #tpu.memory_space<vmem>>, vector<128x128xf32>
    %dot_general3A = arith.constant dense<0.000000e+00> : vector<1000x128xf32>
    %dot_general3A_5 = tpu.matmul %get3A_1, %get3A_4, %dot_general3A {dimension_numbers = #tpu.dot_dimension_numbers<[1], [0], [0], [1], [0, 0, 1, 1], [], []>, transpose_lhs_hint = false} : vector<1000x128xf32>, vector<128x128xf32>, vector<1000x128xf32> -> vector<1000x128xf32>
    %get3A_6 = arith.constant 0 : index
    %get3A_7 = arith.constant 0 : index
    %get3A_8 = vector.load %arg3[%get3A_6, %get3A_7] : memref<1x128xf32, #tpu.memory_space<vmem>>, vector<1x128xf32>
    %add3A = vector.broadcast %get3A_8 : vector<1x128xf32> to vector<1000x128xf32>
    %add3A_9 = arith.addf %dot_general3A_5, %add3A : vector<1000x128xf32>
    %max3A = arith.constant 0.000000e+00 : f32
    %max3A_10 = vector.broadcast %max3A : f32 to vector<1000x128xf32>
    %max3A_11 = arith.maximumf %add3A_9, %max3A_10 : vector<1000x128xf32>
    %swap3A = arith.constant 0 : index
    %swap3A_12 = arith.constant 0 : index
    %swap3A_13 = vector.load %arg7[%swap3A, %swap3A_12] : memref<1000x128xf32, #tpu.memory_space<vmem>>, vector<1000x128xf32>
    tpu.vector_store %arg7[%swap3A, %swap3A_12], %max3A_11 {strides = array<i32>} : memref<1000x128xf32, #tpu.memory_space<vmem>>, vector<1000x128xf32>,
    %get3A_14 = arith.constant 0 : index
    %get3A_15 = arith.constant 0 : index
    %get3A_16 = vector.load %arg5[%get3A_14, %get3A_15] : memref<1000x1xf32, #tpu.memory_space<vmem>>, vector<1000x1xf32>
    %get3A_17 = arith.constant 0 : index
    %get3A_18 = arith.constant 0 : index
    %get3A_19 = vector.load %arg6[%get3A_17, %get3A_18] : memref<1000x1xf32, #tpu.memory_space<vmem>>, vector<1000x1xf32>
    %add3A_20 = arith.addf %get3A_16, %get3A_19 : vector<1000x1xf32>
    %add3A_21 = arith.constant 1.000000e+00 : f32
    %add3A_22 = vector.broadcast %add3A_21 : f32 to vector<1000x1xf32>
    %add3A_23 = arith.addf %add3A_20, %add3A_22 : vector<1000x1xf32>
    %rsqrt3A = math.rsqrt %add3A_23 : vector<1000x1xf32>
    %swap3A_24 = arith.constant 0 : index
    %swap3A_25 = arith.constant 0 : index
    %swap3A_26 = vector.load %arg8[%swap3A_24, %swap3A_25] : memref<1000x1xf32, #tpu.memory_space<vmem>>, vector<1000x1xf32>
    tpu.vector_store %arg8[%swap3A_24, %swap3A_25], %rsqrt3A {strides = array<i32>} : memref<1000x1xf32, #tpu.memory_space<vmem>>, vector<1000x1xf32>,
    %get3A_27 = arith.constant 0 : index
    %get3A_28 = arith.constant 0 : index
    %get3A_29 = vector.load %arg4[%get3A_27, %get3A_28] : memref<128x128xf32, #tpu.memory_space<vmem>>, vector<128x128xf32>
    %dot_general3A_30 = arith.constant dense<0.000000e+00> : vector<1000x128xf32>
    %dot_general3A_31 = tpu.matmul %max3A_11, %get3A_29, %dot_general3A_30 {dimension_numbers = #tpu.dot_dimension_numbers<[1], [0], [0], [1], [0, 0, 1, 1], [], []>, transpose_lhs_hint = false} : vector<1000x128xf32>, vector<128x128xf32>, vector<1000x128xf32> -> vector<1000x128xf32>
    %swap3A_32 = arith.constant 0 : index
    %swap3A_33 = arith.constant 0 : index
    %swap3A_34 = vector.load %arg9[%swap3A_32, %swap3A_33] : memref<1000x128xf32, #tpu.memory_space<vmem>>, vector<1000x128xf32>
    tpu.vector_store %arg9[%swap3A_32, %swap3A_33], %dot_general3A_31 {strides = array<i32>} : memref<1000x128xf32, #tpu.memory_space<vmem>>, vector<1000x128xf32>,
    return
  }
  func.func @transform_0(%arg0: i32) -> (i32, i32) {
    %c0_i32 = arith.constant 0 : i32
    %c0_i32_0 = arith.constant 0 : i32
    return %arg0, %c0_i32 : i32, i32
  }
  func.func @transform_1(%arg0: i32) -> (i32, i32) {
    %c0_i32 = arith.constant 0 : i32
    %c0_i32_0 = arith.constant 0 : i32
    %c0_i32_1 = arith.constant 0 : i32
    return %c0_i32, %c0_i32_0 : i32, i32
  }
  func.func @transform_2(%arg0: i32) -> (i32, i32) {
    %c0_i32 = arith.constant 0 : i32
    %c0_i32_0 = arith.constant 0 : i32
    %c0_i32_1 = arith.constant 0 : i32
    return %c0_i32, %c0_i32_0 : i32, i32
  }
  func.func @transform_3(%arg0: i32) -> (i32, i32) {
    %c0_i32 = arith.constant 0 : i32
    %c0_i32_0 = arith.constant 0 : i32
    %c0_i32_1 = arith.constant 0 : i32
    return %c0_i32, %c0_i32_0 : i32, i32
  }
  func.func @transform_4(%arg0: i32) -> (i32, i32) {
    %c0_i32 = arith.constant 0 : i32
    %c0_i32_0 = arith.constant 0 : i32
    return %arg0, %c0_i32 : i32, i32
  }
  func.func @transform_5(%arg0: i32) -> (i32, i32) {
    %c0_i32 = arith.constant 0 : i32
    %c0_i32_0 = arith.constant 0 : i32
    return %arg0, %c0_i32 : i32, i32
  }
  func.func @transform_6(%arg0: i32) -> (i32, i32) {
    %c0_i32 = arith.constant 0 : i32
    %c0_i32_0 = arith.constant 0 : i32
    return %arg0, %c0_i32 : i32, i32
  }
  func.func @transform_7(%arg0: i32) -> (i32, i32) {
    %c0_i32 = arith.constant 0 : i32
    %c0_i32_0 = arith.constant 0 : i32
    return %arg0, %c0_i32 : i32, i32
  }
  func.func @transform_8(%arg0: i32) -> (i32, i32) {
    %c0_i32 = arith.constant 0 : i32
    %c0_i32_0 = arith.constant 0 : i32
    return %arg0, %c0_i32 : i32, i32
  }
}

module attributes {stable_mosaic.version = 14 : i64} {
  func.func @_tc_mid_body(%arg0: i32, %arg1: memref<1000x128xf32, #tpu.memory_space<vmem>>, %arg2: memref<1000x128xf32, #tpu.memory_space<vmem>>, %arg3: memref<1000x1xf32, #tpu.memory_space<vmem>>, %arg4: memref<1x128xf32, #tpu.memory_space<vmem>>, %arg5: memref<128x128xf32, #tpu.memory_space<vmem>>, %arg6: memref<1x128xf32, #tpu.memory_space<vmem>>, %arg7: memref<1000x128xf32, #tpu.memory_space<vmem>>, %arg8: memref<2x128xf32, #tpu.memory_space<vmem>>, %arg9: memref<2x128xf32, #tpu.memory_space<vmem>>) attributes {dimension_semantics = [#tpu.dimension_semantics<arbitrary>], iteration_bounds = array<i64: 10>, scalar_prefetch = 0 : i64, scratch_operands = 1 : i64, tpu.core_type = #tpu.core_type<tc>, window_params = [{transform_indices = @transform_0, window_bounds = array<i64: 1000, 128>}, {transform_indices = @transform_1, window_bounds = array<i64: 1000, 128>}, {transform_indices = @transform_2, window_bounds = array<i64: 1000, 1>}, {pipeline_mode = #tpu.pipeline_mode<synchronous>, transform_indices = @transform_3, window_bounds = array<i64: 1, 128>}, {pipeline_mode = #tpu.pipeline_mode<synchronous>, transform_indices = @transform_4, window_bounds = array<i64: 128, 128>}, {pipeline_mode = #tpu.pipeline_mode<synchronous>, transform_indices = @transform_5, window_bounds = array<i64: 1, 128>}, {transform_indices = @transform_6, window_bounds = array<i64: 1000, 128>}, {pipeline_mode = #tpu.pipeline_mode<synchronous>, transform_indices = @transform_7, window_bounds = array<i64: 2, 128>}]} {
    %eq3A = arith.constant 0 : i32
    %eq3A_0 = arith.cmpi eq, %arg0, %eq3A : i32
    %convert_element_type3A = arith.extui %eq3A_0 : i1 to i32
    %cond3A = arith.constant 0 : i32
    %cond3A_1 = arith.cmpi ne, %convert_element_type3A, %cond3A : i32
    scf.if %cond3A_1 {
      %broadcast_in_dim3A_55 = arith.constant 0.000000e+00 : f32
      %broadcast_in_dim3A_56 = vector.broadcast %broadcast_in_dim3A_55 : f32 to vector<2x128xf32>
      %swap3A_57 = arith.constant 0 : index
      %swap3A_58 = arith.constant 0 : index
      %swap3A_59 = vector.load %arg9[%swap3A_57, %swap3A_58] : memref<2x128xf32, #tpu.memory_space<vmem>>, vector<2x128xf32>
      tpu.vector_store %arg9[%swap3A_57, %swap3A_58], %broadcast_in_dim3A_56 {strides = array<i32>} : memref<2x128xf32, #tpu.memory_space<vmem>>, vector<2x128xf32>,
    } else {
    }
    %get3A = arith.constant 0 : index
    %get3A_2 = arith.constant 0 : index
    %get3A_3 = vector.load %arg3[%get3A, %get3A_2] : memref<1000x1xf32, #tpu.memory_space<vmem>>, vector<1000x1xf32>
    %get3A_4 = arith.constant 0 : index
    %get3A_5 = arith.constant 0 : index
    %get3A_6 = vector.load %arg3[%get3A_4, %get3A_5] : memref<1000x1xf32, #tpu.memory_space<vmem>>, vector<1000x1xf32>
    %mul3A = arith.mulf %get3A_3, %get3A_6 : vector<1000x1xf32>
    %get3A_7 = arith.constant 0 : index
    %get3A_8 = arith.constant 0 : index
    %get3A_9 = vector.load %arg1[%get3A_7, %get3A_8] : memref<1000x128xf32, #tpu.memory_space<vmem>>, vector<1000x128xf32>
    %get3A_10 = arith.constant 0 : index
    %get3A_11 = arith.constant 0 : index
    %get3A_12 = vector.load %arg2[%get3A_10, %get3A_11] : memref<1000x128xf32, #tpu.memory_space<vmem>>, vector<1000x128xf32>
    %mul3A_13 = vector.broadcast %mul3A : vector<1000x1xf32> to vector<1000x128xf32>
    %mul3A_14 = arith.mulf %get3A_12, %mul3A_13 : vector<1000x128xf32>
    %add3A = arith.addf %get3A_9, %mul3A_14 : vector<1000x128xf32>
    %get3A_15 = arith.constant 0 : index
    %get3A_16 = arith.constant 0 : index
    %get3A_17 = vector.load %arg4[%get3A_15, %get3A_16] : memref<1x128xf32, #tpu.memory_space<vmem>>, vector<1x128xf32>
    %add3A_18 = vector.broadcast %get3A_17 : vector<1x128xf32> to vector<1000x128xf32>
    %add3A_19 = arith.addf %add3A, %add3A_18 : vector<1000x128xf32>
    %get3A_20 = arith.constant 0 : index
    %get3A_21 = arith.constant 0 : index
    %get3A_22 = vector.load %arg5[%get3A_20, %get3A_21] : memref<128x128xf32, #tpu.memory_space<vmem>>, vector<128x128xf32>
    %dot_general3A = arith.constant dense<0.000000e+00> : vector<1000x128xf32>
    %dot_general3A_23 = tpu.matmul %add3A_19, %get3A_22, %dot_general3A {dimension_numbers = #tpu.dot_dimension_numbers<[1], [0], [0], [1], [0, 0, 1, 1], [], []>, transpose_lhs_hint = false} : vector<1000x128xf32>, vector<128x128xf32>, vector<1000x128xf32> -> vector<1000x128xf32>
    %get3A_24 = arith.constant 0 : index
    %get3A_25 = arith.constant 0 : index
    %get3A_26 = vector.load %arg6[%get3A_24, %get3A_25] : memref<1x128xf32, #tpu.memory_space<vmem>>, vector<1x128xf32>
    %add3A_27 = vector.broadcast %get3A_26 : vector<1x128xf32> to vector<1000x128xf32>
    %add3A_28 = arith.addf %dot_general3A_23, %add3A_27 : vector<1000x128xf32>
    %swap3A = arith.constant 0 : index
    %swap3A_29 = arith.constant 0 : index
    %swap3A_30 = vector.load %arg7[%swap3A, %swap3A_29] : memref<1000x128xf32, #tpu.memory_space<vmem>>, vector<1000x128xf32>
    tpu.vector_store %arg7[%swap3A, %swap3A_29], %add3A_28 {strides = array<i32>} : memref<1000x128xf32, #tpu.memory_space<vmem>>, vector<1000x128xf32>,
    %get3A_31 = arith.constant 0 : index
    %get3A_32 = arith.constant 0 : index
    %get3A_33 = vector.load %arg9[%get3A_31, %get3A_32] : memref<2x128xf32, #tpu.memory_space<vmem>>, vector<1x128xf32>
    %reduce_sum3A = arith.constant dense<0.000000e+00> : vector<128xf32>
    %reduce_sum3A_34 = vector.multi_reduction <add>, %add3A_28, %reduce_sum3A [0] : vector<1000x128xf32> to vector<128xf32>
    %broadcast_in_dim3A = vector.shape_cast %reduce_sum3A_34 : vector<128xf32> to vector<1x128xf32>
    %add3A_35 = arith.addf %get3A_33, %broadcast_in_dim3A : vector<1x128xf32>
    %swap3A_36 = arith.constant 0 : index
    %swap3A_37 = arith.constant 0 : index
    %swap3A_38 = vector.load %arg9[%swap3A_36, %swap3A_37] : memref<2x128xf32, #tpu.memory_space<vmem>>, vector<1x128xf32>
    tpu.vector_store %arg9[%swap3A_36, %swap3A_37], %add3A_35 {strides = array<i32>} : memref<2x128xf32, #tpu.memory_space<vmem>>, vector<1x128xf32>,
    %get3A_39 = arith.constant 1 : index
    %get3A_40 = arith.constant 0 : index
    %get3A_41 = vector.load %arg9[%get3A_39, %get3A_40] : memref<2x128xf32, #tpu.memory_space<vmem>>, vector<1x128xf32>
    %mul3A_42 = arith.mulf %add3A_28, %add3A_28 : vector<1000x128xf32>
    %reduce_sum3A_43 = arith.constant dense<0.000000e+00> : vector<128xf32>
    %reduce_sum3A_44 = vector.multi_reduction <add>, %mul3A_42, %reduce_sum3A_43 [0] : vector<1000x128xf32> to vector<128xf32>
    %broadcast_in_dim3A_45 = vector.shape_cast %reduce_sum3A_44 : vector<128xf32> to vector<1x128xf32>
    %add3A_46 = arith.addf %get3A_41, %broadcast_in_dim3A_45 : vector<1x128xf32>
    %swap3A_47 = arith.constant 1 : index
    %swap3A_48 = arith.constant 0 : index
    %swap3A_49 = vector.load %arg9[%swap3A_47, %swap3A_48] : memref<2x128xf32, #tpu.memory_space<vmem>>, vector<1x128xf32>
    tpu.vector_store %arg9[%swap3A_47, %swap3A_48], %add3A_46 {strides = array<i32>} : memref<2x128xf32, #tpu.memory_space<vmem>>, vector<1x128xf32>,
    %eq3A_50 = arith.constant 9 : i32
    %eq3A_51 = arith.cmpi eq, %arg0, %eq3A_50 : i32
    %convert_element_type3A_52 = arith.extui %eq3A_51 : i1 to i32
    %cond3A_53 = arith.constant 0 : i32
    %cond3A_54 = arith.cmpi ne, %convert_element_type3A_52, %cond3A_53 : i32
    scf.if %cond3A_54 {
      %get3A_55 = arith.constant 0 : index
      %get3A_56 = arith.constant 0 : index
      %get3A_57 = vector.load %arg9[%get3A_55, %get3A_56] : memref<2x128xf32, #tpu.memory_space<vmem>>, vector<2x128xf32>
      %swap3A_58 = arith.constant 0 : index
      %swap3A_59 = arith.constant 0 : index
      %swap3A_60 = vector.load %arg8[%swap3A_58, %swap3A_59] : memref<2x128xf32, #tpu.memory_space<vmem>>, vector<2x128xf32>
      tpu.vector_store %arg8[%swap3A_58, %swap3A_59], %get3A_57 {strides = array<i32>} : memref<2x128xf32, #tpu.memory_space<vmem>>, vector<2x128xf32>,
    } else {
    }
    return
  }
  func.func @transform_0(%arg0: i32) -> (i32, i32) {
    %c0_i32 = arith.constant 0 : i32
    %c0_i32_0 = arith.constant 0 : i32
    return %arg0, %c0_i32 : i32, i32
  }
  func.func @transform_1(%arg0: i32) -> (i32, i32) {
    %c0_i32 = arith.constant 0 : i32
    %c0_i32_0 = arith.constant 0 : i32
    return %arg0, %c0_i32 : i32, i32
  }
  func.func @transform_2(%arg0: i32) -> (i32, i32) {
    %c0_i32 = arith.constant 0 : i32
    %c0_i32_0 = arith.constant 0 : i32
    return %arg0, %c0_i32 : i32, i32
  }
  func.func @transform_3(%arg0: i32) -> (i32, i32) {
    %c0_i32 = arith.constant 0 : i32
    %c0_i32_0 = arith.constant 0 : i32
    %c0_i32_1 = arith.constant 0 : i32
    return %c0_i32, %c0_i32_0 : i32, i32
  }
  func.func @transform_4(%arg0: i32) -> (i32, i32) {
    %c0_i32 = arith.constant 0 : i32
    %c0_i32_0 = arith.constant 0 : i32
    %c0_i32_1 = arith.constant 0 : i32
    return %c0_i32, %c0_i32_0 : i32, i32
  }
  func.func @transform_5(%arg0: i32) -> (i32, i32) {
    %c0_i32 = arith.constant 0 : i32
    %c0_i32_0 = arith.constant 0 : i32
    %c0_i32_1 = arith.constant 0 : i32
    return %c0_i32, %c0_i32_0 : i32, i32
  }
  func.func @transform_6(%arg0: i32) -> (i32, i32) {
    %c0_i32 = arith.constant 0 : i32
    %c0_i32_0 = arith.constant 0 : i32
    return %arg0, %c0_i32 : i32, i32
  }
  func.func @transform_7(%arg0: i32) -> (i32, i32) {
    %c0_i32 = arith.constant 0 : i32
    %c0_i32_0 = arith.constant 0 : i32
    %c0_i32_1 = arith.constant 0 : i32
    return %c0_i32, %c0_i32_0 : i32, i32
  }
}

module attributes {stable_mosaic.version = 14 : i64} {
  func.func @_tc_post_body(%arg0: i32, %arg1: memref<1000x128xf32, #tpu.memory_space<vmem>>, %arg2: memref<2x128xf32, #tpu.memory_space<vmem>>, %arg3: memref<1x128xf32, #tpu.memory_space<vmem>>, %arg4: memref<1x128xf32, #tpu.memory_space<vmem>>, %arg5: memref<1000x128xf32, #tpu.memory_space<vmem>>, %arg6: memref<1000x128xf32, #tpu.memory_space<vmem>>, %arg7: memref<128x128xf32, #tpu.memory_space<vmem>>, %arg8: memref<1000x1xf32, #tpu.memory_space<vmem>>, %arg9: memref<1000x128xf32, #tpu.memory_space<vmem>>, %arg10: memref<1000x128xf32, #tpu.memory_space<vmem>>) attributes {dimension_semantics = [#tpu.dimension_semantics<arbitrary>], iteration_bounds = array<i64: 10>, scalar_prefetch = 0 : i64, scratch_operands = 0 : i64, tpu.core_type = #tpu.core_type<tc>, window_params = [{transform_indices = @transform_0, window_bounds = array<i64: 1000, 128>}, {pipeline_mode = #tpu.pipeline_mode<synchronous>, transform_indices = @transform_1, window_bounds = array<i64: 2, 128>}, {pipeline_mode = #tpu.pipeline_mode<synchronous>, transform_indices = @transform_2, window_bounds = array<i64: 1, 128>}, {pipeline_mode = #tpu.pipeline_mode<synchronous>, transform_indices = @transform_3, window_bounds = array<i64: 1, 128>}, {transform_indices = @transform_4, window_bounds = array<i64: 1000, 128>}, {transform_indices = @transform_5, window_bounds = array<i64: 1000, 128>}, {pipeline_mode = #tpu.pipeline_mode<synchronous>, transform_indices = @transform_6, window_bounds = array<i64: 128, 128>}, {transform_indices = @transform_7, window_bounds = array<i64: 1000, 1>}, {transform_indices = @transform_8, window_bounds = array<i64: 1000, 128>}, {transform_indices = @transform_9, window_bounds = array<i64: 1000, 128>}]} {
    %get3A = arith.constant 0 : index
    %get3A_0 = arith.constant 0 : index
    %get3A_1 = vector.load %arg2[%get3A, %get3A_0] : memref<2x128xf32, #tpu.memory_space<vmem>>, vector<1x128xf32>
    %div3A = arith.constant 1.000000e+04 : f32
    %div3A_2 = vector.broadcast %div3A : f32 to vector<1x128xf32>
    %div3A_3 = arith.divf %get3A_1, %div3A_2 : vector<1x128xf32>
    %get3A_4 = arith.constant 1 : index
    %get3A_5 = arith.constant 0 : index
    %get3A_6 = vector.load %arg2[%get3A_4, %get3A_5] : memref<2x128xf32, #tpu.memory_space<vmem>>, vector<1x128xf32>
    %div3A_7 = arith.constant 1.000000e+04 : f32
    %div3A_8 = vector.broadcast %div3A_7 : f32 to vector<1x128xf32>
    %div3A_9 = arith.divf %get3A_6, %div3A_8 : vector<1x128xf32>
    %mul3A = arith.mulf %div3A_3, %div3A_3 : vector<1x128xf32>
    %sub3A = arith.subf %div3A_9, %mul3A : vector<1x128xf32>
    %get3A_10 = arith.constant 0 : index
    %get3A_11 = arith.constant 0 : index
    %get3A_12 = vector.load %arg3[%get3A_10, %get3A_11] : memref<1x128xf32, #tpu.memory_space<vmem>>, vector<1x128xf32>
    %add3A = arith.constant 9.99999974E-6 : f32
    %add3A_13 = vector.broadcast %add3A : f32 to vector<1x128xf32>
    %add3A_14 = arith.addf %sub3A, %add3A_13 : vector<1x128xf32>
    %rsqrt3A = math.rsqrt %add3A_14 : vector<1x128xf32>
    %mul3A_15 = arith.mulf %get3A_12, %rsqrt3A : vector<1x128xf32>
    %get3A_16 = arith.constant 0 : index
    %get3A_17 = arith.constant 0 : index
    %get3A_18 = vector.load %arg4[%get3A_16, %get3A_17] : memref<1x128xf32, #tpu.memory_space<vmem>>, vector<1x128xf32>
    %mul3A_19 = arith.mulf %div3A_3, %mul3A_15 : vector<1x128xf32>
    %sub3A_20 = arith.subf %get3A_18, %mul3A_19 : vector<1x128xf32>
    %get3A_21 = arith.constant 0 : index
    %get3A_22 = arith.constant 0 : index
    %get3A_23 = vector.load %arg1[%get3A_21, %get3A_22] : memref<1000x128xf32, #tpu.memory_space<vmem>>, vector<1000x128xf32>
    %mul3A_24 = vector.broadcast %mul3A_15 : vector<1x128xf32> to vector<1000x128xf32>
    %mul3A_25 = arith.mulf %get3A_23, %mul3A_24 : vector<1000x128xf32>
    %add3A_26 = vector.broadcast %sub3A_20 : vector<1x128xf32> to vector<1000x128xf32>
    %add3A_27 = arith.addf %mul3A_25, %add3A_26 : vector<1000x128xf32>
    %mul3A_28 = arith.constant 4.000000e-01 : f32
    %mul3A_29 = vector.broadcast %mul3A_28 : f32 to vector<1000x128xf32>
    %mul3A_30 = arith.mulf %mul3A_29, %add3A_27 : vector<1000x128xf32>
    %get3A_31 = arith.constant 0 : index
    %get3A_32 = arith.constant 0 : index
    %get3A_33 = vector.load %arg5[%get3A_31, %get3A_32] : memref<1000x128xf32, #tpu.memory_space<vmem>>, vector<1000x128xf32>
    %mul3A_34 = arith.constant 1.000000e-01 : f32
    %mul3A_35 = vector.broadcast %mul3A_34 : f32 to vector<1000x128xf32>
    %mul3A_36 = arith.mulf %mul3A_35, %get3A_33 : vector<1000x128xf32>
    %add3A_37 = arith.addf %mul3A_30, %mul3A_36 : vector<1000x128xf32>
    %get3A_38 = arith.constant 0 : index
    %get3A_39 = arith.constant 0 : index
    %get3A_40 = vector.load %arg6[%get3A_38, %get3A_39] : memref<1000x128xf32, #tpu.memory_space<vmem>>, vector<1000x128xf32>
    %mul3A_41 = arith.constant 5.000000e-01 : f32
    %mul3A_42 = vector.broadcast %mul3A_41 : f32 to vector<1000x128xf32>
    %mul3A_43 = arith.mulf %mul3A_42, %get3A_40 : vector<1000x128xf32>
    %add3A_44 = arith.addf %add3A_37, %mul3A_43 : vector<1000x128xf32>
    %max3A = arith.constant 0.000000e+00 : f32
    %max3A_45 = vector.broadcast %max3A : f32 to vector<1000x128xf32>
    %max3A_46 = arith.maximumf %add3A_44, %max3A_45 : vector<1000x128xf32>
    %swap3A = arith.constant 0 : index
    %swap3A_47 = arith.constant 0 : index
    %swap3A_48 = vector.load %arg9[%swap3A, %swap3A_47] : memref<1000x128xf32, #tpu.memory_space<vmem>>, vector<1000x128xf32>
    tpu.vector_store %arg9[%swap3A, %swap3A_47], %max3A_46 {strides = array<i32>} : memref<1000x128xf32, #tpu.memory_space<vmem>>, vector<1000x128xf32>,
    %get3A_49 = arith.constant 0 : index
    %get3A_50 = arith.constant 0 : index
    %get3A_51 = vector.load %arg7[%get3A_49, %get3A_50] : memref<128x128xf32, #tpu.memory_space<vmem>>, vector<128x128xf32>
    %dot_general3A = arith.constant dense<0.000000e+00> : vector<1000x128xf32>
    %dot_general3A_52 = tpu.matmul %max3A_46, %get3A_51, %dot_general3A {dimension_numbers = #tpu.dot_dimension_numbers<[1], [0], [0], [1], [0, 0, 1, 1], [], []>, transpose_lhs_hint = false} : vector<1000x128xf32>, vector<128x128xf32>, vector<1000x128xf32> -> vector<1000x128xf32>
    %swap3A_53 = arith.constant 0 : index
    %swap3A_54 = arith.constant 0 : index
    %swap3A_55 = vector.load %arg10[%swap3A_53, %swap3A_54] : memref<1000x128xf32, #tpu.memory_space<vmem>>, vector<1000x128xf32>
    tpu.vector_store %arg10[%swap3A_53, %swap3A_54], %dot_general3A_52 {strides = array<i32>} : memref<1000x128xf32, #tpu.memory_space<vmem>>, vector<1000x128xf32>,
    return
  }
  func.func @transform_0(%arg0: i32) -> (i32, i32) {
    %c0_i32 = arith.constant 0 : i32
    %c0_i32_0 = arith.constant 0 : i32
    return %arg0, %c0_i32 : i32, i32
  }
  func.func @transform_1(%arg0: i32) -> (i32, i32) {
    %c0_i32 = arith.constant 0 : i32
    %c0_i32_0 = arith.constant 0 : i32
    %c0_i32_1 = arith.constant 0 : i32
    return %c0_i32, %c0_i32_0 : i32, i32
  }
  func.func @transform_2(%arg0: i32) -> (i32, i32) {
    %c0_i32 = arith.constant 0 : i32
    %c0_i32_0 = arith.constant 0 : i32
    %c0_i32_1 = arith.constant 0 : i32
    return %c0_i32, %c0_i32_0 : i32, i32
  }
  func.func @transform_3(%arg0: i32) -> (i32, i32) {
    %c0_i32 = arith.constant 0 : i32
    %c0_i32_0 = arith.constant 0 : i32
    %c0_i32_1 = arith.constant 0 : i32
    return %c0_i32, %c0_i32_0 : i32, i32
  }
  func.func @transform_4(%arg0: i32) -> (i32, i32) {
    %c0_i32 = arith.constant 0 : i32
    %c0_i32_0 = arith.constant 0 : i32
    return %arg0, %c0_i32 : i32, i32
  }
  func.func @transform_5(%arg0: i32) -> (i32, i32) {
    %c0_i32 = arith.constant 0 : i32
    %c0_i32_0 = arith.constant 0 : i32
    return %arg0, %c0_i32 : i32, i32
  }
  func.func @transform_6(%arg0: i32) -> (i32, i32) {
    %c0_i32 = arith.constant 0 : i32
    %c0_i32_0 = arith.constant 0 : i32
    %c0_i32_1 = arith.constant 0 : i32
    return %c0_i32, %c0_i32_0 : i32, i32
  }
  func.func @transform_7(%arg0: i32) -> (i32, i32) {
    %c0_i32 = arith.constant 0 : i32
    %c0_i32_0 = arith.constant 0 : i32
    return %arg0, %c0_i32 : i32, i32
  }
  func.func @transform_8(%arg0: i32) -> (i32, i32) {
    %c0_i32 = arith.constant 0 : i32
    %c0_i32_0 = arith.constant 0 : i32
    return %arg0, %c0_i32 : i32, i32
  }
  func.func @transform_9(%arg0: i32) -> (i32, i32) {
    %c0_i32 = arith.constant 0 : i32
    %c0_i32_0 = arith.constant 0 : i32
    return %arg0, %c0_i32 : i32, i32
  }
}

module attributes {stable_mosaic.version = 14 : i64} {
  func.func @_tc_post_body(%arg0: i32, %arg1: memref<1000x128xf32, #tpu.memory_space<vmem>>, %arg2: memref<2x128xf32, #tpu.memory_space<vmem>>, %arg3: memref<1x128xf32, #tpu.memory_space<vmem>>, %arg4: memref<1x128xf32, #tpu.memory_space<vmem>>, %arg5: memref<1000x128xf32, #tpu.memory_space<vmem>>, %arg6: memref<1000x128xf32, #tpu.memory_space<vmem>>, %arg7: memref<128x128xf32, #tpu.memory_space<vmem>>, %arg8: memref<1000x1xf32, #tpu.memory_space<vmem>>, %arg9: memref<1000x128xf32, #tpu.memory_space<vmem>>, %arg10: memref<1000x128xf32, #tpu.memory_space<vmem>>) attributes {dimension_semantics = [#tpu.dimension_semantics<arbitrary>], iteration_bounds = array<i64: 10>, scalar_prefetch = 0 : i64, scratch_operands = 0 : i64, tpu.core_type = #tpu.core_type<tc>, window_params = [{transform_indices = @transform_0, window_bounds = array<i64: 1000, 128>}, {pipeline_mode = #tpu.pipeline_mode<synchronous>, transform_indices = @transform_1, window_bounds = array<i64: 2, 128>}, {pipeline_mode = #tpu.pipeline_mode<synchronous>, transform_indices = @transform_2, window_bounds = array<i64: 1, 128>}, {pipeline_mode = #tpu.pipeline_mode<synchronous>, transform_indices = @transform_3, window_bounds = array<i64: 1, 128>}, {transform_indices = @transform_4, window_bounds = array<i64: 1000, 128>}, {transform_indices = @transform_5, window_bounds = array<i64: 1000, 128>}, {pipeline_mode = #tpu.pipeline_mode<synchronous>, transform_indices = @transform_6, window_bounds = array<i64: 128, 128>}, {transform_indices = @transform_7, window_bounds = array<i64: 1000, 1>}, {transform_indices = @transform_8, window_bounds = array<i64: 1000, 128>}, {transform_indices = @transform_9, window_bounds = array<i64: 1000, 128>}]} {
    %get3A = arith.constant 0 : index
    %get3A_0 = arith.constant 0 : index
    %get3A_1 = vector.load %arg2[%get3A, %get3A_0] : memref<2x128xf32, #tpu.memory_space<vmem>>, vector<1x128xf32>
    %div3A = arith.constant 1.000000e+04 : f32
    %div3A_2 = vector.broadcast %div3A : f32 to vector<1x128xf32>
    %div3A_3 = arith.divf %get3A_1, %div3A_2 : vector<1x128xf32>
    %get3A_4 = arith.constant 1 : index
    %get3A_5 = arith.constant 0 : index
    %get3A_6 = vector.load %arg2[%get3A_4, %get3A_5] : memref<2x128xf32, #tpu.memory_space<vmem>>, vector<1x128xf32>
    %div3A_7 = arith.constant 1.000000e+04 : f32
    %div3A_8 = vector.broadcast %div3A_7 : f32 to vector<1x128xf32>
    %div3A_9 = arith.divf %get3A_6, %div3A_8 : vector<1x128xf32>
    %mul3A = arith.mulf %div3A_3, %div3A_3 : vector<1x128xf32>
    %sub3A = arith.subf %div3A_9, %mul3A : vector<1x128xf32>
    %get3A_10 = arith.constant 0 : index
    %get3A_11 = arith.constant 0 : index
    %get3A_12 = vector.load %arg3[%get3A_10, %get3A_11] : memref<1x128xf32, #tpu.memory_space<vmem>>, vector<1x128xf32>
    %add3A = arith.constant 9.99999974E-6 : f32
    %add3A_13 = vector.broadcast %add3A : f32 to vector<1x128xf32>
    %add3A_14 = arith.addf %sub3A, %add3A_13 : vector<1x128xf32>
    %rsqrt3A = math.rsqrt %add3A_14 : vector<1x128xf32>
    %mul3A_15 = arith.mulf %get3A_12, %rsqrt3A : vector<1x128xf32>
    %get3A_16 = arith.constant 0 : index
    %get3A_17 = arith.constant 0 : index
    %get3A_18 = vector.load %arg4[%get3A_16, %get3A_17] : memref<1x128xf32, #tpu.memory_space<vmem>>, vector<1x128xf32>
    %mul3A_19 = arith.mulf %div3A_3, %mul3A_15 : vector<1x128xf32>
    %sub3A_20 = arith.subf %get3A_18, %mul3A_19 : vector<1x128xf32>
    %get3A_21 = arith.constant 0 : index
    %get3A_22 = arith.constant 0 : index
    %get3A_23 = vector.load %arg1[%get3A_21, %get3A_22] : memref<1000x128xf32, #tpu.memory_space<vmem>>, vector<1000x128xf32>
    %mul3A_24 = vector.broadcast %mul3A_15 : vector<1x128xf32> to vector<1000x128xf32>
    %mul3A_25 = arith.mulf %get3A_23, %mul3A_24 : vector<1000x128xf32>
    %add3A_26 = vector.broadcast %sub3A_20 : vector<1x128xf32> to vector<1000x128xf32>
    %add3A_27 = arith.addf %mul3A_25, %add3A_26 : vector<1000x128xf32>
    %mul3A_28 = arith.constant 4.000000e-01 : f32
    %mul3A_29 = vector.broadcast %mul3A_28 : f32 to vector<1000x128xf32>
    %mul3A_30 = arith.mulf %mul3A_29, %add3A_27 : vector<1000x128xf32>
    %get3A_31 = arith.constant 0 : index
    %get3A_32 = arith.constant 0 : index
    %get3A_33 = vector.load %arg5[%get3A_31, %get3A_32] : memref<1000x128xf32, #tpu.memory_space<vmem>>, vector<1000x128xf32>
    %mul3A_34 = arith.constant 1.000000e-01 : f32
    %mul3A_35 = vector.broadcast %mul3A_34 : f32 to vector<1000x128xf32>
    %mul3A_36 = arith.mulf %mul3A_35, %get3A_33 : vector<1000x128xf32>
    %add3A_37 = arith.addf %mul3A_30, %mul3A_36 : vector<1000x128xf32>
    %get3A_38 = arith.constant 0 : index
    %get3A_39 = arith.constant 0 : index
    %get3A_40 = vector.load %arg6[%get3A_38, %get3A_39] : memref<1000x128xf32, #tpu.memory_space<vmem>>, vector<1000x128xf32>
    %mul3A_41 = arith.constant 5.000000e-01 : f32
    %mul3A_42 = vector.broadcast %mul3A_41 : f32 to vector<1000x128xf32>
    %mul3A_43 = arith.mulf %mul3A_42, %get3A_40 : vector<1000x128xf32>
    %add3A_44 = arith.addf %add3A_37, %mul3A_43 : vector<1000x128xf32>
    %max3A = arith.constant 0.000000e+00 : f32
    %max3A_45 = vector.broadcast %max3A : f32 to vector<1000x128xf32>
    %max3A_46 = arith.maximumf %add3A_44, %max3A_45 : vector<1000x128xf32>
    %swap3A = arith.constant 0 : index
    %swap3A_47 = arith.constant 0 : index
    %swap3A_48 = vector.load %arg9[%swap3A, %swap3A_47] : memref<1000x128xf32, #tpu.memory_space<vmem>>, vector<1000x128xf32>
    tpu.vector_store %arg9[%swap3A, %swap3A_47], %max3A_46 {strides = array<i32>} : memref<1000x128xf32, #tpu.memory_space<vmem>>, vector<1000x128xf32>,
    %get3A_49 = arith.constant 0 : index
    %get3A_50 = arith.constant 0 : index
    %get3A_51 = vector.load %arg7[%get3A_49, %get3A_50] : memref<128x128xf32, #tpu.memory_space<vmem>>, vector<128x128xf32>
    %dot_general3A = arith.constant dense<0.000000e+00> : vector<1000x128xf32>
    %dot_general3A_52 = tpu.matmul %max3A_46, %get3A_51, %dot_general3A {dimension_numbers = #tpu.dot_dimension_numbers<[1], [0], [0], [1], [0, 0, 1, 1], [], []>, transpose_lhs_hint = false} : vector<1000x128xf32>, vector<128x128xf32>, vector<1000x128xf32> -> vector<1000x128xf32>
    %swap3A_53 = arith.constant 0 : index
    %swap3A_54 = arith.constant 0 : index
    %swap3A_55 = vector.load %arg10[%swap3A_53, %swap3A_54] : memref<1000x128xf32, #tpu.memory_space<vmem>>, vector<1000x128xf32>
    tpu.vector_store %arg10[%swap3A_53, %swap3A_54], %dot_general3A_52 {strides = array<i32>} : memref<1000x128xf32, #tpu.memory_space<vmem>>, vector<1000x128xf32>,
    return
  }
  func.func @transform_0(%arg0: i32) -> (i32, i32) {
    %c0_i32 = arith.constant 0 : i32
    %c0_i32_0 = arith.constant 0 : i32
    return %arg0, %c0_i32 : i32, i32
  }
  func.func @transform_1(%arg0: i32) -> (i32, i32) {
    %c0_i32 = arith.constant 0 : i32
    %c0_i32_0 = arith.constant 0 : i32
    %c0_i32_1 = arith.constant 0 : i32
    return %c0_i32, %c0_i32_0 : i32, i32
  }
  func.func @transform_2(%arg0: i32) -> (i32, i32) {
    %c0_i32 = arith.constant 0 : i32
    %c0_i32_0 = arith.constant 0 : i32
    %c0_i32_1 = arith.constant 0 : i32
    return %c0_i32, %c0_i32_0 : i32, i32
  }
  func.func @transform_3(%arg0: i32) -> (i32, i32) {
    %c0_i32 = arith.constant 0 : i32
    %c0_i32_0 = arith.constant 0 : i32
    %c0_i32_1 = arith.constant 0 : i32
    return %c0_i32, %c0_i32_0 : i32, i32
  }
  func.func @transform_4(%arg0: i32) -> (i32, i32) {
    %c0_i32 = arith.constant 0 : i32
    %c0_i32_0 = arith.constant 0 : i32
    return %arg0, %c0_i32 : i32, i32
  }
  func.func @transform_5(%arg0: i32) -> (i32, i32) {
    %c0_i32 = arith.constant 0 : i32
    %c0_i32_0 = arith.constant 0 : i32
    return %arg0, %c0_i32 : i32, i32
  }
  func.func @transform_6(%arg0: i32) -> (i32, i32) {
    %c0_i32 = arith.constant 0 : i32
    %c0_i32_0 = arith.constant 0 : i32
    %c0_i32_1 = arith.constant 0 : i32
    return %c0_i32, %c0_i32_0 : i32, i32
  }
  func.func @transform_7(%arg0: i32) -> (i32, i32) {
    %c0_i32 = arith.constant 0 : i32
    %c0_i32_0 = arith.constant 0 : i32
    return %arg0, %c0_i32 : i32, i32
  }
  func.func @transform_8(%arg0: i32) -> (i32, i32) {
    %c0_i32 = arith.constant 0 : i32
    %c0_i32_0 = arith.constant 0 : i32
    return %arg0, %c0_i32 : i32, i32
  }
  func.func @transform_9(%arg0: i32) -> (i32, i32) {
    %c0_i32 = arith.constant 0 : i32
    %c0_i32_0 = arith.constant 0 : i32
    return %arg0, %c0_i32 : i32, i32
  }
}

module attributes {stable_mosaic.version = 14 : i64} {
  func.func @_tc_last_body(%arg0: i32, %arg1: memref<1000x128xf32, #tpu.memory_space<vmem>>, %arg2: memref<2x128xf32, #tpu.memory_space<vmem>>, %arg3: memref<1x128xf32, #tpu.memory_space<vmem>>, %arg4: memref<1x128xf32, #tpu.memory_space<vmem>>, %arg5: memref<1000x128xf32, #tpu.memory_space<vmem>>, %arg6: memref<1000x128xf32, #tpu.memory_space<vmem>>, %arg7: memref<128x64xf32, #tpu.memory_space<vmem>>, %arg8: memref<1x64xf32, #tpu.memory_space<vmem>>, %arg9: memref<64x2xf32, #tpu.memory_space<vmem>>, %arg10: memref<1x2xf32, #tpu.memory_space<vmem>>, %arg11: memref<1000x2xf32, #tpu.memory_space<vmem>>) attributes {dimension_semantics = [#tpu.dimension_semantics<arbitrary>], iteration_bounds = array<i64: 10>, scalar_prefetch = 0 : i64, scratch_operands = 0 : i64, tpu.core_type = #tpu.core_type<tc>, window_params = [{transform_indices = @transform_0, window_bounds = array<i64: 1000, 128>}, {pipeline_mode = #tpu.pipeline_mode<synchronous>, transform_indices = @transform_1, window_bounds = array<i64: 2, 128>}, {pipeline_mode = #tpu.pipeline_mode<synchronous>, transform_indices = @transform_2, window_bounds = array<i64: 1, 128>}, {pipeline_mode = #tpu.pipeline_mode<synchronous>, transform_indices = @transform_3, window_bounds = array<i64: 1, 128>}, {transform_indices = @transform_4, window_bounds = array<i64: 1000, 128>}, {transform_indices = @transform_5, window_bounds = array<i64: 1000, 128>}, {pipeline_mode = #tpu.pipeline_mode<synchronous>, transform_indices = @transform_6, window_bounds = array<i64: 128, 64>}, {pipeline_mode = #tpu.pipeline_mode<synchronous>, transform_indices = @transform_7, window_bounds = array<i64: 1, 64>}, {pipeline_mode = #tpu.pipeline_mode<synchronous>, transform_indices = @transform_8, window_bounds = array<i64: 64, 2>}, {pipeline_mode = #tpu.pipeline_mode<synchronous>, transform_indices = @transform_9, window_bounds = array<i64: 1, 2>}, {transform_indices = @transform_10, window_bounds = array<i64: 1000, 2>}]} {
    %get3A = arith.constant 0 : index
    %get3A_0 = arith.constant 0 : index
    %get3A_1 = vector.load %arg2[%get3A, %get3A_0] : memref<2x128xf32, #tpu.memory_space<vmem>>, vector<1x128xf32>
    %div3A = arith.constant 1.000000e+04 : f32
    %div3A_2 = vector.broadcast %div3A : f32 to vector<1x128xf32>
    %div3A_3 = arith.divf %get3A_1, %div3A_2 : vector<1x128xf32>
    %get3A_4 = arith.constant 1 : index
    %get3A_5 = arith.constant 0 : index
    %get3A_6 = vector.load %arg2[%get3A_4, %get3A_5] : memref<2x128xf32, #tpu.memory_space<vmem>>, vector<1x128xf32>
    %div3A_7 = arith.constant 1.000000e+04 : f32
    %div3A_8 = vector.broadcast %div3A_7 : f32 to vector<1x128xf32>
    %div3A_9 = arith.divf %get3A_6, %div3A_8 : vector<1x128xf32>
    %mul3A = arith.mulf %div3A_3, %div3A_3 : vector<1x128xf32>
    %sub3A = arith.subf %div3A_9, %mul3A : vector<1x128xf32>
    %get3A_10 = arith.constant 0 : index
    %get3A_11 = arith.constant 0 : index
    %get3A_12 = vector.load %arg3[%get3A_10, %get3A_11] : memref<1x128xf32, #tpu.memory_space<vmem>>, vector<1x128xf32>
    %add3A = arith.constant 9.99999974E-6 : f32
    %add3A_13 = vector.broadcast %add3A : f32 to vector<1x128xf32>
    %add3A_14 = arith.addf %sub3A, %add3A_13 : vector<1x128xf32>
    %rsqrt3A = math.rsqrt %add3A_14 : vector<1x128xf32>
    %mul3A_15 = arith.mulf %get3A_12, %rsqrt3A : vector<1x128xf32>
    %get3A_16 = arith.constant 0 : index
    %get3A_17 = arith.constant 0 : index
    %get3A_18 = vector.load %arg4[%get3A_16, %get3A_17] : memref<1x128xf32, #tpu.memory_space<vmem>>, vector<1x128xf32>
    %mul3A_19 = arith.mulf %div3A_3, %mul3A_15 : vector<1x128xf32>
    %sub3A_20 = arith.subf %get3A_18, %mul3A_19 : vector<1x128xf32>
    %get3A_21 = arith.constant 0 : index
    %get3A_22 = arith.constant 0 : index
    %get3A_23 = vector.load %arg1[%get3A_21, %get3A_22] : memref<1000x128xf32, #tpu.memory_space<vmem>>, vector<1000x128xf32>
    %mul3A_24 = vector.broadcast %mul3A_15 : vector<1x128xf32> to vector<1000x128xf32>
    %mul3A_25 = arith.mulf %get3A_23, %mul3A_24 : vector<1000x128xf32>
    %add3A_26 = vector.broadcast %sub3A_20 : vector<1x128xf32> to vector<1000x128xf32>
    %add3A_27 = arith.addf %mul3A_25, %add3A_26 : vector<1000x128xf32>
    %mul3A_28 = arith.constant 4.000000e-01 : f32
    %mul3A_29 = vector.broadcast %mul3A_28 : f32 to vector<1000x128xf32>
    %mul3A_30 = arith.mulf %mul3A_29, %add3A_27 : vector<1000x128xf32>
    %get3A_31 = arith.constant 0 : index
    %get3A_32 = arith.constant 0 : index
    %get3A_33 = vector.load %arg5[%get3A_31, %get3A_32] : memref<1000x128xf32, #tpu.memory_space<vmem>>, vector<1000x128xf32>
    %mul3A_34 = arith.constant 1.000000e-01 : f32
    %mul3A_35 = vector.broadcast %mul3A_34 : f32 to vector<1000x128xf32>
    %mul3A_36 = arith.mulf %mul3A_35, %get3A_33 : vector<1000x128xf32>
    %add3A_37 = arith.addf %mul3A_30, %mul3A_36 : vector<1000x128xf32>
    %get3A_38 = arith.constant 0 : index
    %get3A_39 = arith.constant 0 : index
    %get3A_40 = vector.load %arg6[%get3A_38, %get3A_39] : memref<1000x128xf32, #tpu.memory_space<vmem>>, vector<1000x128xf32>
    %mul3A_41 = arith.constant 5.000000e-01 : f32
    %mul3A_42 = vector.broadcast %mul3A_41 : f32 to vector<1000x128xf32>
    %mul3A_43 = arith.mulf %mul3A_42, %get3A_40 : vector<1000x128xf32>
    %add3A_44 = arith.addf %add3A_37, %mul3A_43 : vector<1000x128xf32>
    %max3A = arith.constant 0.000000e+00 : f32
    %max3A_45 = vector.broadcast %max3A : f32 to vector<1000x128xf32>
    %max3A_46 = arith.maximumf %add3A_44, %max3A_45 : vector<1000x128xf32>
    %get3A_47 = arith.constant 0 : index
    %get3A_48 = arith.constant 0 : index
    %get3A_49 = vector.load %arg7[%get3A_47, %get3A_48] : memref<128x64xf32, #tpu.memory_space<vmem>>, vector<128x64xf32>
    %dot_general3A = arith.constant dense<0.000000e+00> : vector<1000x64xf32>
    %dot_general3A_50 = tpu.matmul %max3A_46, %get3A_49, %dot_general3A {dimension_numbers = #tpu.dot_dimension_numbers<[1], [0], [0], [1], [0, 0, 1, 1], [], []>, transpose_lhs_hint = false} : vector<1000x128xf32>, vector<128x64xf32>, vector<1000x64xf32> -> vector<1000x64xf32>
    %get3A_51 = arith.constant 0 : index
    %get3A_52 = arith.constant 0 : index
    %get3A_53 = vector.load %arg8[%get3A_51, %get3A_52] : memref<1x64xf32, #tpu.memory_space<vmem>>, vector<1x64xf32>
    %add3A_54 = vector.broadcast %get3A_53 : vector<1x64xf32> to vector<1000x64xf32>
    %add3A_55 = arith.addf %dot_general3A_50, %add3A_54 : vector<1000x64xf32>
    %max3A_56 = arith.constant 0.000000e+00 : f32
    %max3A_57 = vector.broadcast %max3A_56 : f32 to vector<1000x64xf32>
    %max3A_58 = arith.maximumf %add3A_55, %max3A_57 : vector<1000x64xf32>
    %get3A_59 = arith.constant 0 : index
    %get3A_60 = arith.constant 0 : index
    %get3A_61 = vector.load %arg9[%get3A_59, %get3A_60] : memref<64x2xf32, #tpu.memory_space<vmem>>, vector<64x2xf32>
    %dot_general3A_62 = arith.constant dense<0.000000e+00> : vector<1000x2xf32>
    %dot_general3A_63 = tpu.matmul %max3A_58, %get3A_61, %dot_general3A_62 {dimension_numbers = #tpu.dot_dimension_numbers<[1], [0], [0], [1], [0, 0, 1, 1], [], []>, transpose_lhs_hint = false} : vector<1000x64xf32>, vector<64x2xf32>, vector<1000x2xf32> -> vector<1000x2xf32>
    %get3A_64 = arith.constant 0 : index
    %get3A_65 = arith.constant 0 : index
    %get3A_66 = vector.load %arg10[%get3A_64, %get3A_65] : memref<1x2xf32, #tpu.memory_space<vmem>>, vector<1x2xf32>
    %add3A_67 = vector.broadcast %get3A_66 : vector<1x2xf32> to vector<1000x2xf32>
    %add3A_68 = arith.addf %dot_general3A_63, %add3A_67 : vector<1000x2xf32>
    %swap3A = arith.constant 0 : index
    %swap3A_69 = arith.constant 0 : index
    %swap3A_70 = vector.load %arg11[%swap3A, %swap3A_69] : memref<1000x2xf32, #tpu.memory_space<vmem>>, vector<1000x2xf32>
    tpu.vector_store %arg11[%swap3A, %swap3A_69], %add3A_68 {strides = array<i32>} : memref<1000x2xf32, #tpu.memory_space<vmem>>, vector<1000x2xf32>,
    return
  }
  func.func @transform_0(%arg0: i32) -> (i32, i32) {
    %c0_i32 = arith.constant 0 : i32
    %c0_i32_0 = arith.constant 0 : i32
    return %arg0, %c0_i32 : i32, i32
  }
  func.func @transform_1(%arg0: i32) -> (i32, i32) {
    %c0_i32 = arith.constant 0 : i32
    %c0_i32_0 = arith.constant 0 : i32
    %c0_i32_1 = arith.constant 0 : i32
    return %c0_i32, %c0_i32_0 : i32, i32
  }
  func.func @transform_2(%arg0: i32) -> (i32, i32) {
    %c0_i32 = arith.constant 0 : i32
    %c0_i32_0 = arith.constant 0 : i32
    %c0_i32_1 = arith.constant 0 : i32
    return %c0_i32, %c0_i32_0 : i32, i32
  }
  func.func @transform_3(%arg0: i32) -> (i32, i32) {
    %c0_i32 = arith.constant 0 : i32
    %c0_i32_0 = arith.constant 0 : i32
    %c0_i32_1 = arith.constant 0 : i32
    return %c0_i32, %c0_i32_0 : i32, i32
  }
  func.func @transform_4(%arg0: i32) -> (i32, i32) {
    %c0_i32 = arith.constant 0 : i32
    %c0_i32_0 = arith.constant 0 : i32
    return %arg0, %c0_i32 : i32, i32
  }
  func.func @transform_5(%arg0: i32) -> (i32, i32) {
    %c0_i32 = arith.constant 0 : i32
    %c0_i32_0 = arith.constant 0 : i32
    return %arg0, %c0_i32 : i32, i32
  }
  func.func @transform_6(%arg0: i32) -> (i32, i32) {
    %c0_i32 = arith.constant 0 : i32
    %c0_i32_0 = arith.constant 0 : i32
    %c0_i32_1 = arith.constant 0 : i32
    return %c0_i32, %c0_i32_0 : i32, i32
  }
  func.func @transform_7(%arg0: i32) -> (i32, i32) {
    %c0_i32 = arith.constant 0 : i32
    %c0_i32_0 = arith.constant 0 : i32
    %c0_i32_1 = arith.constant 0 : i32
    return %c0_i32, %c0_i32_0 : i32, i32
  }
  func.func @transform_8(%arg0: i32) -> (i32, i32) {
    %c0_i32 = arith.constant 0 : i32
    %c0_i32_0 = arith.constant 0 : i32
    %c0_i32_1 = arith.constant 0 : i32
    return %c0_i32, %c0_i32_0 : i32, i32
  }
  func.func @transform_9(%arg0: i32) -> (i32, i32) {
    %c0_i32 = arith.constant 0 : i32
    %c0_i32_0 = arith.constant 0 : i32
    %c0_i32_1 = arith.constant 0 : i32
    return %c0_i32, %c0_i32_0 : i32, i32
  }
  func.func @transform_10(%arg0: i32) -> (i32, i32) {
    %c0_i32 = arith.constant 0 : i32
    %c0_i32_0 = arith.constant 0 : i32
    return %arg0, %c0_i32 : i32, i32
  }
}

</mosaic_0001>

<sc_bundles>
// kernel: kernel.17.cloned.1.call-start
scs
__scs_entry_jumppad:
0x0: {  	(pc) =	sbr.rel $0x88, $3  }
0x1: {  	(tag) =	ssettag $0x0;
	lr =	simm.s32 $0x1  }
0x2: {  	[smem:$0x3F93] =	sst lr;
	_ =	strace $0xD0000000  }
0x3: {  	_ = 	snop  }
0x4: {  	_ = 	snop  }
0x5: {  	_ = 	snop  }
0x6: {  	_ = 	snop  }
0x7: {  	_ = 	snop  }
__scs_overlays_trampoline_lowered:
0x8: {  	[smem:$0x3FA2] =	sst s0  }
0x9: {  	[smem:$0x3FA3] =	sst s1  }
0xa: {  	[smem:$0x3FA4] =	sst s2  }
0xb: {  	[smem:$0x3FA5] =	sst s3  }
0xc: {  	[smem:$0x3FA6] =	sst s4  }
0xd: {  	[smem:$0x3FA7] =	sst s5  }
0xe: {  	[smem:$0x3FA8] =	sst s6  }
0xf: {  	[smem:$0x3FA9] =	sst s7  }
0x10: {  	[smem:$0x3FAA] =	sst s8  }
0x11: {  	[smem:$0x3FAB] =	sst s9;
	s0 =	simm.s32 @!p0 $0x0  }
0x12: {  	s1 =	sld [smem:$0x3F91];
	s0 =	simm.s32 @p0 $0x1  }
0x13: {  	[smem:$0x3FAC] =	sst s0;
	s0 =	simm.s32 @!p1 $0x0  }
0x14: {  	s2 =	sld [smem:$0x3F90];
	s0 =	simm.s32 @p1 $0x1  }
0x15: {  	[smem:$0x3FAD] =	sst s0;
	s0 =	simm.s32 @!p2 $0x0  }
0x16: {  	s3 =	sld [smem:$0x3FDB];
	s0 =	simm.s32 @p2 $0x1  }
0x17: {  	s4 =	simm.s32 $0x1BF5;
	[smem:$0x3FAF] =	sst s0  }
0x18: {  	s0 =	sld [smem:$0x3F92];
	_ =	swait.ge [sflag:s4], $0x0  }
0x19: {  	s7 =	sld [smem:$0x3F93]  }
0x1a: {  	s8 =	sadd.s32 $0xFFFFE003, lr  }
0x1b: {  	s9 =	sadd.s32 $0xFFFFFEF7, lr;
	s5 =	simm.s32 $0xFFFFFFFF;
	p2 =	slt.u32 s8, $0xFFFFF086  }
0x1c: {  	p1 =	slt.u32 s9, $0xF7A;
	s5 =	simm.s32 @!p2 $0x0  }
0x1d: {  	s5 =	simm.s32 @p1 $0x1;
	p0 =	seq.s32 s7, s2  }
0x1e: {  	s7 =	smul.u32 @!p0 $0xF7A, s2;
	p2 =	seq.s32 @!p0 s5, $0x0  }
0x1f: {  	s9 =	smul.u32 $0xF7A, s1;
	s8 =	simm.s32 @!p0 $0x1BF5;
	p2 =	por !p2, p0  }
0x20: {  	[sflag:s8] =	ssyncset.s32 @!p0 $0xFFFFF086;
	s6 =	sadd.s32 @!p0 s3, s7;
	s7 =	simm.s32 @!p0 $0x108  }
0x21: {  	s3 =	sadd.s32 s3, s9;
	s6 =	sadd.s32 @!p0 $0x88, s6;
	s7 =	simm.s32 @p2 $0x1082  }
0x22: {  	[simem:s7], [sflag:s8] =	dma.local @!p0 [hbm:s6], $0xF7A  }
0x23: {  	s9 =	sor.u32 $0xD0000000, s2;
	s6 =	simm.s32 $0x108;
	_ =	swait.ge @!p0 [sflag:s8], $0x0  }
0x24: {  	s3 =	sadd.s32 $0x88, s3;
	s6 =	simm.s32 @!p1 $0x1082;
	[sflag:s4] =	ssyncset.s32 $0xFFFFF086  }
0x25: {  	[simem:s6], [sflag:s4] =	dma.local [hbm:s3], $0xF7A  }
0x26: {  	[smem:$0x3F93] =	sst s1;
	(tag) =	ssettag s2;
	_ =	strace s9  }
0x27: {  	s1 =	sld [smem:$0x3FA3]  }
0x28: {  	s2 =	sld [smem:$0x3FA4]  }
0x29: {  	s4 =	sld [smem:$0x3FA6]  }
0x2a: {  	p0 =	seq.s32 s5, $0x0;
	s5 =	sld [smem:$0x3FA7]  }
0x2b: {  	s6 =	sld [smem:$0x3FA8]  }
0x2c: {  	s7 =	sld [smem:$0x3FA9]  }
0x2d: {  	s3 =	simm.s32 $0x108;
	s8 =	sld [smem:$0x3FAA]  }
0x2e: {  	s3 =	simm.s32 @!p0 $0x1082;
	s9 =	sld [smem:$0x3FAB]  }
0x2f: {  	lr =	sadd.s32 s0, s3;
	s0 =	sld [smem:$0x3FA2]  }
0x30: {  	s3 =	sld [smem:$0x3FA5]  }
0x31: {  	[smem:$0x3FAE] =	sst s10  }
0x32: {  	s10 =	sld [smem:$0x3FAC];
	_ =	sdelay $0x3  }
0x33: {  	p0 =	seq.s32 s10, $0x1;
	s10 =	sld [smem:$0x3FAE];
	_ =	sdelay $0x3  }
0x34: {  	[smem:$0x3FAE] =	sst s10  }
0x35: {  	s10 =	sld [smem:$0x3FAD];
	_ =	sdelay $0x3  }
0x36: {  	p1 =	seq.s32 s10, $0x1;
	s10 =	sld [smem:$0x3FAE];
	_ =	sdelay $0x3  }
0x37: {  	[smem:$0x3FAE] =	sst s10  }
0x38: {  	s10 =	sld [smem:$0x3FAF]  }
0x39: {  	_ = 	snop;
	(pc) =	sbr.ind lr, $3  }
0x3a: {  	_ = 	snop  }
0x3b: {  	_ = 	snop  }
0x3c: {  	p2 =	seq.s32 s10, $0x1;
	s10 =	sld [smem:$0x3FAE]  }
0x3d: {  	_ =	shalt  }
0x3e: {  	_ =	shalt  }
0x3f: {  	_ =	shalt  }
0x40: {  	_ =	shalt  }
0x41: {  	_ =	shalt  }
0x42: {  	_ =	shalt  }
0x43: {  	_ =	shalt  }
0x44: {  	_ =	shalt  }
0x45: {  	_ =	shalt  }
0x46: {  	_ =	shalt  }
0x47: {  	_ =	shalt  }
0x48: {  	_ =	shalt  }
0x49: {  	_ =	shalt  }
0x4a: {  	_ =	shalt  }
0x4b: {  	_ =	shalt  }
0x4c: {  	_ =	shalt  }
0x4d: {  	_ =	shalt  }
0x4e: {  	_ =	shalt  }
0x4f: {  	_ =	shalt  }
0x50: {  	_ =	shalt  }
0x51: {  	_ =	shalt  }
0x52: {  	_ =	shalt  }
0x53: {  	_ =	shalt  }
0x54: {  	_ =	shalt  }
0x55: {  	_ =	shalt  }
0x56: {  	_ =	shalt  }
0x57: {  	_ =	shalt  }
0x58: {  	_ =	shalt  }
0x59: {  	_ =	shalt  }
0x5a: {  	_ =	shalt  }
0x5b: {  	_ =	shalt  }
0x5c: {  	_ =	shalt  }
0x5d: {  	_ =	shalt  }
0x5e: {  	_ =	shalt  }
0x5f: {  	_ =	shalt  }
0x60: {  	_ =	shalt  }
0x61: {  	_ =	shalt  }
0x62: {  	_ =	shalt  }
0x63: {  	_ =	shalt  }
0x64: {  	_ =	shalt  }
0x65: {  	_ =	shalt  }
0x66: {  	_ =	shalt  }
0x67: {  	_ =	shalt  }
0x68: {  	_ =	shalt  }
0x69: {  	_ =	shalt  }
0x6a: {  	_ =	shalt  }
0x6b: {  	_ =	shalt  }
0x6c: {  	_ =	shalt  }
0x6d: {  	_ =	shalt  }
0x6e: {  	_ =	shalt  }
0x6f: {  	_ =	shalt  }
0x70: {  	_ =	shalt  }
0x71: {  	_ =	shalt  }
0x72: {  	_ =	shalt  }
0x73: {  	_ =	shalt  }
0x74: {  	_ =	shalt  }
0x75: {  	_ =	shalt  }
0x76: {  	_ =	shalt  }
0x77: {  	_ =	shalt  }
0x78: {  	_ =	shalt  }
0x79: {  	_ =	shalt  }
0x7a: {  	_ =	shalt  }
0x7b: {  	_ =	shalt  }
0x7c: {  	_ =	shalt  }
0x7d: {  	_ =	shalt  }
0x7e: {  	_ =	shalt  }
0x7f: {  	_ =	shalt  }
0x80: {  	_ =	shalt  }
0x81: {  	_ =	shalt  }
0x82: {  	_ =	shalt  }
0x83: {  	_ =	shalt  }
0x84: {  	_ =	shalt  }
0x85: {  	_ =	shalt  }
0x86: {  	_ =	shalt  }
0x87: {  	_ =	shalt  }
.Lfunc_end0:
.L_simem_size_0:
called_computation_lowered:
.L_overlay_start_0:
0x88: {  	s2 =	sld [smem:$0x3FD9]  }
0x89: {  	s3 =	sld [smem:$0x3FFE];
	_ =	sdelay $0x1  }
0x8a: {  	s1 =	srdreg.scid  }
0x8b: {  	s0 =	sand.u32 $0x1, s1  }
0x8c: {  	s16 =	sshll.u32 s0, $0xA;
	s2 =	sadd.s32 s3, s2  }
0x8d: {  	s2 =	sadd.s32 s2, s16  }
0x8e: {  	[smem:$0x3FBA] =	sst s2  }
0x8f: {  	_ = 	snop  }
0x90: {  	(tm) =	ssettm $0x1  }
0x91: {  	s17 =	sld [smem:$0x3FFB];
	_ =	sdelay $0x3  }
0x92: {  	_ =	strace s17  }
0x93: {  	s2 =	sld [smem:$0x3FFC];
	_ =	sdelay $0x3  }
0x94: {  	_ =	strace s2  }
0x95: {  	s2 =	sld [smem:$0x3FFD];
	_ =	sdelay $0x3  }
0x96: {  	_ =	strace s2  }
0x97: {  	_ =	strace $0x8FFFFFFF  }
0x98: {  	s18 =	sld [smem:$0x3FDB];
	_ =	sdelay $0x1  }
0x99: {  	s19 =	simm.s32 $_scs_section_size  }
0x9a: {  	s4 =	simm.s32 $_size__tile_overlayer_lowered;
	s5 =	simm.s32 $_tile_overlayer_lowered  }
0x9b: {  	s22 =	simm.s32 $0x1BFF;
	s21 =	sshll.u32 s5, $0x1;
	s2 =	sadd.s32 s19, s18  }
0x9c: {  	s6 =	simm.s32 $0x0;
	s20 =	sshll.u32 s4, $0x1;
	s4 =	sadd.s32 s21, s2  }
0x9d: {  	[timem:s6], [sflag:s22] =	dma.local [hbm:s4], s20  }
0x9e: {  	_ =	swait.ge [sflag:s22], s20  }
0x9f: {  	s3 =	ssub.s32 $0x0, s20;
	[sflag:s22] =	ssyncset.done $0x0  }
0xa0: {  	[sflag:s22] =	ssyncadd.s32 s3;
	_ =	sdelay $0x1  }
0xa1: {  	s23 =	simm.s32 $0x1B8B  }
0xa2: {  	_ =	swait.ge [sflag:s23], $0x1  }
0xa3: {  	[sflag:s23] =	ssyncset.done $0x0  }
0xa4: {  	s25 =	simm.s32 $0x1B8E;
	s24 =	sld [smem:$0x3FFE];
	[sflag:s23] =	ssyncadd.s32 $0xFFFFFFFF  }
0xa5: {  	s26 =	simm.s32 $execute0_lowered;
	[smem:$0x3FD2] =	sst s25  }
0xa6: {  	s4 =	sshll.u32 s26, $0x1;
	_ =	strace $0x80000046;
	[dreg:$0x1] =	wrdreg $0xFFFFFFFF  }
0xa7: {  	s28 =	simm.s32 $_size_execute0_lowered;
	s2 =	sadd.s32 s2, s4;
	[dreg:$0x0] =	wrdreg $0x0  }
0xa8: {  	s4 =	sshll.u32 s28, $0x1;
	[dreg:$0x2] =	wrdreg s2  }
0xa9: {  	[dreg:$0x3] =	wrdreg s4  }
0xaa: {  	[dreg:$0x4] =	wrdreg $0xC0  }
0xab: {  	_ =	task [dreg:s6], $0x5FFFF  }
0xac: {  	[dreg:$0x1] =	wrdreg $0xFFFFFFFF  }
0xad: {  	[dreg:$0x0] =	wrdreg $0x60  }
0xae: {  	[dreg:$0x2] =	wrdreg s24  }
0xaf: {  	[dreg:$0x3] =	wrdreg $0x0  }
0xb0: {  	[dreg:$0x4] =	wrdreg $0x9  }
0xb1: {  	_ =	task.clear_ibuf [dreg:s6], $0x5FFFF;
	_ =	strace $0x90000046  }
0xb2: {  	s29 =	simm.s32 $0x9;
	_ =	strace $0x80000048  }
0xb3: {  	_ =	swait.ge [sflag:s29], $0x1  }
0xb4: {  	[sflag:s29] =	ssyncadd.s32 $0xFFFFFFFF  }
0xb5: {  	_ =	strace $0x90000048  }
0xb6: {  	_ =	sfence  }
0xb7: {  	s30 =	sld [smem:$0x0];
	_ =	sdelay $0x2  }
0xb8: {  	s31 =	sshll.u32 s1, $0xD;
	s1 =	sshrl.u32 s1, $0x2  }
0xb9: {  	s3 =	sand.u32 $0x4000, s31;
	s1 =	sadd.s32 s1, s30  }
0xba: {  	s0 =	sor.u32 s3, s0;
	s1 =	sshll.u32 s1, $0x11  }
0xbb: {  	s0 =	sor.u32 s1, s0  }
0xbc: {  	s0 =	sadd.s32 $0x8F2B, s0  }
0xbd: {  	[sflag:s0] =	ssyncadd.remote.s32 $0x1  }
0xbe: {  	_ =	sfence.sel $0xFFFF  }
0xbf: {  	[dreg:$0x0] =	wrdreg $0xFFFFFFFF;
	(pc) =	sbr.abs _section_cstart, $3  }
0xc0: {  	[dreg:$0x1] =	wrdreg $0xFFFFFFFF  }
0xc1: {  	_ =	task.clear_ibuf [dreg:s6], $0x2FFFF;
	_ =	strace $0x9FFFFFFF  }
0xc2: {  	(tm) =	ssettm $0x7FFFFFFF  }
0xc3: {  	_ =	shalt  }
tec
execute0_lowered:
.L_overlay_start_1:
0x0: {  	(tag) =	ssettag $0x1  }
0x1: {  	s4 =	rddreg [dreg:$0x0]  }
0x2: {  	s1 =	rddreg [dreg:$0x1]  }
0x3: {  	s2 =	srdreg.scid;
	s0 =	rddreg [dreg:$0x2]  }
0x4: {  	s3 =	simm.s32 $0x0;
	s11 =	simm.s32 $0x80;
	s12 =	simm.s32 $0x300  }
0x5: {  	s15 =	simm.s32 $0x20;
	s16 =	simm.s32 $0x10;
	s5 =	sand.u32 $0x1, s2  }
0x6: {  	s17 =	simm.s32 $0x0;
	s2 =	stileid.u32;
	s6 =	smul.u32 $0x5000, s5  }
0x7: {  	[smem:$0x7FF] =	sst s3;
	s7 =	smul.u32 $0x500, s2;
	s8 =	sshll.u32 s5, $0x7  }
0x8: {  	s9 =	smul.u32 $0xA00, s2;
	s5 =	ssub.s32 $0x2, s5;
	s13 =	sshll.u32 s2, $0x6  }
0x9: {  	_ =	strace $0x80000047;
	s31 =	sshrl.u32 s5, $0x1;
	s13 =	sor.u32 $0x1C01, s13  }
0xa: {  	s10 =	sadd.s32 s6, s4;
	s30 =	sor.u32 s8, s7;
	s9 =	sshrl.u32 s9, $0x2  }
0xb: {  	s8 =	ssub.s32 s5, s31;
	s6 =	sshrl.u32 s30, $0x3;
	s7 =	sadd.s32 s7, s10  }
0xc: {  	s10 =	simm.s32 $0x280;
	s6 =	sadd.s32 s6, s4;
	s4 =	sadd.s32 s9, s1  }
0xd: {  	s7 =	sadd.s32 $0x1C000, s7;
	s9 =	simm.s32 $0x1;
	s5 =	sadd.s32 $0x26000, s6  }
0xe: {  	v0 =	vimm.f32 $0.0e+00;
	v1 =	vimm.f32 $1.000000000e+00;
	s6 =	smax.u32 s8, $0x1;
	s8 =	simm.s32 $0x380;
	s14 =	sshrl.u32 s4, $0x3  }
.LBB2_1:
0xf: {  	[tilespmem:$0x380] =	vst v0  }
0x10: {  	[tilespmem:$0x390] =	vst v0  }
0x11: {  	[tilespmem:$0x3A0] =	vst v0  }
0x12: {  	[tilespmem:$0x3B0] =	vst v0  }
0x13: {  	[tilespmem:$0x3C0] =	vst v0  }
0x14: {  	[tilespmem:$0x3D0] =	vst v0  }
0x15: {  	[tilespmem:$0x3E0] =	vst v0  }
0x16: {  	[tilespmem:$0x3F0] =	vst v0  }
0x17: {  	[tilespmem:$0x400] =	vst v0  }
0x18: {  	[tilespmem:$0x410] =	vst v0  }
0x19: {  	[tilespmem:$0x420] =	vst v0  }
0x1a: {  	[tilespmem:$0x430] =	vst v0  }
0x1b: {  	[tilespmem:$0x440] =	vst v0  }
0x1c: {  	[tilespmem:$0x450] =	vst v0  }
0x1d: {  	[tilespmem:$0x460] =	vst v0  }
0x1e: {  	[tilespmem:$0x470] =	vst v0  }
0x1f: {  	[tilespmem:$0x480] =	vst v0  }
0x20: {  	[tilespmem:$0x490] =	vst v0  }
0x21: {  	[tilespmem:$0x4A0] =	vst v0  }
0x22: {  	[tilespmem:$0x4B0] =	vst v0  }
0x23: {  	[tilespmem:$0x4C0] =	vst v0  }
0x24: {  	[tilespmem:$0x4D0] =	vst v0  }
0x25: {  	[tilespmem:$0x4E0] =	vst v0  }
0x26: {  	[tilespmem:$0x4F0] =	vst v0  }
0x27: {  	[tilespmem:$0x500] =	vst v0  }
0x28: {  	[tilespmem:$0x510] =	vst v0  }
0x29: {  	[tilespmem:$0x520] =	vst v0  }
0x2a: {  	[tilespmem:$0x530] =	vst v0  }
0x2b: {  	[tilespmem:$0x540] =	vst v0  }
0x2c: {  	[tilespmem:$0x550] =	vst v0  }
0x2d: {  	[tilespmem:$0x560] =	vst v0  }
0x2e: {  	[tilespmem:$0x570] =	vst v0  }
0x2f: {  	[tilespmem:$0x580] =	vst v0  }
0x30: {  	[tilespmem:$0x590] =	vst v0  }
0x31: {  	[tilespmem:$0x5A0] =	vst v0  }
0x32: {  	[tilespmem:$0x5B0] =	vst v0  }
0x33: {  	[tilespmem:$0x5C0] =	vst v0  }
0x34: {  	[tilespmem:$0x5D0] =	vst v0  }
0x35: {  	[tilespmem:$0x5E0] =	vst v0  }
0x36: {  	[tilespmem:$0x5F0] =	vst v0  }
0x37: {  	[tilespmem:$0x300] =	vst v1  }
0x38: {  	[tilespmem:$0x310] =	vst v1  }
0x39: {  	[tilespmem:$0x320] =	vst v1  }
0x3a: {  	[tilespmem:$0x330] =	vst v1  }
0x3b: {  	[tilespmem:$0x340] =	vst v1  }
0x3c: {  	[tilespmem:$0x350] =	vst v1  }
0x3d: {  	[tilespmem:$0x360] =	vst v1  }
0x3e: {  	[tilespmem:$0x370] =	vst v1  }
0x3f: {  	[spmem:s4] =	stream.linear.scatter [tilespmem:s8], [sflag:$0x1], $0x280, $0x38;
	[tilespmem:$0x600] =	vst v63  }
0x40: {  	_ =	swait.ge [sflag:s9], $0x280  }
0x41: {  	[sflag:s9] =	ssyncset.done $0x0  }
0x42: {  	[sflag:s9] =	ssyncadd.s32 $0xFFFFFD80  }
0x43: {  	s18 =	sadd.s32 $0x0, s7;
	[bflag:$0x0] =	sbarrier.arrive $0xFFFF  }
0x44: {  	[tilespmem:s10], [sflag:$0x1] =	stream.linear.gather [hbm4b:s18+s3], $0x80, $0x38;
	[tilespmem:$0x600] =	vst v63  }
0x45: {  	_ =	swait.ge [sflag:s9], $0x80  }
0x46: {  	[sflag:s9] =	ssyncset.done $0x0  }
0x47: {  	[sflag:s9] =	ssyncadd.s32 $0xFFFFFF80  }
0x48: {  	[spmem:s1] =	stream.indirect.scatter.add.f32 [tilespmem:s12], [sflag:$0x1], $0x1, s10, s11, $0xb8;
	[tilespmem:$0x600] =	vst v63  }
0x49: {  	_ =	swait.ge [sflag:s9], $0x80  }
0x4a: {  	s19 =	simm.s32 $0x20;
	s18 =	simm.s32 $0x10;
	[sflag:s9] =	ssyncset.done $0x0  }
.LBB2_2:
0x4b: {  	s20 =	sadd.s32 s18, s7  }
0x4c: {  	[sflag:s9] =	ssyncadd.s32 $0xFFFFFF80;
	s18 =	smov.u32 s19;
	s21 =	sadd.s32 $0x10, s19  }
0x4d: {  	[tilespmem:s10], [sflag:$0x1] =	stream.linear.gather [hbm4b:s20+s3], $0x80, $0x38;
	[tilespmem:$0x600] =	vst v63  }
0x4e: {  	p0 =	sne.s32 s19, $0x4F0;
	_ =	swait.ge [sflag:s9], $0x80  }
.Ltmp0:
0x4f: {  	[sflag:s9] =	ssyncset.done $0x0;
	(pc) =	sbr.rel @p0 .LBB2_2-.Ltmp0, $4  }
0x50: {  	[sflag:s9] =	ssyncadd.s32 $0xFFFFFF80  }
0x51: {  	[spmem:s1] =	stream.indirect.scatter.add.f32 [tilespmem:s12], [sflag:$0x1], $0x1, s10, s11, $0xb8;
	[tilespmem:$0x600] =	vst v63  }
0x52: {  	_ =	swait.ge [sflag:s9], $0x80  }
0x53: {  	s19 =	smov.u32 s21;
	[sflag:s9] =	ssyncset.done $0x0  }
0x54: {  	s18 =	sadd.s32 s18, s7;
	[sflag:s9] =	ssyncadd.s32 $0xFFFFFF80  }
0x55: {  	[tilespmem:s10], [sflag:$0x1] =	stream.linear.gather [hbm4b:s18+s3], $0x80, $0x38;
	[tilespmem:$0x600] =	vst v63  }
0x56: {  	_ =	swait.ge [sflag:s9], $0x80  }
0x57: {  	[sflag:s9] =	ssyncset.done $0x0  }
0x58: {  	[sflag:s9] =	ssyncadd.s32 $0xFFFFFF80  }
0x59: {  	[spmem:s1] =	stream.indirect.scatter.add.f32 [tilespmem:s12], [sflag:$0x1], $0x1, s10, s11, $0xb8;
	[tilespmem:$0x600] =	vst v63  }
0x5a: {  	_ =	swait.ge [sflag:s9], $0x80  }
0x5b: {  	s17 =	sadd.s32 $0x1, s17;
	[sflag:s9] =	ssyncset.done $0x0  }
0x5c: {  	p0 =	sne.s32 s17, s6;
	[sflag:s9] =	ssyncadd.s32 $0xFFFFFF80  }
.Ltmp1:
0x5d: {  	[bflag:$0x0] =	sbarrier.arrive $0xFFFF;
	(pc) =	sbr.rel @p0 .LBB2_1-.Ltmp1, $4  }
0x5e: {  	[hbm:s5@s15], [sflag:s13] =	dma.strided [spmem:s14@s16], $0x50, s9, $0x10   }
0x5f: {  	_ =	swait.ge [sflag:s9], $0x50  }
0x60: {  	[sflag:s9] =	ssyncset.done $0x0  }
0x61: {  	[sflag:s9] =	ssyncadd.s32 $0xFFFFFFB0  }
0x62: {  	_ =	sfence.sel $0x180000  }
0x63: {  	[bflag:$0x0] =	sbarrier.arrive $0xFFFF  }
0x64: {  	p0 =	sne.s32 s2, $0x0;
	_ =	strace $0x90000047  }
0x65: {  	s0 =	sadd.s32 @!p0 $0x100000, s0;
	[bflag:$0x2] =	sbarrier.arrive $0xFFFF  }
0x66: {  	[sflag:s0] =	ssyncadd.tile.s32 @!p0 $0x1;
	_ =	shalt  }
.Lfunc_end2:
_tile_overlayer_lowered:
.L_overlay_start_2:
0x67: {  	(tag) =	ssettag $0x2  }
0x68: {  	s0 =	rddreg [dreg:$0x0];
	s2 =	stileid.u32  }
0x69: {  	s1 =	rddreg [dreg:$0x1];
	p0 =	sne.s32 s2, $0x0  }
0x6a: {  	s3 =	rddreg [dreg:$0x2];
	[bflag:$0x3] =	sbarrier.arrive $0xFFFF;
	s2 =	simm.s32 @!p0 $0x1C01  }
0x6b: {  	[timem:s3], [sflag:s2] =	dma.local @!p0 [hbm:s0], s1  }
0x6c: {  	s0 =	simm.s32 @!p0 $0x1  }
0x6d: {  	_ =	swait.ge @!p0 [sflag:s0], s1  }
0x6e: {  	s1 =	ssub.s32 @!p0 $0x0, s1;
	[sflag:s0] =	ssyncset.done @!p0 $0x0  }
0x6f: {  	[sflag:s0] =	ssyncadd.s32 @!p0 s1  }
0x70: {  	[bflag:$0x3] =	sbarrier.arrive $0xFFFF  }
0x71: {  	_ =	shalt  }

// kernel: kernel.20.cloned.1.call-start
scs
__scs_entry_jumppad:
0x0: {  	(pc) =	sbr.rel $0x88, $3  }
0x1: {  	(tag) =	ssettag $0x0;
	lr =	simm.s32 $0x1  }
0x2: {  	[smem:$0x3F93] =	sst lr;
	_ =	strace $0xD0000000  }
0x3: {  	_ = 	snop  }
0x4: {  	_ = 	snop  }
0x5: {  	_ = 	snop  }
0x6: {  	_ = 	snop  }
0x7: {  	_ = 	snop  }
__scs_overlays_trampoline_lowered:
0x8: {  	[smem:$0x3FA2] =	sst s0  }
0x9: {  	[smem:$0x3FA3] =	sst s1  }
0xa: {  	[smem:$0x3FA4] =	sst s2  }
0xb: {  	[smem:$0x3FA5] =	sst s3  }
0xc: {  	[smem:$0x3FA6] =	sst s4  }
0xd: {  	[smem:$0x3FA7] =	sst s5  }
0xe: {  	[smem:$0x3FA8] =	sst s6  }
0xf: {  	[smem:$0x3FA9] =	sst s7  }
0x10: {  	[smem:$0x3FAA] =	sst s8  }
0x11: {  	[smem:$0x3FAB] =	sst s9;
	s0 =	simm.s32 @!p0 $0x0  }
0x12: {  	s1 =	sld [smem:$0x3F91];
	s0 =	simm.s32 @p0 $0x1  }
0x13: {  	[smem:$0x3FAC] =	sst s0;
	s0 =	simm.s32 @!p1 $0x0  }
0x14: {  	s2 =	sld [smem:$0x3F90];
	s0 =	simm.s32 @p1 $0x1  }
0x15: {  	[smem:$0x3FAD] =	sst s0;
	s0 =	simm.s32 @!p2 $0x0  }
0x16: {  	s3 =	sld [smem:$0x3FDB];
	s0 =	simm.s32 @p2 $0x1  }
0x17: {  	s4 =	simm.s32 $0x1BF5;
	[smem:$0x3FAF] =	sst s0  }
0x18: {  	s0 =	sld [smem:$0x3F92];
	_ =	swait.ge [sflag:s4], $0x0  }
0x19: {  	s7 =	sld [smem:$0x3F93]  }
0x1a: {  	s8 =	sadd.s32 $0xFFFFE003, lr  }
0x1b: {  	s9 =	sadd.s32 $0xFFFFFEF7, lr;
	s5 =	simm.s32 $0xFFFFFFFF;
	p2 =	slt.u32 s8, $0xFFFFF086  }
0x1c: {  	p1 =	slt.u32 s9, $0xF7A;
	s5 =	simm.s32 @!p2 $0x0  }
0x1d: {  	s5 =	simm.s32 @p1 $0x1;
	p0 =	seq.s32 s7, s2  }
0x1e: {  	s7 =	smul.u32 @!p0 $0xF7A, s2;
	p2 =	seq.s32 @!p0 s5, $0x0  }
0x1f: {  	s9 =	smul.u32 $0xF7A, s1;
	s8 =	simm.s32 @!p0 $0x1BF5;
	p2 =	por !p2, p0  }
0x20: {  	[sflag:s8] =	ssyncset.s32 @!p0 $0xFFFFF086;
	s6 =	sadd.s32 @!p0 s3, s7;
	s7 =	simm.s32 @!p0 $0x108  }
0x21: {  	s3 =	sadd.s32 s3, s9;
	s6 =	sadd.s32 @!p0 $0x88, s6;
	s7 =	simm.s32 @p2 $0x1082  }
0x22: {  	[simem:s7], [sflag:s8] =	dma.local @!p0 [hbm:s6], $0xF7A  }
0x23: {  	s9 =	sor.u32 $0xD0000000, s2;
	s6 =	simm.s32 $0x108;
	_ =	swait.ge @!p0 [sflag:s8], $0x0  }
0x24: {  	s3 =	sadd.s32 $0x88, s3;
	s6 =	simm.s32 @!p1 $0x1082;
	[sflag:s4] =	ssyncset.s32 $0xFFFFF086  }
0x25: {  	[simem:s6], [sflag:s4] =	dma.local [hbm:s3], $0xF7A  }
0x26: {  	[smem:$0x3F93] =	sst s1;
	(tag) =	ssettag s2;
	_ =	strace s9  }
0x27: {  	s1 =	sld [smem:$0x3FA3]  }
0x28: {  	s2 =	sld [smem:$0x3FA4]  }
0x29: {  	s4 =	sld [smem:$0x3FA6]  }
0x2a: {  	p0 =	seq.s32 s5, $0x0;
	s5 =	sld [smem:$0x3FA7]  }
0x2b: {  	s6 =	sld [smem:$0x3FA8]  }
0x2c: {  	s7 =	sld [smem:$0x3FA9]  }
0x2d: {  	s3 =	simm.s32 $0x108;
	s8 =	sld [smem:$0x3FAA]  }
0x2e: {  	s3 =	simm.s32 @!p0 $0x1082;
	s9 =	sld [smem:$0x3FAB]  }
0x2f: {  	lr =	sadd.s32 s0, s3;
	s0 =	sld [smem:$0x3FA2]  }
0x30: {  	s3 =	sld [smem:$0x3FA5]  }
0x31: {  	[smem:$0x3FAE] =	sst s10  }
0x32: {  	s10 =	sld [smem:$0x3FAC];
	_ =	sdelay $0x3  }
0x33: {  	p0 =	seq.s32 s10, $0x1;
	s10 =	sld [smem:$0x3FAE];
	_ =	sdelay $0x3  }
0x34: {  	[smem:$0x3FAE] =	sst s10  }
0x35: {  	s10 =	sld [smem:$0x3FAD];
	_ =	sdelay $0x3  }
0x36: {  	p1 =	seq.s32 s10, $0x1;
	s10 =	sld [smem:$0x3FAE];
	_ =	sdelay $0x3  }
0x37: {  	[smem:$0x3FAE] =	sst s10  }
0x38: {  	s10 =	sld [smem:$0x3FAF]  }
0x39: {  	_ = 	snop;
	(pc) =	sbr.ind lr, $3  }
0x3a: {  	_ = 	snop  }
0x3b: {  	_ = 	snop  }
0x3c: {  	p2 =	seq.s32 s10, $0x1;
	s10 =	sld [smem:$0x3FAE]  }
0x3d: {  	_ =	shalt  }
0x3e: {  	_ =	shalt  }
0x3f: {  	_ =	shalt  }
0x40: {  	_ =	shalt  }
0x41: {  	_ =	shalt  }
0x42: {  	_ =	shalt  }
0x43: {  	_ =	shalt  }
0x44: {  	_ =	shalt  }
0x45: {  	_ =	shalt  }
0x46: {  	_ =	shalt  }
0x47: {  	_ =	shalt  }
0x48: {  	_ =	shalt  }
0x49: {  	_ =	shalt  }
0x4a: {  	_ =	shalt  }
0x4b: {  	_ =	shalt  }
0x4c: {  	_ =	shalt  }
0x4d: {  	_ =	shalt  }
0x4e: {  	_ =	shalt  }
0x4f: {  	_ =	shalt  }
0x50: {  	_ =	shalt  }
0x51: {  	_ =	shalt  }
0x52: {  	_ =	shalt  }
0x53: {  	_ =	shalt  }
0x54: {  	_ =	shalt  }
0x55: {  	_ =	shalt  }
0x56: {  	_ =	shalt  }
0x57: {  	_ =	shalt  }
0x58: {  	_ =	shalt  }
0x59: {  	_ =	shalt  }
0x5a: {  	_ =	shalt  }
0x5b: {  	_ =	shalt  }
0x5c: {  	_ =	shalt  }
0x5d: {  	_ =	shalt  }
0x5e: {  	_ =	shalt  }
0x5f: {  	_ =	shalt  }
0x60: {  	_ =	shalt  }
0x61: {  	_ =	shalt  }
0x62: {  	_ =	shalt  }
0x63: {  	_ =	shalt  }
0x64: {  	_ =	shalt  }
0x65: {  	_ =	shalt  }
0x66: {  	_ =	shalt  }
0x67: {  	_ =	shalt  }
0x68: {  	_ =	shalt  }
0x69: {  	_ =	shalt  }
0x6a: {  	_ =	shalt  }
0x6b: {  	_ =	shalt  }
0x6c: {  	_ =	shalt  }
0x6d: {  	_ =	shalt  }
0x6e: {  	_ =	shalt  }
0x6f: {  	_ =	shalt  }
0x70: {  	_ =	shalt  }
0x71: {  	_ =	shalt  }
0x72: {  	_ =	shalt  }
0x73: {  	_ =	shalt  }
0x74: {  	_ =	shalt  }
0x75: {  	_ =	shalt  }
0x76: {  	_ =	shalt  }
0x77: {  	_ =	shalt  }
0x78: {  	_ =	shalt  }
0x79: {  	_ =	shalt  }
0x7a: {  	_ =	shalt  }
0x7b: {  	_ =	shalt  }
0x7c: {  	_ =	shalt  }
0x7d: {  	_ =	shalt  }
0x7e: {  	_ =	shalt  }
0x7f: {  	_ =	shalt  }
0x80: {  	_ =	shalt  }
0x81: {  	_ =	shalt  }
0x82: {  	_ =	shalt  }
0x83: {  	_ =	shalt  }
0x84: {  	_ =	shalt  }
0x85: {  	_ =	shalt  }
0x86: {  	_ =	shalt  }
0x87: {  	_ =	shalt  }
.Lfunc_end0:
.L_simem_size_0:
called_computation.1_lowered:
.L_overlay_start_0:
0x88: {  	s2 =	sld [smem:$0x3FD9]  }
0x89: {  	s3 =	sld [smem:$0x3FFE];
	_ =	sdelay $0x1  }
0x8a: {  	s1 =	srdreg.scid  }
0x8b: {  	s0 =	sand.u32 $0x1, s1  }
0x8c: {  	s17 =	sshll.u32 s0, $0xA;
	s2 =	sadd.s32 s3, s2  }
0x8d: {  	s2 =	sadd.s32 s2, s17  }
0x8e: {  	[smem:$0x3FBA] =	sst s2  }
0x8f: {  	_ = 	snop  }
0x90: {  	s2 =	sld [smem:$0x3FD0];
	(tm) =	ssettm $0x1  }
0x91: {  	s18 =	sld [smem:$0x3FFB];
	_ =	sdelay $0x3  }
0x92: {  	_ =	strace s18  }
0x93: {  	s3 =	sld [smem:$0x3FFC];
	_ =	sdelay $0x3  }
0x94: {  	_ =	strace s3  }
0x95: {  	s3 =	sld [smem:$0x3FFD];
	_ =	sdelay $0x3  }
0x96: {  	_ =	strace s3  }
0x97: {  	_ =	strace $0x8FFFFFFF  }
0x98: {  	s19 =	sld [smem:$0x3FDB];
	_ =	sdelay $0x1  }
0x99: {  	s4 =	simm.s32 $_scs_section_size  }
0x9a: {  	s5 =	simm.s32 $_size__tile_overlayer_lowered;
	s6 =	simm.s32 $_tile_overlayer_lowered  }
0x9b: {  	s22 =	simm.s32 $0x1BFF;
	s21 =	sshll.u32 s6, $0x1;
	s3 =	sadd.s32 s4, s19  }
0x9c: {  	s7 =	simm.s32 $0x0;
	s20 =	sshll.u32 s5, $0x1;
	s5 =	sadd.s32 s21, s3  }
0x9d: {  	[timem:s7], [sflag:s22] =	dma.local [hbm:s5], s20  }
0x9e: {  	_ =	swait.ge [sflag:s22], s20  }
0x9f: {  	s4 =	ssub.s32 $0x0, s20;
	[sflag:s22] =	ssyncset.done $0x0  }
0xa0: {  	[sflag:s22] =	ssyncadd.s32 s4;
	_ =	sdelay $0x1  }
0xa1: {  	s23 =	simm.s32 $0x1B8B  }
0xa2: {  	_ =	swait.ge [sflag:s23], $0x1  }
0xa3: {  	[sflag:s23] =	ssyncset.done $0x0  }
0xa4: {  	s25 =	simm.s32 $0x1B8E;
	s24 =	sld [smem:$0x3FFE];
	[sflag:s23] =	ssyncadd.s32 $0xFFFFFFFF  }
0xa5: {  	s26 =	simm.s32 $execute0_lowered;
	[smem:$0x3FD2] =	sst s25  }
0xa6: {  	s5 =	sshll.u32 s26, $0x1;
	_ =	strace $0x80000049;
	[dreg:$0x1] =	wrdreg $0xFFFFFFFF  }
0xa7: {  	s28 =	simm.s32 $_size_execute0_lowered;
	s3 =	sadd.s32 s3, s5;
	[dreg:$0x0] =	wrdreg $0x0  }
0xa8: {  	s5 =	sshll.u32 s28, $0x1;
	[dreg:$0x2] =	wrdreg s3  }
0xa9: {  	[dreg:$0x3] =	wrdreg s5  }
0xaa: {  	[dreg:$0x4] =	wrdreg $0xC0  }
0xab: {  	_ =	task [dreg:s7], $0x5FFFF  }
0xac: {  	[dreg:$0x1] =	wrdreg $0xFFFFFFFF  }
0xad: {  	[dreg:$0x0] =	wrdreg $0x60  }
0xae: {  	[dreg:$0x2] =	wrdreg s24  }
0xaf: {  	[dreg:$0x3] =	wrdreg s2  }
0xb0: {  	[dreg:$0x4] =	wrdreg $0x9  }
0xb1: {  	_ =	task.clear_ibuf [dreg:s7], $0x5FFFF;
	_ =	strace $0x90000049  }
0xb2: {  	s29 =	simm.s32 $0x9;
	_ =	strace $0x8000004B  }
0xb3: {  	_ =	swait.ge [sflag:s29], $0x1  }
0xb4: {  	[sflag:s29] =	ssyncadd.s32 $0xFFFFFFFF  }
0xb5: {  	_ =	strace $0x9000004B  }
0xb6: {  	_ =	sfence  }
0xb7: {  	s30 =	sld [smem:$0x0];
	_ =	sdelay $0x2  }
0xb8: {  	s31 =	sshll.u32 s1, $0xD;
	s1 =	sshrl.u32 s1, $0x2  }
0xb9: {  	s3 =	sand.u32 $0x4000, s31;
	s1 =	sadd.s32 s1, s30  }
0xba: {  	s0 =	sor.u32 s3, s0;
	s1 =	sshll.u32 s1, $0x11  }
0xbb: {  	s0 =	sor.u32 s1, s0  }
0xbc: {  	s0 =	sadd.s32 $0x8F2B, s0  }
0xbd: {  	[sflag:s0] =	ssyncadd.remote.s32 $0x1  }
0xbe: {  	_ =	sfence.sel $0xFFFF  }
0xbf: {  	[dreg:$0x0] =	wrdreg $0xFFFFFFFF;
	(pc) =	sbr.abs _section_cstart, $3  }
0xc0: {  	[dreg:$0x1] =	wrdreg $0xFFFFFFFF  }
0xc1: {  	_ =	task.clear_ibuf [dreg:s7], $0x2FFFF;
	_ =	strace $0x9FFFFFFF  }
0xc2: {  	(tm) =	ssettm $0x7FFFFFFF  }
0xc3: {  	_ =	shalt  }
tec
execute0_lowered:
.L_overlay_start_1:
0x0: {  	(tag) =	ssettag $0x1  }
0x1: {  	s6 =	rddreg [dreg:$0x0]  }
0x2: {  	s1 =	rddreg [dreg:$0x1]  }
0x3: {  	s2 =	srdreg.scid;
	s0 =	rddreg [dreg:$0x2]  }
0x4: {  	s3 =	simm.s32 $0x0;
	s13 =	simm.s32 $0x2880;
	s4 =	sand.u32 $0x1, s2  }
0x5: {  	s14 =	simm.s32 $0x5600;
	s2 =	stileid.u32;
	s5 =	sshll.u32 s4, $0x4  }
0x6: {  	s15 =	simm.s32 $0x8380;
	s16 =	simm.s32 $0x0;
	s5 =	sor.u32 s2, s5  }
0x7: {  	[smem:$0x7FF] =	sst s3;
	s8 =	ssub.s32 $0x2, s4;
	s7 =	smul.u32 $0x5A0, s5  }
0x8: {  	_ =	strace $0x8000004A;
	s9 =	sshrl.u32 s8, $0x1;
	s11 =	smul.u32 $0x140, s5  }
0x9: {  	s4 =	sadd.s32 $0x8400, s6;
	s5 =	sadd.s32 $0x12200, s6;
	s9 =	ssub.s32 s8, s9  }
0xa: {  	v0 =	vlaneseq.u32;
	s9 =	smax.u32 s9, $0x1;
	s10 =	sadd.s32 s7, s6;
	s12 =	sadd.s32 $0x140, s11  }
0xb: {  	v4 =	vimm.f32 $0.0e+00;
	v3 =	vand.u32 $0x7, v0;
	v1 =	vmov s11;
	s11 =	simm.s32 $0x2780;
	s6 =	sadd.s32 $0x6A400, s10;
	s7 =	sadd.s32 $0x75800, s10  }
0xc: {  	v5 =	vimm.s32 $0x0;
	v3 =	vor.u32 $0x140, v3;
	s8 =	sadd.s32 $0x80C00, s10;
	s10 =	simm.s32 $0x1;
	v2 =	vmov s12;
	s12 =	simm.s32 $0x2800  }
.LBB2_1:
0xd: {  	[tilespmem:s3], [sflag:$0x1] =	stream.linear.gather [hbm4b:s1+s3], $0x2780, $0x38;
	[tilespmem:$0xB100] =	vst v63  }
0xe: {  	_ =	swait.ge [sflag:s10], $0x2780  }
0xf: {  	s17 =	simm.s32 $0x8380;
	s18 =	simm.s32 $0x5600;
	[sflag:s10] =	ssyncset.done $0x0  }
0x10: {  	s19 =	simm.s32 $0x2880;
	s20 =	simm.s32 $0x0;
	[sflag:s10] =	ssyncadd.s32 $0xFFFFD880  }
.LBB2_2:
0x11: {  	p0 =	sne.s32 s20, $0x2D70  }
.Ltmp0:
0x12: {  	v6 =	vor.u32 s20, v0;
	(pc) =	sbr.rel @p0 .LBB2_2-.Ltmp0, $4  }
0x13: {  	v6 =	vand.u32 $0x1FFF, v6  }
0x14: {  	[tilespmem:s19+$0x0] =	vst v6  }
0x15: {  	s20 =	sadd.s32 $0x10, s20;
	[tilespmem:s18+$0x0] =	vst v3  }
0x16: {  	s19 =	sadd.s32 $0x10, s19;
	s18 =	sadd.s32 $0x10, s18;
	[tilespmem:s17+$0x0] =	vst v4;
	s17 =	sadd.s32 $0x10, s17  }
0x17: {  	s17 =	sadd.s32 $0x0, s4  }
0x18: {  	[tilespmem:s11], [sflag:$0x1] =	stream.linear.gather [hbm4b:s17+s3], $0x80, $0x38;
	[tilespmem:$0xB100] =	vst v63  }
0x19: {  	_ =	swait.ge [sflag:s10], $0x80  }
0x1a: {  	[sflag:s10] =	ssyncset.done $0x0  }
0x1b: {  	s21 =	sadd.s32 $0x0, s5;
	[sflag:s10] =	ssyncadd.s32 $0xFFFFFF80  }
0x1c: {  	[tilespmem:s12], [sflag:$0x1] =	stream.linear.gather [hbm4b:s21+s3], $0x80, $0x38;
	[tilespmem:$0xB100] =	vst v63  }
0x1d: {  	_ =	swait.ge [sflag:s10], $0x80  }
0x1e: {  	[sflag:s10] =	ssyncset.done $0x0  }
0x1f: {  	[sflag:s10] =	ssyncadd.s32 $0xFFFFFF80  }
0x20: {  	v7 =	vld [tilespmem:$0x2800]  }
0x21: {  	v6 =	vld [tilespmem:$0x2780];
	_ =	sdelay $0x3  }
0x22: {  	vm0 =	vge.s32 v7, v1;
	vm1 =	vlt.s32 v7, v2  }
0x23: {  	vm0 =	vmand vm0, vm1  }
0x24: {  	v8 =	vsel vm0, $0x1, v5  }
0x25: {  	(xrf0) =	vadd.scan.msk.s32 $0xffff, v8  }
0x26: {  	v9 =	vld.idx.msk [tilespmem:v6+s3+$0x0], $0xffff  }
0x27: {  	v8 =	vld.idx.msk [tilespmem:v7+s3+$0x0], $0xffff;
	_ =	sdelay $0x2  }
0x28: {  	s22 =	simm.s32 $0x0  }
0x29: {  	[tilespmem:s22+$0x2880] =	vst.msk vm0, v6;
	v6 =	vsub.s32 v7, v1;
	v7, _, _ =	vpop (xrf0)  }
0x2a: {  	v8 =	vmul.f32 v8, v9;
	(v2sf) =	vpush v7, $0xF  }
0x2b: {  	[tilespmem:s22+$0x5600] =	vst.msk vm0, v6  }
0x2c: {  	[tilespmem:s22+$0x8380] =	vst.msk vm0, v8  }
0x2d: {  	v7 =	vld [tilespmem:$0x2810]  }
0x2e: {  	v6 =	vld [tilespmem:$0x2790];
	_ =	sdelay $0x3  }
0x2f: {  	vm14 =	vge.s32 v7, v1;
	vm15 =	vlt.s32 v7, v2  }
0x30: {  	vm0 =	vmand vm14, vm15  }
0x31: {  	v8 =	vsel vm0, $0x1, v5  }
0x32: {  	(xrf0) =	vadd.scan.msk.s32 $0xffff, v8  }
0x33: {  	v56 =	vld.idx.msk [tilespmem:v6+s3+$0x0], $0xffff  }
0x34: {  	v8 =	vld.idx.msk [tilespmem:v7+s3+$0x0], $0xffff;
	_ =	sdelay $0x1  }
0x35: {  	s23 =	spop (v2sf)  }
0x36: {  	s17 =	sadd.s32 $0x0, s23  }
0x37: {  	[tilespmem:s17+$0x2880] =	vst.msk vm0, v6;
	v6 =	vsub.s32 v7, v1;
	v7, _, _ =	vpop (xrf0)  }
0x38: {  	v8 =	vmul.f32 v8, v56;
	(v2sf) =	vpush v7, $0xF  }
0x39: {  	[tilespmem:s17+$0x5600] =	vst.msk vm0, v6  }
0x3a: {  	[tilespmem:s17+$0x8380] =	vst.msk vm0, v8  }
0x3b: {  	v7 =	vld [tilespmem:$0x2820]  }
0x3c: {  	v6 =	vld [tilespmem:$0x27A0];
	_ =	sdelay $0x3  }
0x3d: {  	vm4 =	vge.s32 v7, v1;
	vm5 =	vlt.s32 v7, v2  }
0x3e: {  	vm0 =	vmand vm4, vm5  }
0x3f: {  	v8 =	vsel vm0, $0x1, v5  }
0x40: {  	(xrf0) =	vadd.scan.msk.s32 $0xffff, v8  }
0x41: {  	v57 =	vld.idx.msk [tilespmem:v6+s3+$0x0], $0xffff  }
0x42: {  	v8 =	vld.idx.msk [tilespmem:v7+s3+$0x0], $0xffff;
	_ =	sdelay $0x1  }
0x43: {  	s18 =	spop (v2sf)  }
0x44: {  	s17 =	sadd.s32 s17, s18  }
0x45: {  	[tilespmem:s17+$0x2880] =	vst.msk vm0, v6;
	v6, _, _ =	vpop (xrf0)  }
0x46: {  	v7 =	vsub.s32 v7, v1;
	v8 =	vmul.f32 v8, v57;
	(v2sf) =	vpush v6, $0xF  }
0x47: {  	[tilespmem:s17+$0x5600] =	vst.msk vm0, v7  }
0x48: {  	[tilespmem:s17+$0x8380] =	vst.msk vm0, v8  }
0x49: {  	v7 =	vld [tilespmem:$0x2830]  }
0x4a: {  	v6 =	vld [tilespmem:$0x27B0];
	_ =	sdelay $0x3  }
0x4b: {  	vm6 =	vge.s32 v7, v1;
	vm7 =	vlt.s32 v7, v2  }
0x4c: {  	vm0 =	vmand vm6, vm7  }
0x4d: {  	v8 =	vsel vm0, $0x1, v5  }
0x4e: {  	(xrf0) =	vadd.scan.msk.s32 $0xffff, v8  }
0x4f: {  	v58 =	vld.idx.msk [tilespmem:v6+s3+$0x0], $0xffff  }
0x50: {  	v8 =	vld.idx.msk [tilespmem:v7+s3+$0x0], $0xffff;
	_ =	sdelay $0x1  }
0x51: {  	s24 =	spop (v2sf)  }
0x52: {  	s17 =	sadd.s32 s17, s24  }
0x53: {  	[tilespmem:s17+$0x2880] =	vst.msk vm0, v6;
	v6 =	vsub.s32 v7, v1;
	v7, _, _ =	vpop (xrf0)  }
0x54: {  	v8 =	vmul.f32 v8, v58;
	(v2sf) =	vpush v7, $0xF  }
0x55: {  	[tilespmem:s17+$0x5600] =	vst.msk vm0, v6  }
0x56: {  	[tilespmem:s17+$0x8380] =	vst.msk vm0, v8  }
0x57: {  	v7 =	vld [tilespmem:$0x2840]  }
0x58: {  	v6 =	vld [tilespmem:$0x27C0];
	_ =	sdelay $0x3  }
0x59: {  	vm8 =	vge.s32 v7, v1;
	vm9 =	vlt.s32 v7, v2  }
0x5a: {  	vm0 =	vmand vm8, vm9  }
0x5b: {  	v8 =	vsel vm0, $0x1, v5  }
0x5c: {  	(xrf0) =	vadd.scan.msk.s32 $0xffff, v8  }
0x5d: {  	v59 =	vld.idx.msk [tilespmem:v6+s3+$0x0], $0xffff  }
0x5e: {  	v8 =	vld.idx.msk [tilespmem:v7+s3+$0x0], $0xffff;
	_ =	sdelay $0x1  }
0x5f: {  	s25 =	spop (v2sf)  }
0x60: {  	s17 =	sadd.s32 s17, s25  }
0x61: {  	[tilespmem:s17+$0x2880] =	vst.msk vm0, v6;
	v6, _, _ =	vpop (xrf0)  }
0x62: {  	v7 =	vsub.s32 v7, v1;
	v8 =	vmul.f32 v8, v59;
	(v2sf) =	vpush v6, $0xF  }
0x63: {  	[tilespmem:s17+$0x5600] =	vst.msk vm0, v7  }
0x64: {  	[tilespmem:s17+$0x8380] =	vst.msk vm0, v8  }
0x65: {  	v6 =	vld [tilespmem:$0x27D0]  }
0x66: {  	v7 =	vld [tilespmem:$0x2850];
	_ =	sdelay $0x4  }
0x67: {  	vm10 =	vge.s32 v7, v1;
	vm11 =	vlt.s32 v7, v2  }
0x68: {  	vm0 =	vmand vm10, vm11  }
0x69: {  	v8 =	vsel vm0, $0x1, v5;
	v60 =	vld.idx.msk [tilespmem:v6+s3+$0x0], $0xffff  }
0x6a: {  	(xrf0) =	vadd.scan.msk.s32 $0xffff, v8;
	v8 =	vld.idx.msk [tilespmem:v7+s3+$0x0], $0xffff;
	_ =	sdelay $0x2  }
0x6b: {  	s26 =	spop (v2sf)  }
0x6c: {  	s17 =	sadd.s32 s17, s26  }
0x6d: {  	v7 =	vsub.s32 v7, v1;
	v8 =	vmul.f32 v8, v60;
	[tilespmem:s17+$0x2880] =	vst.msk vm0, v6  }
0x6e: {  	v6, _, _ =	vpop (xrf0);
	[tilespmem:s17+$0x5600] =	vst.msk vm0, v7  }
0x6f: {  	(v2sf) =	vpush v6, $0xF;
	[tilespmem:s17+$0x8380] =	vst.msk vm0, v8  }
0x70: {  	v6 =	vld [tilespmem:$0x2860];
	_ =	sdelay $0x1  }
0x71: {  	v7 =	vld [tilespmem:$0x27E0];
	_ =	sdelay $0x2  }
0x72: {  	vm12 =	vge.s32 v6, v1;
	vm13 =	vlt.s32 v6, v2  }
0x73: {  	vm0 =	vmand vm12, vm13  }
0x74: {  	v8 =	vsel vm0, $0x1, v5  }
0x75: {  	(xrf0) =	vadd.scan.msk.s32 $0xffff, v8;
	_ =	sdelay $0x1  }
0x76: {  	v8 =	vld.idx.msk [tilespmem:v7+s3+$0x0], $0xffff  }
0x77: {  	v61 =	vld.idx.msk [tilespmem:v6+s3+$0x0], $0xffff;
	_ =	sdelay $0x2  }
0x78: {  	s28 =	spop (v2sf);
	v10, _, _ =	vpop (xrf0)  }
0x79: {  	s17 =	sadd.s32 s17, s28;
	(v2sf) =	vpush v10, $0xF  }
0x7a: {  	v6 =	vsub.s32 v6, v1;
	v8 =	vmul.f32 v61, v8;
	[tilespmem:s17+$0x2880] =	vst.msk vm0, v7  }
0x7b: {  	[tilespmem:s17+$0x5600] =	vst.msk vm0, v6  }
0x7c: {  	[tilespmem:s17+$0x8380] =	vst.msk vm0, v8  }
0x7d: {  	v6 =	vld [tilespmem:$0x2870];
	_ =	sdelay $0x1  }
0x7e: {  	v7 =	vld [tilespmem:$0x27F0];
	_ =	sdelay $0x2  }
0x7f: {  	vm14 =	vge.s32 v6, v1;
	vm15 =	vlt.s32 v6, v2  }
0x80: {  	vm0 =	vmand vm14, vm15  }
0x81: {  	v62 =	vsel vm0, $0x1, v5  }
0x82: {  	(xrf0) =	vadd.scan.msk.s32 $0xffff, v62  }
0x83: {  	v8 =	vld.idx.msk [tilespmem:v6+s3+$0x0], $0xffff  }
0x84: {  	v63 =	vld.idx.msk [tilespmem:v7+s3+$0x0], $0xffff  }
0x85: {  	v6 =	vsub.s32 v6, v1;
	s29 =	spop (v2sf)  }
0x86: {  	s19 =	sadd.s32 s17, s29  }
0x87: {  	[tilespmem:s19+$0x2880] =	vst.msk vm0, v7  }
0x88: {  	[tilespmem:s19+$0x5600] =	vst.msk vm0, v6;
	v6, _, _ =	vpop (xrf0)  }
0x89: {  	v8 =	vmul.f32 v8, v63;
	(v2sf) =	vpush v6, $0xF;
	_ =	sdelay $0x1  }
0x8a: {  	s30 =	sadd.s32 $0x10, s4;
	[tilespmem:s19+$0x8380] =	vst.msk vm0, v8  }
0x8b: {  	[tilespmem:s11], [sflag:$0x1] =	stream.linear.gather [hbm4b:s30+s3], $0x80, $0x38;
	[tilespmem:$0xB100] =	vst v63  }
0x8c: {  	_ =	swait.ge [sflag:s10], $0x80  }
0x8d: {  	[sflag:s10] =	ssyncset.done $0x0  }
0x8e: {  	s31 =	sadd.s32 $0x10, s5;
	[sflag:s10] =	ssyncadd.s32 $0xFFFFFF80  }
0x8f: {  	[tilespmem:s12], [sflag:$0x1] =	stream.linear.gather [hbm4b:s31+s3], $0x80, $0x38;
	[tilespmem:$0xB100] =	vst v63  }
0x90: {  	_ =	swait.ge [sflag:s10], $0x80  }
0x91: {  	[sflag:s10] =	ssyncset.done $0x0  }
0x92: {  	[sflag:s10] =	ssyncadd.s32 $0xFFFFFF80  }
0x93: {  	s17 =	simm.s32 $0x20;
	v6 =	vld [tilespmem:$0x2780]  }
.LBB2_4:
0x94: {  	p0 =	sne.s32 s17, $0x9C30;
	v7 =	vld [tilespmem:$0x2800];
	s18 =	smov.u32 s17;
	s17 =	sadd.s32 $0x10, s17  }
0x95: {  	_ =	sdelay $0x1  }
0x96: {  	s20 =	spop (v2sf)  }
0x97: {  	s19 =	sadd.s32 s19, s20  }
0x98: {  	vm0 =	vge.s32 v7, v1;
	vm1 =	vlt.s32 v7, v2  }
0x99: {  	vm0 =	vmand vm0, vm1  }
0x9a: {  	v8 =	vld.idx.msk [tilespmem:v6+s3+$0x0], $0xffff;
	v9 =	vsel vm0, $0x1, v5  }
0x9b: {  	v10 =	vld.idx.msk [tilespmem:v7+s3+$0x0], $0xffff;
	(xrf0) =	vadd.scan.msk.s32 $0xffff, v9;
	_ =	sdelay $0x5  }
0x9c: {  	v8 =	vmul.f32 v10, v8;
	[tilespmem:s19+$0x2880] =	vst.msk vm0, v6;
	v6 =	vsub.s32 v7, v1;
	v7, _, _ =	vpop (xrf0)  }
0x9d: {  	[tilespmem:s19+$0x5600] =	vst.msk vm0, v6;
	(v2sf) =	vpush v7, $0xF  }
0x9e: {  	[tilespmem:s19+$0x8380] =	vst.msk vm0, v8  }
0x9f: {  	v6 =	vld [tilespmem:$0x2790]  }
0xa0: {  	v7 =	vld [tilespmem:$0x2810];
	_ =	sdelay $0x4  }
0xa1: {  	vm0 =	vge.s32 v7, v1;
	vm1 =	vlt.s32 v7, v2  }
0xa2: {  	vm0 =	vmand vm0, vm1  }
0xa3: {  	v8 =	vld.idx.msk [tilespmem:v6+s3+$0x0], $0xffff;
	v9 =	vsel vm0, $0x1, v5  }
0xa4: {  	v10 =	vld.idx.msk [tilespmem:v7+s3+$0x0], $0xffff;
	(xrf0) =	vadd.scan.msk.s32 $0xffff, v9;
	_ =	sdelay $0x3  }
0xa5: {  	s20 =	spop (v2sf)  }
0xa6: {  	s19 =	sadd.s32 s19, s20  }
0xa7: {  	v8 =	vmul.f32 v10, v8;
	[tilespmem:s19+$0x2880] =	vst.msk vm0, v6;
	v6 =	vsub.s32 v7, v1;
	v7, _, _ =	vpop (xrf0)  }
0xa8: {  	[tilespmem:s19+$0x5600] =	vst.msk vm0, v6;
	(v2sf) =	vpush v7, $0xF  }
0xa9: {  	[tilespmem:s19+$0x8380] =	vst.msk vm0, v8  }
0xaa: {  	v6 =	vld [tilespmem:$0x27A0]  }
0xab: {  	v7 =	vld [tilespmem:$0x2820];
	_ =	sdelay $0x4  }
0xac: {  	vm0 =	vge.s32 v7, v1;
	vm1 =	vlt.s32 v7, v2  }
0xad: {  	vm0 =	vmand vm0, vm1  }
0xae: {  	v8 =	vld.idx.msk [tilespmem:v6+s3+$0x0], $0xffff;
	v9 =	vsel vm0, $0x1, v5  }
0xaf: {  	v10 =	vld.idx.msk [tilespmem:v7+s3+$0x0], $0xffff;
	(xrf0) =	vadd.scan.msk.s32 $0xffff, v9;
	_ =	sdelay $0x3  }
0xb0: {  	v7 =	vsub.s32 v7, v1;
	s20 =	spop (v2sf)  }
0xb1: {  	s19 =	sadd.s32 s19, s20  }
0xb2: {  	v8 =	vmul.f32 v10, v8;
	[tilespmem:s19+$0x2880] =	vst.msk vm0, v6;
	v6, _, _ =	vpop (xrf0)  }
0xb3: {  	[tilespmem:s19+$0x5600] =	vst.msk vm0, v7;
	(v2sf) =	vpush v6, $0xF  }
0xb4: {  	[tilespmem:s19+$0x8380] =	vst.msk vm0, v8  }
0xb5: {  	v6 =	vld [tilespmem:$0x27B0]  }
0xb6: {  	v7 =	vld [tilespmem:$0x2830];
	_ =	sdelay $0x4  }
0xb7: {  	vm0 =	vge.s32 v7, v1;
	vm1 =	vlt.s32 v7, v2  }
0xb8: {  	vm0 =	vmand vm0, vm1  }
0xb9: {  	v8 =	vld.idx.msk [tilespmem:v6+s3+$0x0], $0xffff;
	v9 =	vsel vm0, $0x1, v5  }
0xba: {  	v10 =	vld.idx.msk [tilespmem:v7+s3+$0x0], $0xffff;
	(xrf0) =	vadd.scan.msk.s32 $0xffff, v9;
	_ =	sdelay $0x3  }
0xbb: {  	s20 =	spop (v2sf)  }
0xbc: {  	s19 =	sadd.s32 s19, s20  }
0xbd: {  	v8 =	vmul.f32 v10, v8;
	[tilespmem:s19+$0x2880] =	vst.msk vm0, v6;
	v6 =	vsub.s32 v7, v1;
	v7, _, _ =	vpop (xrf0)  }
0xbe: {  	[tilespmem:s19+$0x5600] =	vst.msk vm0, v6;
	(v2sf) =	vpush v7, $0xF  }
0xbf: {  	[tilespmem:s19+$0x8380] =	vst.msk vm0, v8  }
0xc0: {  	v6 =	vld [tilespmem:$0x27C0]  }
0xc1: {  	v7 =	vld [tilespmem:$0x2840];
	_ =	sdelay $0x4  }
0xc2: {  	vm0 =	vge.s32 v7, v1;
	vm1 =	vlt.s32 v7, v2  }
0xc3: {  	vm0 =	vmand vm0, vm1  }
0xc4: {  	v8 =	vld.idx.msk [tilespmem:v6+s3+$0x0], $0xffff;
	v9 =	vsel vm0, $0x1, v5  }
0xc5: {  	v10 =	vld.idx.msk [tilespmem:v7+s3+$0x0], $0xffff;
	(xrf0) =	vadd.scan.msk.s32 $0xffff, v9;
	_ =	sdelay $0x2  }
0xc6: {  	v7 =	vsub.s32 v7, v1  }
0xc7: {  	s20 =	spop (v2sf)  }
0xc8: {  	s19 =	sadd.s32 s19, s20  }
0xc9: {  	v8 =	vmul.f32 v10, v8;
	[tilespmem:s19+$0x2880] =	vst.msk vm0, v6;
	v6, _, _ =	vpop (xrf0)  }
0xca: {  	[tilespmem:s19+$0x5600] =	vst.msk vm0, v7;
	(v2sf) =	vpush v6, $0xF  }
0xcb: {  	[tilespmem:s19+$0x8380] =	vst.msk vm0, v8  }
0xcc: {  	v6 =	vld [tilespmem:$0x27D0]  }
0xcd: {  	v7 =	vld [tilespmem:$0x2850];
	_ =	sdelay $0x4  }
0xce: {  	vm0 =	vge.s32 v7, v1;
	vm1 =	vlt.s32 v7, v2  }
0xcf: {  	vm0 =	vmand vm0, vm1  }
0xd0: {  	v8 =	vld.idx.msk [tilespmem:v6+s3+$0x0], $0xffff;
	v9 =	vsel vm0, $0x1, v5  }
0xd1: {  	v10 =	vld.idx.msk [tilespmem:v7+s3+$0x0], $0xffff;
	(xrf0) =	vadd.scan.msk.s32 $0xffff, v9;
	_ =	sdelay $0x2  }
0xd2: {  	v7 =	vsub.s32 v7, v1  }
0xd3: {  	s20 =	spop (v2sf)  }
0xd4: {  	s19 =	sadd.s32 s19, s20  }
0xd5: {  	v8 =	vmul.f32 v10, v8;
	[tilespmem:s19+$0x2880] =	vst.msk vm0, v6;
	v6, _, _ =	vpop (xrf0)  }
0xd6: {  	[tilespmem:s19+$0x5600] =	vst.msk vm0, v7;
	(v2sf) =	vpush v6, $0xF  }
0xd7: {  	[tilespmem:s19+$0x8380] =	vst.msk vm0, v8  }
0xd8: {  	v6 =	vld [tilespmem:$0x27E0]  }
0xd9: {  	v7 =	vld [tilespmem:$0x2860];
	_ =	sdelay $0x4  }
0xda: {  	vm0 =	vge.s32 v7, v1;
	vm1 =	vlt.s32 v7, v2  }
0xdb: {  	vm0 =	vmand vm0, vm1  }
0xdc: {  	v8 =	vld.idx.msk [tilespmem:v6+s3+$0x0], $0xffff;
	v9 =	vsel vm0, $0x1, v5  }
0xdd: {  	v10 =	vld.idx.msk [tilespmem:v7+s3+$0x0], $0xffff;
	(xrf0) =	vadd.scan.msk.s32 $0xffff, v9;
	_ =	sdelay $0x3  }
0xde: {  	s20 =	spop (v2sf)  }
0xdf: {  	s19 =	sadd.s32 s19, s20  }
0xe0: {  	v8 =	vmul.f32 v10, v8;
	[tilespmem:s19+$0x2880] =	vst.msk vm0, v6;
	v6 =	vsub.s32 v7, v1;
	v7, _, _ =	vpop (xrf0)  }
0xe1: {  	[tilespmem:s19+$0x5600] =	vst.msk vm0, v6;
	(v2sf) =	vpush v7, $0xF  }
0xe2: {  	[tilespmem:s19+$0x8380] =	vst.msk vm0, v8  }
0xe3: {  	v6 =	vld [tilespmem:$0x2870]  }
0xe4: {  	v7 =	vld [tilespmem:$0x27F0];
	_ =	sdelay $0x3  }
0xe5: {  	vm0 =	vge.s32 v6, v1;
	vm1 =	vlt.s32 v6, v2  }
0xe6: {  	vm0 =	vmand vm0, vm1  }
0xe7: {  	v8 =	vsel vm0, $0x1, v5  }
0xe8: {  	v9 =	vld.idx.msk [tilespmem:v6+s3+$0x0], $0xffff;
	(xrf0) =	vadd.scan.msk.s32 $0xffff, v8  }
0xe9: {  	v8 =	vld.idx.msk [tilespmem:v7+s3+$0x0], $0xffff;
	_ =	sdelay $0x3  }
0xea: {  	s20 =	spop (v2sf)  }
0xeb: {  	s19 =	sadd.s32 s19, s20;
	v10, _, _ =	vpop (xrf0)  }
0xec: {  	v6 =	vsub.s32 v6, v1;
	v8 =	vmul.f32 v9, v8;
	[tilespmem:s19+$0x2880] =	vst.msk vm0, v7;
	(v2sf) =	vpush v10, $0xF  }
0xed: {  	[tilespmem:s19+$0x5600] =	vst.msk vm0, v6  }
0xee: {  	s20 =	sadd.s32 s18, s4;
	[tilespmem:s19+$0x8380] =	vst.msk vm0, v8  }
0xef: {  	[tilespmem:s11], [sflag:$0x1] =	stream.linear.gather [hbm4b:s20+s3], $0x80, $0x38;
	[tilespmem:$0xB100] =	vst v63  }
0xf0: {  	_ =	swait.ge [sflag:s10], $0x80  }
0xf1: {  	[sflag:s10] =	ssyncset.done $0x0  }
0xf2: {  	s18 =	sadd.s32 s18, s5;
	[sflag:s10] =	ssyncadd.s32 $0xFFFFFF80  }
0xf3: {  	[tilespmem:s12], [sflag:$0x1] =	stream.linear.gather [hbm4b:s18+s3], $0x80, $0x38;
	[tilespmem:$0xB100] =	vst v63  }
.Ltmp1:
0xf4: {  	_ = 	snop;
	(pc) =	sbr.rel @p0 .LBB2_4-.Ltmp1, $4  }
0xf5: {  	_ =	swait.ge [sflag:s10], $0x80  }
0xf6: {  	[sflag:s10] =	ssyncset.done $0x0  }
0xf7: {  	[sflag:s10] =	ssyncadd.s32 $0xFFFFFF80  }
0xf8: {  	v6 =	vld [tilespmem:$0x2780]  }
0xf9: {  	v7 =	vld [tilespmem:$0x2800];
	_ =	sdelay $0x4  }
0xfa: {  	vm0 =	vge.s32 v7, v1;
	vm1 =	vlt.s32 v7, v2  }
0xfb: {  	vm0 =	vmand vm0, vm1  }
0xfc: {  	v8 =	vsel vm0, $0x1, v5  }
0xfd: {  	v9 =	vld.idx.msk [tilespmem:v6+s3+$0x0], $0xffff;
	(xrf0) =	vadd.scan.msk.s32 $0xffff, v8  }
0xfe: {  	v46 =	vld.idx.msk [tilespmem:v7+s3+$0x0], $0xffff;
	_ =	sdelay $0x2  }
0xff: {  	s17 =	spop (v2sf)  }
0x100: {  	s17 =	sadd.s32 s19, s17  }
0x101: {  	[tilespmem:s17+$0x2880] =	vst.msk vm0, v6;
	v6 =	vsub.s32 v7, v1;
	v8 =	vmul.f32 v46, v9;
	v7, _, _ =	vpop (xrf0)  }
0x102: {  	[tilespmem:s17+$0x5600] =	vst.msk vm0, v6;
	(v2sf) =	vpush v7, $0xF  }
0x103: {  	[tilespmem:s17+$0x8380] =	vst.msk vm0, v8  }
0x104: {  	v6 =	vld [tilespmem:$0x2790]  }
0x105: {  	v7 =	vld [tilespmem:$0x2810];
	_ =	sdelay $0x4  }
0x106: {  	vm14 =	vge.s32 v7, v1;
	vm15 =	vlt.s32 v7, v2  }
0x107: {  	vm0 =	vmand vm14, vm15  }
0x108: {  	v47 =	vsel vm0, $0x1, v5  }
0x109: {  	v48 =	vld.idx.msk [tilespmem:v6+s3+$0x0], $0xffff;
	(xrf0) =	vadd.scan.msk.s32 $0xffff, v47  }
0x10a: {  	v49 =	vld.idx.msk [tilespmem:v7+s3+$0x0], $0xffff;
	_ =	sdelay $0x2  }
0x10b: {  	s18 =	spop (v2sf)  }
0x10c: {  	s17 =	sadd.s32 s17, s18  }
0x10d: {  	v8 =	vmul.f32 v49, v48;
	[tilespmem:s17+$0x2880] =	vst.msk vm0, v6;
	v6 =	vsub.s32 v7, v1;
	v7, _, _ =	vpop (xrf0)  }
0x10e: {  	[tilespmem:s17+$0x5600] =	vst.msk vm0, v6;
	(v2sf) =	vpush v7, $0xF  }
0x10f: {  	[tilespmem:s17+$0x8380] =	vst.msk vm0, v8  }
0x110: {  	v6 =	vld [tilespmem:$0x27A0]  }
0x111: {  	v7 =	vld [tilespmem:$0x2820];
	_ =	sdelay $0x4  }
0x112: {  	vm4 =	vge.s32 v7, v1;
	vm5 =	vlt.s32 v7, v2  }
0x113: {  	vm0 =	vmand vm4, vm5  }
0x114: {  	v50 =	vsel vm0, $0x1, v5  }
0x115: {  	v51 =	vld.idx.msk [tilespmem:v6+s3+$0x0], $0xffff;
	(xrf0) =	vadd.scan.msk.s32 $0xffff, v50  }
0x116: {  	v52 =	vld.idx.msk [tilespmem:v7+s3+$0x0], $0xffff;
	_ =	sdelay $0x2  }
0x117: {  	s24 =	spop (v2sf)  }
0x118: {  	s17 =	sadd.s32 s17, s24  }
0x119: {  	v7 =	vsub.s32 v7, v1;
	v8 =	vmul.f32 v52, v51;
	[tilespmem:s17+$0x2880] =	vst.msk vm0, v6;
	v6, _, _ =	vpop (xrf0)  }
0x11a: {  	[tilespmem:s17+$0x5600] =	vst.msk vm0, v7;
	(v2sf) =	vpush v6, $0xF  }
0x11b: {  	[tilespmem:s17+$0x8380] =	vst.msk vm0, v8  }
0x11c: {  	v6 =	vld [tilespmem:$0x27B0]  }
0x11d: {  	v7 =	vld [tilespmem:$0x2830];
	_ =	sdelay $0x4  }
0x11e: {  	vm6 =	vge.s32 v7, v1;
	vm7 =	vlt.s32 v7, v2  }
0x11f: {  	vm0 =	vmand vm6, vm7  }
0x120: {  	v53 =	vsel vm0, $0x1, v5  }
0x121: {  	v54 =	vld.idx.msk [tilespmem:v6+s3+$0x0], $0xffff;
	(xrf0) =	vadd.scan.msk.s32 $0xffff, v53  }
0x122: {  	v55 =	vld.idx.msk [tilespmem:v7+s3+$0x0], $0xffff;
	_ =	sdelay $0x2  }
0x123: {  	s25 =	spop (v2sf)  }
0x124: {  	s17 =	sadd.s32 s17, s25  }
0x125: {  	v8 =	vmul.f32 v55, v54;
	[tilespmem:s17+$0x2880] =	vst.msk vm0, v6;
	v6 =	vsub.s32 v7, v1;
	v7, _, _ =	vpop (xrf0)  }
0x126: {  	[tilespmem:s17+$0x5600] =	vst.msk vm0, v6;
	(v2sf) =	vpush v7, $0xF  }
0x127: {  	[tilespmem:s17+$0x8380] =	vst.msk vm0, v8  }
0x128: {  	v6 =	vld [tilespmem:$0x27C0]  }
0x129: {  	v7 =	vld [tilespmem:$0x2840];
	_ =	sdelay $0x4  }
0x12a: {  	vm8 =	vge.s32 v7, v1;
	vm9 =	vlt.s32 v7, v2  }
0x12b: {  	vm0 =	vmand vm8, vm9  }
0x12c: {  	v56 =	vsel vm0, $0x1, v5  }
0x12d: {  	v57 =	vld.idx.msk [tilespmem:v6+s3+$0x0], $0xffff;
	(xrf0) =	vadd.scan.msk.s32 $0xffff, v56  }
0x12e: {  	v58 =	vld.idx.msk [tilespmem:v7+s3+$0x0], $0xffff;
	_ =	sdelay $0x2  }
0x12f: {  	s26 =	spop (v2sf)  }
0x130: {  	s17 =	sadd.s32 s17, s26  }
0x131: {  	v7 =	vsub.s32 v7, v1;
	v8 =	vmul.f32 v58, v57;
	[tilespmem:s17+$0x2880] =	vst.msk vm0, v6;
	v6, _, _ =	vpop (xrf0)  }
0x132: {  	[tilespmem:s17+$0x5600] =	vst.msk vm0, v7;
	(v2sf) =	vpush v6, $0xF  }
0x133: {  	[tilespmem:s17+$0x8380] =	vst.msk vm0, v8  }
0x134: {  	v6 =	vld [tilespmem:$0x2850]  }
0x135: {  	v7 =	vld [tilespmem:$0x27D0];
	_ =	sdelay $0x3  }
0x136: {  	vm10 =	vge.s32 v6, v1;
	vm11 =	vlt.s32 v6, v2  }
0x137: {  	vm0 =	vmand vm10, vm11  }
0x138: {  	v59 =	vsel vm0, $0x1, v5  }
0x139: {  	(xrf0) =	vadd.scan.msk.s32 $0xffff, v59  }
0x13a: {  	v60 =	vld.idx.msk [tilespmem:v7+s3+$0x0], $0xffff  }
0x13b: {  	v61 =	vld.idx.msk [tilespmem:v6+s3+$0x0], $0xffff;
	_ =	sdelay $0x2  }
0x13c: {  	s28 =	spop (v2sf)  }
0x13d: {  	s17 =	sadd.s32 s17, s28;
	v10, _, _ =	vpop (xrf0)  }
0x13e: {  	v6 =	vsub.s32 v6, v1;
	v8 =	vmul.f32 v61, v60;
	[tilespmem:s17+$0x2880] =	vst.msk vm0, v7;
	(v2sf) =	vpush v10, $0xF  }
0x13f: {  	[tilespmem:s17+$0x5600] =	vst.msk vm0, v6  }
0x140: {  	[tilespmem:s17+$0x8380] =	vst.msk vm0, v8  }
0x141: {  	v6 =	vld [tilespmem:$0x27E0]  }
0x142: {  	v7 =	vld [tilespmem:$0x2860];
	_ =	sdelay $0x6  }
0x143: {  	v8 =	vld.idx.msk [tilespmem:v6+s3+$0x0], $0xffff  }
0x144: {  	v62 =	vld.idx.msk [tilespmem:v7+s3+$0x0], $0xffff;
	_ =	sdelay $0x2  }
0x145: {  	vm12 =	vge.s32 v7, v1;
	vm13 =	vlt.s32 v7, v2;
	s29 =	spop (v2sf)  }
0x146: {  	vm0 =	vmand vm12, vm13;
	s17 =	sadd.s32 s17, s29  }
0x147: {  	v8 =	vmul.f32 v62, v8;
	[tilespmem:s17+$0x2880] =	vst.msk vm0, v6;
	v6 =	vsub.s32 v7, v1  }
0x148: {  	[tilespmem:s17+$0x5600] =	vst.msk vm0, v6  }
0x149: {  	[tilespmem:s17+$0x8380] =	vst.msk vm0, v8  }
0x14a: {  	v6 =	vld [tilespmem:$0x2870];
	_ =	sdelay $0x2  }
0x14b: {  	v7 =	vsel vm0, $0x1, v5  }
0x14c: {  	(xrf0) =	vadd.scan.msk.s32 $0xffff, v7  }
0x14d: {  	vm14 =	vge.s32 v6, v1;
	vm15 =	vlt.s32 v6, v2  }
0x14e: {  	vm0 =	vmand vm14, vm15  }
0x14f: {  	v7 =	vsel vm0, $0x1, v5  }
0x150: {  	(xrf0) =	vadd.scan.msk.s32 $0xffff, v7;
	_ =	sdelay $0x1  }
0x151: {  	v7, _, _ =	vpop (xrf0)  }
0x152: {  	(v2sf) =	vpush v7, $0xF;
	_ =	sdelay $0x2  }
0x153: {  	v8 =	vld [tilespmem:$0x27F0];
	v7, _, _ =	vpop (xrf0)  }
0x154: {  	(v2sf) =	vpush v7, $0xF;
	_ =	sdelay $0x6  }
0x155: {  	v63 =	vld.idx.msk [tilespmem:v8+s3+$0x0], $0xffff  }
0x156: {  	v7 =	vld.idx.msk [tilespmem:v6+s3+$0x0], $0xffff;
	_ =	sdelay $0x2  }
0x157: {  	s30 =	spop (v2sf)  }
0x158: {  	s17 =	sadd.s32 s17, s30  }
0x159: {  	v6 =	vsub.s32 v6, v1;
	v7 =	vmul.f32 v7, v63;
	[tilespmem:s17+$0x2880] =	vst.msk vm0, v8  }
0x15a: {  	[tilespmem:s17+$0x5600] =	vst.msk vm0, v6  }
0x15b: {  	[tilespmem:s17+$0x8380] =	vst.msk vm0, v7;
	s31 =	spop (v2sf)  }
0x15c: {  	[hbm4b:s6+s3] =	stream.linear.scatter [tilespmem:s13], [sflag:$0x1], $0x2D00, $0x38;
	[tilespmem:$0xB100] =	vst v63  }
0x15d: {  	_ =	swait.ge [sflag:s10], $0x2D00  }
0x15e: {  	[sflag:s10] =	ssyncset.done $0x0  }
0x15f: {  	[sflag:s10] =	ssyncadd.s32 $0xFFFFD300  }
0x160: {  	[hbm4b:s7+s3] =	stream.linear.scatter [tilespmem:s14], [sflag:$0x1], $0x2D00, $0x38;
	[tilespmem:$0xB100] =	vst v63  }
0x161: {  	s16 =	sadd.s32 $0x1, s16;
	_ =	swait.ge [sflag:s10], $0x2D00  }
0x162: {  	p0 =	sne.s32 s16, s9;
	[sflag:s10] =	ssyncset.done $0x0  }
.Ltmp2:
0x163: {  	[sflag:s10] =	ssyncadd.s32 $0xFFFFD300;
	(pc) =	sbr.rel @p0 .LBB2_1-.Ltmp2, $4  }
0x164: {  	[hbm4b:s8+s3] =	stream.linear.scatter [tilespmem:s15], [sflag:$0x1], $0x2D00, $0x38;
	[tilespmem:$0xB100] =	vst v63  }
0x165: {  	_ =	swait.ge [sflag:s10], $0x2D00  }
0x166: {  	[sflag:s10] =	ssyncset.done $0x0  }
0x167: {  	[sflag:s10] =	ssyncadd.s32 $0xFFFFD300  }
0x168: {  	_ =	sfence.sel $0x180000  }
0x169: {  	[bflag:$0x0] =	sbarrier.arrive $0xFFFF  }
0x16a: {  	p0 =	sne.s32 s2, $0x0;
	_ =	strace $0x9000004A  }
0x16b: {  	s0 =	sadd.s32 @!p0 $0x100000, s0;
	[bflag:$0x2] =	sbarrier.arrive $0xFFFF  }
0x16c: {  	[sflag:s0] =	ssyncadd.tile.s32 @!p0 $0x1;
	_ =	shalt  }
.Lfunc_end2:
_tile_overlayer_lowered:
.L_overlay_start_2:
0x16d: {  	(tag) =	ssettag $0x2  }
0x16e: {  	s0 =	rddreg [dreg:$0x0];
	s2 =	stileid.u32  }
0x16f: {  	s1 =	rddreg [dreg:$0x1];
	p0 =	sne.s32 s2, $0x0  }
0x170: {  	s3 =	rddreg [dreg:$0x2];
	[bflag:$0x3] =	sbarrier.arrive $0xFFFF;
	s2 =	simm.s32 @!p0 $0x1C01  }
0x171: {  	[timem:s3], [sflag:s2] =	dma.local @!p0 [hbm:s0], s1  }
0x172: {  	s0 =	simm.s32 @!p0 $0x1  }
0x173: {  	_ =	swait.ge @!p0 [sflag:s0], s1  }
0x174: {  	s1 =	ssub.s32 @!p0 $0x0, s1;
	[sflag:s0] =	ssyncset.done @!p0 $0x0  }
0x175: {  	[sflag:s0] =	ssyncadd.s32 @!p0 s1  }
0x176: {  	[bflag:$0x3] =	sbarrier.arrive $0xFFFF  }
0x177: {  	_ =	shalt  }

// kernel: kernel.23.cloned.1.call-start
scs
__scs_entry_jumppad:
0x0: {  	(pc) =	sbr.rel $0x88, $3  }
0x1: {  	(tag) =	ssettag $0x0;
	lr =	simm.s32 $0x1  }
0x2: {  	[smem:$0x3F93] =	sst lr;
	_ =	strace $0xD0000000  }
0x3: {  	_ = 	snop  }
0x4: {  	_ = 	snop  }
0x5: {  	_ = 	snop  }
0x6: {  	_ = 	snop  }
0x7: {  	_ = 	snop  }
__scs_overlays_trampoline_lowered:
0x8: {  	[smem:$0x3FA2] =	sst s0  }
0x9: {  	[smem:$0x3FA3] =	sst s1  }
0xa: {  	[smem:$0x3FA4] =	sst s2  }
0xb: {  	[smem:$0x3FA5] =	sst s3  }
0xc: {  	[smem:$0x3FA6] =	sst s4  }
0xd: {  	[smem:$0x3FA7] =	sst s5  }
0xe: {  	[smem:$0x3FA8] =	sst s6  }
0xf: {  	[smem:$0x3FA9] =	sst s7  }
0x10: {  	[smem:$0x3FAA] =	sst s8  }
0x11: {  	[smem:$0x3FAB] =	sst s9;
	s0 =	simm.s32 @!p0 $0x0  }
0x12: {  	s1 =	sld [smem:$0x3F91];
	s0 =	simm.s32 @p0 $0x1  }
0x13: {  	[smem:$0x3FAC] =	sst s0;
	s0 =	simm.s32 @!p1 $0x0  }
0x14: {  	s2 =	sld [smem:$0x3F90];
	s0 =	simm.s32 @p1 $0x1  }
0x15: {  	[smem:$0x3FAD] =	sst s0;
	s0 =	simm.s32 @!p2 $0x0  }
0x16: {  	s3 =	sld [smem:$0x3FDB];
	s0 =	simm.s32 @p2 $0x1  }
0x17: {  	s4 =	simm.s32 $0x1BF5;
	[smem:$0x3FAF] =	sst s0  }
0x18: {  	s0 =	sld [smem:$0x3F92];
	_ =	swait.ge [sflag:s4], $0x0  }
0x19: {  	s7 =	sld [smem:$0x3F93]  }
0x1a: {  	s8 =	sadd.s32 $0xFFFFE003, lr  }
0x1b: {  	s9 =	sadd.s32 $0xFFFFFEF7, lr;
	s5 =	simm.s32 $0xFFFFFFFF;
	p2 =	slt.u32 s8, $0xFFFFF086  }
0x1c: {  	p1 =	slt.u32 s9, $0xF7A;
	s5 =	simm.s32 @!p2 $0x0  }
0x1d: {  	s5 =	simm.s32 @p1 $0x1;
	p0 =	seq.s32 s7, s2  }
0x1e: {  	s7 =	smul.u32 @!p0 $0xF7A, s2;
	p2 =	seq.s32 @!p0 s5, $0x0  }
0x1f: {  	s9 =	smul.u32 $0xF7A, s1;
	s8 =	simm.s32 @!p0 $0x1BF5;
	p2 =	por !p2, p0  }
0x20: {  	[sflag:s8] =	ssyncset.s32 @!p0 $0xFFFFF086;
	s6 =	sadd.s32 @!p0 s3, s7;
	s7 =	simm.s32 @!p0 $0x108  }
0x21: {  	s3 =	sadd.s32 s3, s9;
	s6 =	sadd.s32 @!p0 $0x88, s6;
	s7 =	simm.s32 @p2 $0x1082  }
0x22: {  	[simem:s7], [sflag:s8] =	dma.local @!p0 [hbm:s6], $0xF7A  }
0x23: {  	s9 =	sor.u32 $0xD0000000, s2;
	s6 =	simm.s32 $0x108;
	_ =	swait.ge @!p0 [sflag:s8], $0x0  }
0x24: {  	s3 =	sadd.s32 $0x88, s3;
	s6 =	simm.s32 @!p1 $0x1082;
	[sflag:s4] =	ssyncset.s32 $0xFFFFF086  }
0x25: {  	[simem:s6], [sflag:s4] =	dma.local [hbm:s3], $0xF7A  }
0x26: {  	[smem:$0x3F93] =	sst s1;
	(tag) =	ssettag s2;
	_ =	strace s9  }
0x27: {  	s1 =	sld [smem:$0x3FA3]  }
0x28: {  	s2 =	sld [smem:$0x3FA4]  }
0x29: {  	s4 =	sld [smem:$0x3FA6]  }
0x2a: {  	p0 =	seq.s32 s5, $0x0;
	s5 =	sld [smem:$0x3FA7]  }
0x2b: {  	s6 =	sld [smem:$0x3FA8]  }
0x2c: {  	s7 =	sld [smem:$0x3FA9]  }
0x2d: {  	s3 =	simm.s32 $0x108;
	s8 =	sld [smem:$0x3FAA]  }
0x2e: {  	s3 =	simm.s32 @!p0 $0x1082;
	s9 =	sld [smem:$0x3FAB]  }
0x2f: {  	lr =	sadd.s32 s0, s3;
	s0 =	sld [smem:$0x3FA2]  }
0x30: {  	s3 =	sld [smem:$0x3FA5]  }
0x31: {  	[smem:$0x3FAE] =	sst s10  }
0x32: {  	s10 =	sld [smem:$0x3FAC];
	_ =	sdelay $0x3  }
0x33: {  	p0 =	seq.s32 s10, $0x1;
	s10 =	sld [smem:$0x3FAE];
	_ =	sdelay $0x3  }
0x34: {  	[smem:$0x3FAE] =	sst s10  }
0x35: {  	s10 =	sld [smem:$0x3FAD];
	_ =	sdelay $0x3  }
0x36: {  	p1 =	seq.s32 s10, $0x1;
	s10 =	sld [smem:$0x3FAE];
	_ =	sdelay $0x3  }
0x37: {  	[smem:$0x3FAE] =	sst s10  }
0x38: {  	s10 =	sld [smem:$0x3FAF]  }
0x39: {  	_ = 	snop;
	(pc) =	sbr.ind lr, $3  }
0x3a: {  	_ = 	snop  }
0x3b: {  	_ = 	snop  }
0x3c: {  	p2 =	seq.s32 s10, $0x1;
	s10 =	sld [smem:$0x3FAE]  }
0x3d: {  	_ =	shalt  }
0x3e: {  	_ =	shalt  }
0x3f: {  	_ =	shalt  }
0x40: {  	_ =	shalt  }
0x41: {  	_ =	shalt  }
0x42: {  	_ =	shalt  }
0x43: {  	_ =	shalt  }
0x44: {  	_ =	shalt  }
0x45: {  	_ =	shalt  }
0x46: {  	_ =	shalt  }
0x47: {  	_ =	shalt  }
0x48: {  	_ =	shalt  }
0x49: {  	_ =	shalt  }
0x4a: {  	_ =	shalt  }
0x4b: {  	_ =	shalt  }
0x4c: {  	_ =	shalt  }
0x4d: {  	_ =	shalt  }
0x4e: {  	_ =	shalt  }
0x4f: {  	_ =	shalt  }
0x50: {  	_ =	shalt  }
0x51: {  	_ =	shalt  }
0x52: {  	_ =	shalt  }
0x53: {  	_ =	shalt  }
0x54: {  	_ =	shalt  }
0x55: {  	_ =	shalt  }
0x56: {  	_ =	shalt  }
0x57: {  	_ =	shalt  }
0x58: {  	_ =	shalt  }
0x59: {  	_ =	shalt  }
0x5a: {  	_ =	shalt  }
0x5b: {  	_ =	shalt  }
0x5c: {  	_ =	shalt  }
0x5d: {  	_ =	shalt  }
0x5e: {  	_ =	shalt  }
0x5f: {  	_ =	shalt  }
0x60: {  	_ =	shalt  }
0x61: {  	_ =	shalt  }
0x62: {  	_ =	shalt  }
0x63: {  	_ =	shalt  }
0x64: {  	_ =	shalt  }
0x65: {  	_ =	shalt  }
0x66: {  	_ =	shalt  }
0x67: {  	_ =	shalt  }
0x68: {  	_ =	shalt  }
0x69: {  	_ =	shalt  }
0x6a: {  	_ =	shalt  }
0x6b: {  	_ =	shalt  }
0x6c: {  	_ =	shalt  }
0x6d: {  	_ =	shalt  }
0x6e: {  	_ =	shalt  }
0x6f: {  	_ =	shalt  }
0x70: {  	_ =	shalt  }
0x71: {  	_ =	shalt  }
0x72: {  	_ =	shalt  }
0x73: {  	_ =	shalt  }
0x74: {  	_ =	shalt  }
0x75: {  	_ =	shalt  }
0x76: {  	_ =	shalt  }
0x77: {  	_ =	shalt  }
0x78: {  	_ =	shalt  }
0x79: {  	_ =	shalt  }
0x7a: {  	_ =	shalt  }
0x7b: {  	_ =	shalt  }
0x7c: {  	_ =	shalt  }
0x7d: {  	_ =	shalt  }
0x7e: {  	_ =	shalt  }
0x7f: {  	_ =	shalt  }
0x80: {  	_ =	shalt  }
0x81: {  	_ =	shalt  }
0x82: {  	_ =	shalt  }
0x83: {  	_ =	shalt  }
0x84: {  	_ =	shalt  }
0x85: {  	_ =	shalt  }
0x86: {  	_ =	shalt  }
0x87: {  	_ =	shalt  }
.Lfunc_end0:
.L_simem_size_0:
called_computation.2_lowered:
.L_overlay_start_0:
0x88: {  	s2 =	sld [smem:$0x3FD9]  }
0x89: {  	s3 =	sld [smem:$0x3FFE];
	_ =	sdelay $0x1  }
0x8a: {  	s1 =	srdreg.scid  }
0x8b: {  	s0 =	sand.u32 $0x1, s1  }
0x8c: {  	s16 =	sshll.u32 s0, $0xA;
	s2 =	sadd.s32 s3, s2  }
0x8d: {  	s2 =	sadd.s32 s2, s16  }
0x8e: {  	[smem:$0x3FBA] =	sst s2  }
0x8f: {  	_ = 	snop  }
0x90: {  	(tm) =	ssettm $0x1  }
0x91: {  	s17 =	sld [smem:$0x3FFB];
	_ =	sdelay $0x3  }
0x92: {  	_ =	strace s17  }
0x93: {  	s2 =	sld [smem:$0x3FFC];
	_ =	sdelay $0x3  }
0x94: {  	_ =	strace s2  }
0x95: {  	s2 =	sld [smem:$0x3FFD];
	_ =	sdelay $0x3  }
0x96: {  	_ =	strace s2  }
0x97: {  	_ =	strace $0x8FFFFFFF  }
0x98: {  	s18 =	sld [smem:$0x3FDB];
	_ =	sdelay $0x1  }
0x99: {  	s19 =	simm.s32 $_scs_section_size  }
0x9a: {  	s4 =	simm.s32 $_size__tile_overlayer_lowered;
	s5 =	simm.s32 $_tile_overlayer_lowered  }
0x9b: {  	s22 =	simm.s32 $0x1BFF;
	s21 =	sshll.u32 s5, $0x1;
	s2 =	sadd.s32 s19, s18  }
0x9c: {  	s6 =	simm.s32 $0x0;
	s20 =	sshll.u32 s4, $0x1;
	s4 =	sadd.s32 s21, s2  }
0x9d: {  	[timem:s6], [sflag:s22] =	dma.local [hbm:s4], s20  }
0x9e: {  	_ =	swait.ge [sflag:s22], s20  }
0x9f: {  	s3 =	ssub.s32 $0x0, s20;
	[sflag:s22] =	ssyncset.done $0x0  }
0xa0: {  	[sflag:s22] =	ssyncadd.s32 s3;
	_ =	sdelay $0x1  }
0xa1: {  	s23 =	simm.s32 $0x1B8B  }
0xa2: {  	_ =	swait.ge [sflag:s23], $0x1  }
0xa3: {  	[sflag:s23] =	ssyncset.done $0x0  }
0xa4: {  	s25 =	simm.s32 $0x1B8E;
	s24 =	sld [smem:$0x3FFE];
	[sflag:s23] =	ssyncadd.s32 $0xFFFFFFFF  }
0xa5: {  	s26 =	simm.s32 $execute0_lowered;
	[smem:$0x3FD2] =	sst s25  }
0xa6: {  	s4 =	sshll.u32 s26, $0x1;
	_ =	strace $0x8000004C;
	[dreg:$0x1] =	wrdreg $0xFFFFFFFF  }
0xa7: {  	s28 =	simm.s32 $_size_execute0_lowered;
	s2 =	sadd.s32 s2, s4;
	[dreg:$0x0] =	wrdreg $0x0  }
0xa8: {  	s4 =	sshll.u32 s28, $0x1;
	[dreg:$0x2] =	wrdreg s2  }
0xa9: {  	[dreg:$0x3] =	wrdreg s4  }
0xaa: {  	[dreg:$0x4] =	wrdreg $0xC0  }
0xab: {  	_ =	task [dreg:s6], $0x5FFFF  }
0xac: {  	[dreg:$0x1] =	wrdreg $0xFFFFFFFF  }
0xad: {  	[dreg:$0x0] =	wrdreg $0x60  }
0xae: {  	[dreg:$0x2] =	wrdreg s24  }
0xaf: {  	[dreg:$0x3] =	wrdreg $0x9  }
0xb0: {  	_ =	task.clear_ibuf [dreg:s6], $0x4FFFF;
	_ =	strace $0x9000004C  }
0xb1: {  	s29 =	simm.s32 $0x9;
	_ =	strace $0x8000004E  }
0xb2: {  	_ =	swait.ge [sflag:s29], $0x1  }
0xb3: {  	[sflag:s29] =	ssyncadd.s32 $0xFFFFFFFF  }
0xb4: {  	_ =	strace $0x9000004E  }
0xb5: {  	_ =	sfence  }
0xb6: {  	s30 =	sld [smem:$0x0];
	_ =	sdelay $0x2  }
0xb7: {  	s31 =	sshll.u32 s1, $0xD;
	s1 =	sshrl.u32 s1, $0x2  }
0xb8: {  	s3 =	sand.u32 $0x4000, s31;
	s1 =	sadd.s32 s1, s30  }
0xb9: {  	s0 =	sor.u32 s3, s0;
	s1 =	sshll.u32 s1, $0x11  }
0xba: {  	s0 =	sor.u32 s1, s0  }
0xbb: {  	s0 =	sadd.s32 $0x8F2B, s0  }
0xbc: {  	[sflag:s0] =	ssyncadd.remote.s32 $0x1  }
0xbd: {  	_ =	sfence.sel $0xFFFF  }
0xbe: {  	[dreg:$0x0] =	wrdreg $0xFFFFFFFF;
	(pc) =	sbr.abs _section_cstart, $3  }
0xbf: {  	[dreg:$0x1] =	wrdreg $0xFFFFFFFF  }
0xc0: {  	_ =	task.clear_ibuf [dreg:s6], $0x2FFFF;
	_ =	strace $0x9FFFFFFF  }
0xc1: {  	(tm) =	ssettm $0x7FFFFFFF  }
tec
execute0_lowered:
.L_overlay_start_1:
0x0: {  	(tag) =	ssettag $0x1  }
0x1: {  	s9 =	rddreg [dreg:$0x0];
	s1 =	srdreg.scid  }
0x2: {  	s0 =	rddreg [dreg:$0x1];
	s2 =	simm.s32 $0x0;
	s12 =	simm.s32 $0x2  }
0x3: {  	s13 =	simm.s32 $0xA480;
	s14 =	simm.s32 $0xA500;
	s15 =	simm.s32 $0x80  }
0x4: {  	s16 =	simm.s32 $0xA580;
	s17 =	simm.s32 $0x1;
	s5 =	sand.u32 $0x1, s1  }
0x5: {  	[smem:$0x7FF] =	sst s2;
	s1 =	stileid.u32;
	s3 =	sadd.s32 $0x1C000, s9  }
0x6: {  	s6 =	sadd.s32 $0x80C00, s9;
	s4 =	sshll.u32 s5, $0x4;
	s8 =	ssub.s32 $0x2, s5  }
0x7: {  	_ =	strace $0x8000004D;
	s18 =	sor.u32 s1, s4;
	s10 =	sshrl.u32 s8, $0x1  }
0x8: {  	v0 =	vlaneseq.u32;
	s5 =	sadd.s32 $0x75800, s9;
	s7 =	smul.u32 $0x1400, s18;
	s10 =	ssub.s32 s8, s10  }
0x9: {  	v1 =	vimm.f32 $0.0e+00;
	v2 =	vor.u32 $0x10, v0;
	s4 =	sadd.s32 $0x6A400, s9;
	p0 =	seq.s32 s18, $0x1F;
	s10 =	smax.u32 s10, $0x1  }
0xa: {  	v3 =	vor.u32 $0x20, v0;
	v4 =	vor.u32 $0x30, v0;
	v5 =	vor.u32 $0x40, v0;
	s11 =	sadd.s32 s7, s9;
	s7 =	smul.u32 $0x5A, s18;
	s9 =	sadd.s32 $0xB2C00, s9  }
0xb: {  	v6 =	vor.u32 $0x50, v0;
	v7 =	vor.u32 $0x60, v0;
	v8 =	vor.u32 $0x70, v0;
	s18 =	simm.s32 $0x0;
	s8 =	sadd.s32 $0x8C000, s11;
	s11 =	simm.s32 $0xA400  }
.LBB2_1:
0xc: {  	s19 =	simm.s32 $0x40;
	s20 =	simm.s32 $0x0  }
.LBB2_2:
0xd: {  	p1 =	sne.s32 s19, $0x28FC0;
	[tilespmem:s20+$0x0] =	vst v1;
	s20 =	smov.u32 s19;
	s19 =	sadd.s32 $0x40, s19  }
.Ltmp0:
0xe: {  	(pc) =	sbr.rel @p1 .LBB2_2-.Ltmp0, $2  }
0xf: {  	_ =	sdelay $0x2  }
0x10: {  	s20 =	sshra.s32 s20, $0x2  }
0x11: {  	[tilespmem:s20+$0x0] =	vst v1;
	s19 =	simm.s32 $0x0;
	s20 =	simm.s32 $0x0  }
.LBB2_4:
0x12: {  	s21 =	sadd.s32 s7, s20  }
0x13: {  	s21 =	sshll.u32 s21, $0x4  }
0x14: {  	s22 =	sadd.s32 s4, s21  }
0x15: {  	[tilespmem:s11], [sflag:$0x2] =	stream.linear.gather [hbm4b:s22+s19], $0x80, $0x38;
	[tilespmem:$0xE580] =	vst v63  }
0x16: {  	_ =	swait.ge [sflag:s12], $0x80  }
0x17: {  	[sflag:s12] =	ssyncset.done $0x0  }
0x18: {  	s31 =	sadd.s32 s5, s21;
	[sflag:s12] =	ssyncadd.s32 $0xFFFFFF80  }
0x19: {  	[tilespmem:s13], [sflag:$0x2] =	stream.linear.gather [hbm4b:s31+s19], $0x80, $0x38;
	[tilespmem:$0xE580] =	vst v63  }
0x1a: {  	_ =	swait.ge [sflag:s12], $0x80  }
0x1b: {  	[sflag:s12] =	ssyncset.done $0x0  }
0x1c: {  	s21 =	sadd.s32 s6, s21;
	[sflag:s12] =	ssyncadd.s32 $0xFFFFFF80  }
0x1d: {  	[tilespmem:s14], [sflag:$0x2] =	stream.linear.gather [hbm4b:s21+s19], $0x80, $0x38;
	[tilespmem:$0xE580] =	vst v63  }
0x1e: {  	_ =	swait.ge [sflag:s12], $0x80  }
0x1f: {  	[sflag:s12] =	ssyncset.done $0x0  }
0x20: {  	v9 =	vmov s19;
	[sflag:s12] =	ssyncadd.s32 $0xFFFFFF80  }
0x21: {  	[tilespmem:s16], [sflag:$0x1] =	stream.indirect.gather [hbm4b:s3+s15], $0x80, s11, s15, $0xb8;
	[tilespmem:$0xE580] =	vst v63  }
0x22: {  	_ =	swait.ge [sflag:s17], $0x4000  }
0x23: {  	[sflag:s17] =	ssyncset.done $0x0  }
0x24: {  	[sflag:s17] =	ssyncadd.s32 $0xFFFFC000  }
0x25: {  	v10 =	vld.idx.msk [tilespmem:v9+s13+$0x0], $0xffff;
	_ =	sdelay $0x2  }
0x26: {  	s21 =	simm.s32 $0xA5C0;
	v11 =	vld.idx.msk [tilespmem:v9+s14+$0x0], $0xffff  }
0x27: {  	v9 =	vld [tilespmem:s21+$0xFFFFFFC0]  }
0x28: {  	v10 =	vshll.u32 v10, $0x7  }
0x29: {  	v12 =	vor.u32 v0, v10;
	_ =	sdelay $0x2  }
0x2a: {  	v9 =	vmul.f32 v9, v11;
	_ =	sdelay $0x1  }
0x2b: {  	[tilespmem:v12+s2+$0x0] =	vst.idx.add.f32.msk $0xffff, v9  }
0x2c: {  	v9 =	vld [tilespmem:s21+$0xFFFFFFD0];
	_ =	sdelay $0x1  }
0x2d: {  	v58 =	vor.u32 v2, v10;
	_ =	sdelay $0x2  }
0x2e: {  	v9 =	vmul.f32 v9, v11;
	_ =	sdelay $0x1  }
0x2f: {  	[tilespmem:v58+s2+$0x0] =	vst.idx.add.f32.msk $0xffff, v9  }
0x30: {  	v9 =	vld [tilespmem:s21+$0xFFFFFFE0];
	_ =	sdelay $0x1  }
0x31: {  	v59 =	vor.u32 v3, v10;
	_ =	sdelay $0x2  }
0x32: {  	v9 =	vmul.f32 v9, v11;
	_ =	sdelay $0x1  }
0x33: {  	[tilespmem:v59+s2+$0x0] =	vst.idx.add.f32.msk $0xffff, v9  }
0x34: {  	v9 =	vld [tilespmem:s21+$0xFFFFFFF0];
	_ =	sdelay $0x1  }
0x35: {  	v60 =	vor.u32 v4, v10;
	_ =	sdelay $0x2  }
0x36: {  	v9 =	vmul.f32 v9, v11;
	_ =	sdelay $0x1  }
0x37: {  	[tilespmem:v60+s2+$0x0] =	vst.idx.add.f32.msk $0xffff, v9  }
0x38: {  	v9 =	vld [tilespmem:s21+$0x0];
	_ =	sdelay $0x1  }
0x39: {  	v61 =	vor.u32 v5, v10;
	_ =	sdelay $0x2  }
0x3a: {  	v9 =	vmul.f32 v9, v11;
	_ =	sdelay $0x1  }
0x3b: {  	[tilespmem:v61+s2+$0x0] =	vst.idx.add.f32.msk $0xffff, v9  }
0x3c: {  	v9 =	vld [tilespmem:s21+$0x10];
	_ =	sdelay $0x1  }
0x3d: {  	v62 =	vor.u32 v6, v10;
	_ =	sdelay $0x2  }
0x3e: {  	v9 =	vmul.f32 v9, v11;
	_ =	sdelay $0x1  }
0x3f: {  	[tilespmem:v62+s2+$0x0] =	vst.idx.add.f32.msk $0xffff, v9  }
0x40: {  	v9 =	vld [tilespmem:s21+$0x20];
	_ =	sdelay $0x1  }
0x41: {  	v63 =	vor.u32 v7, v10;
	_ =	sdelay $0x2  }
0x42: {  	v9 =	vmul.f32 v9, v11;
	_ =	sdelay $0x1  }
0x43: {  	[tilespmem:v63+s2+$0x0] =	vst.idx.add.f32.msk $0xffff, v9  }
0x44: {  	v12 =	vld [tilespmem:s21+$0x30];
	_ =	sdelay $0x1  }
0x45: {  	s23 =	simm.s32 $0x1;
	v10 =	vor.u32 v8, v10  }
0x46: {  	v9 =	vmov s23;
	_ =	sdelay $0x1  }
0x47: {  	s22 =	simm.s32 $0x2;
	v11 =	vmul.f32 v12, v11  }
.LBB2_5:
0x48: {  	p1 =	sne.s32 s22, $0x7F  }
0x49: {  	s21 =	sadd.s32 $0x80, s21;
	s23 =	smov.u32 s22;
	s22 =	sadd.s32 $0x1, s22;
	[tilespmem:v10+s2+$0x0] =	vst.idx.add.f32.msk $0xffff, v11  }
0x4a: {  	v10 =	vld.idx.msk [tilespmem:v9+s13+$0x0], $0xffff;
	_ =	sdelay $0x3  }
0x4b: {  	v11 =	vld.idx.msk [tilespmem:v9+s14+$0x0], $0xffff  }
0x4c: {  	v9 =	vld [tilespmem:s21+$0xFFFFFFC0]  }
0x4d: {  	v10 =	vshll.u32 v10, $0x7  }
0x4e: {  	v12 =	vor.u32 v0, v10;
	_ =	sdelay $0x2  }
0x4f: {  	v9 =	vmul.f32 v9, v11;
	_ =	sdelay $0x1  }
0x50: {  	[tilespmem:v12+s2+$0x0] =	vst.idx.add.f32.msk $0xffff, v9  }
0x51: {  	v9 =	vld [tilespmem:s21+$0xFFFFFFD0];
	_ =	sdelay $0x1  }
0x52: {  	v12 =	vor.u32 v2, v10;
	_ =	sdelay $0x2  }
0x53: {  	v9 =	vmul.f32 v9, v11;
	_ =	sdelay $0x1  }
0x54: {  	[tilespmem:v12+s2+$0x0] =	vst.idx.add.f32.msk $0xffff, v9  }
0x55: {  	v9 =	vld [tilespmem:s21+$0xFFFFFFE0];
	_ =	sdelay $0x1  }
0x56: {  	v12 =	vor.u32 v3, v10;
	_ =	sdelay $0x2  }
0x57: {  	v9 =	vmul.f32 v9, v11;
	_ =	sdelay $0x1  }
0x58: {  	[tilespmem:v12+s2+$0x0] =	vst.idx.add.f32.msk $0xffff, v9  }
0x59: {  	v9 =	vld [tilespmem:s21+$0xFFFFFFF0];
	_ =	sdelay $0x1  }
0x5a: {  	v12 =	vor.u32 v4, v10;
	_ =	sdelay $0x2  }
0x5b: {  	v9 =	vmul.f32 v9, v11;
	_ =	sdelay $0x1  }
0x5c: {  	[tilespmem:v12+s2+$0x0] =	vst.idx.add.f32.msk $0xffff, v9  }
0x5d: {  	v9 =	vld [tilespmem:s21+$0x0];
	_ =	sdelay $0x1  }
0x5e: {  	v12 =	vor.u32 v5, v10;
	_ =	sdelay $0x2  }
0x5f: {  	v9 =	vmul.f32 v9, v11;
	_ =	sdelay $0x1  }
0x60: {  	[tilespmem:v12+s2+$0x0] =	vst.idx.add.f32.msk $0xffff, v9  }
0x61: {  	v9 =	vld [tilespmem:s21+$0x10];
	_ =	sdelay $0x1  }
0x62: {  	v12 =	vor.u32 v6, v10;
	_ =	sdelay $0x2  }
0x63: {  	v9 =	vmul.f32 v9, v11;
	_ =	sdelay $0x1  }
0x64: {  	[tilespmem:v12+s2+$0x0] =	vst.idx.add.f32.msk $0xffff, v9  }
0x65: {  	v9 =	vld [tilespmem:s21+$0x20];
	_ =	sdelay $0x1  }
0x66: {  	v12 =	vor.u32 v7, v10;
	_ =	sdelay $0x2  }
0x67: {  	v9 =	vmul.f32 v9, v11;
	_ =	sdelay $0x1  }
0x68: {  	[tilespmem:v12+s2+$0x0] =	vst.idx.add.f32.msk $0xffff, v9  }
0x69: {  	v12 =	vld [tilespmem:s21+$0x30]  }
.Ltmp1:
0x6a: {  	(pc) =	sbr.rel @p1 .LBB2_5-.Ltmp1, $3  }
0x6b: {  	v10 =	vor.u32 v8, v10  }
0x6c: {  	v9 =	vmov s23;
	_ =	sdelay $0x1  }
0x6d: {  	v11 =	vmul.f32 v12, v11  }
0x6e: {  	_ =	sdelay $0x3  }
0x6f: {  	[tilespmem:v10+s2+$0x0] =	vst.idx.add.f32.msk $0xffff, v11  }
0x70: {  	v10 =	vld.idx.msk [tilespmem:v9+s13+$0x0], $0xffff;
	_ =	sdelay $0x2  }
0x71: {  	s21 =	sadd.s32 $0x80, s21;
	v9 =	vld.idx.msk [tilespmem:v9+s14+$0x0], $0xffff  }
0x72: {  	v11 =	vld [tilespmem:s21+$0xFFFFFFC0]  }
0x73: {  	v10 =	vshll.u32 v10, $0x7  }
0x74: {  	v12 =	vor.u32 v0, v10;
	_ =	sdelay $0x2  }
0x75: {  	v11 =	vmul.f32 v11, v9;
	_ =	sdelay $0x1  }
0x76: {  	[tilespmem:v12+s2+$0x0] =	vst.idx.add.f32.msk $0xffff, v11  }
0x77: {  	v11 =	vld [tilespmem:s21+$0xFFFFFFD0];
	_ =	sdelay $0x1  }
0x78: {  	v58 =	vor.u32 v2, v10;
	_ =	sdelay $0x2  }
0x79: {  	v11 =	vmul.f32 v11, v9;
	_ =	sdelay $0x1  }
0x7a: {  	[tilespmem:v58+s2+$0x0] =	vst.idx.add.f32.msk $0xffff, v11  }
0x7b: {  	v11 =	vld [tilespmem:s21+$0xFFFFFFE0];
	_ =	sdelay $0x1  }
0x7c: {  	v59 =	vor.u32 v3, v10;
	_ =	sdelay $0x2  }
0x7d: {  	v11 =	vmul.f32 v11, v9;
	_ =	sdelay $0x1  }
0x7e: {  	[tilespmem:v59+s2+$0x0] =	vst.idx.add.f32.msk $0xffff, v11  }
0x7f: {  	v11 =	vld [tilespmem:s21+$0xFFFFFFF0];
	_ =	sdelay $0x1  }
0x80: {  	v60 =	vor.u32 v4, v10;
	_ =	sdelay $0x2  }
0x81: {  	v11 =	vmul.f32 v11, v9;
	_ =	sdelay $0x1  }
0x82: {  	[tilespmem:v60+s2+$0x0] =	vst.idx.add.f32.msk $0xffff, v11  }
0x83: {  	v11 =	vld [tilespmem:s21+$0x0];
	_ =	sdelay $0x1  }
0x84: {  	v61 =	vor.u32 v5, v10;
	_ =	sdelay $0x2  }
0x85: {  	v11 =	vmul.f32 v11, v9;
	_ =	sdelay $0x1  }
0x86: {  	[tilespmem:v61+s2+$0x0] =	vst.idx.add.f32.msk $0xffff, v11  }
0x87: {  	v11 =	vld [tilespmem:s21+$0x10];
	_ =	sdelay $0x1  }
0x88: {  	v62 =	vor.u32 v6, v10;
	_ =	sdelay $0x2  }
0x89: {  	v11 =	vmul.f32 v11, v9;
	_ =	sdelay $0x1  }
0x8a: {  	[tilespmem:v62+s2+$0x0] =	vst.idx.add.f32.msk $0xffff, v11  }
0x8b: {  	v11 =	vld [tilespmem:s21+$0x20];
	_ =	sdelay $0x1  }
0x8c: {  	v63 =	vor.u32 v7, v10;
	_ =	sdelay $0x2  }
0x8d: {  	v11 =	vmul.f32 v11, v9;
	_ =	sdelay $0x1  }
0x8e: {  	[tilespmem:v63+s2+$0x0] =	vst.idx.add.f32.msk $0xffff, v11  }
0x8f: {  	v11 =	vld [tilespmem:s21+$0x30]  }
0x90: {  	s20 =	sadd.s32 $0x1, s20  }
0x91: {  	p1 =	sne.s32 s20, $0x5A;
	v10 =	vor.u32 v8, v10  }
.Ltmp2:
0x92: {  	_ = 	snop;
	(pc) =	sbr.rel @p1 .LBB2_4-.Ltmp2, $3  }
0x93: {  	_ = 	snop  }
0x94: {  	v9 =	vmul.f32 v11, v9;
	_ =	sdelay $0x1  }
0x95: {  	[tilespmem:v10+s2+$0x0] =	vst.idx.add.f32.msk $0xffff, v9  }
0x96: {  	s19 =	simm.s32 @p0 $0x0  }
0x97: {  	[hbm4b:s9+s19] =	stream.linear.scatter @p0 [tilespmem:s19], [sflag:$0x2], $0x2800, $0x38;
	[tilespmem:$0xE580] =	vst v63  }
0x98: {  	s19 =	simm.s32 @p0 $0x2  }
0x99: {  	_ =	swait.ge @p0 [sflag:s19], $0x2800  }
0x9a: {  	s18 =	sadd.s32 $0x1, s18;
	[sflag:s19] =	ssyncset.done @p0 $0x0  }
0x9b: {  	p1 =	sne.s32 s18, s10;
	[sflag:s19] =	ssyncadd.s32 @p0 $0xFFFFD800;
	s19 =	simm.s32 @!p0 $0x0  }
0x9c: {  	[hbm4b:s8+s19] =	stream.linear.scatter @!p0 [tilespmem:s19], [sflag:$0x2], $0xA000, $0x38;
	[tilespmem:$0xE580] =	vst v63  }
.Ltmp3:
0x9d: {  	_ = 	snop;
	(pc) =	sbr.rel @p1 .LBB2_1-.Ltmp3, $4  }
0x9e: {  	s19 =	simm.s32 @!p0 $0x2  }
0x9f: {  	_ =	swait.ge @!p0 [sflag:s19], $0xA000  }
0xa0: {  	[sflag:s19] =	ssyncset.done @!p0 $0x0  }
0xa1: {  	[sflag:s19] =	ssyncadd.s32 @!p0 $0xFFFF6000  }
0xa2: {  	_ =	sfence.sel $0x180000  }
0xa3: {  	[bflag:$0x0] =	sbarrier.arrive $0xFFFF  }
0xa4: {  	p0 =	sne.s32 s1, $0x0;
	_ =	strace $0x9000004D  }
0xa5: {  	s0 =	sadd.s32 @!p0 $0x100000, s0;
	[bflag:$0x2] =	sbarrier.arrive $0xFFFF  }
0xa6: {  	[sflag:s0] =	ssyncadd.tile.s32 @!p0 $0x1;
	_ =	shalt  }
.Lfunc_end2:
_tile_overlayer_lowered:
.L_overlay_start_2:
0xa7: {  	(tag) =	ssettag $0x2  }
0xa8: {  	s0 =	rddreg [dreg:$0x0];
	s2 =	stileid.u32  }
0xa9: {  	s1 =	rddreg [dreg:$0x1];
	p0 =	sne.s32 s2, $0x0  }
0xaa: {  	s3 =	rddreg [dreg:$0x2];
	[bflag:$0x3] =	sbarrier.arrive $0xFFFF;
	s2 =	simm.s32 @!p0 $0x1C02  }
0xab: {  	[timem:s3], [sflag:s2] =	dma.local @!p0 [hbm:s0], s1  }
0xac: {  	s0 =	simm.s32 @!p0 $0x2  }
0xad: {  	_ =	swait.ge @!p0 [sflag:s0], s1  }
0xae: {  	s1 =	ssub.s32 @!p0 $0x0, s1;
	[sflag:s0] =	ssyncset.done @!p0 $0x0  }
0xaf: {  	[sflag:s0] =	ssyncadd.s32 @!p0 s1  }
0xb0: {  	[bflag:$0x3] =	sbarrier.arrive $0xFFFF  }
0xb1: {  	_ =	shalt  }

// kernel: kernel.26.cloned.1.call-start
scs
__scs_entry_jumppad:
0x0: {  	(pc) =	sbr.rel $0x88, $3  }
0x1: {  	(tag) =	ssettag $0x0;
	lr =	simm.s32 $0x1  }
0x2: {  	[smem:$0x3F93] =	sst lr;
	_ =	strace $0xD0000000  }
0x3: {  	_ = 	snop  }
0x4: {  	_ = 	snop  }
0x5: {  	_ = 	snop  }
0x6: {  	_ = 	snop  }
0x7: {  	_ = 	snop  }
__scs_overlays_trampoline_lowered:
0x8: {  	[smem:$0x3FA2] =	sst s0  }
0x9: {  	[smem:$0x3FA3] =	sst s1  }
0xa: {  	[smem:$0x3FA4] =	sst s2  }
0xb: {  	[smem:$0x3FA5] =	sst s3  }
0xc: {  	[smem:$0x3FA6] =	sst s4  }
0xd: {  	[smem:$0x3FA7] =	sst s5  }
0xe: {  	[smem:$0x3FA8] =	sst s6  }
0xf: {  	[smem:$0x3FA9] =	sst s7  }
0x10: {  	[smem:$0x3FAA] =	sst s8  }
0x11: {  	[smem:$0x3FAB] =	sst s9;
	s0 =	simm.s32 @!p0 $0x0  }
0x12: {  	s1 =	sld [smem:$0x3F91];
	s0 =	simm.s32 @p0 $0x1  }
0x13: {  	[smem:$0x3FAC] =	sst s0;
	s0 =	simm.s32 @!p1 $0x0  }
0x14: {  	s2 =	sld [smem:$0x3F90];
	s0 =	simm.s32 @p1 $0x1  }
0x15: {  	[smem:$0x3FAD] =	sst s0;
	s0 =	simm.s32 @!p2 $0x0  }
0x16: {  	s3 =	sld [smem:$0x3FDB];
	s0 =	simm.s32 @p2 $0x1  }
0x17: {  	s4 =	simm.s32 $0x1BF5;
	[smem:$0x3FAF] =	sst s0  }
0x18: {  	s0 =	sld [smem:$0x3F92];
	_ =	swait.ge [sflag:s4], $0x0  }
0x19: {  	s7 =	sld [smem:$0x3F93]  }
0x1a: {  	s8 =	sadd.s32 $0xFFFFE003, lr  }
0x1b: {  	s9 =	sadd.s32 $0xFFFFFEF7, lr;
	s5 =	simm.s32 $0xFFFFFFFF;
	p2 =	slt.u32 s8, $0xFFFFF086  }
0x1c: {  	p1 =	slt.u32 s9, $0xF7A;
	s5 =	simm.s32 @!p2 $0x0  }
0x1d: {  	s5 =	simm.s32 @p1 $0x1;
	p0 =	seq.s32 s7, s2  }
0x1e: {  	s7 =	smul.u32 @!p0 $0xF7A, s2;
	p2 =	seq.s32 @!p0 s5, $0x0  }
0x1f: {  	s9 =	smul.u32 $0xF7A, s1;
	s8 =	simm.s32 @!p0 $0x1BF5;
	p2 =	por !p2, p0  }
0x20: {  	[sflag:s8] =	ssyncset.s32 @!p0 $0xFFFFF086;
	s6 =	sadd.s32 @!p0 s3, s7;
	s7 =	simm.s32 @!p0 $0x108  }
0x21: {  	s3 =	sadd.s32 s3, s9;
	s6 =	sadd.s32 @!p0 $0x88, s6;
	s7 =	simm.s32 @p2 $0x1082  }
0x22: {  	[simem:s7], [sflag:s8] =	dma.local @!p0 [hbm:s6], $0xF7A  }
0x23: {  	s9 =	sor.u32 $0xD0000000, s2;
	s6 =	simm.s32 $0x108;
	_ =	swait.ge @!p0 [sflag:s8], $0x0  }
0x24: {  	s3 =	sadd.s32 $0x88, s3;
	s6 =	simm.s32 @!p1 $0x1082;
	[sflag:s4] =	ssyncset.s32 $0xFFFFF086  }
0x25: {  	[simem:s6], [sflag:s4] =	dma.local [hbm:s3], $0xF7A  }
0x26: {  	[smem:$0x3F93] =	sst s1;
	(tag) =	ssettag s2;
	_ =	strace s9  }
0x27: {  	s1 =	sld [smem:$0x3FA3]  }
0x28: {  	s2 =	sld [smem:$0x3FA4]  }
0x29: {  	s4 =	sld [smem:$0x3FA6]  }
0x2a: {  	p0 =	seq.s32 s5, $0x0;
	s5 =	sld [smem:$0x3FA7]  }
0x2b: {  	s6 =	sld [smem:$0x3FA8]  }
0x2c: {  	s7 =	sld [smem:$0x3FA9]  }
0x2d: {  	s3 =	simm.s32 $0x108;
	s8 =	sld [smem:$0x3FAA]  }
0x2e: {  	s3 =	simm.s32 @!p0 $0x1082;
	s9 =	sld [smem:$0x3FAB]  }
0x2f: {  	lr =	sadd.s32 s0, s3;
	s0 =	sld [smem:$0x3FA2]  }
0x30: {  	s3 =	sld [smem:$0x3FA5]  }
0x31: {  	[smem:$0x3FAE] =	sst s10  }
0x32: {  	s10 =	sld [smem:$0x3FAC];
	_ =	sdelay $0x3  }
0x33: {  	p0 =	seq.s32 s10, $0x1;
	s10 =	sld [smem:$0x3FAE];
	_ =	sdelay $0x3  }
0x34: {  	[smem:$0x3FAE] =	sst s10  }
0x35: {  	s10 =	sld [smem:$0x3FAD];
	_ =	sdelay $0x3  }
0x36: {  	p1 =	seq.s32 s10, $0x1;
	s10 =	sld [smem:$0x3FAE];
	_ =	sdelay $0x3  }
0x37: {  	[smem:$0x3FAE] =	sst s10  }
0x38: {  	s10 =	sld [smem:$0x3FAF]  }
0x39: {  	_ = 	snop;
	(pc) =	sbr.ind lr, $3  }
0x3a: {  	_ = 	snop  }
0x3b: {  	_ = 	snop  }
0x3c: {  	p2 =	seq.s32 s10, $0x1;
	s10 =	sld [smem:$0x3FAE]  }
0x3d: {  	_ =	shalt  }
0x3e: {  	_ =	shalt  }
0x3f: {  	_ =	shalt  }
0x40: {  	_ =	shalt  }
0x41: {  	_ =	shalt  }
0x42: {  	_ =	shalt  }
0x43: {  	_ =	shalt  }
0x44: {  	_ =	shalt  }
0x45: {  	_ =	shalt  }
0x46: {  	_ =	shalt  }
0x47: {  	_ =	shalt  }
0x48: {  	_ =	shalt  }
0x49: {  	_ =	shalt  }
0x4a: {  	_ =	shalt  }
0x4b: {  	_ =	shalt  }
0x4c: {  	_ =	shalt  }
0x4d: {  	_ =	shalt  }
0x4e: {  	_ =	shalt  }
0x4f: {  	_ =	shalt  }
0x50: {  	_ =	shalt  }
0x51: {  	_ =	shalt  }
0x52: {  	_ =	shalt  }
0x53: {  	_ =	shalt  }
0x54: {  	_ =	shalt  }
0x55: {  	_ =	shalt  }
0x56: {  	_ =	shalt  }
0x57: {  	_ =	shalt  }
0x58: {  	_ =	shalt  }
0x59: {  	_ =	shalt  }
0x5a: {  	_ =	shalt  }
0x5b: {  	_ =	shalt  }
0x5c: {  	_ =	shalt  }
0x5d: {  	_ =	shalt  }
0x5e: {  	_ =	shalt  }
0x5f: {  	_ =	shalt  }
0x60: {  	_ =	shalt  }
0x61: {  	_ =	shalt  }
0x62: {  	_ =	shalt  }
0x63: {  	_ =	shalt  }
0x64: {  	_ =	shalt  }
0x65: {  	_ =	shalt  }
0x66: {  	_ =	shalt  }
0x67: {  	_ =	shalt  }
0x68: {  	_ =	shalt  }
0x69: {  	_ =	shalt  }
0x6a: {  	_ =	shalt  }
0x6b: {  	_ =	shalt  }
0x6c: {  	_ =	shalt  }
0x6d: {  	_ =	shalt  }
0x6e: {  	_ =	shalt  }
0x6f: {  	_ =	shalt  }
0x70: {  	_ =	shalt  }
0x71: {  	_ =	shalt  }
0x72: {  	_ =	shalt  }
0x73: {  	_ =	shalt  }
0x74: {  	_ =	shalt  }
0x75: {  	_ =	shalt  }
0x76: {  	_ =	shalt  }
0x77: {  	_ =	shalt  }
0x78: {  	_ =	shalt  }
0x79: {  	_ =	shalt  }
0x7a: {  	_ =	shalt  }
0x7b: {  	_ =	shalt  }
0x7c: {  	_ =	shalt  }
0x7d: {  	_ =	shalt  }
0x7e: {  	_ =	shalt  }
0x7f: {  	_ =	shalt  }
0x80: {  	_ =	shalt  }
0x81: {  	_ =	shalt  }
0x82: {  	_ =	shalt  }
0x83: {  	_ =	shalt  }
0x84: {  	_ =	shalt  }
0x85: {  	_ =	shalt  }
0x86: {  	_ =	shalt  }
0x87: {  	_ =	shalt  }
.Lfunc_end0:
.L_simem_size_0:
called_computation.3_lowered:
.L_overlay_start_0:
0x88: {  	s2 =	sld [smem:$0x3FD9]  }
0x89: {  	s3 =	sld [smem:$0x3FFE];
	_ =	sdelay $0x1  }
0x8a: {  	s1 =	srdreg.scid  }
0x8b: {  	s0 =	sand.u32 $0x1, s1  }
0x8c: {  	s16 =	sshll.u32 s0, $0xA;
	s2 =	sadd.s32 s3, s2  }
0x8d: {  	s2 =	sadd.s32 s2, s16  }
0x8e: {  	[smem:$0x3FBA] =	sst s2  }
0x8f: {  	_ = 	snop  }
0x90: {  	(tm) =	ssettm $0x1  }
0x91: {  	s17 =	sld [smem:$0x3FFB];
	_ =	sdelay $0x3  }
0x92: {  	_ =	strace s17  }
0x93: {  	s2 =	sld [smem:$0x3FFC];
	_ =	sdelay $0x3  }
0x94: {  	_ =	strace s2  }
0x95: {  	s2 =	sld [smem:$0x3FFD];
	_ =	sdelay $0x3  }
0x96: {  	_ =	strace s2  }
0x97: {  	_ =	strace $0x8FFFFFFF  }
0x98: {  	s18 =	sld [smem:$0x3FDB];
	_ =	sdelay $0x1  }
0x99: {  	s19 =	simm.s32 $_scs_section_size  }
0x9a: {  	s4 =	simm.s32 $_size__tile_overlayer_lowered;
	s5 =	simm.s32 $_tile_overlayer_lowered  }
0x9b: {  	s22 =	simm.s32 $0x1BFF;
	s21 =	sshll.u32 s5, $0x1;
	s2 =	sadd.s32 s19, s18  }
0x9c: {  	s6 =	simm.s32 $0x0;
	s20 =	sshll.u32 s4, $0x1;
	s4 =	sadd.s32 s21, s2  }
0x9d: {  	[timem:s6], [sflag:s22] =	dma.local [hbm:s4], s20  }
0x9e: {  	_ =	swait.ge [sflag:s22], s20  }
0x9f: {  	s3 =	ssub.s32 $0x0, s20;
	[sflag:s22] =	ssyncset.done $0x0  }
0xa0: {  	[sflag:s22] =	ssyncadd.s32 s3;
	_ =	sdelay $0x1  }
0xa1: {  	s23 =	simm.s32 $0x1B8B  }
0xa2: {  	_ =	swait.ge [sflag:s23], $0x1  }
0xa3: {  	[sflag:s23] =	ssyncset.done $0x0  }
0xa4: {  	s25 =	simm.s32 $0x1B8E;
	s24 =	sld [smem:$0x3FFE];
	[sflag:s23] =	ssyncadd.s32 $0xFFFFFFFF  }
0xa5: {  	s26 =	simm.s32 $execute0_lowered;
	[smem:$0x3FD2] =	sst s25  }
0xa6: {  	s4 =	sshll.u32 s26, $0x1;
	_ =	strace $0x8000004F;
	[dreg:$0x1] =	wrdreg $0xFFFFFFFF  }
0xa7: {  	s28 =	simm.s32 $_size_execute0_lowered;
	s2 =	sadd.s32 s2, s4;
	[dreg:$0x0] =	wrdreg $0x0  }
0xa8: {  	s4 =	sshll.u32 s28, $0x1;
	[dreg:$0x2] =	wrdreg s2  }
0xa9: {  	[dreg:$0x3] =	wrdreg s4  }
0xaa: {  	[dreg:$0x4] =	wrdreg $0xC0  }
0xab: {  	_ =	task [dreg:s6], $0x5FFFF  }
0xac: {  	[dreg:$0x1] =	wrdreg $0xFFFFFFFF  }
0xad: {  	[dreg:$0x0] =	wrdreg $0x60  }
0xae: {  	[dreg:$0x2] =	wrdreg s24  }
0xaf: {  	[dreg:$0x3] =	wrdreg $0x9  }
0xb0: {  	_ =	task.clear_ibuf [dreg:s6], $0x4FFFF;
	_ =	strace $0x9000004F  }
0xb1: {  	s29 =	simm.s32 $0x9;
	_ =	strace $0x80000051  }
0xb2: {  	_ =	swait.ge [sflag:s29], $0x1  }
0xb3: {  	[sflag:s29] =	ssyncadd.s32 $0xFFFFFFFF  }
0xb4: {  	_ =	strace $0x90000051  }
0xb5: {  	_ =	sfence  }
0xb6: {  	s30 =	sld [smem:$0x0];
	_ =	sdelay $0x2  }
0xb7: {  	s31 =	sshll.u32 s1, $0xD;
	s1 =	sshrl.u32 s1, $0x2  }
0xb8: {  	s3 =	sand.u32 $0x4000, s31;
	s1 =	sadd.s32 s1, s30  }
0xb9: {  	s0 =	sor.u32 s3, s0;
	s1 =	sshll.u32 s1, $0x11  }
0xba: {  	s0 =	sor.u32 s1, s0  }
0xbb: {  	s0 =	sadd.s32 $0x8F2B, s0  }
0xbc: {  	[sflag:s0] =	ssyncadd.remote.s32 $0x1  }
0xbd: {  	_ =	sfence.sel $0xFFFF  }
0xbe: {  	[dreg:$0x0] =	wrdreg $0xFFFFFFFF;
	(pc) =	sbr.abs _section_cstart, $3  }
0xbf: {  	[dreg:$0x1] =	wrdreg $0xFFFFFFFF  }
0xc0: {  	_ =	task.clear_ibuf [dreg:s6], $0x2FFFF;
	_ =	strace $0x9FFFFFFF  }
0xc1: {  	(tm) =	ssettm $0x7FFFFFFF  }
tec
execute0_lowered:
.L_overlay_start_1:
0x0: {  	(tag) =	ssettag $0x1  }
0x1: {  	s9 =	rddreg [dreg:$0x0];
	s1 =	srdreg.scid  }
0x2: {  	s0 =	rddreg [dreg:$0x1];
	s2 =	simm.s32 $0x0;
	s12 =	simm.s32 $0x2  }
0x3: {  	s13 =	simm.s32 $0xA480;
	s14 =	simm.s32 $0xA500;
	s15 =	simm.s32 $0x80  }
0x4: {  	s16 =	simm.s32 $0xA580;
	s17 =	simm.s32 $0x1;
	s5 =	sand.u32 $0x1, s1  }
0x5: {  	[smem:$0x7FF] =	sst s2;
	s1 =	stileid.u32;
	s3 =	sadd.s32 $0x8400, s9  }
0x6: {  	s6 =	sadd.s32 $0x80C00, s9;
	s4 =	sshll.u32 s5, $0x4;
	s8 =	ssub.s32 $0x2, s5  }
0x7: {  	_ =	strace $0x80000050;
	s18 =	sor.u32 s1, s4;
	s10 =	sshrl.u32 s8, $0x1  }
0x8: {  	v0 =	vlaneseq.u32;
	s5 =	sadd.s32 $0x75800, s9;
	s7 =	smul.u32 $0x1400, s18;
	s10 =	ssub.s32 s8, s10  }
0x9: {  	v1 =	vimm.f32 $0.0e+00;
	v2 =	vor.u32 $0x10, v0;
	s4 =	sadd.s32 $0x6A400, s9;
	p0 =	seq.s32 s18, $0x1F;
	s10 =	smax.u32 s10, $0x1  }
0xa: {  	v3 =	vor.u32 $0x20, v0;
	v4 =	vor.u32 $0x30, v0;
	v5 =	vor.u32 $0x40, v0;
	s11 =	sadd.s32 s7, s9;
	s7 =	smul.u32 $0x5A, s18;
	s9 =	sadd.s32 $0xD9E00, s9  }
0xb: {  	v6 =	vor.u32 $0x50, v0;
	v7 =	vor.u32 $0x60, v0;
	v8 =	vor.u32 $0x70, v0;
	s18 =	simm.s32 $0x0;
	s8 =	sadd.s32 $0xB3200, s11;
	s11 =	simm.s32 $0xA400  }
.LBB2_1:
0xc: {  	s19 =	simm.s32 $0x40;
	s20 =	simm.s32 $0x0  }
.LBB2_2:
0xd: {  	p1 =	sne.s32 s19, $0x28FC0;
	[tilespmem:s20+$0x0] =	vst v1;
	s20 =	smov.u32 s19;
	s19 =	sadd.s32 $0x40, s19  }
.Ltmp0:
0xe: {  	(pc) =	sbr.rel @p1 .LBB2_2-.Ltmp0, $2  }
0xf: {  	_ =	sdelay $0x2  }
0x10: {  	s20 =	sshra.s32 s20, $0x2  }
0x11: {  	[tilespmem:s20+$0x0] =	vst v1;
	s19 =	simm.s32 $0x0;
	s20 =	simm.s32 $0x0  }
.LBB2_4:
0x12: {  	s21 =	sadd.s32 s7, s20  }
0x13: {  	s21 =	sshll.u32 s21, $0x4  }
0x14: {  	s22 =	sadd.s32 s4, s21  }
0x15: {  	[tilespmem:s11], [sflag:$0x2] =	stream.linear.gather [hbm4b:s22+s19], $0x80, $0x38;
	[tilespmem:$0xE580] =	vst v63  }
0x16: {  	_ =	swait.ge [sflag:s12], $0x80  }
0x17: {  	[sflag:s12] =	ssyncset.done $0x0  }
0x18: {  	s31 =	sadd.s32 s5, s21;
	[sflag:s12] =	ssyncadd.s32 $0xFFFFFF80  }
0x19: {  	[tilespmem:s13], [sflag:$0x2] =	stream.linear.gather [hbm4b:s31+s19], $0x80, $0x38;
	[tilespmem:$0xE580] =	vst v63  }
0x1a: {  	_ =	swait.ge [sflag:s12], $0x80  }
0x1b: {  	[sflag:s12] =	ssyncset.done $0x0  }
0x1c: {  	s21 =	sadd.s32 s6, s21;
	[sflag:s12] =	ssyncadd.s32 $0xFFFFFF80  }
0x1d: {  	[tilespmem:s14], [sflag:$0x2] =	stream.linear.gather [hbm4b:s21+s19], $0x80, $0x38;
	[tilespmem:$0xE580] =	vst v63  }
0x1e: {  	_ =	swait.ge [sflag:s12], $0x80  }
0x1f: {  	[sflag:s12] =	ssyncset.done $0x0  }
0x20: {  	v9 =	vmov s19;
	[sflag:s12] =	ssyncadd.s32 $0xFFFFFF80  }
0x21: {  	[tilespmem:s16], [sflag:$0x1] =	stream.indirect.gather [hbm4b:s3+s15], $0x80, s11, s15, $0xb8;
	[tilespmem:$0xE580] =	vst v63  }
0x22: {  	_ =	swait.ge [sflag:s17], $0x4000  }
0x23: {  	[sflag:s17] =	ssyncset.done $0x0  }
0x24: {  	[sflag:s17] =	ssyncadd.s32 $0xFFFFC000  }
0x25: {  	v10 =	vld.idx.msk [tilespmem:v9+s13+$0x0], $0xffff;
	_ =	sdelay $0x2  }
0x26: {  	s21 =	simm.s32 $0xA5C0;
	v11 =	vld.idx.msk [tilespmem:v9+s14+$0x0], $0xffff  }
0x27: {  	v9 =	vld [tilespmem:s21+$0xFFFFFFC0]  }
0x28: {  	v10 =	vshll.u32 v10, $0x7  }
0x29: {  	v12 =	vor.u32 v0, v10;
	_ =	sdelay $0x2  }
0x2a: {  	v9 =	vmul.f32 v9, v11;
	_ =	sdelay $0x1  }
0x2b: {  	[tilespmem:v12+s2+$0x0] =	vst.idx.add.f32.msk $0xffff, v9  }
0x2c: {  	v9 =	vld [tilespmem:s21+$0xFFFFFFD0];
	_ =	sdelay $0x1  }
0x2d: {  	v58 =	vor.u32 v2, v10;
	_ =	sdelay $0x2  }
0x2e: {  	v9 =	vmul.f32 v9, v11;
	_ =	sdelay $0x1  }
0x2f: {  	[tilespmem:v58+s2+$0x0] =	vst.idx.add.f32.msk $0xffff, v9  }
0x30: {  	v9 =	vld [tilespmem:s21+$0xFFFFFFE0];
	_ =	sdelay $0x1  }
0x31: {  	v59 =	vor.u32 v3, v10;
	_ =	sdelay $0x2  }
0x32: {  	v9 =	vmul.f32 v9, v11;
	_ =	sdelay $0x1  }
0x33: {  	[tilespmem:v59+s2+$0x0] =	vst.idx.add.f32.msk $0xffff, v9  }
0x34: {  	v9 =	vld [tilespmem:s21+$0xFFFFFFF0];
	_ =	sdelay $0x1  }
0x35: {  	v60 =	vor.u32 v4, v10;
	_ =	sdelay $0x2  }
0x36: {  	v9 =	vmul.f32 v9, v11;
	_ =	sdelay $0x1  }
0x37: {  	[tilespmem:v60+s2+$0x0] =	vst.idx.add.f32.msk $0xffff, v9  }
0x38: {  	v9 =	vld [tilespmem:s21+$0x0];
	_ =	sdelay $0x1  }
0x39: {  	v61 =	vor.u32 v5, v10;
	_ =	sdelay $0x2  }
0x3a: {  	v9 =	vmul.f32 v9, v11;
	_ =	sdelay $0x1  }
0x3b: {  	[tilespmem:v61+s2+$0x0] =	vst.idx.add.f32.msk $0xffff, v9  }
0x3c: {  	v9 =	vld [tilespmem:s21+$0x10];
	_ =	sdelay $0x1  }
0x3d: {  	v62 =	vor.u32 v6, v10;
	_ =	sdelay $0x2  }
0x3e: {  	v9 =	vmul.f32 v9, v11;
	_ =	sdelay $0x1  }
0x3f: {  	[tilespmem:v62+s2+$0x0] =	vst.idx.add.f32.msk $0xffff, v9  }
0x40: {  	v9 =	vld [tilespmem:s21+$0x20];
	_ =	sdelay $0x1  }
0x41: {  	v63 =	vor.u32 v7, v10;
	_ =	sdelay $0x2  }
0x42: {  	v9 =	vmul.f32 v9, v11;
	_ =	sdelay $0x1  }
0x43: {  	[tilespmem:v63+s2+$0x0] =	vst.idx.add.f32.msk $0xffff, v9  }
0x44: {  	v12 =	vld [tilespmem:s21+$0x30];
	_ =	sdelay $0x1  }
0x45: {  	s23 =	simm.s32 $0x1;
	v10 =	vor.u32 v8, v10  }
0x46: {  	v9 =	vmov s23;
	_ =	sdelay $0x1  }
0x47: {  	s22 =	simm.s32 $0x2;
	v11 =	vmul.f32 v12, v11  }
.LBB2_5:
0x48: {  	p1 =	sne.s32 s22, $0x7F  }
0x49: {  	s21 =	sadd.s32 $0x80, s21;
	s23 =	smov.u32 s22;
	s22 =	sadd.s32 $0x1, s22;
	[tilespmem:v10+s2+$0x0] =	vst.idx.add.f32.msk $0xffff, v11  }
0x4a: {  	v10 =	vld.idx.msk [tilespmem:v9+s13+$0x0], $0xffff;
	_ =	sdelay $0x3  }
0x4b: {  	v11 =	vld.idx.msk [tilespmem:v9+s14+$0x0], $0xffff  }
0x4c: {  	v9 =	vld [tilespmem:s21+$0xFFFFFFC0]  }
0x4d: {  	v10 =	vshll.u32 v10, $0x7  }
0x4e: {  	v12 =	vor.u32 v0, v10;
	_ =	sdelay $0x2  }
0x4f: {  	v9 =	vmul.f32 v9, v11;
	_ =	sdelay $0x1  }
0x50: {  	[tilespmem:v12+s2+$0x0] =	vst.idx.add.f32.msk $0xffff, v9  }
0x51: {  	v9 =	vld [tilespmem:s21+$0xFFFFFFD0];
	_ =	sdelay $0x1  }
0x52: {  	v12 =	vor.u32 v2, v10;
	_ =	sdelay $0x2  }
0x53: {  	v9 =	vmul.f32 v9, v11;
	_ =	sdelay $0x1  }
0x54: {  	[tilespmem:v12+s2+$0x0] =	vst.idx.add.f32.msk $0xffff, v9  }
0x55: {  	v9 =	vld [tilespmem:s21+$0xFFFFFFE0];
	_ =	sdelay $0x1  }
0x56: {  	v12 =	vor.u32 v3, v10;
	_ =	sdelay $0x2  }
0x57: {  	v9 =	vmul.f32 v9, v11;
	_ =	sdelay $0x1  }
0x58: {  	[tilespmem:v12+s2+$0x0] =	vst.idx.add.f32.msk $0xffff, v9  }
0x59: {  	v9 =	vld [tilespmem:s21+$0xFFFFFFF0];
	_ =	sdelay $0x1  }
0x5a: {  	v12 =	vor.u32 v4, v10;
	_ =	sdelay $0x2  }
0x5b: {  	v9 =	vmul.f32 v9, v11;
	_ =	sdelay $0x1  }
0x5c: {  	[tilespmem:v12+s2+$0x0] =	vst.idx.add.f32.msk $0xffff, v9  }
0x5d: {  	v9 =	vld [tilespmem:s21+$0x0];
	_ =	sdelay $0x1  }
0x5e: {  	v12 =	vor.u32 v5, v10;
	_ =	sdelay $0x2  }
0x5f: {  	v9 =	vmul.f32 v9, v11;
	_ =	sdelay $0x1  }
0x60: {  	[tilespmem:v12+s2+$0x0] =	vst.idx.add.f32.msk $0xffff, v9  }
0x61: {  	v9 =	vld [tilespmem:s21+$0x10];
	_ =	sdelay $0x1  }
0x62: {  	v12 =	vor.u32 v6, v10;
	_ =	sdelay $0x2  }
0x63: {  	v9 =	vmul.f32 v9, v11;
	_ =	sdelay $0x1  }
0x64: {  	[tilespmem:v12+s2+$0x0] =	vst.idx.add.f32.msk $0xffff, v9  }
0x65: {  	v9 =	vld [tilespmem:s21+$0x20];
	_ =	sdelay $0x1  }
0x66: {  	v12 =	vor.u32 v7, v10;
	_ =	sdelay $0x2  }
0x67: {  	v9 =	vmul.f32 v9, v11;
	_ =	sdelay $0x1  }
0x68: {  	[tilespmem:v12+s2+$0x0] =	vst.idx.add.f32.msk $0xffff, v9  }
0x69: {  	v12 =	vld [tilespmem:s21+$0x30]  }
.Ltmp1:
0x6a: {  	(pc) =	sbr.rel @p1 .LBB2_5-.Ltmp1, $3  }
0x6b: {  	v10 =	vor.u32 v8, v10  }
0x6c: {  	v9 =	vmov s23;
	_ =	sdelay $0x1  }
0x6d: {  	v11 =	vmul.f32 v12, v11  }
0x6e: {  	_ =	sdelay $0x3  }
0x6f: {  	[tilespmem:v10+s2+$0x0] =	vst.idx.add.f32.msk $0xffff, v11  }
0x70: {  	v10 =	vld.idx.msk [tilespmem:v9+s13+$0x0], $0xffff;
	_ =	sdelay $0x2  }
0x71: {  	s21 =	sadd.s32 $0x80, s21;
	v9 =	vld.idx.msk [tilespmem:v9+s14+$0x0], $0xffff  }
0x72: {  	v11 =	vld [tilespmem:s21+$0xFFFFFFC0]  }
0x73: {  	v10 =	vshll.u32 v10, $0x7  }
0x74: {  	v12 =	vor.u32 v0, v10;
	_ =	sdelay $0x2  }
0x75: {  	v11 =	vmul.f32 v11, v9;
	_ =	sdelay $0x1  }
0x76: {  	[tilespmem:v12+s2+$0x0] =	vst.idx.add.f32.msk $0xffff, v11  }
0x77: {  	v11 =	vld [tilespmem:s21+$0xFFFFFFD0];
	_ =	sdelay $0x1  }
0x78: {  	v58 =	vor.u32 v2, v10;
	_ =	sdelay $0x2  }
0x79: {  	v11 =	vmul.f32 v11, v9;
	_ =	sdelay $0x1  }
0x7a: {  	[tilespmem:v58+s2+$0x0] =	vst.idx.add.f32.msk $0xffff, v11  }
0x7b: {  	v11 =	vld [tilespmem:s21+$0xFFFFFFE0];
	_ =	sdelay $0x1  }
0x7c: {  	v59 =	vor.u32 v3, v10;
	_ =	sdelay $0x2  }
0x7d: {  	v11 =	vmul.f32 v11, v9;
	_ =	sdelay $0x1  }
0x7e: {  	[tilespmem:v59+s2+$0x0] =	vst.idx.add.f32.msk $0xffff, v11  }
0x7f: {  	v11 =	vld [tilespmem:s21+$0xFFFFFFF0];
	_ =	sdelay $0x1  }
0x80: {  	v60 =	vor.u32 v4, v10;
	_ =	sdelay $0x2  }
0x81: {  	v11 =	vmul.f32 v11, v9;
	_ =	sdelay $0x1  }
0x82: {  	[tilespmem:v60+s2+$0x0] =	vst.idx.add.f32.msk $0xffff, v11  }
0x83: {  	v11 =	vld [tilespmem:s21+$0x0];
	_ =	sdelay $0x1  }
0x84: {  	v61 =	vor.u32 v5, v10;
	_ =	sdelay $0x2  }
0x85: {  	v11 =	vmul.f32 v11, v9;
	_ =	sdelay $0x1  }
0x86: {  	[tilespmem:v61+s2+$0x0] =	vst.idx.add.f32.msk $0xffff, v11  }
0x87: {  	v11 =	vld [tilespmem:s21+$0x10];
	_ =	sdelay $0x1  }
0x88: {  	v62 =	vor.u32 v6, v10;
	_ =	sdelay $0x2  }
0x89: {  	v11 =	vmul.f32 v11, v9;
	_ =	sdelay $0x1  }
0x8a: {  	[tilespmem:v62+s2+$0x0] =	vst.idx.add.f32.msk $0xffff, v11  }
0x8b: {  	v11 =	vld [tilespmem:s21+$0x20];
	_ =	sdelay $0x1  }
0x8c: {  	v63 =	vor.u32 v7, v10;
	_ =	sdelay $0x2  }
0x8d: {  	v11 =	vmul.f32 v11, v9;
	_ =	sdelay $0x1  }
0x8e: {  	[tilespmem:v63+s2+$0x0] =	vst.idx.add.f32.msk $0xffff, v11  }
0x8f: {  	v11 =	vld [tilespmem:s21+$0x30]  }
0x90: {  	s20 =	sadd.s32 $0x1, s20  }
0x91: {  	p1 =	sne.s32 s20, $0x5A;
	v10 =	vor.u32 v8, v10  }
.Ltmp2:
0x92: {  	_ = 	snop;
	(pc) =	sbr.rel @p1 .LBB2_4-.Ltmp2, $3  }
0x93: {  	_ = 	snop  }
0x94: {  	v9 =	vmul.f32 v11, v9;
	_ =	sdelay $0x1  }
0x95: {  	[tilespmem:v10+s2+$0x0] =	vst.idx.add.f32.msk $0xffff, v9  }
0x96: {  	s19 =	simm.s32 @p0 $0x0  }
0x97: {  	[hbm4b:s9+s19] =	stream.linear.scatter @p0 [tilespmem:s19], [sflag:$0x2], $0x2800, $0x38;
	[tilespmem:$0xE580] =	vst v63  }
0x98: {  	s19 =	simm.s32 @p0 $0x2  }
0x99: {  	_ =	swait.ge @p0 [sflag:s19], $0x2800  }
0x9a: {  	s18 =	sadd.s32 $0x1, s18;
	[sflag:s19] =	ssyncset.done @p0 $0x0  }
0x9b: {  	p1 =	sne.s32 s18, s10;
	[sflag:s19] =	ssyncadd.s32 @p0 $0xFFFFD800;
	s19 =	simm.s32 @!p0 $0x0  }
0x9c: {  	[hbm4b:s8+s19] =	stream.linear.scatter @!p0 [tilespmem:s19], [sflag:$0x2], $0xA000, $0x38;
	[tilespmem:$0xE580] =	vst v63  }
.Ltmp3:
0x9d: {  	_ = 	snop;
	(pc) =	sbr.rel @p1 .LBB2_1-.Ltmp3, $4  }
0x9e: {  	s19 =	simm.s32 @!p0 $0x2  }
0x9f: {  	_ =	swait.ge @!p0 [sflag:s19], $0xA000  }
0xa0: {  	[sflag:s19] =	ssyncset.done @!p0 $0x0  }
0xa1: {  	[sflag:s19] =	ssyncadd.s32 @!p0 $0xFFFF6000  }
0xa2: {  	_ =	sfence.sel $0x180000  }
0xa3: {  	[bflag:$0x0] =	sbarrier.arrive $0xFFFF  }
0xa4: {  	p0 =	sne.s32 s1, $0x0;
	_ =	strace $0x90000050  }
0xa5: {  	s0 =	sadd.s32 @!p0 $0x100000, s0;
	[bflag:$0x2] =	sbarrier.arrive $0xFFFF  }
0xa6: {  	[sflag:s0] =	ssyncadd.tile.s32 @!p0 $0x1;
	_ =	shalt  }
.Lfunc_end2:
_tile_overlayer_lowered:
.L_overlay_start_2:
0xa7: {  	(tag) =	ssettag $0x2  }
0xa8: {  	s0 =	rddreg [dreg:$0x0];
	s2 =	stileid.u32  }
0xa9: {  	s1 =	rddreg [dreg:$0x1];
	p0 =	sne.s32 s2, $0x0  }
0xaa: {  	s3 =	rddreg [dreg:$0x2];
	[bflag:$0x3] =	sbarrier.arrive $0xFFFF;
	s2 =	simm.s32 @!p0 $0x1C02  }
0xab: {  	[timem:s3], [sflag:s2] =	dma.local @!p0 [hbm:s0], s1  }
0xac: {  	s0 =	simm.s32 @!p0 $0x2  }
0xad: {  	_ =	swait.ge @!p0 [sflag:s0], s1  }
0xae: {  	s1 =	ssub.s32 @!p0 $0x0, s1;
	[sflag:s0] =	ssyncset.done @!p0 $0x0  }
0xaf: {  	[sflag:s0] =	ssyncadd.s32 @!p0 s1  }
0xb0: {  	[bflag:$0x3] =	sbarrier.arrive $0xFFFF  }
0xb1: {  	_ =	shalt  }

// kernel: kernel.29.cloned.1.call-start
scs
__scs_entry_jumppad:
0x0: {  	(pc) =	sbr.rel $0x88, $3  }
0x1: {  	(tag) =	ssettag $0x0;
	lr =	simm.s32 $0x1  }
0x2: {  	[smem:$0x3F93] =	sst lr;
	_ =	strace $0xD0000000  }
0x3: {  	_ = 	snop  }
0x4: {  	_ = 	snop  }
0x5: {  	_ = 	snop  }
0x6: {  	_ = 	snop  }
0x7: {  	_ = 	snop  }
__scs_overlays_trampoline_lowered:
0x8: {  	[smem:$0x3FA2] =	sst s0  }
0x9: {  	[smem:$0x3FA3] =	sst s1  }
0xa: {  	[smem:$0x3FA4] =	sst s2  }
0xb: {  	[smem:$0x3FA5] =	sst s3  }
0xc: {  	[smem:$0x3FA6] =	sst s4  }
0xd: {  	[smem:$0x3FA7] =	sst s5  }
0xe: {  	[smem:$0x3FA8] =	sst s6  }
0xf: {  	[smem:$0x3FA9] =	sst s7  }
0x10: {  	[smem:$0x3FAA] =	sst s8  }
0x11: {  	[smem:$0x3FAB] =	sst s9;
	s0 =	simm.s32 @!p0 $0x0  }
0x12: {  	s1 =	sld [smem:$0x3F91];
	s0 =	simm.s32 @p0 $0x1  }
0x13: {  	[smem:$0x3FAC] =	sst s0;
	s0 =	simm.s32 @!p1 $0x0  }
0x14: {  	s2 =	sld [smem:$0x3F90];
	s0 =	simm.s32 @p1 $0x1  }
0x15: {  	[smem:$0x3FAD] =	sst s0;
	s0 =	simm.s32 @!p2 $0x0  }
0x16: {  	s3 =	sld [smem:$0x3FDB];
	s0 =	simm.s32 @p2 $0x1  }
0x17: {  	s4 =	simm.s32 $0x1BF5;
	[smem:$0x3FAF] =	sst s0  }
0x18: {  	s0 =	sld [smem:$0x3F92];
	_ =	swait.ge [sflag:s4], $0x0  }
0x19: {  	s7 =	sld [smem:$0x3F93]  }
0x1a: {  	s8 =	sadd.s32 $0xFFFFE003, lr  }
0x1b: {  	s9 =	sadd.s32 $0xFFFFFEF7, lr;
	s5 =	simm.s32 $0xFFFFFFFF;
	p2 =	slt.u32 s8, $0xFFFFF086  }
0x1c: {  	p1 =	slt.u32 s9, $0xF7A;
	s5 =	simm.s32 @!p2 $0x0  }
0x1d: {  	s5 =	simm.s32 @p1 $0x1;
	p0 =	seq.s32 s7, s2  }
0x1e: {  	s7 =	smul.u32 @!p0 $0xF7A, s2;
	p2 =	seq.s32 @!p0 s5, $0x0  }
0x1f: {  	s9 =	smul.u32 $0xF7A, s1;
	s8 =	simm.s32 @!p0 $0x1BF5;
	p2 =	por !p2, p0  }
0x20: {  	[sflag:s8] =	ssyncset.s32 @!p0 $0xFFFFF086;
	s6 =	sadd.s32 @!p0 s3, s7;
	s7 =	simm.s32 @!p0 $0x108  }
0x21: {  	s3 =	sadd.s32 s3, s9;
	s6 =	sadd.s32 @!p0 $0x88, s6;
	s7 =	simm.s32 @p2 $0x1082  }
0x22: {  	[simem:s7], [sflag:s8] =	dma.local @!p0 [hbm:s6], $0xF7A  }
0x23: {  	s9 =	sor.u32 $0xD0000000, s2;
	s6 =	simm.s32 $0x108;
	_ =	swait.ge @!p0 [sflag:s8], $0x0  }
0x24: {  	s3 =	sadd.s32 $0x88, s3;
	s6 =	simm.s32 @!p1 $0x1082;
	[sflag:s4] =	ssyncset.s32 $0xFFFFF086  }
0x25: {  	[simem:s6], [sflag:s4] =	dma.local [hbm:s3], $0xF7A  }
0x26: {  	[smem:$0x3F93] =	sst s1;
	(tag) =	ssettag s2;
	_ =	strace s9  }
0x27: {  	s1 =	sld [smem:$0x3FA3]  }
0x28: {  	s2 =	sld [smem:$0x3FA4]  }
0x29: {  	s4 =	sld [smem:$0x3FA6]  }
0x2a: {  	p0 =	seq.s32 s5, $0x0;
	s5 =	sld [smem:$0x3FA7]  }
0x2b: {  	s6 =	sld [smem:$0x3FA8]  }
0x2c: {  	s7 =	sld [smem:$0x3FA9]  }
0x2d: {  	s3 =	simm.s32 $0x108;
	s8 =	sld [smem:$0x3FAA]  }
0x2e: {  	s3 =	simm.s32 @!p0 $0x1082;
	s9 =	sld [smem:$0x3FAB]  }
0x2f: {  	lr =	sadd.s32 s0, s3;
	s0 =	sld [smem:$0x3FA2]  }
0x30: {  	s3 =	sld [smem:$0x3FA5]  }
0x31: {  	[smem:$0x3FAE] =	sst s10  }
0x32: {  	s10 =	sld [smem:$0x3FAC];
	_ =	sdelay $0x3  }
0x33: {  	p0 =	seq.s32 s10, $0x1;
	s10 =	sld [smem:$0x3FAE];
	_ =	sdelay $0x3  }
0x34: {  	[smem:$0x3FAE] =	sst s10  }
0x35: {  	s10 =	sld [smem:$0x3FAD];
	_ =	sdelay $0x3  }
0x36: {  	p1 =	seq.s32 s10, $0x1;
	s10 =	sld [smem:$0x3FAE];
	_ =	sdelay $0x3  }
0x37: {  	[smem:$0x3FAE] =	sst s10  }
0x38: {  	s10 =	sld [smem:$0x3FAF]  }
0x39: {  	_ = 	snop;
	(pc) =	sbr.ind lr, $3  }
0x3a: {  	_ = 	snop  }
0x3b: {  	_ = 	snop  }
0x3c: {  	p2 =	seq.s32 s10, $0x1;
	s10 =	sld [smem:$0x3FAE]  }
0x3d: {  	_ =	shalt  }
0x3e: {  	_ =	shalt  }
0x3f: {  	_ =	shalt  }
0x40: {  	_ =	shalt  }
0x41: {  	_ =	shalt  }
0x42: {  	_ =	shalt  }
0x43: {  	_ =	shalt  }
0x44: {  	_ =	shalt  }
0x45: {  	_ =	shalt  }
0x46: {  	_ =	shalt  }
0x47: {  	_ =	shalt  }
0x48: {  	_ =	shalt  }
0x49: {  	_ =	shalt  }
0x4a: {  	_ =	shalt  }
0x4b: {  	_ =	shalt  }
0x4c: {  	_ =	shalt  }
0x4d: {  	_ =	shalt  }
0x4e: {  	_ =	shalt  }
0x4f: {  	_ =	shalt  }
0x50: {  	_ =	shalt  }
0x51: {  	_ =	shalt  }
0x52: {  	_ =	shalt  }
0x53: {  	_ =	shalt  }
0x54: {  	_ =	shalt  }
0x55: {  	_ =	shalt  }
0x56: {  	_ =	shalt  }
0x57: {  	_ =	shalt  }
0x58: {  	_ =	shalt  }
0x59: {  	_ =	shalt  }
0x5a: {  	_ =	shalt  }
0x5b: {  	_ =	shalt  }
0x5c: {  	_ =	shalt  }
0x5d: {  	_ =	shalt  }
0x5e: {  	_ =	shalt  }
0x5f: {  	_ =	shalt  }
0x60: {  	_ =	shalt  }
0x61: {  	_ =	shalt  }
0x62: {  	_ =	shalt  }
0x63: {  	_ =	shalt  }
0x64: {  	_ =	shalt  }
0x65: {  	_ =	shalt  }
0x66: {  	_ =	shalt  }
0x67: {  	_ =	shalt  }
0x68: {  	_ =	shalt  }
0x69: {  	_ =	shalt  }
0x6a: {  	_ =	shalt  }
0x6b: {  	_ =	shalt  }
0x6c: {  	_ =	shalt  }
0x6d: {  	_ =	shalt  }
0x6e: {  	_ =	shalt  }
0x6f: {  	_ =	shalt  }
0x70: {  	_ =	shalt  }
0x71: {  	_ =	shalt  }
0x72: {  	_ =	shalt  }
0x73: {  	_ =	shalt  }
0x74: {  	_ =	shalt  }
0x75: {  	_ =	shalt  }
0x76: {  	_ =	shalt  }
0x77: {  	_ =	shalt  }
0x78: {  	_ =	shalt  }
0x79: {  	_ =	shalt  }
0x7a: {  	_ =	shalt  }
0x7b: {  	_ =	shalt  }
0x7c: {  	_ =	shalt  }
0x7d: {  	_ =	shalt  }
0x7e: {  	_ =	shalt  }
0x7f: {  	_ =	shalt  }
0x80: {  	_ =	shalt  }
0x81: {  	_ =	shalt  }
0x82: {  	_ =	shalt  }
0x83: {  	_ =	shalt  }
0x84: {  	_ =	shalt  }
0x85: {  	_ =	shalt  }
0x86: {  	_ =	shalt  }
0x87: {  	_ =	shalt  }
.Lfunc_end0:
.L_simem_size_0:
called_computation.4_lowered:
.L_overlay_start_0:
0x88: {  	s2 =	sld [smem:$0x3FD9]  }
0x89: {  	s3 =	sld [smem:$0x3FFE];
	_ =	sdelay $0x1  }
0x8a: {  	s1 =	srdreg.scid  }
0x8b: {  	s0 =	sand.u32 $0x1, s1  }
0x8c: {  	s16 =	sshll.u32 s0, $0xA;
	s2 =	sadd.s32 s3, s2  }
0x8d: {  	s2 =	sadd.s32 s2, s16  }
0x8e: {  	[smem:$0x3FBA] =	sst s2  }
0x8f: {  	_ = 	snop  }
0x90: {  	(tm) =	ssettm $0x1  }
0x91: {  	s17 =	sld [smem:$0x3FFB];
	_ =	sdelay $0x3  }
0x92: {  	_ =	strace s17  }
0x93: {  	s2 =	sld [smem:$0x3FFC];
	_ =	sdelay $0x3  }
0x94: {  	_ =	strace s2  }
0x95: {  	s2 =	sld [smem:$0x3FFD];
	_ =	sdelay $0x3  }
0x96: {  	_ =	strace s2  }
0x97: {  	_ =	strace $0x8FFFFFFF  }
0x98: {  	s18 =	sld [smem:$0x3FDB];
	_ =	sdelay $0x1  }
0x99: {  	s19 =	simm.s32 $_scs_section_size  }
0x9a: {  	s4 =	simm.s32 $_size__tile_overlayer_lowered;
	s5 =	simm.s32 $_tile_overlayer_lowered  }
0x9b: {  	s22 =	simm.s32 $0x1BFF;
	s21 =	sshll.u32 s5, $0x1;
	s2 =	sadd.s32 s19, s18  }
0x9c: {  	s6 =	simm.s32 $0x0;
	s20 =	sshll.u32 s4, $0x1;
	s4 =	sadd.s32 s21, s2  }
0x9d: {  	[timem:s6], [sflag:s22] =	dma.local [hbm:s4], s20  }
0x9e: {  	_ =	swait.ge [sflag:s22], s20  }
0x9f: {  	s3 =	ssub.s32 $0x0, s20;
	[sflag:s22] =	ssyncset.done $0x0  }
0xa0: {  	[sflag:s22] =	ssyncadd.s32 s3;
	_ =	sdelay $0x1  }
0xa1: {  	s23 =	simm.s32 $0x1B8B  }
0xa2: {  	_ =	swait.ge [sflag:s23], $0x1  }
0xa3: {  	[sflag:s23] =	ssyncset.done $0x0  }
0xa4: {  	s25 =	simm.s32 $0x1B8E;
	s24 =	sld [smem:$0x3FFE];
	[sflag:s23] =	ssyncadd.s32 $0xFFFFFFFF  }
0xa5: {  	s26 =	simm.s32 $execute0_lowered;
	[smem:$0x3FD2] =	sst s25  }
0xa6: {  	s4 =	sshll.u32 s26, $0x1;
	_ =	strace $0x80000052;
	[dreg:$0x1] =	wrdreg $0xFFFFFFFF  }
0xa7: {  	s28 =	simm.s32 $_size_execute0_lowered;
	s2 =	sadd.s32 s2, s4;
	[dreg:$0x0] =	wrdreg $0x0  }
0xa8: {  	s4 =	sshll.u32 s28, $0x1;
	[dreg:$0x2] =	wrdreg s2  }
0xa9: {  	[dreg:$0x3] =	wrdreg s4  }
0xaa: {  	[dreg:$0x4] =	wrdreg $0xC0  }
0xab: {  	_ =	task [dreg:s6], $0x5FFFF  }
0xac: {  	[dreg:$0x1] =	wrdreg $0xFFFFFFFF  }
0xad: {  	[dreg:$0x0] =	wrdreg $0x60  }
0xae: {  	[dreg:$0x2] =	wrdreg s24  }
0xaf: {  	[dreg:$0x3] =	wrdreg $0x9  }
0xb0: {  	_ =	task.clear_ibuf [dreg:s6], $0x4FFFF;
	_ =	strace $0x90000052  }
0xb1: {  	s29 =	simm.s32 $0x9;
	_ =	strace $0x80000054  }
0xb2: {  	_ =	swait.ge [sflag:s29], $0x1  }
0xb3: {  	[sflag:s29] =	ssyncadd.s32 $0xFFFFFFFF  }
0xb4: {  	_ =	strace $0x90000054  }
0xb5: {  	_ =	sfence  }
0xb6: {  	s30 =	sld [smem:$0x0];
	_ =	sdelay $0x2  }
0xb7: {  	s31 =	sshll.u32 s1, $0xD;
	s1 =	sshrl.u32 s1, $0x2  }
0xb8: {  	s3 =	sand.u32 $0x4000, s31;
	s1 =	sadd.s32 s1, s30  }
0xb9: {  	s0 =	sor.u32 s3, s0;
	s1 =	sshll.u32 s1, $0x11  }
0xba: {  	s0 =	sor.u32 s1, s0  }
0xbb: {  	s0 =	sadd.s32 $0x8F2B, s0  }
0xbc: {  	[sflag:s0] =	ssyncadd.remote.s32 $0x1  }
0xbd: {  	_ =	sfence.sel $0xFFFF  }
0xbe: {  	[dreg:$0x0] =	wrdreg $0xFFFFFFFF;
	(pc) =	sbr.abs _section_cstart, $3  }
0xbf: {  	[dreg:$0x1] =	wrdreg $0xFFFFFFFF  }
0xc0: {  	_ =	task.clear_ibuf [dreg:s6], $0x2FFFF;
	_ =	strace $0x9FFFFFFF  }
0xc1: {  	(tm) =	ssettm $0x7FFFFFFF  }
tec
execute0_lowered:
.L_overlay_start_1:
0x0: {  	(tag) =	ssettag $0x1  }
0x1: {  	s9 =	rddreg [dreg:$0x0];
	s1 =	srdreg.scid  }
0x2: {  	s0 =	rddreg [dreg:$0x1];
	s2 =	simm.s32 $0x0;
	s12 =	simm.s32 $0x2  }
0x3: {  	s13 =	simm.s32 $0xA480;
	s14 =	simm.s32 $0xA500;
	s15 =	simm.s32 $0x80  }
0x4: {  	s16 =	simm.s32 $0xA580;
	s17 =	simm.s32 $0x1;
	s5 =	sand.u32 $0x1, s1  }
0x5: {  	[smem:$0x7FF] =	sst s2;
	s1 =	stileid.u32;
	s3 =	sadd.s32 $0x8400, s9  }
0x6: {  	s6 =	sadd.s32 $0x80C00, s9;
	s4 =	sshll.u32 s5, $0x4;
	s8 =	ssub.s32 $0x2, s5  }
0x7: {  	_ =	strace $0x80000053;
	s18 =	sor.u32 s1, s4;
	s10 =	sshrl.u32 s8, $0x1  }
0x8: {  	v0 =	vlaneseq.u32;
	s5 =	sadd.s32 $0x75800, s9;
	s7 =	smul.u32 $0x1400, s18;
	s10 =	ssub.s32 s8, s10  }
0x9: {  	v1 =	vimm.f32 $0.0e+00;
	v2 =	vor.u32 $0x10, v0;
	s4 =	sadd.s32 $0x6A400, s9;
	p0 =	seq.s32 s18, $0x1F;
	s10 =	smax.u32 s10, $0x1  }
0xa: {  	v3 =	vor.u32 $0x20, v0;
	v4 =	vor.u32 $0x30, v0;
	v5 =	vor.u32 $0x40, v0;
	s11 =	sadd.s32 s7, s9;
	s7 =	smul.u32 $0x5A, s18;
	s9 =	sadd.s32 $0xD9E00, s9  }
0xb: {  	v6 =	vor.u32 $0x50, v0;
	v7 =	vor.u32 $0x60, v0;
	v8 =	vor.u32 $0x70, v0;
	s18 =	simm.s32 $0x0;
	s8 =	sadd.s32 $0xB3200, s11;
	s11 =	simm.s32 $0xA400  }
.LBB2_1:
0xc: {  	s19 =	simm.s32 $0x40;
	s20 =	simm.s32 $0x0  }
.LBB2_2:
0xd: {  	p1 =	sne.s32 s19, $0x28FC0;
	[tilespmem:s20+$0x0] =	vst v1;
	s20 =	smov.u32 s19;
	s19 =	sadd.s32 $0x40, s19  }
.Ltmp0:
0xe: {  	(pc) =	sbr.rel @p1 .LBB2_2-.Ltmp0, $2  }
0xf: {  	_ =	sdelay $0x2  }
0x10: {  	s20 =	sshra.s32 s20, $0x2  }
0x11: {  	[tilespmem:s20+$0x0] =	vst v1;
	s19 =	simm.s32 $0x0;
	s20 =	simm.s32 $0x0  }
.LBB2_4:
0x12: {  	s21 =	sadd.s32 s7, s20  }
0x13: {  	s21 =	sshll.u32 s21, $0x4  }
0x14: {  	s22 =	sadd.s32 s4, s21  }
0x15: {  	[tilespmem:s11], [sflag:$0x2] =	stream.linear.gather [hbm4b:s22+s19], $0x80, $0x38;
	[tilespmem:$0xE580] =	vst v63  }
0x16: {  	_ =	swait.ge [sflag:s12], $0x80  }
0x17: {  	[sflag:s12] =	ssyncset.done $0x0  }
0x18: {  	s31 =	sadd.s32 s5, s21;
	[sflag:s12] =	ssyncadd.s32 $0xFFFFFF80  }
0x19: {  	[tilespmem:s13], [sflag:$0x2] =	stream.linear.gather [hbm4b:s31+s19], $0x80, $0x38;
	[tilespmem:$0xE580] =	vst v63  }
0x1a: {  	_ =	swait.ge [sflag:s12], $0x80  }
0x1b: {  	[sflag:s12] =	ssyncset.done $0x0  }
0x1c: {  	s21 =	sadd.s32 s6, s21;
	[sflag:s12] =	ssyncadd.s32 $0xFFFFFF80  }
0x1d: {  	[tilespmem:s14], [sflag:$0x2] =	stream.linear.gather [hbm4b:s21+s19], $0x80, $0x38;
	[tilespmem:$0xE580] =	vst v63  }
0x1e: {  	_ =	swait.ge [sflag:s12], $0x80  }
0x1f: {  	[sflag:s12] =	ssyncset.done $0x0  }
0x20: {  	v9 =	vmov s19;
	[sflag:s12] =	ssyncadd.s32 $0xFFFFFF80  }
0x21: {  	[tilespmem:s16], [sflag:$0x1] =	stream.indirect.gather [hbm4b:s3+s15], $0x80, s11, s15, $0xb8;
	[tilespmem:$0xE580] =	vst v63  }
0x22: {  	_ =	swait.ge [sflag:s17], $0x4000  }
0x23: {  	[sflag:s17] =	ssyncset.done $0x0  }
0x24: {  	[sflag:s17] =	ssyncadd.s32 $0xFFFFC000  }
0x25: {  	v10 =	vld.idx.msk [tilespmem:v9+s13+$0x0], $0xffff;
	_ =	sdelay $0x2  }
0x26: {  	s21 =	simm.s32 $0xA5C0;
	v11 =	vld.idx.msk [tilespmem:v9+s14+$0x0], $0xffff  }
0x27: {  	v9 =	vld [tilespmem:s21+$0xFFFFFFC0]  }
0x28: {  	v10 =	vshll.u32 v10, $0x7  }
0x29: {  	v12 =	vor.u32 v0, v10;
	_ =	sdelay $0x2  }
0x2a: {  	v9 =	vmul.f32 v9, v11;
	_ =	sdelay $0x1  }
0x2b: {  	[tilespmem:v12+s2+$0x0] =	vst.idx.add.f32.msk $0xffff, v9  }
0x2c: {  	v9 =	vld [tilespmem:s21+$0xFFFFFFD0];
	_ =	sdelay $0x1  }
0x2d: {  	v58 =	vor.u32 v2, v10;
	_ =	sdelay $0x2  }
0x2e: {  	v9 =	vmul.f32 v9, v11;
	_ =	sdelay $0x1  }
0x2f: {  	[tilespmem:v58+s2+$0x0] =	vst.idx.add.f32.msk $0xffff, v9  }
0x30: {  	v9 =	vld [tilespmem:s21+$0xFFFFFFE0];
	_ =	sdelay $0x1  }
0x31: {  	v59 =	vor.u32 v3, v10;
	_ =	sdelay $0x2  }
0x32: {  	v9 =	vmul.f32 v9, v11;
	_ =	sdelay $0x1  }
0x33: {  	[tilespmem:v59+s2+$0x0] =	vst.idx.add.f32.msk $0xffff, v9  }
0x34: {  	v9 =	vld [tilespmem:s21+$0xFFFFFFF0];
	_ =	sdelay $0x1  }
0x35: {  	v60 =	vor.u32 v4, v10;
	_ =	sdelay $0x2  }
0x36: {  	v9 =	vmul.f32 v9, v11;
	_ =	sdelay $0x1  }
0x37: {  	[tilespmem:v60+s2+$0x0] =	vst.idx.add.f32.msk $0xffff, v9  }
0x38: {  	v9 =	vld [tilespmem:s21+$0x0];
	_ =	sdelay $0x1  }
0x39: {  	v61 =	vor.u32 v5, v10;
	_ =	sdelay $0x2  }
0x3a: {  	v9 =	vmul.f32 v9, v11;
	_ =	sdelay $0x1  }
0x3b: {  	[tilespmem:v61+s2+$0x0] =	vst.idx.add.f32.msk $0xffff, v9  }
0x3c: {  	v9 =	vld [tilespmem:s21+$0x10];
	_ =	sdelay $0x1  }
0x3d: {  	v62 =	vor.u32 v6, v10;
	_ =	sdelay $0x2  }
0x3e: {  	v9 =	vmul.f32 v9, v11;
	_ =	sdelay $0x1  }
0x3f: {  	[tilespmem:v62+s2+$0x0] =	vst.idx.add.f32.msk $0xffff, v9  }
0x40: {  	v9 =	vld [tilespmem:s21+$0x20];
	_ =	sdelay $0x1  }
0x41: {  	v63 =	vor.u32 v7, v10;
	_ =	sdelay $0x2  }
0x42: {  	v9 =	vmul.f32 v9, v11;
	_ =	sdelay $0x1  }
0x43: {  	[tilespmem:v63+s2+$0x0] =	vst.idx.add.f32.msk $0xffff, v9  }
0x44: {  	v12 =	vld [tilespmem:s21+$0x30];
	_ =	sdelay $0x1  }
0x45: {  	s23 =	simm.s32 $0x1;
	v10 =	vor.u32 v8, v10  }
0x46: {  	v9 =	vmov s23;
	_ =	sdelay $0x1  }
0x47: {  	s22 =	simm.s32 $0x2;
	v11 =	vmul.f32 v12, v11  }
.LBB2_5:
0x48: {  	p1 =	sne.s32 s22, $0x7F  }
0x49: {  	s21 =	sadd.s32 $0x80, s21;
	s23 =	smov.u32 s22;
	s22 =	sadd.s32 $0x1, s22;
	[tilespmem:v10+s2+$0x0] =	vst.idx.add.f32.msk $0xffff, v11  }
0x4a: {  	v10 =	vld.idx.msk [tilespmem:v9+s13+$0x0], $0xffff;
	_ =	sdelay $0x3  }
0x4b: {  	v11 =	vld.idx.msk [tilespmem:v9+s14+$0x0], $0xffff  }
0x4c: {  	v9 =	vld [tilespmem:s21+$0xFFFFFFC0]  }
0x4d: {  	v10 =	vshll.u32 v10, $0x7  }
0x4e: {  	v12 =	vor.u32 v0, v10;
	_ =	sdelay $0x2  }
0x4f: {  	v9 =	vmul.f32 v9, v11;
	_ =	sdelay $0x1  }
0x50: {  	[tilespmem:v12+s2+$0x0] =	vst.idx.add.f32.msk $0xffff, v9  }
0x51: {  	v9 =	vld [tilespmem:s21+$0xFFFFFFD0];
	_ =	sdelay $0x1  }
0x52: {  	v12 =	vor.u32 v2, v10;
	_ =	sdelay $0x2  }
0x53: {  	v9 =	vmul.f32 v9, v11;
	_ =	sdelay $0x1  }
0x54: {  	[tilespmem:v12+s2+$0x0] =	vst.idx.add.f32.msk $0xffff, v9  }
0x55: {  	v9 =	vld [tilespmem:s21+$0xFFFFFFE0];
	_ =	sdelay $0x1  }
0x56: {  	v12 =	vor.u32 v3, v10;
	_ =	sdelay $0x2  }
0x57: {  	v9 =	vmul.f32 v9, v11;
	_ =	sdelay $0x1  }
0x58: {  	[tilespmem:v12+s2+$0x0] =	vst.idx.add.f32.msk $0xffff, v9  }
0x59: {  	v9 =	vld [tilespmem:s21+$0xFFFFFFF0];
	_ =	sdelay $0x1  }
0x5a: {  	v12 =	vor.u32 v4, v10;
	_ =	sdelay $0x2  }
0x5b: {  	v9 =	vmul.f32 v9, v11;
	_ =	sdelay $0x1  }
0x5c: {  	[tilespmem:v12+s2+$0x0] =	vst.idx.add.f32.msk $0xffff, v9  }
0x5d: {  	v9 =	vld [tilespmem:s21+$0x0];
	_ =	sdelay $0x1  }
0x5e: {  	v12 =	vor.u32 v5, v10;
	_ =	sdelay $0x2  }
0x5f: {  	v9 =	vmul.f32 v9, v11;
	_ =	sdelay $0x1  }
0x60: {  	[tilespmem:v12+s2+$0x0] =	vst.idx.add.f32.msk $0xffff, v9  }
0x61: {  	v9 =	vld [tilespmem:s21+$0x10];
	_ =	sdelay $0x1  }
0x62: {  	v12 =	vor.u32 v6, v10;
	_ =	sdelay $0x2  }
0x63: {  	v9 =	vmul.f32 v9, v11;
	_ =	sdelay $0x1  }
0x64: {  	[tilespmem:v12+s2+$0x0] =	vst.idx.add.f32.msk $0xffff, v9  }
0x65: {  	v9 =	vld [tilespmem:s21+$0x20];
	_ =	sdelay $0x1  }
0x66: {  	v12 =	vor.u32 v7, v10;
	_ =	sdelay $0x2  }
0x67: {  	v9 =	vmul.f32 v9, v11;
	_ =	sdelay $0x1  }
0x68: {  	[tilespmem:v12+s2+$0x0] =	vst.idx.add.f32.msk $0xffff, v9  }
0x69: {  	v12 =	vld [tilespmem:s21+$0x30]  }
.Ltmp1:
0x6a: {  	(pc) =	sbr.rel @p1 .LBB2_5-.Ltmp1, $3  }
0x6b: {  	v10 =	vor.u32 v8, v10  }
0x6c: {  	v9 =	vmov s23;
	_ =	sdelay $0x1  }
0x6d: {  	v11 =	vmul.f32 v12, v11  }
0x6e: {  	_ =	sdelay $0x3  }
0x6f: {  	[tilespmem:v10+s2+$0x0] =	vst.idx.add.f32.msk $0xffff, v11  }
0x70: {  	v10 =	vld.idx.msk [tilespmem:v9+s13+$0x0], $0xffff;
	_ =	sdelay $0x2  }
0x71: {  	s21 =	sadd.s32 $0x80, s21;
	v9 =	vld.idx.msk [tilespmem:v9+s14+$0x0], $0xffff  }
0x72: {  	v11 =	vld [tilespmem:s21+$0xFFFFFFC0]  }
0x73: {  	v10 =	vshll.u32 v10, $0x7  }
0x74: {  	v12 =	vor.u32 v0, v10;
	_ =	sdelay $0x2  }
0x75: {  	v11 =	vmul.f32 v11, v9;
	_ =	sdelay $0x1  }
0x76: {  	[tilespmem:v12+s2+$0x0] =	vst.idx.add.f32.msk $0xffff, v11  }
0x77: {  	v11 =	vld [tilespmem:s21+$0xFFFFFFD0];
	_ =	sdelay $0x1  }
0x78: {  	v58 =	vor.u32 v2, v10;
	_ =	sdelay $0x2  }
0x79: {  	v11 =	vmul.f32 v11, v9;
	_ =	sdelay $0x1  }
0x7a: {  	[tilespmem:v58+s2+$0x0] =	vst.idx.add.f32.msk $0xffff, v11  }
0x7b: {  	v11 =	vld [tilespmem:s21+$0xFFFFFFE0];
	_ =	sdelay $0x1  }
0x7c: {  	v59 =	vor.u32 v3, v10;
	_ =	sdelay $0x2  }
0x7d: {  	v11 =	vmul.f32 v11, v9;
	_ =	sdelay $0x1  }
0x7e: {  	[tilespmem:v59+s2+$0x0] =	vst.idx.add.f32.msk $0xffff, v11  }
0x7f: {  	v11 =	vld [tilespmem:s21+$0xFFFFFFF0];
	_ =	sdelay $0x1  }
0x80: {  	v60 =	vor.u32 v4, v10;
	_ =	sdelay $0x2  }
0x81: {  	v11 =	vmul.f32 v11, v9;
	_ =	sdelay $0x1  }
0x82: {  	[tilespmem:v60+s2+$0x0] =	vst.idx.add.f32.msk $0xffff, v11  }
0x83: {  	v11 =	vld [tilespmem:s21+$0x0];
	_ =	sdelay $0x1  }
0x84: {  	v61 =	vor.u32 v5, v10;
	_ =	sdelay $0x2  }
0x85: {  	v11 =	vmul.f32 v11, v9;
	_ =	sdelay $0x1  }
0x86: {  	[tilespmem:v61+s2+$0x0] =	vst.idx.add.f32.msk $0xffff, v11  }
0x87: {  	v11 =	vld [tilespmem:s21+$0x10];
	_ =	sdelay $0x1  }
0x88: {  	v62 =	vor.u32 v6, v10;
	_ =	sdelay $0x2  }
0x89: {  	v11 =	vmul.f32 v11, v9;
	_ =	sdelay $0x1  }
0x8a: {  	[tilespmem:v62+s2+$0x0] =	vst.idx.add.f32.msk $0xffff, v11  }
0x8b: {  	v11 =	vld [tilespmem:s21+$0x20];
	_ =	sdelay $0x1  }
0x8c: {  	v63 =	vor.u32 v7, v10;
	_ =	sdelay $0x2  }
0x8d: {  	v11 =	vmul.f32 v11, v9;
	_ =	sdelay $0x1  }
0x8e: {  	[tilespmem:v63+s2+$0x0] =	vst.idx.add.f32.msk $0xffff, v11  }
0x8f: {  	v11 =	vld [tilespmem:s21+$0x30]  }
0x90: {  	s20 =	sadd.s32 $0x1, s20  }
0x91: {  	p1 =	sne.s32 s20, $0x5A;
	v10 =	vor.u32 v8, v10  }
.Ltmp2:
0x92: {  	_ = 	snop;
	(pc) =	sbr.rel @p1 .LBB2_4-.Ltmp2, $3  }
0x93: {  	_ = 	snop  }
0x94: {  	v9 =	vmul.f32 v11, v9;
	_ =	sdelay $0x1  }
0x95: {  	[tilespmem:v10+s2+$0x0] =	vst.idx.add.f32.msk $0xffff, v9  }
0x96: {  	s19 =	simm.s32 @p0 $0x0  }
0x97: {  	[hbm4b:s9+s19] =	stream.linear.scatter @p0 [tilespmem:s19], [sflag:$0x2], $0x2800, $0x38;
	[tilespmem:$0xE580] =	vst v63  }
0x98: {  	s19 =	simm.s32 @p0 $0x2  }
0x99: {  	_ =	swait.ge @p0 [sflag:s19], $0x2800  }
0x9a: {  	s18 =	sadd.s32 $0x1, s18;
	[sflag:s19] =	ssyncset.done @p0 $0x0  }
0x9b: {  	p1 =	sne.s32 s18, s10;
	[sflag:s19] =	ssyncadd.s32 @p0 $0xFFFFD800;
	s19 =	simm.s32 @!p0 $0x0  }
0x9c: {  	[hbm4b:s8+s19] =	stream.linear.scatter @!p0 [tilespmem:s19], [sflag:$0x2], $0xA000, $0x38;
	[tilespmem:$0xE580] =	vst v63  }
.Ltmp3:
0x9d: {  	_ = 	snop;
	(pc) =	sbr.rel @p1 .LBB2_1-.Ltmp3, $4  }
0x9e: {  	s19 =	simm.s32 @!p0 $0x2  }
0x9f: {  	_ =	swait.ge @!p0 [sflag:s19], $0xA000  }
0xa0: {  	[sflag:s19] =	ssyncset.done @!p0 $0x0  }
0xa1: {  	[sflag:s19] =	ssyncadd.s32 @!p0 $0xFFFF6000  }
0xa2: {  	_ =	sfence.sel $0x180000  }
0xa3: {  	[bflag:$0x0] =	sbarrier.arrive $0xFFFF  }
0xa4: {  	p0 =	sne.s32 s1, $0x0;
	_ =	strace $0x90000053  }
0xa5: {  	s0 =	sadd.s32 @!p0 $0x100000, s0;
	[bflag:$0x2] =	sbarrier.arrive $0xFFFF  }
0xa6: {  	[sflag:s0] =	ssyncadd.tile.s32 @!p0 $0x1;
	_ =	shalt  }
.Lfunc_end2:
_tile_overlayer_lowered:
.L_overlay_start_2:
0xa7: {  	(tag) =	ssettag $0x2  }
0xa8: {  	s0 =	rddreg [dreg:$0x0];
	s2 =	stileid.u32  }
0xa9: {  	s1 =	rddreg [dreg:$0x1];
	p0 =	sne.s32 s2, $0x0  }
0xaa: {  	s3 =	rddreg [dreg:$0x2];
	[bflag:$0x3] =	sbarrier.arrive $0xFFFF;
	s2 =	simm.s32 @!p0 $0x1C02  }
0xab: {  	[timem:s3], [sflag:s2] =	dma.local @!p0 [hbm:s0], s1  }
0xac: {  	s0 =	simm.s32 @!p0 $0x2  }
0xad: {  	_ =	swait.ge @!p0 [sflag:s0], s1  }
0xae: {  	s1 =	ssub.s32 @!p0 $0x0, s1;
	[sflag:s0] =	ssyncset.done @!p0 $0x0  }
0xaf: {  	[sflag:s0] =	ssyncadd.s32 @!p0 s1  }
0xb0: {  	[bflag:$0x3] =	sbarrier.arrive $0xFFFF  }
0xb1: {  	_ =	shalt  }

// kernel: kernel.32.cloned.1.call-start
scs
__scs_entry_jumppad:
0x0: {  	(pc) =	sbr.rel $0x88, $3  }
0x1: {  	(tag) =	ssettag $0x0;
	lr =	simm.s32 $0x1  }
0x2: {  	[smem:$0x3F93] =	sst lr;
	_ =	strace $0xD0000000  }
0x3: {  	_ = 	snop  }
0x4: {  	_ = 	snop  }
0x5: {  	_ = 	snop  }
0x6: {  	_ = 	snop  }
0x7: {  	_ = 	snop  }
__scs_overlays_trampoline_lowered:
0x8: {  	[smem:$0x3FA2] =	sst s0  }
0x9: {  	[smem:$0x3FA3] =	sst s1  }
0xa: {  	[smem:$0x3FA4] =	sst s2  }
0xb: {  	[smem:$0x3FA5] =	sst s3  }
0xc: {  	[smem:$0x3FA6] =	sst s4  }
0xd: {  	[smem:$0x3FA7] =	sst s5  }
0xe: {  	[smem:$0x3FA8] =	sst s6  }
0xf: {  	[smem:$0x3FA9] =	sst s7  }
0x10: {  	[smem:$0x3FAA] =	sst s8  }
0x11: {  	[smem:$0x3FAB] =	sst s9;
	s0 =	simm.s32 @!p0 $0x0  }
0x12: {  	s1 =	sld [smem:$0x3F91];
	s0 =	simm.s32 @p0 $0x1  }
0x13: {  	[smem:$0x3FAC] =	sst s0;
	s0 =	simm.s32 @!p1 $0x0  }
0x14: {  	s2 =	sld [smem:$0x3F90];
	s0 =	simm.s32 @p1 $0x1  }
0x15: {  	[smem:$0x3FAD] =	sst s0;
	s0 =	simm.s32 @!p2 $0x0  }
0x16: {  	s3 =	sld [smem:$0x3FDB];
	s0 =	simm.s32 @p2 $0x1  }
0x17: {  	s4 =	simm.s32 $0x1BF5;
	[smem:$0x3FAF] =	sst s0  }
0x18: {  	s0 =	sld [smem:$0x3F92];
	_ =	swait.ge [sflag:s4], $0x0  }
0x19: {  	s7 =	sld [smem:$0x3F93]  }
0x1a: {  	s8 =	sadd.s32 $0xFFFFE003, lr  }
0x1b: {  	s9 =	sadd.s32 $0xFFFFFEF7, lr;
	s5 =	simm.s32 $0xFFFFFFFF;
	p2 =	slt.u32 s8, $0xFFFFF086  }
0x1c: {  	p1 =	slt.u32 s9, $0xF7A;
	s5 =	simm.s32 @!p2 $0x0  }
0x1d: {  	s5 =	simm.s32 @p1 $0x1;
	p0 =	seq.s32 s7, s2  }
0x1e: {  	s7 =	smul.u32 @!p0 $0xF7A, s2;
	p2 =	seq.s32 @!p0 s5, $0x0  }
0x1f: {  	s9 =	smul.u32 $0xF7A, s1;
	s8 =	simm.s32 @!p0 $0x1BF5;
	p2 =	por !p2, p0  }
0x20: {  	[sflag:s8] =	ssyncset.s32 @!p0 $0xFFFFF086;
	s6 =	sadd.s32 @!p0 s3, s7;
	s7 =	simm.s32 @!p0 $0x108  }
0x21: {  	s3 =	sadd.s32 s3, s9;
	s6 =	sadd.s32 @!p0 $0x88, s6;
	s7 =	simm.s32 @p2 $0x1082  }
0x22: {  	[simem:s7], [sflag:s8] =	dma.local @!p0 [hbm:s6], $0xF7A  }
0x23: {  	s9 =	sor.u32 $0xD0000000, s2;
	s6 =	simm.s32 $0x108;
	_ =	swait.ge @!p0 [sflag:s8], $0x0  }
0x24: {  	s3 =	sadd.s32 $0x88, s3;
	s6 =	simm.s32 @!p1 $0x1082;
	[sflag:s4] =	ssyncset.s32 $0xFFFFF086  }
0x25: {  	[simem:s6], [sflag:s4] =	dma.local [hbm:s3], $0xF7A  }
0x26: {  	[smem:$0x3F93] =	sst s1;
	(tag) =	ssettag s2;
	_ =	strace s9  }
0x27: {  	s1 =	sld [smem:$0x3FA3]  }
0x28: {  	s2 =	sld [smem:$0x3FA4]  }
0x29: {  	s4 =	sld [smem:$0x3FA6]  }
0x2a: {  	p0 =	seq.s32 s5, $0x0;
	s5 =	sld [smem:$0x3FA7]  }
0x2b: {  	s6 =	sld [smem:$0x3FA8]  }
0x2c: {  	s7 =	sld [smem:$0x3FA9]  }
0x2d: {  	s3 =	simm.s32 $0x108;
	s8 =	sld [smem:$0x3FAA]  }
0x2e: {  	s3 =	simm.s32 @!p0 $0x1082;
	s9 =	sld [smem:$0x3FAB]  }
0x2f: {  	lr =	sadd.s32 s0, s3;
	s0 =	sld [smem:$0x3FA2]  }
0x30: {  	s3 =	sld [smem:$0x3FA5]  }
0x31: {  	[smem:$0x3FAE] =	sst s10  }
0x32: {  	s10 =	sld [smem:$0x3FAC];
	_ =	sdelay $0x3  }
0x33: {  	p0 =	seq.s32 s10, $0x1;
	s10 =	sld [smem:$0x3FAE];
	_ =	sdelay $0x3  }
0x34: {  	[smem:$0x3FAE] =	sst s10  }
0x35: {  	s10 =	sld [smem:$0x3FAD];
	_ =	sdelay $0x3  }
0x36: {  	p1 =	seq.s32 s10, $0x1;
	s10 =	sld [smem:$0x3FAE];
	_ =	sdelay $0x3  }
0x37: {  	[smem:$0x3FAE] =	sst s10  }
0x38: {  	s10 =	sld [smem:$0x3FAF]  }
0x39: {  	_ = 	snop;
	(pc) =	sbr.ind lr, $3  }
0x3a: {  	_ = 	snop  }
0x3b: {  	_ = 	snop  }
0x3c: {  	p2 =	seq.s32 s10, $0x1;
	s10 =	sld [smem:$0x3FAE]  }
0x3d: {  	_ =	shalt  }
0x3e: {  	_ =	shalt  }
0x3f: {  	_ =	shalt  }
0x40: {  	_ =	shalt  }
0x41: {  	_ =	shalt  }
0x42: {  	_ =	shalt  }
0x43: {  	_ =	shalt  }
0x44: {  	_ =	shalt  }
0x45: {  	_ =	shalt  }
0x46: {  	_ =	shalt  }
0x47: {  	_ =	shalt  }
0x48: {  	_ =	shalt  }
0x49: {  	_ =	shalt  }
0x4a: {  	_ =	shalt  }
0x4b: {  	_ =	shalt  }
0x4c: {  	_ =	shalt  }
0x4d: {  	_ =	shalt  }
0x4e: {  	_ =	shalt  }
0x4f: {  	_ =	shalt  }
0x50: {  	_ =	shalt  }
0x51: {  	_ =	shalt  }
0x52: {  	_ =	shalt  }
0x53: {  	_ =	shalt  }
0x54: {  	_ =	shalt  }
0x55: {  	_ =	shalt  }
0x56: {  	_ =	shalt  }
0x57: {  	_ =	shalt  }
0x58: {  	_ =	shalt  }
0x59: {  	_ =	shalt  }
0x5a: {  	_ =	shalt  }
0x5b: {  	_ =	shalt  }
0x5c: {  	_ =	shalt  }
0x5d: {  	_ =	shalt  }
0x5e: {  	_ =	shalt  }
0x5f: {  	_ =	shalt  }
0x60: {  	_ =	shalt  }
0x61: {  	_ =	shalt  }
0x62: {  	_ =	shalt  }
0x63: {  	_ =	shalt  }
0x64: {  	_ =	shalt  }
0x65: {  	_ =	shalt  }
0x66: {  	_ =	shalt  }
0x67: {  	_ =	shalt  }
0x68: {  	_ =	shalt  }
0x69: {  	_ =	shalt  }
0x6a: {  	_ =	shalt  }
0x6b: {  	_ =	shalt  }
0x6c: {  	_ =	shalt  }
0x6d: {  	_ =	shalt  }
0x6e: {  	_ =	shalt  }
0x6f: {  	_ =	shalt  }
0x70: {  	_ =	shalt  }
0x71: {  	_ =	shalt  }
0x72: {  	_ =	shalt  }
0x73: {  	_ =	shalt  }
0x74: {  	_ =	shalt  }
0x75: {  	_ =	shalt  }
0x76: {  	_ =	shalt  }
0x77: {  	_ =	shalt  }
0x78: {  	_ =	shalt  }
0x79: {  	_ =	shalt  }
0x7a: {  	_ =	shalt  }
0x7b: {  	_ =	shalt  }
0x7c: {  	_ =	shalt  }
0x7d: {  	_ =	shalt  }
0x7e: {  	_ =	shalt  }
0x7f: {  	_ =	shalt  }
0x80: {  	_ =	shalt  }
0x81: {  	_ =	shalt  }
0x82: {  	_ =	shalt  }
0x83: {  	_ =	shalt  }
0x84: {  	_ =	shalt  }
0x85: {  	_ =	shalt  }
0x86: {  	_ =	shalt  }
0x87: {  	_ =	shalt  }
.Lfunc_end0:
.L_simem_size_0:
called_computation.5_lowered:
.L_overlay_start_0:
0x88: {  	s2 =	sld [smem:$0x3FD9]  }
0x89: {  	s3 =	sld [smem:$0x3FFE];
	_ =	sdelay $0x1  }
0x8a: {  	s1 =	srdreg.scid  }
0x8b: {  	s0 =	sand.u32 $0x1, s1  }
0x8c: {  	s16 =	sshll.u32 s0, $0xA;
	s2 =	sadd.s32 s3, s2  }
0x8d: {  	s2 =	sadd.s32 s2, s16  }
0x8e: {  	[smem:$0x3FBA] =	sst s2  }
0x8f: {  	_ = 	snop  }
0x90: {  	(tm) =	ssettm $0x1  }
0x91: {  	s17 =	sld [smem:$0x3FFB];
	_ =	sdelay $0x3  }
0x92: {  	_ =	strace s17  }
0x93: {  	s2 =	sld [smem:$0x3FFC];
	_ =	sdelay $0x3  }
0x94: {  	_ =	strace s2  }
0x95: {  	s2 =	sld [smem:$0x3FFD];
	_ =	sdelay $0x3  }
0x96: {  	_ =	strace s2  }
0x97: {  	_ =	strace $0x8FFFFFFF  }
0x98: {  	s18 =	sld [smem:$0x3FDB];
	_ =	sdelay $0x1  }
0x99: {  	s19 =	simm.s32 $_scs_section_size  }
0x9a: {  	s4 =	simm.s32 $_size__tile_overlayer_lowered;
	s5 =	simm.s32 $_tile_overlayer_lowered  }
0x9b: {  	s22 =	simm.s32 $0x1BFF;
	s21 =	sshll.u32 s5, $0x1;
	s2 =	sadd.s32 s19, s18  }
0x9c: {  	s6 =	simm.s32 $0x0;
	s20 =	sshll.u32 s4, $0x1;
	s4 =	sadd.s32 s21, s2  }
0x9d: {  	[timem:s6], [sflag:s22] =	dma.local [hbm:s4], s20  }
0x9e: {  	_ =	swait.ge [sflag:s22], s20  }
0x9f: {  	s3 =	ssub.s32 $0x0, s20;
	[sflag:s22] =	ssyncset.done $0x0  }
0xa0: {  	[sflag:s22] =	ssyncadd.s32 s3;
	_ =	sdelay $0x1  }
0xa1: {  	s23 =	simm.s32 $0x1B8B  }
0xa2: {  	_ =	swait.ge [sflag:s23], $0x1  }
0xa3: {  	[sflag:s23] =	ssyncset.done $0x0  }
0xa4: {  	s25 =	simm.s32 $0x1B8E;
	s24 =	sld [smem:$0x3FFE];
	[sflag:s23] =	ssyncadd.s32 $0xFFFFFFFF  }
0xa5: {  	s26 =	simm.s32 $execute0_lowered;
	[smem:$0x3FD2] =	sst s25  }
0xa6: {  	s4 =	sshll.u32 s26, $0x1;
	_ =	strace $0x80000055;
	[dreg:$0x1] =	wrdreg $0xFFFFFFFF  }
0xa7: {  	s28 =	simm.s32 $_size_execute0_lowered;
	s2 =	sadd.s32 s2, s4;
	[dreg:$0x0] =	wrdreg $0x0  }
0xa8: {  	s4 =	sshll.u32 s28, $0x1;
	[dreg:$0x2] =	wrdreg s2  }
0xa9: {  	[dreg:$0x3] =	wrdreg s4  }
0xaa: {  	[dreg:$0x4] =	wrdreg $0xC0  }
0xab: {  	_ =	task [dreg:s6], $0x5FFFF  }
0xac: {  	[dreg:$0x1] =	wrdreg $0xFFFFFFFF  }
0xad: {  	[dreg:$0x0] =	wrdreg $0x60  }
0xae: {  	[dreg:$0x2] =	wrdreg s24  }
0xaf: {  	[dreg:$0x3] =	wrdreg $0x9  }
0xb0: {  	_ =	task.clear_ibuf [dreg:s6], $0x4FFFF;
	_ =	strace $0x90000055  }
0xb1: {  	s29 =	simm.s32 $0x9;
	_ =	strace $0x80000057  }
0xb2: {  	_ =	swait.ge [sflag:s29], $0x1  }
0xb3: {  	[sflag:s29] =	ssyncadd.s32 $0xFFFFFFFF  }
0xb4: {  	_ =	strace $0x90000057  }
0xb5: {  	_ =	sfence  }
0xb6: {  	s30 =	sld [smem:$0x0];
	_ =	sdelay $0x2  }
0xb7: {  	s31 =	sshll.u32 s1, $0xD;
	s1 =	sshrl.u32 s1, $0x2  }
0xb8: {  	s3 =	sand.u32 $0x4000, s31;
	s1 =	sadd.s32 s1, s30  }
0xb9: {  	s0 =	sor.u32 s3, s0;
	s1 =	sshll.u32 s1, $0x11  }
0xba: {  	s0 =	sor.u32 s1, s0  }
0xbb: {  	s0 =	sadd.s32 $0x8F2B, s0  }
0xbc: {  	[sflag:s0] =	ssyncadd.remote.s32 $0x1  }
0xbd: {  	_ =	sfence.sel $0xFFFF  }
0xbe: {  	[dreg:$0x0] =	wrdreg $0xFFFFFFFF;
	(pc) =	sbr.abs _section_cstart, $3  }
0xbf: {  	[dreg:$0x1] =	wrdreg $0xFFFFFFFF  }
0xc0: {  	_ =	task.clear_ibuf [dreg:s6], $0x2FFFF;
	_ =	strace $0x9FFFFFFF  }
0xc1: {  	(tm) =	ssettm $0x7FFFFFFF  }
tec
execute0_lowered:
.L_overlay_start_1:
0x0: {  	(tag) =	ssettag $0x1  }
0x1: {  	s9 =	rddreg [dreg:$0x0];
	s1 =	srdreg.scid  }
0x2: {  	s0 =	rddreg [dreg:$0x1];
	s2 =	simm.s32 $0x0;
	s12 =	simm.s32 $0x2  }
0x3: {  	s13 =	simm.s32 $0xA480;
	s14 =	simm.s32 $0xA500;
	s15 =	simm.s32 $0x80  }
0x4: {  	s16 =	simm.s32 $0xA580;
	s17 =	simm.s32 $0x1;
	s5 =	sand.u32 $0x1, s1  }
0x5: {  	[smem:$0x7FF] =	sst s2;
	s1 =	stileid.u32;
	s3 =	sadd.s32 $0x8400, s9  }
0x6: {  	s6 =	sadd.s32 $0x80C00, s9;
	s4 =	sshll.u32 s5, $0x4;
	s8 =	ssub.s32 $0x2, s5  }
0x7: {  	_ =	strace $0x80000056;
	s18 =	sor.u32 s1, s4;
	s10 =	sshrl.u32 s8, $0x1  }
0x8: {  	v0 =	vlaneseq.u32;
	s5 =	sadd.s32 $0x75800, s9;
	s7 =	smul.u32 $0x1400, s18;
	s10 =	ssub.s32 s8, s10  }
0x9: {  	v1 =	vimm.f32 $0.0e+00;
	v2 =	vor.u32 $0x10, v0;
	s4 =	sadd.s32 $0x6A400, s9;
	p0 =	seq.s32 s18, $0x1F;
	s10 =	smax.u32 s10, $0x1  }
0xa: {  	v3 =	vor.u32 $0x20, v0;
	v4 =	vor.u32 $0x30, v0;
	v5 =	vor.u32 $0x40, v0;
	s11 =	sadd.s32 s7, s9;
	s7 =	smul.u32 $0x5A, s18;
	s9 =	sadd.s32 $0xD9E00, s9  }
0xb: {  	v6 =	vor.u32 $0x50, v0;
	v7 =	vor.u32 $0x60, v0;
	v8 =	vor.u32 $0x70, v0;
	s18 =	simm.s32 $0x0;
	s8 =	sadd.s32 $0xB3200, s11;
	s11 =	simm.s32 $0xA400  }
.LBB2_1:
0xc: {  	s19 =	simm.s32 $0x40;
	s20 =	simm.s32 $0x0  }
.LBB2_2:
0xd: {  	p1 =	sne.s32 s19, $0x28FC0;
	[tilespmem:s20+$0x0] =	vst v1;
	s20 =	smov.u32 s19;
	s19 =	sadd.s32 $0x40, s19  }
.Ltmp0:
0xe: {  	(pc) =	sbr.rel @p1 .LBB2_2-.Ltmp0, $2  }
0xf: {  	_ =	sdelay $0x2  }
0x10: {  	s20 =	sshra.s32 s20, $0x2  }
0x11: {  	[tilespmem:s20+$0x0] =	vst v1;
	s19 =	simm.s32 $0x0;
	s20 =	simm.s32 $0x0  }
.LBB2_4:
0x12: {  	s21 =	sadd.s32 s7, s20  }
0x13: {  	s21 =	sshll.u32 s21, $0x4  }
0x14: {  	s22 =	sadd.s32 s4, s21  }
0x15: {  	[tilespmem:s11], [sflag:$0x2] =	stream.linear.gather [hbm4b:s22+s19], $0x80, $0x38;
	[tilespmem:$0xE580] =	vst v63  }
0x16: {  	_ =	swait.ge [sflag:s12], $0x80  }
0x17: {  	[sflag:s12] =	ssyncset.done $0x0  }
0x18: {  	s31 =	sadd.s32 s5, s21;
	[sflag:s12] =	ssyncadd.s32 $0xFFFFFF80  }
0x19: {  	[tilespmem:s13], [sflag:$0x2] =	stream.linear.gather [hbm4b:s31+s19], $0x80, $0x38;
	[tilespmem:$0xE580] =	vst v63  }
0x1a: {  	_ =	swait.ge [sflag:s12], $0x80  }
0x1b: {  	[sflag:s12] =	ssyncset.done $0x0  }
0x1c: {  	s21 =	sadd.s32 s6, s21;
	[sflag:s12] =	ssyncadd.s32 $0xFFFFFF80  }
0x1d: {  	[tilespmem:s14], [sflag:$0x2] =	stream.linear.gather [hbm4b:s21+s19], $0x80, $0x38;
	[tilespmem:$0xE580] =	vst v63  }
0x1e: {  	_ =	swait.ge [sflag:s12], $0x80  }
0x1f: {  	[sflag:s12] =	ssyncset.done $0x0  }
0x20: {  	v9 =	vmov s19;
	[sflag:s12] =	ssyncadd.s32 $0xFFFFFF80  }
0x21: {  	[tilespmem:s16], [sflag:$0x1] =	stream.indirect.gather [hbm4b:s3+s15], $0x80, s11, s15, $0xb8;
	[tilespmem:$0xE580] =	vst v63  }
0x22: {  	_ =	swait.ge [sflag:s17], $0x4000  }
0x23: {  	[sflag:s17] =	ssyncset.done $0x0  }
0x24: {  	[sflag:s17] =	ssyncadd.s32 $0xFFFFC000  }
0x25: {  	v10 =	vld.idx.msk [tilespmem:v9+s13+$0x0], $0xffff;
	_ =	sdelay $0x2  }
0x26: {  	s21 =	simm.s32 $0xA5C0;
	v11 =	vld.idx.msk [tilespmem:v9+s14+$0x0], $0xffff  }
0x27: {  	v9 =	vld [tilespmem:s21+$0xFFFFFFC0]  }
0x28: {  	v10 =	vshll.u32 v10, $0x7  }
0x29: {  	v12 =	vor.u32 v0, v10;
	_ =	sdelay $0x2  }
0x2a: {  	v9 =	vmul.f32 v9, v11;
	_ =	sdelay $0x1  }
0x2b: {  	[tilespmem:v12+s2+$0x0] =	vst.idx.add.f32.msk $0xffff, v9  }
0x2c: {  	v9 =	vld [tilespmem:s21+$0xFFFFFFD0];
	_ =	sdelay $0x1  }
0x2d: {  	v58 =	vor.u32 v2, v10;
	_ =	sdelay $0x2  }
0x2e: {  	v9 =	vmul.f32 v9, v11;
	_ =	sdelay $0x1  }
0x2f: {  	[tilespmem:v58+s2+$0x0] =	vst.idx.add.f32.msk $0xffff, v9  }
0x30: {  	v9 =	vld [tilespmem:s21+$0xFFFFFFE0];
	_ =	sdelay $0x1  }
0x31: {  	v59 =	vor.u32 v3, v10;
	_ =	sdelay $0x2  }
0x32: {  	v9 =	vmul.f32 v9, v11;
	_ =	sdelay $0x1  }
0x33: {  	[tilespmem:v59+s2+$0x0] =	vst.idx.add.f32.msk $0xffff, v9  }
0x34: {  	v9 =	vld [tilespmem:s21+$0xFFFFFFF0];
	_ =	sdelay $0x1  }
0x35: {  	v60 =	vor.u32 v4, v10;
	_ =	sdelay $0x2  }
0x36: {  	v9 =	vmul.f32 v9, v11;
	_ =	sdelay $0x1  }
0x37: {  	[tilespmem:v60+s2+$0x0] =	vst.idx.add.f32.msk $0xffff, v9  }
0x38: {  	v9 =	vld [tilespmem:s21+$0x0];
	_ =	sdelay $0x1  }
0x39: {  	v61 =	vor.u32 v5, v10;
	_ =	sdelay $0x2  }
0x3a: {  	v9 =	vmul.f32 v9, v11;
	_ =	sdelay $0x1  }
0x3b: {  	[tilespmem:v61+s2+$0x0] =	vst.idx.add.f32.msk $0xffff, v9  }
0x3c: {  	v9 =	vld [tilespmem:s21+$0x10];
	_ =	sdelay $0x1  }
0x3d: {  	v62 =	vor.u32 v6, v10;
	_ =	sdelay $0x2  }
0x3e: {  	v9 =	vmul.f32 v9, v11;
	_ =	sdelay $0x1  }
0x3f: {  	[tilespmem:v62+s2+$0x0] =	vst.idx.add.f32.msk $0xffff, v9  }
0x40: {  	v9 =	vld [tilespmem:s21+$0x20];
	_ =	sdelay $0x1  }
0x41: {  	v63 =	vor.u32 v7, v10;
	_ =	sdelay $0x2  }
0x42: {  	v9 =	vmul.f32 v9, v11;
	_ =	sdelay $0x1  }
0x43: {  	[tilespmem:v63+s2+$0x0] =	vst.idx.add.f32.msk $0xffff, v9  }
0x44: {  	v12 =	vld [tilespmem:s21+$0x30];
	_ =	sdelay $0x1  }
0x45: {  	s23 =	simm.s32 $0x1;
	v10 =	vor.u32 v8, v10  }
0x46: {  	v9 =	vmov s23;
	_ =	sdelay $0x1  }
0x47: {  	s22 =	simm.s32 $0x2;
	v11 =	vmul.f32 v12, v11  }
.LBB2_5:
0x48: {  	p1 =	sne.s32 s22, $0x7F  }
0x49: {  	s21 =	sadd.s32 $0x80, s21;
	s23 =	smov.u32 s22;
	s22 =	sadd.s32 $0x1, s22;
	[tilespmem:v10+s2+$0x0] =	vst.idx.add.f32.msk $0xffff, v11  }
0x4a: {  	v10 =	vld.idx.msk [tilespmem:v9+s13+$0x0], $0xffff;
	_ =	sdelay $0x3  }
0x4b: {  	v11 =	vld.idx.msk [tilespmem:v9+s14+$0x0], $0xffff  }
0x4c: {  	v9 =	vld [tilespmem:s21+$0xFFFFFFC0]  }
0x4d: {  	v10 =	vshll.u32 v10, $0x7  }
0x4e: {  	v12 =	vor.u32 v0, v10;
	_ =	sdelay $0x2  }
0x4f: {  	v9 =	vmul.f32 v9, v11;
	_ =	sdelay $0x1  }
0x50: {  	[tilespmem:v12+s2+$0x0] =	vst.idx.add.f32.msk $0xffff, v9  }
0x51: {  	v9 =	vld [tilespmem:s21+$0xFFFFFFD0];
	_ =	sdelay $0x1  }
0x52: {  	v12 =	vor.u32 v2, v10;
	_ =	sdelay $0x2  }
0x53: {  	v9 =	vmul.f32 v9, v11;
	_ =	sdelay $0x1  }
0x54: {  	[tilespmem:v12+s2+$0x0] =	vst.idx.add.f32.msk $0xffff, v9  }
0x55: {  	v9 =	vld [tilespmem:s21+$0xFFFFFFE0];
	_ =	sdelay $0x1  }
0x56: {  	v12 =	vor.u32 v3, v10;
	_ =	sdelay $0x2  }
0x57: {  	v9 =	vmul.f32 v9, v11;
	_ =	sdelay $0x1  }
0x58: {  	[tilespmem:v12+s2+$0x0] =	vst.idx.add.f32.msk $0xffff, v9  }
0x59: {  	v9 =	vld [tilespmem:s21+$0xFFFFFFF0];
	_ =	sdelay $0x1  }
0x5a: {  	v12 =	vor.u32 v4, v10;
	_ =	sdelay $0x2  }
0x5b: {  	v9 =	vmul.f32 v9, v11;
	_ =	sdelay $0x1  }
0x5c: {  	[tilespmem:v12+s2+$0x0] =	vst.idx.add.f32.msk $0xffff, v9  }
0x5d: {  	v9 =	vld [tilespmem:s21+$0x0];
	_ =	sdelay $0x1  }
0x5e: {  	v12 =	vor.u32 v5, v10;
	_ =	sdelay $0x2  }
0x5f: {  	v9 =	vmul.f32 v9, v11;
	_ =	sdelay $0x1  }
0x60: {  	[tilespmem:v12+s2+$0x0] =	vst.idx.add.f32.msk $0xffff, v9  }
0x61: {  	v9 =	vld [tilespmem:s21+$0x10];
	_ =	sdelay $0x1  }
0x62: {  	v12 =	vor.u32 v6, v10;
	_ =	sdelay $0x2  }
0x63: {  	v9 =	vmul.f32 v9, v11;
	_ =	sdelay $0x1  }
0x64: {  	[tilespmem:v12+s2+$0x0] =	vst.idx.add.f32.msk $0xffff, v9  }
0x65: {  	v9 =	vld [tilespmem:s21+$0x20];
	_ =	sdelay $0x1  }
0x66: {  	v12 =	vor.u32 v7, v10;
	_ =	sdelay $0x2  }
0x67: {  	v9 =	vmul.f32 v9, v11;
	_ =	sdelay $0x1  }
0x68: {  	[tilespmem:v12+s2+$0x0] =	vst.idx.add.f32.msk $0xffff, v9  }
0x69: {  	v12 =	vld [tilespmem:s21+$0x30]  }
.Ltmp1:
0x6a: {  	(pc) =	sbr.rel @p1 .LBB2_5-.Ltmp1, $3  }
0x6b: {  	v10 =	vor.u32 v8, v10  }
0x6c: {  	v9 =	vmov s23;
	_ =	sdelay $0x1  }
0x6d: {  	v11 =	vmul.f32 v12, v11  }
0x6e: {  	_ =	sdelay $0x3  }
0x6f: {  	[tilespmem:v10+s2+$0x0] =	vst.idx.add.f32.msk $0xffff, v11  }
0x70: {  	v10 =	vld.idx.msk [tilespmem:v9+s13+$0x0], $0xffff;
	_ =	sdelay $0x2  }
0x71: {  	s21 =	sadd.s32 $0x80, s21;
	v9 =	vld.idx.msk [tilespmem:v9+s14+$0x0], $0xffff  }
0x72: {  	v11 =	vld [tilespmem:s21+$0xFFFFFFC0]  }
0x73: {  	v10 =	vshll.u32 v10, $0x7  }
0x74: {  	v12 =	vor.u32 v0, v10;
	_ =	sdelay $0x2  }
0x75: {  	v11 =	vmul.f32 v11, v9;
	_ =	sdelay $0x1  }
0x76: {  	[tilespmem:v12+s2+$0x0] =	vst.idx.add.f32.msk $0xffff, v11  }
0x77: {  	v11 =	vld [tilespmem:s21+$0xFFFFFFD0];
	_ =	sdelay $0x1  }
0x78: {  	v58 =	vor.u32 v2, v10;
	_ =	sdelay $0x2  }
0x79: {  	v11 =	vmul.f32 v11, v9;
	_ =	sdelay $0x1  }
0x7a: {  	[tilespmem:v58+s2+$0x0] =	vst.idx.add.f32.msk $0xffff, v11  }
0x7b: {  	v11 =	vld [tilespmem:s21+$0xFFFFFFE0];
	_ =	sdelay $0x1  }
0x7c: {  	v59 =	vor.u32 v3, v10;
	_ =	sdelay $0x2  }
0x7d: {  	v11 =	vmul.f32 v11, v9;
	_ =	sdelay $0x1  }
0x7e: {  	[tilespmem:v59+s2+$0x0] =	vst.idx.add.f32.msk $0xffff, v11  }
0x7f: {  	v11 =	vld [tilespmem:s21+$0xFFFFFFF0];
	_ =	sdelay $0x1  }
0x80: {  	v60 =	vor.u32 v4, v10;
	_ =	sdelay $0x2  }
0x81: {  	v11 =	vmul.f32 v11, v9;
	_ =	sdelay $0x1  }
0x82: {  	[tilespmem:v60+s2+$0x0] =	vst.idx.add.f32.msk $0xffff, v11  }
0x83: {  	v11 =	vld [tilespmem:s21+$0x0];
	_ =	sdelay $0x1  }
0x84: {  	v61 =	vor.u32 v5, v10;
	_ =	sdelay $0x2  }
0x85: {  	v11 =	vmul.f32 v11, v9;
	_ =	sdelay $0x1  }
0x86: {  	[tilespmem:v61+s2+$0x0] =	vst.idx.add.f32.msk $0xffff, v11  }
0x87: {  	v11 =	vld [tilespmem:s21+$0x10];
	_ =	sdelay $0x1  }
0x88: {  	v62 =	vor.u32 v6, v10;
	_ =	sdelay $0x2  }
0x89: {  	v11 =	vmul.f32 v11, v9;
	_ =	sdelay $0x1  }
0x8a: {  	[tilespmem:v62+s2+$0x0] =	vst.idx.add.f32.msk $0xffff, v11  }
0x8b: {  	v11 =	vld [tilespmem:s21+$0x20];
	_ =	sdelay $0x1  }
0x8c: {  	v63 =	vor.u32 v7, v10;
	_ =	sdelay $0x2  }
0x8d: {  	v11 =	vmul.f32 v11, v9;
	_ =	sdelay $0x1  }
0x8e: {  	[tilespmem:v63+s2+$0x0] =	vst.idx.add.f32.msk $0xffff, v11  }
0x8f: {  	v11 =	vld [tilespmem:s21+$0x30]  }
0x90: {  	s20 =	sadd.s32 $0x1, s20  }
0x91: {  	p1 =	sne.s32 s20, $0x5A;
	v10 =	vor.u32 v8, v10  }
.Ltmp2:
0x92: {  	_ = 	snop;
	(pc) =	sbr.rel @p1 .LBB2_4-.Ltmp2, $3  }
0x93: {  	_ = 	snop  }
0x94: {  	v9 =	vmul.f32 v11, v9;
	_ =	sdelay $0x1  }
0x95: {  	[tilespmem:v10+s2+$0x0] =	vst.idx.add.f32.msk $0xffff, v9  }
0x96: {  	s19 =	simm.s32 @p0 $0x0  }
0x97: {  	[hbm4b:s9+s19] =	stream.linear.scatter @p0 [tilespmem:s19], [sflag:$0x2], $0x2800, $0x38;
	[tilespmem:$0xE580] =	vst v63  }
0x98: {  	s19 =	simm.s32 @p0 $0x2  }
0x99: {  	_ =	swait.ge @p0 [sflag:s19], $0x2800  }
0x9a: {  	s18 =	sadd.s32 $0x1, s18;
	[sflag:s19] =	ssyncset.done @p0 $0x0  }
0x9b: {  	p1 =	sne.s32 s18, s10;
	[sflag:s19] =	ssyncadd.s32 @p0 $0xFFFFD800;
	s19 =	simm.s32 @!p0 $0x0  }
0x9c: {  	[hbm4b:s8+s19] =	stream.linear.scatter @!p0 [tilespmem:s19], [sflag:$0x2], $0xA000, $0x38;
	[tilespmem:$0xE580] =	vst v63  }
.Ltmp3:
0x9d: {  	_ = 	snop;
	(pc) =	sbr.rel @p1 .LBB2_1-.Ltmp3, $4  }
0x9e: {  	s19 =	simm.s32 @!p0 $0x2  }
0x9f: {  	_ =	swait.ge @!p0 [sflag:s19], $0xA000  }
0xa0: {  	[sflag:s19] =	ssyncset.done @!p0 $0x0  }
0xa1: {  	[sflag:s19] =	ssyncadd.s32 @!p0 $0xFFFF6000  }
0xa2: {  	_ =	sfence.sel $0x180000  }
0xa3: {  	[bflag:$0x0] =	sbarrier.arrive $0xFFFF  }
0xa4: {  	p0 =	sne.s32 s1, $0x0;
	_ =	strace $0x90000056  }
0xa5: {  	s0 =	sadd.s32 @!p0 $0x100000, s0;
	[bflag:$0x2] =	sbarrier.arrive $0xFFFF  }
0xa6: {  	[sflag:s0] =	ssyncadd.tile.s32 @!p0 $0x1;
	_ =	shalt  }
.Lfunc_end2:
_tile_overlayer_lowered:
.L_overlay_start_2:
0xa7: {  	(tag) =	ssettag $0x2  }
0xa8: {  	s0 =	rddreg [dreg:$0x0];
	s2 =	stileid.u32  }
0xa9: {  	s1 =	rddreg [dreg:$0x1];
	p0 =	sne.s32 s2, $0x0  }
0xaa: {  	s3 =	rddreg [dreg:$0x2];
	[bflag:$0x3] =	sbarrier.arrive $0xFFFF;
	s2 =	simm.s32 @!p0 $0x1C02  }
0xab: {  	[timem:s3], [sflag:s2] =	dma.local @!p0 [hbm:s0], s1  }
0xac: {  	s0 =	simm.s32 @!p0 $0x2  }
0xad: {  	_ =	swait.ge @!p0 [sflag:s0], s1  }
0xae: {  	s1 =	ssub.s32 @!p0 $0x0, s1;
	[sflag:s0] =	ssyncset.done @!p0 $0x0  }
0xaf: {  	[sflag:s0] =	ssyncadd.s32 @!p0 s1  }
0xb0: {  	[bflag:$0x3] =	sbarrier.arrive $0xFFFF  }
0xb1: {  	_ =	shalt  }

</sc_bundles>
